<compile_context>
chip_gen: v7x
topology: tpu7x:2x2x1
jax: 0.10.2.dev20260603
libtpu: 0.0.44.dev20260713+nightly
codegen_flags: <defaults>
</compile_context>

<pallas_src>
import functools

import jax
import jax.numpy as jnp
from jax import lax
from jax.experimental import pallas as pl
from jax.experimental.pallas import tpu as pltpu
from jax.experimental.pallas import tpu_sc as plsc

H = 128
N_MP = 5
NC = 2
NS = 16
NW = NC * NS
C = 128
LN_EPS = 1e-5


def _mm(x, w):
    return lax.dot_general(x, w, (((1,), (0,)), ((), ())),
                           preferred_element_type=jnp.float32)


def _ln(x, g, b):
    mu = jnp.mean(x, axis=-1, keepdims=True)
    var = jnp.mean((x - mu) ** 2, axis=-1, keepdims=True)
    return (x - mu) * lax.rsqrt(var + LN_EPS) * g + b


def _wspec(shape):
    nd = len(shape)
    return pl.BlockSpec(shape, lambda i, _nd=nd: (0,) * _nd)



def _node_in_body(nfin, w1, b1, w2, b2, w3, b3, g, be, w1a, w1b, b1e,
                  nf_ref, p_ref, q_ref):
    h = jnp.maximum(_mm(nfin[...], w1[...]) + b1[...], 0.0)
    h = jnp.maximum(_mm(h, w2[...]) + b2[...], 0.0)
    nf = _ln(_mm(h, w3[...]) + b3[...], g[...], be[...])
    nf_ref[...] = nf
    p_ref[...] = _mm(nf, w1a[...]) + b1e[...]
    q_ref[...] = _mm(nf, w1b[...])


def _edge_in_body(ea, w1, b1, w2, b2, w3, b3, g, be, w1c, c_ref):
    h = jnp.maximum(_mm(ea[...], w1[...]) + b1[...], 0.0)
    h = jnp.maximum(_mm(h, w2[...]) + b2[...], 0.0)
    ef = _ln(_mm(h, w3[...]) + b3[...], g[...], be[...])
    c_ref[...] = _mm(ef, w1c[...])


def _edge_body(last, g_in, c_in, w2, b2, w3, b3, g, be, w1c, msg_ref,
               *cnew_ref):
    h1 = jnp.maximum(g_in[...] + c_in[...], 0.0)
    h2 = jnp.maximum(_mm(h1, w2[...]) + b2[...], 0.0)
    msg = _ln(_mm(h2, w3[...]) + b3[...], g[...], be[...])
    msg_ref[...] = msg
    if not last:
        cnew_ref[0][...] = c_in[...] + _mm(msg, w1c[...])


def _node_body(nf, pa0, pa1, va, vb, b1n, w2n, b2n, w3n, b3n, gn, ben,
               wo1, bo1, wo2, bo2, wo3, bo3, w1a, w1b, b1e,
               nfn_ref, out_ref, p_ref, q_ref):
    aggr = pa0[...] + pa1[...]
    u = jnp.maximum(_mm(nf[...], va[...]) + _mm(aggr, vb[...]) + b1n[...], 0.0)
    u = jnp.maximum(_mm(u, w2n[...]) + b2n[...], 0.0)
    upd = _ln(_mm(u, w3n[...]) + b3n[...], gn[...], ben[...])
    nfn = nf[...] + upd
    nfn_ref[...] = nfn
    o = jnp.maximum(_mm(nfn, wo1[...]) + bo1[...], 0.0)
    o = jnp.maximum(_mm(o, wo2[...]) + bo2[...], 0.0)
    out_ref[...] = _mm(o, wo3[...]) + bo3[...]
    p_ref[...] = _mm(nfn, w1a[...]) + b1e[...]
    q_ref[...] = _mm(nfn, w1b[...])


def _targets_body(x_ref, tgt_ref):
    x2 = x_ref[:, 2:3]
    x3 = x_ref[:, 3:4]
    x17 = x_ref[:, 17:18]
    sx = (x_ref[:, 18:19] - x2) / N_MP
    sy = (x_ref[:, 19:20] - x3) / N_MP
    cols = ([x2 + sx * float(i + 1) * x17 for i in range(N_MP)] +
            [x3 + sy * float(i + 1) * x17 for i in range(N_MP)])
    tgt_ref[...] = jnp.concatenate(cols, axis=1)



def _gather_call(p, q, dstw, srcw, epad, k_chunks):
    mesh = plsc.VectorSubcoreMesh(core_axis_name="c", subcore_axis_name="s",
                                  num_cores=NC, num_subcores=NS)

    @functools.partial(
        pl.kernel,
        out_type=jax.ShapeDtypeStruct((epad, H), jnp.float32),
        mesh=mesh,
        scratch_types=[
            pltpu.VMEM((C,), jnp.int32),
            pltpu.VMEM((C,), jnp.int32),
            pltpu.VMEM((C, H), jnp.float32),
            pltpu.SemaphoreType.DMA,
        ],
    )
    def k(p_hbm, q_hbm, d_hbm, s_hbm, g_hbm, idx1, idx2, buf, sem):
        cid = lax.axis_index("c")
        sid = lax.axis_index("s")
        wid = cid * NS + sid

        def body(j, carry):
            pltpu.sync_copy(d_hbm.at[wid, j], idx1)
            pltpu.sync_copy(s_hbm.at[wid, j], idx2)
            pltpu.async_copy(p_hbm.at[idx1], buf, sem).wait()
            pltpu.async_copy(q_hbm.at[idx2], buf, sem, add=True).wait()
            pltpu.sync_copy(buf, g_hbm.at[pl.ds((wid * k_chunks + j) * C, C)])
            return carry

        lax.fori_loop(0, k_chunks, body, 0)

    return k(p, q, dstw, srcw)


def _scatter_call(msg, dstw, zeros, npad, k_chunks):
    mesh = plsc.VectorSubcoreMesh(core_axis_name="c", subcore_axis_name="s",
                                  num_cores=NC, num_subcores=NS)
    rows = npad // NS

    @functools.partial(
        pl.kernel,
        out_type=jax.ShapeDtypeStruct((NC, npad, H), jnp.float32),
        mesh=mesh,
        scratch_types=[
            pltpu.VMEM((C,), jnp.int32),
            pltpu.VMEM((C, H), jnp.float32),
            pltpu.VMEM_SHARED((npad, H), jnp.float32),
        ],
    )
    def k(m_hbm, d_hbm, z_hbm, o_hbm, idxb, buf, acc):
        cid = lax.axis_index("c")
        sid = lax.axis_index("s")
        pltpu.sync_copy(z_hbm.at[pl.ds(sid * rows, rows)],
                        acc.at[pl.ds(sid * rows, rows)])
        plsc.subcore_barrier()
        wid = cid * NS + sid

        def body(j, carry):
            pltpu.sync_copy(m_hbm.at[pl.ds((wid * k_chunks + j) * C, C)], buf)
            pltpu.sync_copy(d_hbm.at[wid, j], idxb)
            pltpu.sync_copy(buf, acc.at[idxb], add=True)
            return carry

        lax.fori_loop(0, k_chunks, body, 0)
        plsc.subcore_barrier()
        pltpu.sync_copy(acc.at[pl.ds(sid * rows, rows)],
                        o_hbm.at[cid, pl.ds(sid * rows, rows)])

    return k(msg, dstw, zeros)



def kernel(x, edge_index, edge_attr, track_id, a, params):
    n = x.shape[0]
    e = edge_index.shape[1]
    npad = -(-(n + 1) // 1280) * 1280
    k_chunks = -(-e // (NW * C))
    epad = NW * k_chunks * C
    bn = 1280
    be = 2048 if epad % 2048 == 0 else C

    f32 = jnp.float32
    pr = params

    def row(v):
        return v.reshape(1, -1).astype(f32)

    w1e = pr["lin_edge"]["W"][0]
    w1a, w1b, w1c = w1e[:H], w1e[H:2 * H], w1e[2 * H:]
    b1e = row(pr["lin_edge"]["b"][0])
    w1n = pr["lin_node"]["W"][0]
    va, vb = w1n[:H], w1n[H:]

    nfin = jnp.concatenate(
        [x[:, 2:5], x[:, 6:9], x[:, 10:14], a[track_id]], axis=1)
    nfin = jnp.pad(nfin, ((0, npad - n), (0, 0))).astype(f32)
    ea = edge_attr.astype(f32)
    ea = jnp.pad(ea, ((0, epad - e), (0, 8 - ea.shape[1])))
    dst = edge_index[1].astype(jnp.int32)
    src = edge_index[0].astype(jnp.int32)
    dstw = jnp.pad(dst, (0, epad - e), constant_values=n).reshape(
        NW, k_chunks, C)
    srcw = jnp.pad(src, (0, epad - e), constant_values=n).reshape(
        NW, k_chunks, C)
    zeros = jnp.zeros((npad, H), f32)

    ni = pr["node_in"]
    nf, p, q = pl.pallas_call(
        _node_in_body,
        grid=(npad // bn,),
        in_specs=[pl.BlockSpec((bn, 16), lambda i: (i, 0))] +
                 [_wspec(s) for s in [(16, H), (1, H), (H, H), (1, H),
                                      (H, H), (1, H), (1, H), (1, H),
                                      (H, H), (H, H), (1, H)]],
        out_specs=[pl.BlockSpec((bn, H), lambda i: (i, 0))] * 3,
        out_shape=[jax.ShapeDtypeStruct((npad, H), f32)] * 3,
    )(nfin, ni["W"][0], row(ni["b"][0]), ni["W"][1], row(ni["b"][1]),
      ni["W"][2], row(ni["b"][2]), row(ni["g"]), row(ni["be"]),
      w1a, w1b, b1e)

    tgt = pl.pallas_call(
        _targets_body,
        grid=(n // 2000 if n % 2000 == 0 else 1,),
        in_specs=[pl.BlockSpec((2000 if n % 2000 == 0 else n, 22),
                               lambda i: (i, 0))],
        out_specs=pl.BlockSpec((2000 if n % 2000 == 0 else n, 2 * N_MP),
                               lambda i: (i, 0)),
        out_shape=jax.ShapeDtypeStruct((n, 2 * N_MP), f32),
    )(x.astype(f32))

    ei = pr["edge_in"]
    w1ep = jnp.pad(ei["W"][0].astype(f32), ((0, 8 - ei["W"][0].shape[0]),
                                            (0, 0)))
    c = pl.pallas_call(
        _edge_in_body,
        grid=(epad // be,),
        in_specs=[pl.BlockSpec((be, 8), lambda i: (i, 0))] +
                 [_wspec(s) for s in [(8, H), (1, H), (H, H), (1, H),
                                      (H, H), (1, H), (1, H), (1, H),
                                      (H, H)]],
        out_specs=pl.BlockSpec((be, H), lambda i: (i, 0)),
        out_shape=jax.ShapeDtypeStruct((epad, H), f32),
    )(ea, w1ep, row(ei["b"][0]), ei["W"][1], row(ei["b"][1]),
      ei["W"][2], row(ei["b"][2]), row(ei["g"]), row(ei["be"]), w1c)

    le = pr["lin_edge"]
    ln = pr["lin_node"]
    no = pr["node_out"]
    wo3 = jnp.pad(no["W"][2].astype(f32), ((0, 0), (0, H - no["W"][2].shape[1])))
    bo3 = jnp.pad(row(no["b"][2]), ((0, 0), (0, H - no["b"][2].shape[0])))

    outs = []
    for t in range(N_MP):
        g_sum = _gather_call(p, q, dstw, srcw, epad, k_chunks)

        last = t == N_MP - 1
        edge_outs = pl.pallas_call(
            functools.partial(_edge_body, last),
            grid=(epad // be,),
            in_specs=[pl.BlockSpec((be, H), lambda i: (i, 0))] * 2 +
                     [_wspec(s) for s in [(H, H), (1, H), (H, H), (1, H),
                                          (1, H), (1, H), (H, H)]],
            out_specs=[pl.BlockSpec((be, H), lambda i: (i, 0))] *
                      (1 if last else 2),
            out_shape=[jax.ShapeDtypeStruct((epad, H), f32)] *
                      (1 if last else 2),
        )(g_sum, c, le["W"][1], row(le["b"][1]), le["W"][2], row(le["b"][2]),
          row(le["g"]), row(le["be"]), w1c)
        if last:
            msg, = edge_outs
        else:
            msg, c = edge_outs

        part = _scatter_call(msg, dstw, zeros, npad, k_chunks)

        nf, out2, p, q = pl.pallas_call(
            _node_body,
            grid=(npad // bn,),
            in_specs=[pl.BlockSpec((bn, H), lambda i: (i, 0))] * 3 +
                     [_wspec(s) for s in [(H, H), (H, H), (1, H), (H, H),
                                          (1, H), (H, H), (1, H), (1, H),
                                          (1, H), (H, H), (1, H), (H, H),
                                          (1, H), (H, H), (1, H), (H, H),
                                          (H, H), (1, H)]],
            out_specs=[pl.BlockSpec((bn, H), lambda i: (i, 0))] * 4,
            out_shape=[jax.ShapeDtypeStruct((npad, H), f32)] * 4,
        )(nf, part[0], part[1], va, vb, row(ln["b"][0]), ln["W"][1],
          row(ln["b"][1]), ln["W"][2], row(ln["b"][2]), row(ln["g"]),
          row(ln["be"]), no["W"][0], row(no["b"][0]), no["W"][1],
          row(no["b"][1]), wo3, bo3, w1a, w1b, b1e)
        outs.append(out2)

    pos = jnp.stack([o[:n, 0] for o in outs] + [o[:n, 1] for o in outs],
                    axis=1)
    return pos, tgt

# --- scband reference (transcript-rebuilt; emitter-appended) ---
"""Pipeline reference for scband-learned-simulator-76888504533047 (READ-ONLY COPY).

The authoritative reference and input builder live on the scoring server;
editing this copy changes nothing except your own understanding.
"""

import jax, jax.numpy as jnp
import numpy as np

N = 10000
E = 320000
HIDDEN = 128
DIM = 2
N_MP = 5
N_TRACKS = 1000


def _mlp_params(key, sizes, layernorm):
    keys = jax.random.split(key, len(sizes) - 1)
    Ws, bs = [], []
    for i in range(len(sizes) - 1):
        W = jax.random.normal(keys[i], (sizes[i], sizes[i + 1]), dtype=jnp.float32) / jnp.sqrt(float(sizes[i]))
        Ws.append(W)
        bs.append(jnp.zeros((sizes[i + 1],), dtype=jnp.float32))
    p = {"W": Ws, "b": bs}
    if layernorm:
        p["g"] = jnp.ones((sizes[-1],), dtype=jnp.float32)
        p["be"] = jnp.zeros((sizes[-1],), dtype=jnp.float32)
    return p


def _mlp_apply(p, x):
    n = len(p["W"])
    for i in range(n):
        x = x @ p["W"][i] + p["b"][i]
        if i < n - 1:
            x = jax.nn.relu(x)
    if "g" in p:
        mu = jnp.mean(x, axis=-1, keepdims=True)
        var = jnp.var(x, axis=-1, keepdims=True)
        x = (x - mu) / jnp.sqrt(var + 1e-5) * p["g"] + p["be"]
    return x


def setup_inputs(seed: int = 0) -> dict:
    key = jax.random.key(seed)
    ks = jax.random.split(key, 10)
    x = jax.random.normal(ks[0], (N, 22), dtype=jnp.float32)
    edge_index = jax.random.randint(ks[1], (2, E), 0, N)
    edge_attr = jax.random.normal(ks[2], (E, DIM + 1), dtype=jnp.float32)
    track_id = jax.random.randint(ks[3], (N,), 0, N_TRACKS + 1)
    a = jnp.ones((N_TRACKS + 1, 6), dtype=jnp.float32)  # nn.Parameter initialized to ones
    params = {
        "node_in": _mlp_params(ks[4], [16, HIDDEN, HIDDEN, HIDDEN], True),
        "edge_in": _mlp_params(ks[5], [DIM + 1, HIDDEN, HIDDEN, HIDDEN], True),
        "node_out": _mlp_params(ks[6], [HIDDEN, HIDDEN, HIDDEN, DIM], False),
        "lin_edge": _mlp_params(ks[7], [HIDDEN * 3, HIDDEN, HIDDEN, HIDDEN], True),
        "lin_node": _mlp_params(ks[8], [HIDDEN * 2, HIDDEN, HIDDEN, HIDDEN], True),
    }
    return {"x": x, "edge_index": edge_index, "edge_attr": edge_attr,
            "track_id": track_id, "a": a, "params": params}


def reference(x, edge_index, edge_attr, track_id, a, params):
    # LearnedSimulator.forward with bMotility = False
    node_feature = jnp.concatenate([x[:, 2:5], x[:, 6:9], x[:, 10:14], a[track_id]], axis=-1)
    node_feature = _mlp_apply(params["node_in"], node_feature)
    edge_feature = _mlp_apply(params["edge_in"], edge_attr)

    src = edge_index[0]
    dst = edge_index[1]
    step_x = (x[:, 18] - x[:, 2]) / N_MP
    step_y = (x[:, 19] - x[:, 3]) / N_MP

    pos_a, pos_b, tgt_a, tgt_b = [], [], [], []
    for i in range(N_MP):
        tgt_a.append(x[:, 2] + step_x * (i + 1) * x[:, 17])
        tgt_b.append(x[:, 3] + step_y * (i + 1) * x[:, 17])
        # InteractionNetwork (aggr='add'), PyG flow source_to_target: x_i = x[dst], x_j = x[src]
        x_i = node_feature[dst]
        x_j = node_feature[src]
        msg = _mlp_apply(params["lin_edge"], jnp.concatenate([x_i, x_j, edge_feature], axis=-1))
        aggr = jax.ops.segment_sum(msg, dst, num_segments=node_feature.shape[0])
        node_upd = _mlp_apply(params["lin_node"], jnp.concatenate([node_feature, aggr], axis=-1))
        edge_feature = edge_feature + msg
        node_feature = node_feature + node_upd
        out = _mlp_apply(params["node_out"], node_feature)
        pos_a.append(out[:, 0])
        pos_b.append(out[:, 1])

    intermediate_pos = jnp.stack(pos_a + pos_b, axis=1)
    intermediate_pos_target = jnp.stack(tgt_a + tgt_b, axis=1)
    return intermediate_pos, intermediate_pos_target

if __name__ == "__main__":
    import jax
    _d = setup_inputs()
    print(jax.jit(kernel)(*tuple(_d.values())))

</pallas_src>

<mosaic_0001>
#map = affine_map<(d0, d1) -> (0, 0)>
#map1 = affine_map<(d0, d1) -> (0, 0, 0)>
module attributes {stable_mosaic.version = 14 : i64} {
  func.func @k(%arg0: i32, %arg1: i32, %arg2: memref<10240x128xf32, #tpu.memory_space<hbm>>, %arg3: memref<10240x128xf32, #tpu.memory_space<hbm>>, %arg4: memref<32x79x128xi32, #tpu.memory_space<hbm>>, %arg5: memref<32x79x128xi32, #tpu.memory_space<hbm>>, %arg6: memref<323584x128xf32, #tpu.memory_space<hbm>>, %arg7: memref<128xi32, #tpu.memory_space<vmem>>, %arg8: memref<128xi32, #tpu.memory_space<vmem>>, %arg9: memref<128x128xf32, #tpu.memory_space<vmem>>, %arg10: memref<!tpu.dma_semaphore, #tpu.memory_space<semaphore_mem>>) attributes {dimension_semantics = [#tpu.dimension_semantics<core_parallel>, #tpu.dimension_semantics<subcore_parallel>], iteration_bounds = array<i64: 2, 16>, scalar_prefetch = 0 : i64, scratch_operands = 4 : i64, tpu.core_type = #tpu.core_type<sc_vector_subcore>, window_params = [{transform_indices = #map}, {transform_indices = #map}, {transform_indices = #map1}, {transform_indices = #map1}, {transform_indices = #map}]} {
    %mul3A = arith.constant 16 : i32
    %mul3A_0 = arith.muli %arg0, %mul3A : i32
    %add3A = arith.addi %mul3A_0, %arg1 : i32
    %scan3A = arith.constant 0 : i32
    %scan3A_1 = arith.constant 0 : i32
    %scan3A_2 = arith.constant 79 : i32
    %scan3A_3 = arith.addi %scan3A_1, %scan3A_2 : i32
    %scan3A_4 = arith.constant 1 : i32
    scf.for %scan3A_6 = %scan3A_1 to %scan3A_3 step %scan3A_4  : i32 {
      "tpu.region"() ({
        %run_scoped3A = tpu.sem_alloc : memref<!tpu.dma_semaphore, #tpu.memory_space<semaphore_mem>>
        %dma_start3A_22 = arith.constant 0 : i32
        %dma_start3A_23 = tpu.memref_slice %arg4[%add3A, %scan3A_6, %dma_start3A_22] : memref<32x79x128xi32, #tpu.memory_space<hbm>> -> memref<1x1x128xi32, #tpu.memory_space<hbm>>
        %dma_start3A_24 = tpu.memref_squeeze %dma_start3A_23 : memref<1x1x128xi32, #tpu.memory_space<hbm>> -> memref<128xi32, #tpu.memory_space<hbm>>
        %dma_start3A_25 = arith.constant 0 : i32
        %dma_start3A_26 = tpu.memref_slice %arg4[%add3A, %scan3A_6, %dma_start3A_25] : memref<32x79x128xi32, #tpu.memory_space<hbm>> -> memref<1x1x128xi32, #tpu.memory_space<hbm>>
        %dma_start3A_27 = tpu.memref_squeeze %dma_start3A_26 : memref<1x1x128xi32, #tpu.memory_space<hbm>> -> memref<128xi32, #tpu.memory_space<hbm>>
        tpu.enqueue_dma source(%dma_start3A_27 : memref<128xi32, #tpu.memory_space<hbm>>) target(%arg7 : memref<128xi32, #tpu.memory_space<vmem>>) target_semaphore(%run_scoped3A : memref<!tpu.dma_semaphore, #tpu.memory_space<semaphore_mem>>)
        %dma_wait3A_28 = arith.constant 0 : i32
        %dma_wait3A_29 = tpu.memref_slice %arg4[%add3A, %scan3A_6, %dma_wait3A_28] : memref<32x79x128xi32, #tpu.memory_space<hbm>> -> memref<1x1x128xi32, #tpu.memory_space<hbm>>
        %dma_wait3A_30 = tpu.memref_squeeze %dma_wait3A_29 : memref<1x1x128xi32, #tpu.memory_space<hbm>> -> memref<128xi32, #tpu.memory_space<hbm>>
        %dma_wait3A_31 = arith.constant 0 : i32
        %dma_wait3A_32 = tpu.memref_slice %arg4[%add3A, %scan3A_6, %dma_wait3A_31] : memref<32x79x128xi32, #tpu.memory_space<hbm>> -> memref<1x1x128xi32, #tpu.memory_space<hbm>>
        %dma_wait3A_33 = tpu.memref_squeeze %dma_wait3A_32 : memref<1x1x128xi32, #tpu.memory_space<hbm>> -> memref<128xi32, #tpu.memory_space<hbm>>
        tpu.wait_dma2 semaphore(%run_scoped3A : memref<!tpu.dma_semaphore, #tpu.memory_space<semaphore_mem>>) src(%dma_wait3A_33 : memref<128xi32, #tpu.memory_space<hbm>>) dst(%arg7 : memref<128xi32, #tpu.memory_space<vmem>>)
        tpu.yield
      }) : () -> ()
      "tpu.region"() ({
        %run_scoped3A = tpu.sem_alloc : memref<!tpu.dma_semaphore, #tpu.memory_space<semaphore_mem>>
        %dma_start3A_22 = arith.constant 0 : i32
        %dma_start3A_23 = tpu.memref_slice %arg5[%add3A, %scan3A_6, %dma_start3A_22] : memref<32x79x128xi32, #tpu.memory_space<hbm>> -> memref<1x1x128xi32, #tpu.memory_space<hbm>>
        %dma_start3A_24 = tpu.memref_squeeze %dma_start3A_23 : memref<1x1x128xi32, #tpu.memory_space<hbm>> -> memref<128xi32, #tpu.memory_space<hbm>>
        %dma_start3A_25 = arith.constant 0 : i32
        %dma_start3A_26 = tpu.memref_slice %arg5[%add3A, %scan3A_6, %dma_start3A_25] : memref<32x79x128xi32, #tpu.memory_space<hbm>> -> memref<1x1x128xi32, #tpu.memory_space<hbm>>
        %dma_start3A_27 = tpu.memref_squeeze %dma_start3A_26 : memref<1x1x128xi32, #tpu.memory_space<hbm>> -> memref<128xi32, #tpu.memory_space<hbm>>
        tpu.enqueue_dma source(%dma_start3A_27 : memref<128xi32, #tpu.memory_space<hbm>>) target(%arg8 : memref<128xi32, #tpu.memory_space<vmem>>) target_semaphore(%run_scoped3A : memref<!tpu.dma_semaphore, #tpu.memory_space<semaphore_mem>>)
        %dma_wait3A_28 = arith.constant 0 : i32
        %dma_wait3A_29 = tpu.memref_slice %arg5[%add3A, %scan3A_6, %dma_wait3A_28] : memref<32x79x128xi32, #tpu.memory_space<hbm>> -> memref<1x1x128xi32, #tpu.memory_space<hbm>>
        %dma_wait3A_30 = tpu.memref_squeeze %dma_wait3A_29 : memref<1x1x128xi32, #tpu.memory_space<hbm>> -> memref<128xi32, #tpu.memory_space<hbm>>
        %dma_wait3A_31 = arith.constant 0 : i32
        %dma_wait3A_32 = tpu.memref_slice %arg5[%add3A, %scan3A_6, %dma_wait3A_31] : memref<32x79x128xi32, #tpu.memory_space<hbm>> -> memref<1x1x128xi32, #tpu.memory_space<hbm>>
        %dma_wait3A_33 = tpu.memref_squeeze %dma_wait3A_32 : memref<1x1x128xi32, #tpu.memory_space<hbm>> -> memref<128xi32, #tpu.memory_space<hbm>>
        tpu.wait_dma2 semaphore(%run_scoped3A : memref<!tpu.dma_semaphore, #tpu.memory_space<semaphore_mem>>) src(%dma_wait3A_33 : memref<128xi32, #tpu.memory_space<hbm>>) dst(%arg8 : memref<128xi32, #tpu.memory_space<vmem>>)
        tpu.yield
      }) : () -> ()
      %dma_start3A = arith.constant 0 : i32
      %dma_start3A_7 = arith.constant 0 : i32
      %dma_start3A_8 = tpu.memref_slice %arg2[%dma_start3A, %dma_start3A_7] : memref<10240x128xf32, #tpu.memory_space<hbm>> -> memref<10240x128xf32, #tpu.memory_space<hbm>>
      tpu.enqueue_indirect_dma source(%dma_start3A_8 : memref<10240x128xf32, #tpu.memory_space<hbm>>) target(%arg9 : memref<128x128xf32, #tpu.memory_space<vmem>>) offsets(%arg7 : memref<128xi32, #tpu.memory_space<vmem>>) semaphore(%arg10 : memref<!tpu.dma_semaphore, #tpu.memory_space<semaphore_mem>>)
      %dma_wait3A = arith.constant 0 : i32
      %dma_wait3A_9 = arith.constant 0 : i32
      %dma_wait3A_10 = tpu.memref_slice %arg2[%dma_wait3A, %dma_wait3A_9] : memref<10240x128xf32, #tpu.memory_space<hbm>> -> memref<10240x128xf32, #tpu.memory_space<hbm>>
      tpu.wait_indirect_dma semaphore(%arg10 : memref<!tpu.dma_semaphore, #tpu.memory_space<semaphore_mem>>) src(%dma_wait3A_10 : memref<10240x128xf32, #tpu.memory_space<hbm>>) dst(%arg9 : memref<128x128xf32, #tpu.memory_space<vmem>>)
      %dma_start3A_11 = arith.constant 0 : i32
      %dma_start3A_12 = arith.constant 0 : i32
      %dma_start3A_13 = tpu.memref_slice %arg3[%dma_start3A_11, %dma_start3A_12] : memref<10240x128xf32, #tpu.memory_space<hbm>> -> memref<10240x128xf32, #tpu.memory_space<hbm>>
      tpu.enqueue_indirect_dma source(%dma_start3A_13 : memref<10240x128xf32, #tpu.memory_space<hbm>>) target(%arg9 : memref<128x128xf32, #tpu.memory_space<vmem>>) offsets(%arg8 : memref<128xi32, #tpu.memory_space<vmem>>) semaphore(%arg10 : memref<!tpu.dma_semaphore, #tpu.memory_space<semaphore_mem>>) {add = true}
      %dma_wait3A_14 = arith.constant 0 : i32
      %dma_wait3A_15 = arith.constant 0 : i32
      %dma_wait3A_16 = tpu.memref_slice %arg3[%dma_wait3A_14, %dma_wait3A_15] : memref<10240x128xf32, #tpu.memory_space<hbm>> -> memref<10240x128xf32, #tpu.memory_space<hbm>>
      tpu.wait_indirect_dma semaphore(%arg10 : memref<!tpu.dma_semaphore, #tpu.memory_space<semaphore_mem>>) src(%dma_wait3A_16 : memref<10240x128xf32, #tpu.memory_space<hbm>>) dst(%arg9 : memref<128x128xf32, #tpu.memory_space<vmem>>)
      %mul3A_17 = arith.constant 79 : i32
      %mul3A_18 = arith.muli %add3A, %mul3A_17 : i32
      %add3A_19 = arith.addi %mul3A_18, %scan3A_6 : i32
      %mul3A_20 = arith.constant 128 : i32
      %mul3A_21 = arith.muli %add3A_19, %mul3A_20 : i32
      "tpu.region"() ({
        %run_scoped3A = tpu.sem_alloc : memref<!tpu.dma_semaphore, #tpu.memory_space<semaphore_mem>>
        %dma_start3A_22 = arith.constant 0 : i32
        %dma_start3A_23 = tpu.memref_slice %arg6[%mul3A_21, %dma_start3A_22] : memref<323584x128xf32, #tpu.memory_space<hbm>> -> memref<128x128xf32, #tpu.memory_space<hbm>>
        %dma_start3A_24 = arith.constant 0 : i32
        %dma_start3A_25 = tpu.memref_slice %arg6[%mul3A_21, %dma_start3A_24] : memref<323584x128xf32, #tpu.memory_space<hbm>> -> memref<128x128xf32, #tpu.memory_space<hbm>>
        tpu.enqueue_dma source(%arg9 : memref<128x128xf32, #tpu.memory_space<vmem>>) target(%dma_start3A_25 : memref<128x128xf32, #tpu.memory_space<hbm>>) target_semaphore(%run_scoped3A : memref<!tpu.dma_semaphore, #tpu.memory_space<semaphore_mem>>)
        %dma_wait3A_26 = arith.constant 0 : i32
        %dma_wait3A_27 = tpu.memref_slice %arg6[%mul3A_21, %dma_wait3A_26] : memref<323584x128xf32, #tpu.memory_space<hbm>> -> memref<128x128xf32, #tpu.memory_space<hbm>>
        %dma_wait3A_28 = arith.constant 0 : i32
        %dma_wait3A_29 = tpu.memref_slice %arg6[%mul3A_21, %dma_wait3A_28] : memref<323584x128xf32, #tpu.memory_space<hbm>> -> memref<128x128xf32, #tpu.memory_space<hbm>>
        tpu.wait_dma2 semaphore(%run_scoped3A : memref<!tpu.dma_semaphore, #tpu.memory_space<semaphore_mem>>) src(%arg9 : memref<128x128xf32, #tpu.memory_space<vmem>>) dst(%dma_wait3A_29 : memref<128x128xf32, #tpu.memory_space<hbm>>)
        tpu.yield
      }) : () -> ()
    }
    %scan3A_5 = arith.constant 79 : i32
    return
  }
}

#map = affine_map<(d0, d1) -> (0, 0)>
#map1 = affine_map<(d0, d1) -> (0, 0, 0)>
module attributes {stable_mosaic.version = 14 : i64} {
  func.func @k(%arg0: i32, %arg1: i32, %arg2: memref<323584x128xf32, #tpu.memory_space<hbm>>, %arg3: memref<32x79x128xi32, #tpu.memory_space<hbm>>, %arg4: memref<10240x128xf32, #tpu.memory_space<hbm>>, %arg5: memref<2x10240x128xf32, #tpu.memory_space<hbm>>, %arg6: memref<128xi32, #tpu.memory_space<vmem>>, %arg7: memref<128x128xf32, #tpu.memory_space<vmem>>, %arg8: memref<10240x128xf32, #tpu.memory_space<vmem_shared>>) attributes {dimension_semantics = [#tpu.dimension_semantics<core_parallel>, #tpu.dimension_semantics<subcore_parallel>], iteration_bounds = array<i64: 2, 16>, scalar_prefetch = 0 : i64, scratch_operands = 3 : i64, tpu.core_type = #tpu.core_type<sc_vector_subcore>, window_params = [{transform_indices = #map}, {transform_indices = #map1}, {transform_indices = #map}, {transform_indices = #map1}]} {
    %mul3A = arith.constant 640 : i32
    %mul3A_0 = arith.muli %arg1, %mul3A : i32
    %mul3A_1 = arith.constant 640 : i32
    %mul3A_2 = arith.muli %arg1, %mul3A_1 : i32
    "tpu.region"() ({
      %run_scoped3A = tpu.sem_alloc : memref<!tpu.dma_semaphore, #tpu.memory_space<semaphore_mem>>
      %dma_start3A = arith.constant 0 : i32
      %dma_start3A_15 = tpu.memref_slice %arg8[%mul3A_2, %dma_start3A] : memref<10240x128xf32, #tpu.memory_space<vmem_shared>> -> memref<640x128xf32, #tpu.memory_space<vmem_shared>>
      %dma_start3A_16 = arith.constant 0 : i32
      %dma_start3A_17 = tpu.memref_slice %arg4[%mul3A_0, %dma_start3A_16] : memref<10240x128xf32, #tpu.memory_space<hbm>> -> memref<640x128xf32, #tpu.memory_space<hbm>>
      tpu.enqueue_dma source(%dma_start3A_17 : memref<640x128xf32, #tpu.memory_space<hbm>>) target(%dma_start3A_15 : memref<640x128xf32, #tpu.memory_space<vmem_shared>>) target_semaphore(%run_scoped3A : memref<!tpu.dma_semaphore, #tpu.memory_space<semaphore_mem>>)
      %dma_wait3A = arith.constant 0 : i32
      %dma_wait3A_18 = tpu.memref_slice %arg8[%mul3A_2, %dma_wait3A] : memref<10240x128xf32, #tpu.memory_space<vmem_shared>> -> memref<640x128xf32, #tpu.memory_space<vmem_shared>>
      %dma_wait3A_19 = arith.constant 0 : i32
      %dma_wait3A_20 = tpu.memref_slice %arg4[%mul3A_0, %dma_wait3A_19] : memref<10240x128xf32, #tpu.memory_space<hbm>> -> memref<640x128xf32, #tpu.memory_space<hbm>>
      tpu.wait_dma2 semaphore(%run_scoped3A : memref<!tpu.dma_semaphore, #tpu.memory_space<semaphore_mem>>) src(%dma_wait3A_20 : memref<640x128xf32, #tpu.memory_space<hbm>>) dst(%dma_wait3A_18 : memref<640x128xf32, #tpu.memory_space<vmem_shared>>)
      tpu.yield
    }) : () -> ()
    %barrier3A = arith.constant 0 : index
    tpu.barrier barrier_id(%barrier3A)
    %mul3A_3 = arith.constant 16 : i32
    %mul3A_4 = arith.muli %arg0, %mul3A_3 : i32
    %add3A = arith.addi %mul3A_4, %arg1 : i32
    %scan3A = arith.constant 0 : i32
    %scan3A_5 = arith.constant 0 : i32
    %scan3A_6 = arith.constant 79 : i32
    %scan3A_7 = arith.addi %scan3A_5, %scan3A_6 : i32
    %scan3A_8 = arith.constant 1 : i32
    scf.for %scan3A_15 = %scan3A_5 to %scan3A_7 step %scan3A_8  : i32 {
      %mul3A_16 = arith.constant 79 : i32
      %mul3A_17 = arith.muli %add3A, %mul3A_16 : i32
      %add3A_18 = arith.addi %mul3A_17, %scan3A_15 : i32
      %mul3A_19 = arith.constant 128 : i32
      %mul3A_20 = arith.muli %add3A_18, %mul3A_19 : i32
      "tpu.region"() ({
        %run_scoped3A = tpu.sem_alloc : memref<!tpu.dma_semaphore, #tpu.memory_space<semaphore_mem>>
        %dma_start3A = arith.constant 0 : i32
        %dma_start3A_21 = tpu.memref_slice %arg2[%mul3A_20, %dma_start3A] : memref<323584x128xf32, #tpu.memory_space<hbm>> -> memref<128x128xf32, #tpu.memory_space<hbm>>
        %dma_start3A_22 = arith.constant 0 : i32
        %dma_start3A_23 = tpu.memref_slice %arg2[%mul3A_20, %dma_start3A_22] : memref<323584x128xf32, #tpu.memory_space<hbm>> -> memref<128x128xf32, #tpu.memory_space<hbm>>
        tpu.enqueue_dma source(%dma_start3A_23 : memref<128x128xf32, #tpu.memory_space<hbm>>) target(%arg7 : memref<128x128xf32, #tpu.memory_space<vmem>>) target_semaphore(%run_scoped3A : memref<!tpu.dma_semaphore, #tpu.memory_space<semaphore_mem>>)
        %dma_wait3A = arith.constant 0 : i32
        %dma_wait3A_24 = tpu.memref_slice %arg2[%mul3A_20, %dma_wait3A] : memref<323584x128xf32, #tpu.memory_space<hbm>> -> memref<128x128xf32, #tpu.memory_space<hbm>>
        %dma_wait3A_25 = arith.constant 0 : i32
        %dma_wait3A_26 = tpu.memref_slice %arg2[%mul3A_20, %dma_wait3A_25] : memref<323584x128xf32, #tpu.memory_space<hbm>> -> memref<128x128xf32, #tpu.memory_space<hbm>>
        tpu.wait_dma2 semaphore(%run_scoped3A : memref<!tpu.dma_semaphore, #tpu.memory_space<semaphore_mem>>) src(%dma_wait3A_26 : memref<128x128xf32, #tpu.memory_space<hbm>>) dst(%arg7 : memref<128x128xf32, #tpu.memory_space<vmem>>)
        tpu.yield
      }) : () -> ()
      "tpu.region"() ({
        %run_scoped3A = tpu.sem_alloc : memref<!tpu.dma_semaphore, #tpu.memory_space<semaphore_mem>>
        %dma_start3A = arith.constant 0 : i32
        %dma_start3A_21 = tpu.memref_slice %arg3[%add3A, %scan3A_15, %dma_start3A] : memref<32x79x128xi32, #tpu.memory_space<hbm>> -> memref<1x1x128xi32, #tpu.memory_space<hbm>>
        %dma_start3A_22 = tpu.memref_squeeze %dma_start3A_21 : memref<1x1x128xi32, #tpu.memory_space<hbm>> -> memref<128xi32, #tpu.memory_space<hbm>>
        %dma_start3A_23 = arith.constant 0 : i32
        %dma_start3A_24 = tpu.memref_slice %arg3[%add3A, %scan3A_15, %dma_start3A_23] : memref<32x79x128xi32, #tpu.memory_space<hbm>> -> memref<1x1x128xi32, #tpu.memory_space<hbm>>
        %dma_start3A_25 = tpu.memref_squeeze %dma_start3A_24 : memref<1x1x128xi32, #tpu.memory_space<hbm>> -> memref<128xi32, #tpu.memory_space<hbm>>
        tpu.enqueue_dma source(%dma_start3A_25 : memref<128xi32, #tpu.memory_space<hbm>>) target(%arg6 : memref<128xi32, #tpu.memory_space<vmem>>) target_semaphore(%run_scoped3A : memref<!tpu.dma_semaphore, #tpu.memory_space<semaphore_mem>>)
        %dma_wait3A = arith.constant 0 : i32
        %dma_wait3A_26 = tpu.memref_slice %arg3[%add3A, %scan3A_15, %dma_wait3A] : memref<32x79x128xi32, #tpu.memory_space<hbm>> -> memref<1x1x128xi32, #tpu.memory_space<hbm>>
        %dma_wait3A_27 = tpu.memref_squeeze %dma_wait3A_26 : memref<1x1x128xi32, #tpu.memory_space<hbm>> -> memref<128xi32, #tpu.memory_space<hbm>>
        %dma_wait3A_28 = arith.constant 0 : i32
        %dma_wait3A_29 = tpu.memref_slice %arg3[%add3A, %scan3A_15, %dma_wait3A_28] : memref<32x79x128xi32, #tpu.memory_space<hbm>> -> memref<1x1x128xi32, #tpu.memory_space<hbm>>
        %dma_wait3A_30 = tpu.memref_squeeze %dma_wait3A_29 : memref<1x1x128xi32, #tpu.memory_space<hbm>> -> memref<128xi32, #tpu.memory_space<hbm>>
        tpu.wait_dma2 semaphore(%run_scoped3A : memref<!tpu.dma_semaphore, #tpu.memory_space<semaphore_mem>>) src(%dma_wait3A_30 : memref<128xi32, #tpu.memory_space<hbm>>) dst(%arg6 : memref<128xi32, #tpu.memory_space<vmem>>)
        tpu.yield
      }) : () -> ()
      "tpu.region"() ({
        %run_scoped3A = tpu.sem_alloc : memref<!tpu.dma_semaphore, #tpu.memory_space<semaphore_mem>>
        %dma_start3A = arith.constant 0 : i32
        %dma_start3A_21 = arith.constant 0 : i32
        %dma_start3A_22 = tpu.memref_slice %arg8[%dma_start3A, %dma_start3A_21] : memref<10240x128xf32, #tpu.memory_space<vmem_shared>> -> memref<10240x128xf32, #tpu.memory_space<vmem_shared>>
        tpu.enqueue_indirect_dma source(%arg7 : memref<128x128xf32, #tpu.memory_space<vmem>>) target(%dma_start3A_22 : memref<10240x128xf32, #tpu.memory_space<vmem_shared>>) offsets(%arg6 : memref<128xi32, #tpu.memory_space<vmem>>) semaphore(%run_scoped3A : memref<!tpu.dma_semaphore, #tpu.memory_space<semaphore_mem>>) {add = true}
        %dma_wait3A = arith.constant 0 : i32
        %dma_wait3A_23 = arith.constant 0 : i32
        %dma_wait3A_24 = tpu.memref_slice %arg8[%dma_wait3A, %dma_wait3A_23] : memref<10240x128xf32, #tpu.memory_space<vmem_shared>> -> memref<10240x128xf32, #tpu.memory_space<vmem_shared>>
        tpu.wait_indirect_dma semaphore(%run_scoped3A : memref<!tpu.dma_semaphore, #tpu.memory_space<semaphore_mem>>) src(%arg7 : memref<128x128xf32, #tpu.memory_space<vmem>>) dst(%dma_wait3A_24 : memref<10240x128xf32, #tpu.memory_space<vmem_shared>>)
        tpu.yield
      }) : () -> ()
    }
    %scan3A_9 = arith.constant 79 : i32
    %barrier3A_10 = arith.constant 0 : index
    tpu.barrier barrier_id(%barrier3A_10)
    %mul3A_11 = arith.constant 640 : i32
    %mul3A_12 = arith.muli %arg1, %mul3A_11 : i32
    %mul3A_13 = arith.constant 640 : i32
    %mul3A_14 = arith.muli %arg1, %mul3A_13 : i32
    "tpu.region"() ({
      %run_scoped3A = tpu.sem_alloc : memref<!tpu.dma_semaphore, #tpu.memory_space<semaphore_mem>>
      %dma_start3A = arith.constant 0 : i32
      %dma_start3A_15 = tpu.memref_slice %arg5[%arg0, %mul3A_14, %dma_start3A] : memref<2x10240x128xf32, #tpu.memory_space<hbm>> -> memref<1x640x128xf32, #tpu.memory_space<hbm>>
      %dma_start3A_16 = tpu.memref_squeeze %dma_start3A_15 : memref<1x640x128xf32, #tpu.memory_space<hbm>> -> memref<640x128xf32, #tpu.memory_space<hbm>>
      %dma_start3A_17 = arith.constant 0 : i32
      %dma_start3A_18 = tpu.memref_slice %arg8[%mul3A_12, %dma_start3A_17] : memref<10240x128xf32, #tpu.memory_space<vmem_shared>> -> memref<640x128xf32, #tpu.memory_space<vmem_shared>>
      tpu.enqueue_dma source(%dma_start3A_18 : memref<640x128xf32, #tpu.memory_space<vmem_shared>>) target(%dma_start3A_16 : memref<640x128xf32, #tpu.memory_space<hbm>>) target_semaphore(%run_scoped3A : memref<!tpu.dma_semaphore, #tpu.memory_space<semaphore_mem>>)
      %dma_wait3A = arith.constant 0 : i32
      %dma_wait3A_19 = tpu.memref_slice %arg5[%arg0, %mul3A_14, %dma_wait3A] : memref<2x10240x128xf32, #tpu.memory_space<hbm>> -> memref<1x640x128xf32, #tpu.memory_space<hbm>>
      %dma_wait3A_20 = tpu.memref_squeeze %dma_wait3A_19 : memref<1x640x128xf32, #tpu.memory_space<hbm>> -> memref<640x128xf32, #tpu.memory_space<hbm>>
      %dma_wait3A_21 = arith.constant 0 : i32
      %dma_wait3A_22 = tpu.memref_slice %arg8[%mul3A_12, %dma_wait3A_21] : memref<10240x128xf32, #tpu.memory_space<vmem_shared>> -> memref<640x128xf32, #tpu.memory_space<vmem_shared>>
      tpu.wait_dma2 semaphore(%run_scoped3A : memref<!tpu.dma_semaphore, #tpu.memory_space<semaphore_mem>>) src(%dma_wait3A_22 : memref<640x128xf32, #tpu.memory_space<vmem_shared>>) dst(%dma_wait3A_20 : memref<640x128xf32, #tpu.memory_space<hbm>>)
      tpu.yield
    }) : () -> ()
    return
  }
}

#map = affine_map<(d0, d1) -> (0, 0)>
#map1 = affine_map<(d0, d1) -> (0, 0, 0)>
module attributes {stable_mosaic.version = 14 : i64} {
  func.func @k(%arg0: i32, %arg1: i32, %arg2: memref<10240x128xf32, #tpu.memory_space<hbm>>, %arg3: memref<10240x128xf32, #tpu.memory_space<hbm>>, %arg4: memref<32x79x128xi32, #tpu.memory_space<hbm>>, %arg5: memref<32x79x128xi32, #tpu.memory_space<hbm>>, %arg6: memref<323584x128xf32, #tpu.memory_space<hbm>>, %arg7: memref<128xi32, #tpu.memory_space<vmem>>, %arg8: memref<128xi32, #tpu.memory_space<vmem>>, %arg9: memref<128x128xf32, #tpu.memory_space<vmem>>, %arg10: memref<!tpu.dma_semaphore, #tpu.memory_space<semaphore_mem>>) attributes {dimension_semantics = [#tpu.dimension_semantics<core_parallel>, #tpu.dimension_semantics<subcore_parallel>], iteration_bounds = array<i64: 2, 16>, scalar_prefetch = 0 : i64, scratch_operands = 4 : i64, tpu.core_type = #tpu.core_type<sc_vector_subcore>, window_params = [{transform_indices = #map}, {transform_indices = #map}, {transform_indices = #map1}, {transform_indices = #map1}, {transform_indices = #map}]} {
    %mul3A = arith.constant 16 : i32
    %mul3A_0 = arith.muli %arg0, %mul3A : i32
    %add3A = arith.addi %mul3A_0, %arg1 : i32
    %scan3A = arith.constant 0 : i32
    %scan3A_1 = arith.constant 0 : i32
    %scan3A_2 = arith.constant 79 : i32
    %scan3A_3 = arith.addi %scan3A_1, %scan3A_2 : i32
    %scan3A_4 = arith.constant 1 : i32
    scf.for %scan3A_6 = %scan3A_1 to %scan3A_3 step %scan3A_4  : i32 {
      "tpu.region"() ({
        %run_scoped3A = tpu.sem_alloc : memref<!tpu.dma_semaphore, #tpu.memory_space<semaphore_mem>>
        %dma_start3A_22 = arith.constant 0 : i32
        %dma_start3A_23 = tpu.memref_slice %arg4[%add3A, %scan3A_6, %dma_start3A_22] : memref<32x79x128xi32, #tpu.memory_space<hbm>> -> memref<1x1x128xi32, #tpu.memory_space<hbm>>
        %dma_start3A_24 = tpu.memref_squeeze %dma_start3A_23 : memref<1x1x128xi32, #tpu.memory_space<hbm>> -> memref<128xi32, #tpu.memory_space<hbm>>
        %dma_start3A_25 = arith.constant 0 : i32
        %dma_start3A_26 = tpu.memref_slice %arg4[%add3A, %scan3A_6, %dma_start3A_25] : memref<32x79x128xi32, #tpu.memory_space<hbm>> -> memref<1x1x128xi32, #tpu.memory_space<hbm>>
        %dma_start3A_27 = tpu.memref_squeeze %dma_start3A_26 : memref<1x1x128xi32, #tpu.memory_space<hbm>> -> memref<128xi32, #tpu.memory_space<hbm>>
        tpu.enqueue_dma source(%dma_start3A_27 : memref<128xi32, #tpu.memory_space<hbm>>) target(%arg7 : memref<128xi32, #tpu.memory_space<vmem>>) target_semaphore(%run_scoped3A : memref<!tpu.dma_semaphore, #tpu.memory_space<semaphore_mem>>)
        %dma_wait3A_28 = arith.constant 0 : i32
        %dma_wait3A_29 = tpu.memref_slice %arg4[%add3A, %scan3A_6, %dma_wait3A_28] : memref<32x79x128xi32, #tpu.memory_space<hbm>> -> memref<1x1x128xi32, #tpu.memory_space<hbm>>
        %dma_wait3A_30 = tpu.memref_squeeze %dma_wait3A_29 : memref<1x1x128xi32, #tpu.memory_space<hbm>> -> memref<128xi32, #tpu.memory_space<hbm>>
        %dma_wait3A_31 = arith.constant 0 : i32
        %dma_wait3A_32 = tpu.memref_slice %arg4[%add3A, %scan3A_6, %dma_wait3A_31] : memref<32x79x128xi32, #tpu.memory_space<hbm>> -> memref<1x1x128xi32, #tpu.memory_space<hbm>>
        %dma_wait3A_33 = tpu.memref_squeeze %dma_wait3A_32 : memref<1x1x128xi32, #tpu.memory_space<hbm>> -> memref<128xi32, #tpu.memory_space<hbm>>
        tpu.wait_dma2 semaphore(%run_scoped3A : memref<!tpu.dma_semaphore, #tpu.memory_space<semaphore_mem>>) src(%dma_wait3A_33 : memref<128xi32, #tpu.memory_space<hbm>>) dst(%arg7 : memref<128xi32, #tpu.memory_space<vmem>>)
        tpu.yield
      }) : () -> ()
      "tpu.region"() ({
        %run_scoped3A = tpu.sem_alloc : memref<!tpu.dma_semaphore, #tpu.memory_space<semaphore_mem>>
        %dma_start3A_22 = arith.constant 0 : i32
        %dma_start3A_23 = tpu.memref_slice %arg5[%add3A, %scan3A_6, %dma_start3A_22] : memref<32x79x128xi32, #tpu.memory_space<hbm>> -> memref<1x1x128xi32, #tpu.memory_space<hbm>>
        %dma_start3A_24 = tpu.memref_squeeze %dma_start3A_23 : memref<1x1x128xi32, #tpu.memory_space<hbm>> -> memref<128xi32, #tpu.memory_space<hbm>>
        %dma_start3A_25 = arith.constant 0 : i32
        %dma_start3A_26 = tpu.memref_slice %arg5[%add3A, %scan3A_6, %dma_start3A_25] : memref<32x79x128xi32, #tpu.memory_space<hbm>> -> memref<1x1x128xi32, #tpu.memory_space<hbm>>
        %dma_start3A_27 = tpu.memref_squeeze %dma_start3A_26 : memref<1x1x128xi32, #tpu.memory_space<hbm>> -> memref<128xi32, #tpu.memory_space<hbm>>
        tpu.enqueue_dma source(%dma_start3A_27 : memref<128xi32, #tpu.memory_space<hbm>>) target(%arg8 : memref<128xi32, #tpu.memory_space<vmem>>) target_semaphore(%run_scoped3A : memref<!tpu.dma_semaphore, #tpu.memory_space<semaphore_mem>>)
        %dma_wait3A_28 = arith.constant 0 : i32
        %dma_wait3A_29 = tpu.memref_slice %arg5[%add3A, %scan3A_6, %dma_wait3A_28] : memref<32x79x128xi32, #tpu.memory_space<hbm>> -> memref<1x1x128xi32, #tpu.memory_space<hbm>>
        %dma_wait3A_30 = tpu.memref_squeeze %dma_wait3A_29 : memref<1x1x128xi32, #tpu.memory_space<hbm>> -> memref<128xi32, #tpu.memory_space<hbm>>
        %dma_wait3A_31 = arith.constant 0 : i32
        %dma_wait3A_32 = tpu.memref_slice %arg5[%add3A, %scan3A_6, %dma_wait3A_31] : memref<32x79x128xi32, #tpu.memory_space<hbm>> -> memref<1x1x128xi32, #tpu.memory_space<hbm>>
        %dma_wait3A_33 = tpu.memref_squeeze %dma_wait3A_32 : memref<1x1x128xi32, #tpu.memory_space<hbm>> -> memref<128xi32, #tpu.memory_space<hbm>>
        tpu.wait_dma2 semaphore(%run_scoped3A : memref<!tpu.dma_semaphore, #tpu.memory_space<semaphore_mem>>) src(%dma_wait3A_33 : memref<128xi32, #tpu.memory_space<hbm>>) dst(%arg8 : memref<128xi32, #tpu.memory_space<vmem>>)
        tpu.yield
      }) : () -> ()
      %dma_start3A = arith.constant 0 : i32
      %dma_start3A_7 = arith.constant 0 : i32
      %dma_start3A_8 = tpu.memref_slice %arg2[%dma_start3A, %dma_start3A_7] : memref<10240x128xf32, #tpu.memory_space<hbm>> -> memref<10240x128xf32, #tpu.memory_space<hbm>>
      tpu.enqueue_indirect_dma source(%dma_start3A_8 : memref<10240x128xf32, #tpu.memory_space<hbm>>) target(%arg9 : memref<128x128xf32, #tpu.memory_space<vmem>>) offsets(%arg7 : memref<128xi32, #tpu.memory_space<vmem>>) semaphore(%arg10 : memref<!tpu.dma_semaphore, #tpu.memory_space<semaphore_mem>>)
      %dma_wait3A = arith.constant 0 : i32
      %dma_wait3A_9 = arith.constant 0 : i32
      %dma_wait3A_10 = tpu.memref_slice %arg2[%dma_wait3A, %dma_wait3A_9] : memref<10240x128xf32, #tpu.memory_space<hbm>> -> memref<10240x128xf32, #tpu.memory_space<hbm>>
      tpu.wait_indirect_dma semaphore(%arg10 : memref<!tpu.dma_semaphore, #tpu.memory_space<semaphore_mem>>) src(%dma_wait3A_10 : memref<10240x128xf32, #tpu.memory_space<hbm>>) dst(%arg9 : memref<128x128xf32, #tpu.memory_space<vmem>>)
      %dma_start3A_11 = arith.constant 0 : i32
      %dma_start3A_12 = arith.constant 0 : i32
      %dma_start3A_13 = tpu.memref_slice %arg3[%dma_start3A_11, %dma_start3A_12] : memref<10240x128xf32, #tpu.memory_space<hbm>> -> memref<10240x128xf32, #tpu.memory_space<hbm>>
      tpu.enqueue_indirect_dma source(%dma_start3A_13 : memref<10240x128xf32, #tpu.memory_space<hbm>>) target(%arg9 : memref<128x128xf32, #tpu.memory_space<vmem>>) offsets(%arg8 : memref<128xi32, #tpu.memory_space<vmem>>) semaphore(%arg10 : memref<!tpu.dma_semaphore, #tpu.memory_space<semaphore_mem>>) {add = true}
      %dma_wait3A_14 = arith.constant 0 : i32
      %dma_wait3A_15 = arith.constant 0 : i32
      %dma_wait3A_16 = tpu.memref_slice %arg3[%dma_wait3A_14, %dma_wait3A_15] : memref<10240x128xf32, #tpu.memory_space<hbm>> -> memref<10240x128xf32, #tpu.memory_space<hbm>>
      tpu.wait_indirect_dma semaphore(%arg10 : memref<!tpu.dma_semaphore, #tpu.memory_space<semaphore_mem>>) src(%dma_wait3A_16 : memref<10240x128xf32, #tpu.memory_space<hbm>>) dst(%arg9 : memref<128x128xf32, #tpu.memory_space<vmem>>)
      %mul3A_17 = arith.constant 79 : i32
      %mul3A_18 = arith.muli %add3A, %mul3A_17 : i32
      %add3A_19 = arith.addi %mul3A_18, %scan3A_6 : i32
      %mul3A_20 = arith.constant 128 : i32
      %mul3A_21 = arith.muli %add3A_19, %mul3A_20 : i32
      "tpu.region"() ({
        %run_scoped3A = tpu.sem_alloc : memref<!tpu.dma_semaphore, #tpu.memory_space<semaphore_mem>>
        %dma_start3A_22 = arith.constant 0 : i32
        %dma_start3A_23 = tpu.memref_slice %arg6[%mul3A_21, %dma_start3A_22] : memref<323584x128xf32, #tpu.memory_space<hbm>> -> memref<128x128xf32, #tpu.memory_space<hbm>>
        %dma_start3A_24 = arith.constant 0 : i32
        %dma_start3A_25 = tpu.memref_slice %arg6[%mul3A_21, %dma_start3A_24] : memref<323584x128xf32, #tpu.memory_space<hbm>> -> memref<128x128xf32, #tpu.memory_space<hbm>>
        tpu.enqueue_dma source(%arg9 : memref<128x128xf32, #tpu.memory_space<vmem>>) target(%dma_start3A_25 : memref<128x128xf32, #tpu.memory_space<hbm>>) target_semaphore(%run_scoped3A : memref<!tpu.dma_semaphore, #tpu.memory_space<semaphore_mem>>)
        %dma_wait3A_26 = arith.constant 0 : i32
        %dma_wait3A_27 = tpu.memref_slice %arg6[%mul3A_21, %dma_wait3A_26] : memref<323584x128xf32, #tpu.memory_space<hbm>> -> memref<128x128xf32, #tpu.memory_space<hbm>>
        %dma_wait3A_28 = arith.constant 0 : i32
        %dma_wait3A_29 = tpu.memref_slice %arg6[%mul3A_21, %dma_wait3A_28] : memref<323584x128xf32, #tpu.memory_space<hbm>> -> memref<128x128xf32, #tpu.memory_space<hbm>>
        tpu.wait_dma2 semaphore(%run_scoped3A : memref<!tpu.dma_semaphore, #tpu.memory_space<semaphore_mem>>) src(%arg9 : memref<128x128xf32, #tpu.memory_space<vmem>>) dst(%dma_wait3A_29 : memref<128x128xf32, #tpu.memory_space<hbm>>)
        tpu.yield
      }) : () -> ()
    }
    %scan3A_5 = arith.constant 79 : i32
    return
  }
}

#map = affine_map<(d0, d1) -> (0, 0)>
#map1 = affine_map<(d0, d1) -> (0, 0, 0)>
module attributes {stable_mosaic.version = 14 : i64} {
  func.func @k(%arg0: i32, %arg1: i32, %arg2: memref<323584x128xf32, #tpu.memory_space<hbm>>, %arg3: memref<32x79x128xi32, #tpu.memory_space<hbm>>, %arg4: memref<10240x128xf32, #tpu.memory_space<hbm>>, %arg5: memref<2x10240x128xf32, #tpu.memory_space<hbm>>, %arg6: memref<128xi32, #tpu.memory_space<vmem>>, %arg7: memref<128x128xf32, #tpu.memory_space<vmem>>, %arg8: memref<10240x128xf32, #tpu.memory_space<vmem_shared>>) attributes {dimension_semantics = [#tpu.dimension_semantics<core_parallel>, #tpu.dimension_semantics<subcore_parallel>], iteration_bounds = array<i64: 2, 16>, scalar_prefetch = 0 : i64, scratch_operands = 3 : i64, tpu.core_type = #tpu.core_type<sc_vector_subcore>, window_params = [{transform_indices = #map}, {transform_indices = #map1}, {transform_indices = #map}, {transform_indices = #map1}]} {
    %mul3A = arith.constant 640 : i32
    %mul3A_0 = arith.muli %arg1, %mul3A : i32
    %mul3A_1 = arith.constant 640 : i32
    %mul3A_2 = arith.muli %arg1, %mul3A_1 : i32
    "tpu.region"() ({
      %run_scoped3A = tpu.sem_alloc : memref<!tpu.dma_semaphore, #tpu.memory_space<semaphore_mem>>
      %dma_start3A = arith.constant 0 : i32
      %dma_start3A_15 = tpu.memref_slice %arg8[%mul3A_2, %dma_start3A] : memref<10240x128xf32, #tpu.memory_space<vmem_shared>> -> memref<640x128xf32, #tpu.memory_space<vmem_shared>>
      %dma_start3A_16 = arith.constant 0 : i32
      %dma_start3A_17 = tpu.memref_slice %arg4[%mul3A_0, %dma_start3A_16] : memref<10240x128xf32, #tpu.memory_space<hbm>> -> memref<640x128xf32, #tpu.memory_space<hbm>>
      tpu.enqueue_dma source(%dma_start3A_17 : memref<640x128xf32, #tpu.memory_space<hbm>>) target(%dma_start3A_15 : memref<640x128xf32, #tpu.memory_space<vmem_shared>>) target_semaphore(%run_scoped3A : memref<!tpu.dma_semaphore, #tpu.memory_space<semaphore_mem>>)
      %dma_wait3A = arith.constant 0 : i32
      %dma_wait3A_18 = tpu.memref_slice %arg8[%mul3A_2, %dma_wait3A] : memref<10240x128xf32, #tpu.memory_space<vmem_shared>> -> memref<640x128xf32, #tpu.memory_space<vmem_shared>>
      %dma_wait3A_19 = arith.constant 0 : i32
      %dma_wait3A_20 = tpu.memref_slice %arg4[%mul3A_0, %dma_wait3A_19] : memref<10240x128xf32, #tpu.memory_space<hbm>> -> memref<640x128xf32, #tpu.memory_space<hbm>>
      tpu.wait_dma2 semaphore(%run_scoped3A : memref<!tpu.dma_semaphore, #tpu.memory_space<semaphore_mem>>) src(%dma_wait3A_20 : memref<640x128xf32, #tpu.memory_space<hbm>>) dst(%dma_wait3A_18 : memref<640x128xf32, #tpu.memory_space<vmem_shared>>)
      tpu.yield
    }) : () -> ()
    %barrier3A = arith.constant 0 : index
    tpu.barrier barrier_id(%barrier3A)
    %mul3A_3 = arith.constant 16 : i32
    %mul3A_4 = arith.muli %arg0, %mul3A_3 : i32
    %add3A = arith.addi %mul3A_4, %arg1 : i32
    %scan3A = arith.constant 0 : i32
    %scan3A_5 = arith.constant 0 : i32
    %scan3A_6 = arith.constant 79 : i32
    %scan3A_7 = arith.addi %scan3A_5, %scan3A_6 : i32
    %scan3A_8 = arith.constant 1 : i32
    scf.for %scan3A_15 = %scan3A_5 to %scan3A_7 step %scan3A_8  : i32 {
      %mul3A_16 = arith.constant 79 : i32
      %mul3A_17 = arith.muli %add3A, %mul3A_16 : i32
      %add3A_18 = arith.addi %mul3A_17, %scan3A_15 : i32
      %mul3A_19 = arith.constant 128 : i32
      %mul3A_20 = arith.muli %add3A_18, %mul3A_19 : i32
      "tpu.region"() ({
        %run_scoped3A = tpu.sem_alloc : memref<!tpu.dma_semaphore, #tpu.memory_space<semaphore_mem>>
        %dma_start3A = arith.constant 0 : i32
        %dma_start3A_21 = tpu.memref_slice %arg2[%mul3A_20, %dma_start3A] : memref<323584x128xf32, #tpu.memory_space<hbm>> -> memref<128x128xf32, #tpu.memory_space<hbm>>
        %dma_start3A_22 = arith.constant 0 : i32
        %dma_start3A_23 = tpu.memref_slice %arg2[%mul3A_20, %dma_start3A_22] : memref<323584x128xf32, #tpu.memory_space<hbm>> -> memref<128x128xf32, #tpu.memory_space<hbm>>
        tpu.enqueue_dma source(%dma_start3A_23 : memref<128x128xf32, #tpu.memory_space<hbm>>) target(%arg7 : memref<128x128xf32, #tpu.memory_space<vmem>>) target_semaphore(%run_scoped3A : memref<!tpu.dma_semaphore, #tpu.memory_space<semaphore_mem>>)
        %dma_wait3A = arith.constant 0 : i32
        %dma_wait3A_24 = tpu.memref_slice %arg2[%mul3A_20, %dma_wait3A] : memref<323584x128xf32, #tpu.memory_space<hbm>> -> memref<128x128xf32, #tpu.memory_space<hbm>>
        %dma_wait3A_25 = arith.constant 0 : i32
        %dma_wait3A_26 = tpu.memref_slice %arg2[%mul3A_20, %dma_wait3A_25] : memref<323584x128xf32, #tpu.memory_space<hbm>> -> memref<128x128xf32, #tpu.memory_space<hbm>>
        tpu.wait_dma2 semaphore(%run_scoped3A : memref<!tpu.dma_semaphore, #tpu.memory_space<semaphore_mem>>) src(%dma_wait3A_26 : memref<128x128xf32, #tpu.memory_space<hbm>>) dst(%arg7 : memref<128x128xf32, #tpu.memory_space<vmem>>)
        tpu.yield
      }) : () -> ()
      "tpu.region"() ({
        %run_scoped3A = tpu.sem_alloc : memref<!tpu.dma_semaphore, #tpu.memory_space<semaphore_mem>>
        %dma_start3A = arith.constant 0 : i32
        %dma_start3A_21 = tpu.memref_slice %arg3[%add3A, %scan3A_15, %dma_start3A] : memref<32x79x128xi32, #tpu.memory_space<hbm>> -> memref<1x1x128xi32, #tpu.memory_space<hbm>>
        %dma_start3A_22 = tpu.memref_squeeze %dma_start3A_21 : memref<1x1x128xi32, #tpu.memory_space<hbm>> -> memref<128xi32, #tpu.memory_space<hbm>>
        %dma_start3A_23 = arith.constant 0 : i32
        %dma_start3A_24 = tpu.memref_slice %arg3[%add3A, %scan3A_15, %dma_start3A_23] : memref<32x79x128xi32, #tpu.memory_space<hbm>> -> memref<1x1x128xi32, #tpu.memory_space<hbm>>
        %dma_start3A_25 = tpu.memref_squeeze %dma_start3A_24 : memref<1x1x128xi32, #tpu.memory_space<hbm>> -> memref<128xi32, #tpu.memory_space<hbm>>
        tpu.enqueue_dma source(%dma_start3A_25 : memref<128xi32, #tpu.memory_space<hbm>>) target(%arg6 : memref<128xi32, #tpu.memory_space<vmem>>) target_semaphore(%run_scoped3A : memref<!tpu.dma_semaphore, #tpu.memory_space<semaphore_mem>>)
        %dma_wait3A = arith.constant 0 : i32
        %dma_wait3A_26 = tpu.memref_slice %arg3[%add3A, %scan3A_15, %dma_wait3A] : memref<32x79x128xi32, #tpu.memory_space<hbm>> -> memref<1x1x128xi32, #tpu.memory_space<hbm>>
        %dma_wait3A_27 = tpu.memref_squeeze %dma_wait3A_26 : memref<1x1x128xi32, #tpu.memory_space<hbm>> -> memref<128xi32, #tpu.memory_space<hbm>>
        %dma_wait3A_28 = arith.constant 0 : i32
        %dma_wait3A_29 = tpu.memref_slice %arg3[%add3A, %scan3A_15, %dma_wait3A_28] : memref<32x79x128xi32, #tpu.memory_space<hbm>> -> memref<1x1x128xi32, #tpu.memory_space<hbm>>
        %dma_wait3A_30 = tpu.memref_squeeze %dma_wait3A_29 : memref<1x1x128xi32, #tpu.memory_space<hbm>> -> memref<128xi32, #tpu.memory_space<hbm>>
        tpu.wait_dma2 semaphore(%run_scoped3A : memref<!tpu.dma_semaphore, #tpu.memory_space<semaphore_mem>>) src(%dma_wait3A_30 : memref<128xi32, #tpu.memory_space<hbm>>) dst(%arg6 : memref<128xi32, #tpu.memory_space<vmem>>)
        tpu.yield
      }) : () -> ()
      "tpu.region"() ({
        %run_scoped3A = tpu.sem_alloc : memref<!tpu.dma_semaphore, #tpu.memory_space<semaphore_mem>>
        %dma_start3A = arith.constant 0 : i32
        %dma_start3A_21 = arith.constant 0 : i32
        %dma_start3A_22 = tpu.memref_slice %arg8[%dma_start3A, %dma_start3A_21] : memref<10240x128xf32, #tpu.memory_space<vmem_shared>> -> memref<10240x128xf32, #tpu.memory_space<vmem_shared>>
        tpu.enqueue_indirect_dma source(%arg7 : memref<128x128xf32, #tpu.memory_space<vmem>>) target(%dma_start3A_22 : memref<10240x128xf32, #tpu.memory_space<vmem_shared>>) offsets(%arg6 : memref<128xi32, #tpu.memory_space<vmem>>) semaphore(%run_scoped3A : memref<!tpu.dma_semaphore, #tpu.memory_space<semaphore_mem>>) {add = true}
        %dma_wait3A = arith.constant 0 : i32
        %dma_wait3A_23 = arith.constant 0 : i32
        %dma_wait3A_24 = tpu.memref_slice %arg8[%dma_wait3A, %dma_wait3A_23] : memref<10240x128xf32, #tpu.memory_space<vmem_shared>> -> memref<10240x128xf32, #tpu.memory_space<vmem_shared>>
        tpu.wait_indirect_dma semaphore(%run_scoped3A : memref<!tpu.dma_semaphore, #tpu.memory_space<semaphore_mem>>) src(%arg7 : memref<128x128xf32, #tpu.memory_space<vmem>>) dst(%dma_wait3A_24 : memref<10240x128xf32, #tpu.memory_space<vmem_shared>>)
        tpu.yield
      }) : () -> ()
    }
    %scan3A_9 = arith.constant 79 : i32
    %barrier3A_10 = arith.constant 0 : index
    tpu.barrier barrier_id(%barrier3A_10)
    %mul3A_11 = arith.constant 640 : i32
    %mul3A_12 = arith.muli %arg1, %mul3A_11 : i32
    %mul3A_13 = arith.constant 640 : i32
    %mul3A_14 = arith.muli %arg1, %mul3A_13 : i32
    "tpu.region"() ({
      %run_scoped3A = tpu.sem_alloc : memref<!tpu.dma_semaphore, #tpu.memory_space<semaphore_mem>>
      %dma_start3A = arith.constant 0 : i32
      %dma_start3A_15 = tpu.memref_slice %arg5[%arg0, %mul3A_14, %dma_start3A] : memref<2x10240x128xf32, #tpu.memory_space<hbm>> -> memref<1x640x128xf32, #tpu.memory_space<hbm>>
      %dma_start3A_16 = tpu.memref_squeeze %dma_start3A_15 : memref<1x640x128xf32, #tpu.memory_space<hbm>> -> memref<640x128xf32, #tpu.memory_space<hbm>>
      %dma_start3A_17 = arith.constant 0 : i32
      %dma_start3A_18 = tpu.memref_slice %arg8[%mul3A_12, %dma_start3A_17] : memref<10240x128xf32, #tpu.memory_space<vmem_shared>> -> memref<640x128xf32, #tpu.memory_space<vmem_shared>>
      tpu.enqueue_dma source(%dma_start3A_18 : memref<640x128xf32, #tpu.memory_space<vmem_shared>>) target(%dma_start3A_16 : memref<640x128xf32, #tpu.memory_space<hbm>>) target_semaphore(%run_scoped3A : memref<!tpu.dma_semaphore, #tpu.memory_space<semaphore_mem>>)
      %dma_wait3A = arith.constant 0 : i32
      %dma_wait3A_19 = tpu.memref_slice %arg5[%arg0, %mul3A_14, %dma_wait3A] : memref<2x10240x128xf32, #tpu.memory_space<hbm>> -> memref<1x640x128xf32, #tpu.memory_space<hbm>>
      %dma_wait3A_20 = tpu.memref_squeeze %dma_wait3A_19 : memref<1x640x128xf32, #tpu.memory_space<hbm>> -> memref<640x128xf32, #tpu.memory_space<hbm>>
      %dma_wait3A_21 = arith.constant 0 : i32
      %dma_wait3A_22 = tpu.memref_slice %arg8[%mul3A_12, %dma_wait3A_21] : memref<10240x128xf32, #tpu.memory_space<vmem_shared>> -> memref<640x128xf32, #tpu.memory_space<vmem_shared>>
      tpu.wait_dma2 semaphore(%run_scoped3A : memref<!tpu.dma_semaphore, #tpu.memory_space<semaphore_mem>>) src(%dma_wait3A_22 : memref<640x128xf32, #tpu.memory_space<vmem_shared>>) dst(%dma_wait3A_20 : memref<640x128xf32, #tpu.memory_space<hbm>>)
      tpu.yield
    }) : () -> ()
    return
  }
}

#map = affine_map<(d0, d1) -> (0, 0)>
#map1 = affine_map<(d0, d1) -> (0, 0, 0)>
module attributes {stable_mosaic.version = 14 : i64} {
  func.func @k(%arg0: i32, %arg1: i32, %arg2: memref<10240x128xf32, #tpu.memory_space<hbm>>, %arg3: memref<10240x128xf32, #tpu.memory_space<hbm>>, %arg4: memref<32x79x128xi32, #tpu.memory_space<hbm>>, %arg5: memref<32x79x128xi32, #tpu.memory_space<hbm>>, %arg6: memref<323584x128xf32, #tpu.memory_space<hbm>>, %arg7: memref<128xi32, #tpu.memory_space<vmem>>, %arg8: memref<128xi32, #tpu.memory_space<vmem>>, %arg9: memref<128x128xf32, #tpu.memory_space<vmem>>, %arg10: memref<!tpu.dma_semaphore, #tpu.memory_space<semaphore_mem>>) attributes {dimension_semantics = [#tpu.dimension_semantics<core_parallel>, #tpu.dimension_semantics<subcore_parallel>], iteration_bounds = array<i64: 2, 16>, scalar_prefetch = 0 : i64, scratch_operands = 4 : i64, tpu.core_type = #tpu.core_type<sc_vector_subcore>, window_params = [{transform_indices = #map}, {transform_indices = #map}, {transform_indices = #map1}, {transform_indices = #map1}, {transform_indices = #map}]} {
    %mul3A = arith.constant 16 : i32
    %mul3A_0 = arith.muli %arg0, %mul3A : i32
    %add3A = arith.addi %mul3A_0, %arg1 : i32
    %scan3A = arith.constant 0 : i32
    %scan3A_1 = arith.constant 0 : i32
    %scan3A_2 = arith.constant 79 : i32
    %scan3A_3 = arith.addi %scan3A_1, %scan3A_2 : i32
    %scan3A_4 = arith.constant 1 : i32
    scf.for %scan3A_6 = %scan3A_1 to %scan3A_3 step %scan3A_4  : i32 {
      "tpu.region"() ({
        %run_scoped3A = tpu.sem_alloc : memref<!tpu.dma_semaphore, #tpu.memory_space<semaphore_mem>>
        %dma_start3A_22 = arith.constant 0 : i32
        %dma_start3A_23 = tpu.memref_slice %arg4[%add3A, %scan3A_6, %dma_start3A_22] : memref<32x79x128xi32, #tpu.memory_space<hbm>> -> memref<1x1x128xi32, #tpu.memory_space<hbm>>
        %dma_start3A_24 = tpu.memref_squeeze %dma_start3A_23 : memref<1x1x128xi32, #tpu.memory_space<hbm>> -> memref<128xi32, #tpu.memory_space<hbm>>
        %dma_start3A_25 = arith.constant 0 : i32
        %dma_start3A_26 = tpu.memref_slice %arg4[%add3A, %scan3A_6, %dma_start3A_25] : memref<32x79x128xi32, #tpu.memory_space<hbm>> -> memref<1x1x128xi32, #tpu.memory_space<hbm>>
        %dma_start3A_27 = tpu.memref_squeeze %dma_start3A_26 : memref<1x1x128xi32, #tpu.memory_space<hbm>> -> memref<128xi32, #tpu.memory_space<hbm>>
        tpu.enqueue_dma source(%dma_start3A_27 : memref<128xi32, #tpu.memory_space<hbm>>) target(%arg7 : memref<128xi32, #tpu.memory_space<vmem>>) target_semaphore(%run_scoped3A : memref<!tpu.dma_semaphore, #tpu.memory_space<semaphore_mem>>)
        %dma_wait3A_28 = arith.constant 0 : i32
        %dma_wait3A_29 = tpu.memref_slice %arg4[%add3A, %scan3A_6, %dma_wait3A_28] : memref<32x79x128xi32, #tpu.memory_space<hbm>> -> memref<1x1x128xi32, #tpu.memory_space<hbm>>
        %dma_wait3A_30 = tpu.memref_squeeze %dma_wait3A_29 : memref<1x1x128xi32, #tpu.memory_space<hbm>> -> memref<128xi32, #tpu.memory_space<hbm>>
        %dma_wait3A_31 = arith.constant 0 : i32
        %dma_wait3A_32 = tpu.memref_slice %arg4[%add3A, %scan3A_6, %dma_wait3A_31] : memref<32x79x128xi32, #tpu.memory_space<hbm>> -> memref<1x1x128xi32, #tpu.memory_space<hbm>>
        %dma_wait3A_33 = tpu.memref_squeeze %dma_wait3A_32 : memref<1x1x128xi32, #tpu.memory_space<hbm>> -> memref<128xi32, #tpu.memory_space<hbm>>
        tpu.wait_dma2 semaphore(%run_scoped3A : memref<!tpu.dma_semaphore, #tpu.memory_space<semaphore_mem>>) src(%dma_wait3A_33 : memref<128xi32, #tpu.memory_space<hbm>>) dst(%arg7 : memref<128xi32, #tpu.memory_space<vmem>>)
        tpu.yield
      }) : () -> ()
      "tpu.region"() ({
        %run_scoped3A = tpu.sem_alloc : memref<!tpu.dma_semaphore, #tpu.memory_space<semaphore_mem>>
        %dma_start3A_22 = arith.constant 0 : i32
        %dma_start3A_23 = tpu.memref_slice %arg5[%add3A, %scan3A_6, %dma_start3A_22] : memref<32x79x128xi32, #tpu.memory_space<hbm>> -> memref<1x1x128xi32, #tpu.memory_space<hbm>>
        %dma_start3A_24 = tpu.memref_squeeze %dma_start3A_23 : memref<1x1x128xi32, #tpu.memory_space<hbm>> -> memref<128xi32, #tpu.memory_space<hbm>>
        %dma_start3A_25 = arith.constant 0 : i32
        %dma_start3A_26 = tpu.memref_slice %arg5[%add3A, %scan3A_6, %dma_start3A_25] : memref<32x79x128xi32, #tpu.memory_space<hbm>> -> memref<1x1x128xi32, #tpu.memory_space<hbm>>
        %dma_start3A_27 = tpu.memref_squeeze %dma_start3A_26 : memref<1x1x128xi32, #tpu.memory_space<hbm>> -> memref<128xi32, #tpu.memory_space<hbm>>
        tpu.enqueue_dma source(%dma_start3A_27 : memref<128xi32, #tpu.memory_space<hbm>>) target(%arg8 : memref<128xi32, #tpu.memory_space<vmem>>) target_semaphore(%run_scoped3A : memref<!tpu.dma_semaphore, #tpu.memory_space<semaphore_mem>>)
        %dma_wait3A_28 = arith.constant 0 : i32
        %dma_wait3A_29 = tpu.memref_slice %arg5[%add3A, %scan3A_6, %dma_wait3A_28] : memref<32x79x128xi32, #tpu.memory_space<hbm>> -> memref<1x1x128xi32, #tpu.memory_space<hbm>>
        %dma_wait3A_30 = tpu.memref_squeeze %dma_wait3A_29 : memref<1x1x128xi32, #tpu.memory_space<hbm>> -> memref<128xi32, #tpu.memory_space<hbm>>
        %dma_wait3A_31 = arith.constant 0 : i32
        %dma_wait3A_32 = tpu.memref_slice %arg5[%add3A, %scan3A_6, %dma_wait3A_31] : memref<32x79x128xi32, #tpu.memory_space<hbm>> -> memref<1x1x128xi32, #tpu.memory_space<hbm>>
        %dma_wait3A_33 = tpu.memref_squeeze %dma_wait3A_32 : memref<1x1x128xi32, #tpu.memory_space<hbm>> -> memref<128xi32, #tpu.memory_space<hbm>>
        tpu.wait_dma2 semaphore(%run_scoped3A : memref<!tpu.dma_semaphore, #tpu.memory_space<semaphore_mem>>) src(%dma_wait3A_33 : memref<128xi32, #tpu.memory_space<hbm>>) dst(%arg8 : memref<128xi32, #tpu.memory_space<vmem>>)
        tpu.yield
      }) : () -> ()
      %dma_start3A = arith.constant 0 : i32
      %dma_start3A_7 = arith.constant 0 : i32
      %dma_start3A_8 = tpu.memref_slice %arg2[%dma_start3A, %dma_start3A_7] : memref<10240x128xf32, #tpu.memory_space<hbm>> -> memref<10240x128xf32, #tpu.memory_space<hbm>>
      tpu.enqueue_indirect_dma source(%dma_start3A_8 : memref<10240x128xf32, #tpu.memory_space<hbm>>) target(%arg9 : memref<128x128xf32, #tpu.memory_space<vmem>>) offsets(%arg7 : memref<128xi32, #tpu.memory_space<vmem>>) semaphore(%arg10 : memref<!tpu.dma_semaphore, #tpu.memory_space<semaphore_mem>>)
      %dma_wait3A = arith.constant 0 : i32
      %dma_wait3A_9 = arith.constant 0 : i32
      %dma_wait3A_10 = tpu.memref_slice %arg2[%dma_wait3A, %dma_wait3A_9] : memref<10240x128xf32, #tpu.memory_space<hbm>> -> memref<10240x128xf32, #tpu.memory_space<hbm>>
      tpu.wait_indirect_dma semaphore(%arg10 : memref<!tpu.dma_semaphore, #tpu.memory_space<semaphore_mem>>) src(%dma_wait3A_10 : memref<10240x128xf32, #tpu.memory_space<hbm>>) dst(%arg9 : memref<128x128xf32, #tpu.memory_space<vmem>>)
      %dma_start3A_11 = arith.constant 0 : i32
      %dma_start3A_12 = arith.constant 0 : i32
      %dma_start3A_13 = tpu.memref_slice %arg3[%dma_start3A_11, %dma_start3A_12] : memref<10240x128xf32, #tpu.memory_space<hbm>> -> memref<10240x128xf32, #tpu.memory_space<hbm>>
      tpu.enqueue_indirect_dma source(%dma_start3A_13 : memref<10240x128xf32, #tpu.memory_space<hbm>>) target(%arg9 : memref<128x128xf32, #tpu.memory_space<vmem>>) offsets(%arg8 : memref<128xi32, #tpu.memory_space<vmem>>) semaphore(%arg10 : memref<!tpu.dma_semaphore, #tpu.memory_space<semaphore_mem>>) {add = true}
      %dma_wait3A_14 = arith.constant 0 : i32
      %dma_wait3A_15 = arith.constant 0 : i32
      %dma_wait3A_16 = tpu.memref_slice %arg3[%dma_wait3A_14, %dma_wait3A_15] : memref<10240x128xf32, #tpu.memory_space<hbm>> -> memref<10240x128xf32, #tpu.memory_space<hbm>>
      tpu.wait_indirect_dma semaphore(%arg10 : memref<!tpu.dma_semaphore, #tpu.memory_space<semaphore_mem>>) src(%dma_wait3A_16 : memref<10240x128xf32, #tpu.memory_space<hbm>>) dst(%arg9 : memref<128x128xf32, #tpu.memory_space<vmem>>)
      %mul3A_17 = arith.constant 79 : i32
      %mul3A_18 = arith.muli %add3A, %mul3A_17 : i32
      %add3A_19 = arith.addi %mul3A_18, %scan3A_6 : i32
      %mul3A_20 = arith.constant 128 : i32
      %mul3A_21 = arith.muli %add3A_19, %mul3A_20 : i32
      "tpu.region"() ({
        %run_scoped3A = tpu.sem_alloc : memref<!tpu.dma_semaphore, #tpu.memory_space<semaphore_mem>>
        %dma_start3A_22 = arith.constant 0 : i32
        %dma_start3A_23 = tpu.memref_slice %arg6[%mul3A_21, %dma_start3A_22] : memref<323584x128xf32, #tpu.memory_space<hbm>> -> memref<128x128xf32, #tpu.memory_space<hbm>>
        %dma_start3A_24 = arith.constant 0 : i32
        %dma_start3A_25 = tpu.memref_slice %arg6[%mul3A_21, %dma_start3A_24] : memref<323584x128xf32, #tpu.memory_space<hbm>> -> memref<128x128xf32, #tpu.memory_space<hbm>>
        tpu.enqueue_dma source(%arg9 : memref<128x128xf32, #tpu.memory_space<vmem>>) target(%dma_start3A_25 : memref<128x128xf32, #tpu.memory_space<hbm>>) target_semaphore(%run_scoped3A : memref<!tpu.dma_semaphore, #tpu.memory_space<semaphore_mem>>)
        %dma_wait3A_26 = arith.constant 0 : i32
        %dma_wait3A_27 = tpu.memref_slice %arg6[%mul3A_21, %dma_wait3A_26] : memref<323584x128xf32, #tpu.memory_space<hbm>> -> memref<128x128xf32, #tpu.memory_space<hbm>>
        %dma_wait3A_28 = arith.constant 0 : i32
        %dma_wait3A_29 = tpu.memref_slice %arg6[%mul3A_21, %dma_wait3A_28] : memref<323584x128xf32, #tpu.memory_space<hbm>> -> memref<128x128xf32, #tpu.memory_space<hbm>>
        tpu.wait_dma2 semaphore(%run_scoped3A : memref<!tpu.dma_semaphore, #tpu.memory_space<semaphore_mem>>) src(%arg9 : memref<128x128xf32, #tpu.memory_space<vmem>>) dst(%dma_wait3A_29 : memref<128x128xf32, #tpu.memory_space<hbm>>)
        tpu.yield
      }) : () -> ()
    }
    %scan3A_5 = arith.constant 79 : i32
    return
  }
}

#map = affine_map<(d0, d1) -> (0, 0)>
#map1 = affine_map<(d0, d1) -> (0, 0, 0)>
module attributes {stable_mosaic.version = 14 : i64} {
  func.func @k(%arg0: i32, %arg1: i32, %arg2: memref<323584x128xf32, #tpu.memory_space<hbm>>, %arg3: memref<32x79x128xi32, #tpu.memory_space<hbm>>, %arg4: memref<10240x128xf32, #tpu.memory_space<hbm>>, %arg5: memref<2x10240x128xf32, #tpu.memory_space<hbm>>, %arg6: memref<128xi32, #tpu.memory_space<vmem>>, %arg7: memref<128x128xf32, #tpu.memory_space<vmem>>, %arg8: memref<10240x128xf32, #tpu.memory_space<vmem_shared>>) attributes {dimension_semantics = [#tpu.dimension_semantics<core_parallel>, #tpu.dimension_semantics<subcore_parallel>], iteration_bounds = array<i64: 2, 16>, scalar_prefetch = 0 : i64, scratch_operands = 3 : i64, tpu.core_type = #tpu.core_type<sc_vector_subcore>, window_params = [{transform_indices = #map}, {transform_indices = #map1}, {transform_indices = #map}, {transform_indices = #map1}]} {
    %mul3A = arith.constant 640 : i32
    %mul3A_0 = arith.muli %arg1, %mul3A : i32
    %mul3A_1 = arith.constant 640 : i32
    %mul3A_2 = arith.muli %arg1, %mul3A_1 : i32
    "tpu.region"() ({
      %run_scoped3A = tpu.sem_alloc : memref<!tpu.dma_semaphore, #tpu.memory_space<semaphore_mem>>
      %dma_start3A = arith.constant 0 : i32
      %dma_start3A_15 = tpu.memref_slice %arg8[%mul3A_2, %dma_start3A] : memref<10240x128xf32, #tpu.memory_space<vmem_shared>> -> memref<640x128xf32, #tpu.memory_space<vmem_shared>>
      %dma_start3A_16 = arith.constant 0 : i32
      %dma_start3A_17 = tpu.memref_slice %arg4[%mul3A_0, %dma_start3A_16] : memref<10240x128xf32, #tpu.memory_space<hbm>> -> memref<640x128xf32, #tpu.memory_space<hbm>>
      tpu.enqueue_dma source(%dma_start3A_17 : memref<640x128xf32, #tpu.memory_space<hbm>>) target(%dma_start3A_15 : memref<640x128xf32, #tpu.memory_space<vmem_shared>>) target_semaphore(%run_scoped3A : memref<!tpu.dma_semaphore, #tpu.memory_space<semaphore_mem>>)
      %dma_wait3A = arith.constant 0 : i32
      %dma_wait3A_18 = tpu.memref_slice %arg8[%mul3A_2, %dma_wait3A] : memref<10240x128xf32, #tpu.memory_space<vmem_shared>> -> memref<640x128xf32, #tpu.memory_space<vmem_shared>>
      %dma_wait3A_19 = arith.constant 0 : i32
      %dma_wait3A_20 = tpu.memref_slice %arg4[%mul3A_0, %dma_wait3A_19] : memref<10240x128xf32, #tpu.memory_space<hbm>> -> memref<640x128xf32, #tpu.memory_space<hbm>>
      tpu.wait_dma2 semaphore(%run_scoped3A : memref<!tpu.dma_semaphore, #tpu.memory_space<semaphore_mem>>) src(%dma_wait3A_20 : memref<640x128xf32, #tpu.memory_space<hbm>>) dst(%dma_wait3A_18 : memref<640x128xf32, #tpu.memory_space<vmem_shared>>)
      tpu.yield
    }) : () -> ()
    %barrier3A = arith.constant 0 : index
    tpu.barrier barrier_id(%barrier3A)
    %mul3A_3 = arith.constant 16 : i32
    %mul3A_4 = arith.muli %arg0, %mul3A_3 : i32
    %add3A = arith.addi %mul3A_4, %arg1 : i32
    %scan3A = arith.constant 0 : i32
    %scan3A_5 = arith.constant 0 : i32
    %scan3A_6 = arith.constant 79 : i32
    %scan3A_7 = arith.addi %scan3A_5, %scan3A_6 : i32
    %scan3A_8 = arith.constant 1 : i32
    scf.for %scan3A_15 = %scan3A_5 to %scan3A_7 step %scan3A_8  : i32 {
      %mul3A_16 = arith.constant 79 : i32
      %mul3A_17 = arith.muli %add3A, %mul3A_16 : i32
      %add3A_18 = arith.addi %mul3A_17, %scan3A_15 : i32
      %mul3A_19 = arith.constant 128 : i32
      %mul3A_20 = arith.muli %add3A_18, %mul3A_19 : i32
      "tpu.region"() ({
        %run_scoped3A = tpu.sem_alloc : memref<!tpu.dma_semaphore, #tpu.memory_space<semaphore_mem>>
        %dma_start3A = arith.constant 0 : i32
        %dma_start3A_21 = tpu.memref_slice %arg2[%mul3A_20, %dma_start3A] : memref<323584x128xf32, #tpu.memory_space<hbm>> -> memref<128x128xf32, #tpu.memory_space<hbm>>
        %dma_start3A_22 = arith.constant 0 : i32
        %dma_start3A_23 = tpu.memref_slice %arg2[%mul3A_20, %dma_start3A_22] : memref<323584x128xf32, #tpu.memory_space<hbm>> -> memref<128x128xf32, #tpu.memory_space<hbm>>
        tpu.enqueue_dma source(%dma_start3A_23 : memref<128x128xf32, #tpu.memory_space<hbm>>) target(%arg7 : memref<128x128xf32, #tpu.memory_space<vmem>>) target_semaphore(%run_scoped3A : memref<!tpu.dma_semaphore, #tpu.memory_space<semaphore_mem>>)
        %dma_wait3A = arith.constant 0 : i32
        %dma_wait3A_24 = tpu.memref_slice %arg2[%mul3A_20, %dma_wait3A] : memref<323584x128xf32, #tpu.memory_space<hbm>> -> memref<128x128xf32, #tpu.memory_space<hbm>>
        %dma_wait3A_25 = arith.constant 0 : i32
        %dma_wait3A_26 = tpu.memref_slice %arg2[%mul3A_20, %dma_wait3A_25] : memref<323584x128xf32, #tpu.memory_space<hbm>> -> memref<128x128xf32, #tpu.memory_space<hbm>>
        tpu.wait_dma2 semaphore(%run_scoped3A : memref<!tpu.dma_semaphore, #tpu.memory_space<semaphore_mem>>) src(%dma_wait3A_26 : memref<128x128xf32, #tpu.memory_space<hbm>>) dst(%arg7 : memref<128x128xf32, #tpu.memory_space<vmem>>)
        tpu.yield
      }) : () -> ()
      "tpu.region"() ({
        %run_scoped3A = tpu.sem_alloc : memref<!tpu.dma_semaphore, #tpu.memory_space<semaphore_mem>>
        %dma_start3A = arith.constant 0 : i32
        %dma_start3A_21 = tpu.memref_slice %arg3[%add3A, %scan3A_15, %dma_start3A] : memref<32x79x128xi32, #tpu.memory_space<hbm>> -> memref<1x1x128xi32, #tpu.memory_space<hbm>>
        %dma_start3A_22 = tpu.memref_squeeze %dma_start3A_21 : memref<1x1x128xi32, #tpu.memory_space<hbm>> -> memref<128xi32, #tpu.memory_space<hbm>>
        %dma_start3A_23 = arith.constant 0 : i32
        %dma_start3A_24 = tpu.memref_slice %arg3[%add3A, %scan3A_15, %dma_start3A_23] : memref<32x79x128xi32, #tpu.memory_space<hbm>> -> memref<1x1x128xi32, #tpu.memory_space<hbm>>
        %dma_start3A_25 = tpu.memref_squeeze %dma_start3A_24 : memref<1x1x128xi32, #tpu.memory_space<hbm>> -> memref<128xi32, #tpu.memory_space<hbm>>
        tpu.enqueue_dma source(%dma_start3A_25 : memref<128xi32, #tpu.memory_space<hbm>>) target(%arg6 : memref<128xi32, #tpu.memory_space<vmem>>) target_semaphore(%run_scoped3A : memref<!tpu.dma_semaphore, #tpu.memory_space<semaphore_mem>>)
        %dma_wait3A = arith.constant 0 : i32
        %dma_wait3A_26 = tpu.memref_slice %arg3[%add3A, %scan3A_15, %dma_wait3A] : memref<32x79x128xi32, #tpu.memory_space<hbm>> -> memref<1x1x128xi32, #tpu.memory_space<hbm>>
        %dma_wait3A_27 = tpu.memref_squeeze %dma_wait3A_26 : memref<1x1x128xi32, #tpu.memory_space<hbm>> -> memref<128xi32, #tpu.memory_space<hbm>>
        %dma_wait3A_28 = arith.constant 0 : i32
        %dma_wait3A_29 = tpu.memref_slice %arg3[%add3A, %scan3A_15, %dma_wait3A_28] : memref<32x79x128xi32, #tpu.memory_space<hbm>> -> memref<1x1x128xi32, #tpu.memory_space<hbm>>
        %dma_wait3A_30 = tpu.memref_squeeze %dma_wait3A_29 : memref<1x1x128xi32, #tpu.memory_space<hbm>> -> memref<128xi32, #tpu.memory_space<hbm>>
        tpu.wait_dma2 semaphore(%run_scoped3A : memref<!tpu.dma_semaphore, #tpu.memory_space<semaphore_mem>>) src(%dma_wait3A_30 : memref<128xi32, #tpu.memory_space<hbm>>) dst(%arg6 : memref<128xi32, #tpu.memory_space<vmem>>)
        tpu.yield
      }) : () -> ()
      "tpu.region"() ({
        %run_scoped3A = tpu.sem_alloc : memref<!tpu.dma_semaphore, #tpu.memory_space<semaphore_mem>>
        %dma_start3A = arith.constant 0 : i32
        %dma_start3A_21 = arith.constant 0 : i32
        %dma_start3A_22 = tpu.memref_slice %arg8[%dma_start3A, %dma_start3A_21] : memref<10240x128xf32, #tpu.memory_space<vmem_shared>> -> memref<10240x128xf32, #tpu.memory_space<vmem_shared>>
        tpu.enqueue_indirect_dma source(%arg7 : memref<128x128xf32, #tpu.memory_space<vmem>>) target(%dma_start3A_22 : memref<10240x128xf32, #tpu.memory_space<vmem_shared>>) offsets(%arg6 : memref<128xi32, #tpu.memory_space<vmem>>) semaphore(%run_scoped3A : memref<!tpu.dma_semaphore, #tpu.memory_space<semaphore_mem>>) {add = true}
        %dma_wait3A = arith.constant 0 : i32
        %dma_wait3A_23 = arith.constant 0 : i32
        %dma_wait3A_24 = tpu.memref_slice %arg8[%dma_wait3A, %dma_wait3A_23] : memref<10240x128xf32, #tpu.memory_space<vmem_shared>> -> memref<10240x128xf32, #tpu.memory_space<vmem_shared>>
        tpu.wait_indirect_dma semaphore(%run_scoped3A : memref<!tpu.dma_semaphore, #tpu.memory_space<semaphore_mem>>) src(%arg7 : memref<128x128xf32, #tpu.memory_space<vmem>>) dst(%dma_wait3A_24 : memref<10240x128xf32, #tpu.memory_space<vmem_shared>>)
        tpu.yield
      }) : () -> ()
    }
    %scan3A_9 = arith.constant 79 : i32
    %barrier3A_10 = arith.constant 0 : index
    tpu.barrier barrier_id(%barrier3A_10)
    %mul3A_11 = arith.constant 640 : i32
    %mul3A_12 = arith.muli %arg1, %mul3A_11 : i32
    %mul3A_13 = arith.constant 640 : i32
    %mul3A_14 = arith.muli %arg1, %mul3A_13 : i32
    "tpu.region"() ({
      %run_scoped3A = tpu.sem_alloc : memref<!tpu.dma_semaphore, #tpu.memory_space<semaphore_mem>>
      %dma_start3A = arith.constant 0 : i32
      %dma_start3A_15 = tpu.memref_slice %arg5[%arg0, %mul3A_14, %dma_start3A] : memref<2x10240x128xf32, #tpu.memory_space<hbm>> -> memref<1x640x128xf32, #tpu.memory_space<hbm>>
      %dma_start3A_16 = tpu.memref_squeeze %dma_start3A_15 : memref<1x640x128xf32, #tpu.memory_space<hbm>> -> memref<640x128xf32, #tpu.memory_space<hbm>>
      %dma_start3A_17 = arith.constant 0 : i32
      %dma_start3A_18 = tpu.memref_slice %arg8[%mul3A_12, %dma_start3A_17] : memref<10240x128xf32, #tpu.memory_space<vmem_shared>> -> memref<640x128xf32, #tpu.memory_space<vmem_shared>>
      tpu.enqueue_dma source(%dma_start3A_18 : memref<640x128xf32, #tpu.memory_space<vmem_shared>>) target(%dma_start3A_16 : memref<640x128xf32, #tpu.memory_space<hbm>>) target_semaphore(%run_scoped3A : memref<!tpu.dma_semaphore, #tpu.memory_space<semaphore_mem>>)
      %dma_wait3A = arith.constant 0 : i32
      %dma_wait3A_19 = tpu.memref_slice %arg5[%arg0, %mul3A_14, %dma_wait3A] : memref<2x10240x128xf32, #tpu.memory_space<hbm>> -> memref<1x640x128xf32, #tpu.memory_space<hbm>>
      %dma_wait3A_20 = tpu.memref_squeeze %dma_wait3A_19 : memref<1x640x128xf32, #tpu.memory_space<hbm>> -> memref<640x128xf32, #tpu.memory_space<hbm>>
      %dma_wait3A_21 = arith.constant 0 : i32
      %dma_wait3A_22 = tpu.memref_slice %arg8[%mul3A_12, %dma_wait3A_21] : memref<10240x128xf32, #tpu.memory_space<vmem_shared>> -> memref<640x128xf32, #tpu.memory_space<vmem_shared>>
      tpu.wait_dma2 semaphore(%run_scoped3A : memref<!tpu.dma_semaphore, #tpu.memory_space<semaphore_mem>>) src(%dma_wait3A_22 : memref<640x128xf32, #tpu.memory_space<vmem_shared>>) dst(%dma_wait3A_20 : memref<640x128xf32, #tpu.memory_space<hbm>>)
      tpu.yield
    }) : () -> ()
    return
  }
}

#map = affine_map<(d0, d1) -> (0, 0)>
#map1 = affine_map<(d0, d1) -> (0, 0, 0)>
module attributes {stable_mosaic.version = 14 : i64} {
  func.func @k(%arg0: i32, %arg1: i32, %arg2: memref<10240x128xf32, #tpu.memory_space<hbm>>, %arg3: memref<10240x128xf32, #tpu.memory_space<hbm>>, %arg4: memref<32x79x128xi32, #tpu.memory_space<hbm>>, %arg5: memref<32x79x128xi32, #tpu.memory_space<hbm>>, %arg6: memref<323584x128xf32, #tpu.memory_space<hbm>>, %arg7: memref<128xi32, #tpu.memory_space<vmem>>, %arg8: memref<128xi32, #tpu.memory_space<vmem>>, %arg9: memref<128x128xf32, #tpu.memory_space<vmem>>, %arg10: memref<!tpu.dma_semaphore, #tpu.memory_space<semaphore_mem>>) attributes {dimension_semantics = [#tpu.dimension_semantics<core_parallel>, #tpu.dimension_semantics<subcore_parallel>], iteration_bounds = array<i64: 2, 16>, scalar_prefetch = 0 : i64, scratch_operands = 4 : i64, tpu.core_type = #tpu.core_type<sc_vector_subcore>, window_params = [{transform_indices = #map}, {transform_indices = #map}, {transform_indices = #map1}, {transform_indices = #map1}, {transform_indices = #map}]} {
    %mul3A = arith.constant 16 : i32
    %mul3A_0 = arith.muli %arg0, %mul3A : i32
    %add3A = arith.addi %mul3A_0, %arg1 : i32
    %scan3A = arith.constant 0 : i32
    %scan3A_1 = arith.constant 0 : i32
    %scan3A_2 = arith.constant 79 : i32
    %scan3A_3 = arith.addi %scan3A_1, %scan3A_2 : i32
    %scan3A_4 = arith.constant 1 : i32
    scf.for %scan3A_6 = %scan3A_1 to %scan3A_3 step %scan3A_4  : i32 {
      "tpu.region"() ({
        %run_scoped3A = tpu.sem_alloc : memref<!tpu.dma_semaphore, #tpu.memory_space<semaphore_mem>>
        %dma_start3A_22 = arith.constant 0 : i32
        %dma_start3A_23 = tpu.memref_slice %arg4[%add3A, %scan3A_6, %dma_start3A_22] : memref<32x79x128xi32, #tpu.memory_space<hbm>> -> memref<1x1x128xi32, #tpu.memory_space<hbm>>
        %dma_start3A_24 = tpu.memref_squeeze %dma_start3A_23 : memref<1x1x128xi32, #tpu.memory_space<hbm>> -> memref<128xi32, #tpu.memory_space<hbm>>
        %dma_start3A_25 = arith.constant 0 : i32
        %dma_start3A_26 = tpu.memref_slice %arg4[%add3A, %scan3A_6, %dma_start3A_25] : memref<32x79x128xi32, #tpu.memory_space<hbm>> -> memref<1x1x128xi32, #tpu.memory_space<hbm>>
        %dma_start3A_27 = tpu.memref_squeeze %dma_start3A_26 : memref<1x1x128xi32, #tpu.memory_space<hbm>> -> memref<128xi32, #tpu.memory_space<hbm>>
        tpu.enqueue_dma source(%dma_start3A_27 : memref<128xi32, #tpu.memory_space<hbm>>) target(%arg7 : memref<128xi32, #tpu.memory_space<vmem>>) target_semaphore(%run_scoped3A : memref<!tpu.dma_semaphore, #tpu.memory_space<semaphore_mem>>)
        %dma_wait3A_28 = arith.constant 0 : i32
        %dma_wait3A_29 = tpu.memref_slice %arg4[%add3A, %scan3A_6, %dma_wait3A_28] : memref<32x79x128xi32, #tpu.memory_space<hbm>> -> memref<1x1x128xi32, #tpu.memory_space<hbm>>
        %dma_wait3A_30 = tpu.memref_squeeze %dma_wait3A_29 : memref<1x1x128xi32, #tpu.memory_space<hbm>> -> memref<128xi32, #tpu.memory_space<hbm>>
        %dma_wait3A_31 = arith.constant 0 : i32
        %dma_wait3A_32 = tpu.memref_slice %arg4[%add3A, %scan3A_6, %dma_wait3A_31] : memref<32x79x128xi32, #tpu.memory_space<hbm>> -> memref<1x1x128xi32, #tpu.memory_space<hbm>>
        %dma_wait3A_33 = tpu.memref_squeeze %dma_wait3A_32 : memref<1x1x128xi32, #tpu.memory_space<hbm>> -> memref<128xi32, #tpu.memory_space<hbm>>
        tpu.wait_dma2 semaphore(%run_scoped3A : memref<!tpu.dma_semaphore, #tpu.memory_space<semaphore_mem>>) src(%dma_wait3A_33 : memref<128xi32, #tpu.memory_space<hbm>>) dst(%arg7 : memref<128xi32, #tpu.memory_space<vmem>>)
        tpu.yield
      }) : () -> ()
      "tpu.region"() ({
        %run_scoped3A = tpu.sem_alloc : memref<!tpu.dma_semaphore, #tpu.memory_space<semaphore_mem>>
        %dma_start3A_22 = arith.constant 0 : i32
        %dma_start3A_23 = tpu.memref_slice %arg5[%add3A, %scan3A_6, %dma_start3A_22] : memref<32x79x128xi32, #tpu.memory_space<hbm>> -> memref<1x1x128xi32, #tpu.memory_space<hbm>>
        %dma_start3A_24 = tpu.memref_squeeze %dma_start3A_23 : memref<1x1x128xi32, #tpu.memory_space<hbm>> -> memref<128xi32, #tpu.memory_space<hbm>>
        %dma_start3A_25 = arith.constant 0 : i32
        %dma_start3A_26 = tpu.memref_slice %arg5[%add3A, %scan3A_6, %dma_start3A_25] : memref<32x79x128xi32, #tpu.memory_space<hbm>> -> memref<1x1x128xi32, #tpu.memory_space<hbm>>
        %dma_start3A_27 = tpu.memref_squeeze %dma_start3A_26 : memref<1x1x128xi32, #tpu.memory_space<hbm>> -> memref<128xi32, #tpu.memory_space<hbm>>
        tpu.enqueue_dma source(%dma_start3A_27 : memref<128xi32, #tpu.memory_space<hbm>>) target(%arg8 : memref<128xi32, #tpu.memory_space<vmem>>) target_semaphore(%run_scoped3A : memref<!tpu.dma_semaphore, #tpu.memory_space<semaphore_mem>>)
        %dma_wait3A_28 = arith.constant 0 : i32
        %dma_wait3A_29 = tpu.memref_slice %arg5[%add3A, %scan3A_6, %dma_wait3A_28] : memref<32x79x128xi32, #tpu.memory_space<hbm>> -> memref<1x1x128xi32, #tpu.memory_space<hbm>>
        %dma_wait3A_30 = tpu.memref_squeeze %dma_wait3A_29 : memref<1x1x128xi32, #tpu.memory_space<hbm>> -> memref<128xi32, #tpu.memory_space<hbm>>
        %dma_wait3A_31 = arith.constant 0 : i32
        %dma_wait3A_32 = tpu.memref_slice %arg5[%add3A, %scan3A_6, %dma_wait3A_31] : memref<32x79x128xi32, #tpu.memory_space<hbm>> -> memref<1x1x128xi32, #tpu.memory_space<hbm>>
        %dma_wait3A_33 = tpu.memref_squeeze %dma_wait3A_32 : memref<1x1x128xi32, #tpu.memory_space<hbm>> -> memref<128xi32, #tpu.memory_space<hbm>>
        tpu.wait_dma2 semaphore(%run_scoped3A : memref<!tpu.dma_semaphore, #tpu.memory_space<semaphore_mem>>) src(%dma_wait3A_33 : memref<128xi32, #tpu.memory_space<hbm>>) dst(%arg8 : memref<128xi32, #tpu.memory_space<vmem>>)
        tpu.yield
      }) : () -> ()
      %dma_start3A = arith.constant 0 : i32
      %dma_start3A_7 = arith.constant 0 : i32
      %dma_start3A_8 = tpu.memref_slice %arg2[%dma_start3A, %dma_start3A_7] : memref<10240x128xf32, #tpu.memory_space<hbm>> -> memref<10240x128xf32, #tpu.memory_space<hbm>>
      tpu.enqueue_indirect_dma source(%dma_start3A_8 : memref<10240x128xf32, #tpu.memory_space<hbm>>) target(%arg9 : memref<128x128xf32, #tpu.memory_space<vmem>>) offsets(%arg7 : memref<128xi32, #tpu.memory_space<vmem>>) semaphore(%arg10 : memref<!tpu.dma_semaphore, #tpu.memory_space<semaphore_mem>>)
      %dma_wait3A = arith.constant 0 : i32
      %dma_wait3A_9 = arith.constant 0 : i32
      %dma_wait3A_10 = tpu.memref_slice %arg2[%dma_wait3A, %dma_wait3A_9] : memref<10240x128xf32, #tpu.memory_space<hbm>> -> memref<10240x128xf32, #tpu.memory_space<hbm>>
      tpu.wait_indirect_dma semaphore(%arg10 : memref<!tpu.dma_semaphore, #tpu.memory_space<semaphore_mem>>) src(%dma_wait3A_10 : memref<10240x128xf32, #tpu.memory_space<hbm>>) dst(%arg9 : memref<128x128xf32, #tpu.memory_space<vmem>>)
      %dma_start3A_11 = arith.constant 0 : i32
      %dma_start3A_12 = arith.constant 0 : i32
      %dma_start3A_13 = tpu.memref_slice %arg3[%dma_start3A_11, %dma_start3A_12] : memref<10240x128xf32, #tpu.memory_space<hbm>> -> memref<10240x128xf32, #tpu.memory_space<hbm>>
      tpu.enqueue_indirect_dma source(%dma_start3A_13 : memref<10240x128xf32, #tpu.memory_space<hbm>>) target(%arg9 : memref<128x128xf32, #tpu.memory_space<vmem>>) offsets(%arg8 : memref<128xi32, #tpu.memory_space<vmem>>) semaphore(%arg10 : memref<!tpu.dma_semaphore, #tpu.memory_space<semaphore_mem>>) {add = true}
      %dma_wait3A_14 = arith.constant 0 : i32
      %dma_wait3A_15 = arith.constant 0 : i32
      %dma_wait3A_16 = tpu.memref_slice %arg3[%dma_wait3A_14, %dma_wait3A_15] : memref<10240x128xf32, #tpu.memory_space<hbm>> -> memref<10240x128xf32, #tpu.memory_space<hbm>>
      tpu.wait_indirect_dma semaphore(%arg10 : memref<!tpu.dma_semaphore, #tpu.memory_space<semaphore_mem>>) src(%dma_wait3A_16 : memref<10240x128xf32, #tpu.memory_space<hbm>>) dst(%arg9 : memref<128x128xf32, #tpu.memory_space<vmem>>)
      %mul3A_17 = arith.constant 79 : i32
      %mul3A_18 = arith.muli %add3A, %mul3A_17 : i32
      %add3A_19 = arith.addi %mul3A_18, %scan3A_6 : i32
      %mul3A_20 = arith.constant 128 : i32
      %mul3A_21 = arith.muli %add3A_19, %mul3A_20 : i32
      "tpu.region"() ({
        %run_scoped3A = tpu.sem_alloc : memref<!tpu.dma_semaphore, #tpu.memory_space<semaphore_mem>>
        %dma_start3A_22 = arith.constant 0 : i32
        %dma_start3A_23 = tpu.memref_slice %arg6[%mul3A_21, %dma_start3A_22] : memref<323584x128xf32, #tpu.memory_space<hbm>> -> memref<128x128xf32, #tpu.memory_space<hbm>>
        %dma_start3A_24 = arith.constant 0 : i32
        %dma_start3A_25 = tpu.memref_slice %arg6[%mul3A_21, %dma_start3A_24] : memref<323584x128xf32, #tpu.memory_space<hbm>> -> memref<128x128xf32, #tpu.memory_space<hbm>>
        tpu.enqueue_dma source(%arg9 : memref<128x128xf32, #tpu.memory_space<vmem>>) target(%dma_start3A_25 : memref<128x128xf32, #tpu.memory_space<hbm>>) target_semaphore(%run_scoped3A : memref<!tpu.dma_semaphore, #tpu.memory_space<semaphore_mem>>)
        %dma_wait3A_26 = arith.constant 0 : i32
        %dma_wait3A_27 = tpu.memref_slice %arg6[%mul3A_21, %dma_wait3A_26] : memref<323584x128xf32, #tpu.memory_space<hbm>> -> memref<128x128xf32, #tpu.memory_space<hbm>>
        %dma_wait3A_28 = arith.constant 0 : i32
        %dma_wait3A_29 = tpu.memref_slice %arg6[%mul3A_21, %dma_wait3A_28] : memref<323584x128xf32, #tpu.memory_space<hbm>> -> memref<128x128xf32, #tpu.memory_space<hbm>>
        tpu.wait_dma2 semaphore(%run_scoped3A : memref<!tpu.dma_semaphore, #tpu.memory_space<semaphore_mem>>) src(%arg9 : memref<128x128xf32, #tpu.memory_space<vmem>>) dst(%dma_wait3A_29 : memref<128x128xf32, #tpu.memory_space<hbm>>)
        tpu.yield
      }) : () -> ()
    }
    %scan3A_5 = arith.constant 79 : i32
    return
  }
}

#map = affine_map<(d0, d1) -> (0, 0)>
#map1 = affine_map<(d0, d1) -> (0, 0, 0)>
module attributes {stable_mosaic.version = 14 : i64} {
  func.func @k(%arg0: i32, %arg1: i32, %arg2: memref<323584x128xf32, #tpu.memory_space<hbm>>, %arg3: memref<32x79x128xi32, #tpu.memory_space<hbm>>, %arg4: memref<10240x128xf32, #tpu.memory_space<hbm>>, %arg5: memref<2x10240x128xf32, #tpu.memory_space<hbm>>, %arg6: memref<128xi32, #tpu.memory_space<vmem>>, %arg7: memref<128x128xf32, #tpu.memory_space<vmem>>, %arg8: memref<10240x128xf32, #tpu.memory_space<vmem_shared>>) attributes {dimension_semantics = [#tpu.dimension_semantics<core_parallel>, #tpu.dimension_semantics<subcore_parallel>], iteration_bounds = array<i64: 2, 16>, scalar_prefetch = 0 : i64, scratch_operands = 3 : i64, tpu.core_type = #tpu.core_type<sc_vector_subcore>, window_params = [{transform_indices = #map}, {transform_indices = #map1}, {transform_indices = #map}, {transform_indices = #map1}]} {
    %mul3A = arith.constant 640 : i32
    %mul3A_0 = arith.muli %arg1, %mul3A : i32
    %mul3A_1 = arith.constant 640 : i32
    %mul3A_2 = arith.muli %arg1, %mul3A_1 : i32
    "tpu.region"() ({
      %run_scoped3A = tpu.sem_alloc : memref<!tpu.dma_semaphore, #tpu.memory_space<semaphore_mem>>
      %dma_start3A = arith.constant 0 : i32
      %dma_start3A_15 = tpu.memref_slice %arg8[%mul3A_2, %dma_start3A] : memref<10240x128xf32, #tpu.memory_space<vmem_shared>> -> memref<640x128xf32, #tpu.memory_space<vmem_shared>>
      %dma_start3A_16 = arith.constant 0 : i32
      %dma_start3A_17 = tpu.memref_slice %arg4[%mul3A_0, %dma_start3A_16] : memref<10240x128xf32, #tpu.memory_space<hbm>> -> memref<640x128xf32, #tpu.memory_space<hbm>>
      tpu.enqueue_dma source(%dma_start3A_17 : memref<640x128xf32, #tpu.memory_space<hbm>>) target(%dma_start3A_15 : memref<640x128xf32, #tpu.memory_space<vmem_shared>>) target_semaphore(%run_scoped3A : memref<!tpu.dma_semaphore, #tpu.memory_space<semaphore_mem>>)
      %dma_wait3A = arith.constant 0 : i32
      %dma_wait3A_18 = tpu.memref_slice %arg8[%mul3A_2, %dma_wait3A] : memref<10240x128xf32, #tpu.memory_space<vmem_shared>> -> memref<640x128xf32, #tpu.memory_space<vmem_shared>>
      %dma_wait3A_19 = arith.constant 0 : i32
      %dma_wait3A_20 = tpu.memref_slice %arg4[%mul3A_0, %dma_wait3A_19] : memref<10240x128xf32, #tpu.memory_space<hbm>> -> memref<640x128xf32, #tpu.memory_space<hbm>>
      tpu.wait_dma2 semaphore(%run_scoped3A : memref<!tpu.dma_semaphore, #tpu.memory_space<semaphore_mem>>) src(%dma_wait3A_20 : memref<640x128xf32, #tpu.memory_space<hbm>>) dst(%dma_wait3A_18 : memref<640x128xf32, #tpu.memory_space<vmem_shared>>)
      tpu.yield
    }) : () -> ()
    %barrier3A = arith.constant 0 : index
    tpu.barrier barrier_id(%barrier3A)
    %mul3A_3 = arith.constant 16 : i32
    %mul3A_4 = arith.muli %arg0, %mul3A_3 : i32
    %add3A = arith.addi %mul3A_4, %arg1 : i32
    %scan3A = arith.constant 0 : i32
    %scan3A_5 = arith.constant 0 : i32
    %scan3A_6 = arith.constant 79 : i32
    %scan3A_7 = arith.addi %scan3A_5, %scan3A_6 : i32
    %scan3A_8 = arith.constant 1 : i32
    scf.for %scan3A_15 = %scan3A_5 to %scan3A_7 step %scan3A_8  : i32 {
      %mul3A_16 = arith.constant 79 : i32
      %mul3A_17 = arith.muli %add3A, %mul3A_16 : i32
      %add3A_18 = arith.addi %mul3A_17, %scan3A_15 : i32
      %mul3A_19 = arith.constant 128 : i32
      %mul3A_20 = arith.muli %add3A_18, %mul3A_19 : i32
      "tpu.region"() ({
        %run_scoped3A = tpu.sem_alloc : memref<!tpu.dma_semaphore, #tpu.memory_space<semaphore_mem>>
        %dma_start3A = arith.constant 0 : i32
        %dma_start3A_21 = tpu.memref_slice %arg2[%mul3A_20, %dma_start3A] : memref<323584x128xf32, #tpu.memory_space<hbm>> -> memref<128x128xf32, #tpu.memory_space<hbm>>
        %dma_start3A_22 = arith.constant 0 : i32
        %dma_start3A_23 = tpu.memref_slice %arg2[%mul3A_20, %dma_start3A_22] : memref<323584x128xf32, #tpu.memory_space<hbm>> -> memref<128x128xf32, #tpu.memory_space<hbm>>
        tpu.enqueue_dma source(%dma_start3A_23 : memref<128x128xf32, #tpu.memory_space<hbm>>) target(%arg7 : memref<128x128xf32, #tpu.memory_space<vmem>>) target_semaphore(%run_scoped3A : memref<!tpu.dma_semaphore, #tpu.memory_space<semaphore_mem>>)
        %dma_wait3A = arith.constant 0 : i32
        %dma_wait3A_24 = tpu.memref_slice %arg2[%mul3A_20, %dma_wait3A] : memref<323584x128xf32, #tpu.memory_space<hbm>> -> memref<128x128xf32, #tpu.memory_space<hbm>>
        %dma_wait3A_25 = arith.constant 0 : i32
        %dma_wait3A_26 = tpu.memref_slice %arg2[%mul3A_20, %dma_wait3A_25] : memref<323584x128xf32, #tpu.memory_space<hbm>> -> memref<128x128xf32, #tpu.memory_space<hbm>>
        tpu.wait_dma2 semaphore(%run_scoped3A : memref<!tpu.dma_semaphore, #tpu.memory_space<semaphore_mem>>) src(%dma_wait3A_26 : memref<128x128xf32, #tpu.memory_space<hbm>>) dst(%arg7 : memref<128x128xf32, #tpu.memory_space<vmem>>)
        tpu.yield
      }) : () -> ()
      "tpu.region"() ({
        %run_scoped3A = tpu.sem_alloc : memref<!tpu.dma_semaphore, #tpu.memory_space<semaphore_mem>>
        %dma_start3A = arith.constant 0 : i32
        %dma_start3A_21 = tpu.memref_slice %arg3[%add3A, %scan3A_15, %dma_start3A] : memref<32x79x128xi32, #tpu.memory_space<hbm>> -> memref<1x1x128xi32, #tpu.memory_space<hbm>>
        %dma_start3A_22 = tpu.memref_squeeze %dma_start3A_21 : memref<1x1x128xi32, #tpu.memory_space<hbm>> -> memref<128xi32, #tpu.memory_space<hbm>>
        %dma_start3A_23 = arith.constant 0 : i32
        %dma_start3A_24 = tpu.memref_slice %arg3[%add3A, %scan3A_15, %dma_start3A_23] : memref<32x79x128xi32, #tpu.memory_space<hbm>> -> memref<1x1x128xi32, #tpu.memory_space<hbm>>
        %dma_start3A_25 = tpu.memref_squeeze %dma_start3A_24 : memref<1x1x128xi32, #tpu.memory_space<hbm>> -> memref<128xi32, #tpu.memory_space<hbm>>
        tpu.enqueue_dma source(%dma_start3A_25 : memref<128xi32, #tpu.memory_space<hbm>>) target(%arg6 : memref<128xi32, #tpu.memory_space<vmem>>) target_semaphore(%run_scoped3A : memref<!tpu.dma_semaphore, #tpu.memory_space<semaphore_mem>>)
        %dma_wait3A = arith.constant 0 : i32
        %dma_wait3A_26 = tpu.memref_slice %arg3[%add3A, %scan3A_15, %dma_wait3A] : memref<32x79x128xi32, #tpu.memory_space<hbm>> -> memref<1x1x128xi32, #tpu.memory_space<hbm>>
        %dma_wait3A_27 = tpu.memref_squeeze %dma_wait3A_26 : memref<1x1x128xi32, #tpu.memory_space<hbm>> -> memref<128xi32, #tpu.memory_space<hbm>>
        %dma_wait3A_28 = arith.constant 0 : i32
        %dma_wait3A_29 = tpu.memref_slice %arg3[%add3A, %scan3A_15, %dma_wait3A_28] : memref<32x79x128xi32, #tpu.memory_space<hbm>> -> memref<1x1x128xi32, #tpu.memory_space<hbm>>
        %dma_wait3A_30 = tpu.memref_squeeze %dma_wait3A_29 : memref<1x1x128xi32, #tpu.memory_space<hbm>> -> memref<128xi32, #tpu.memory_space<hbm>>
        tpu.wait_dma2 semaphore(%run_scoped3A : memref<!tpu.dma_semaphore, #tpu.memory_space<semaphore_mem>>) src(%dma_wait3A_30 : memref<128xi32, #tpu.memory_space<hbm>>) dst(%arg6 : memref<128xi32, #tpu.memory_space<vmem>>)
        tpu.yield
      }) : () -> ()
      "tpu.region"() ({
        %run_scoped3A = tpu.sem_alloc : memref<!tpu.dma_semaphore, #tpu.memory_space<semaphore_mem>>
        %dma_start3A = arith.constant 0 : i32
        %dma_start3A_21 = arith.constant 0 : i32
        %dma_start3A_22 = tpu.memref_slice %arg8[%dma_start3A, %dma_start3A_21] : memref<10240x128xf32, #tpu.memory_space<vmem_shared>> -> memref<10240x128xf32, #tpu.memory_space<vmem_shared>>
        tpu.enqueue_indirect_dma source(%arg7 : memref<128x128xf32, #tpu.memory_space<vmem>>) target(%dma_start3A_22 : memref<10240x128xf32, #tpu.memory_space<vmem_shared>>) offsets(%arg6 : memref<128xi32, #tpu.memory_space<vmem>>) semaphore(%run_scoped3A : memref<!tpu.dma_semaphore, #tpu.memory_space<semaphore_mem>>) {add = true}
        %dma_wait3A = arith.constant 0 : i32
        %dma_wait3A_23 = arith.constant 0 : i32
        %dma_wait3A_24 = tpu.memref_slice %arg8[%dma_wait3A, %dma_wait3A_23] : memref<10240x128xf32, #tpu.memory_space<vmem_shared>> -> memref<10240x128xf32, #tpu.memory_space<vmem_shared>>
        tpu.wait_indirect_dma semaphore(%run_scoped3A : memref<!tpu.dma_semaphore, #tpu.memory_space<semaphore_mem>>) src(%arg7 : memref<128x128xf32, #tpu.memory_space<vmem>>) dst(%dma_wait3A_24 : memref<10240x128xf32, #tpu.memory_space<vmem_shared>>)
        tpu.yield
      }) : () -> ()
    }
    %scan3A_9 = arith.constant 79 : i32
    %barrier3A_10 = arith.constant 0 : index
    tpu.barrier barrier_id(%barrier3A_10)
    %mul3A_11 = arith.constant 640 : i32
    %mul3A_12 = arith.muli %arg1, %mul3A_11 : i32
    %mul3A_13 = arith.constant 640 : i32
    %mul3A_14 = arith.muli %arg1, %mul3A_13 : i32
    "tpu.region"() ({
      %run_scoped3A = tpu.sem_alloc : memref<!tpu.dma_semaphore, #tpu.memory_space<semaphore_mem>>
      %dma_start3A = arith.constant 0 : i32
      %dma_start3A_15 = tpu.memref_slice %arg5[%arg0, %mul3A_14, %dma_start3A] : memref<2x10240x128xf32, #tpu.memory_space<hbm>> -> memref<1x640x128xf32, #tpu.memory_space<hbm>>
      %dma_start3A_16 = tpu.memref_squeeze %dma_start3A_15 : memref<1x640x128xf32, #tpu.memory_space<hbm>> -> memref<640x128xf32, #tpu.memory_space<hbm>>
      %dma_start3A_17 = arith.constant 0 : i32
      %dma_start3A_18 = tpu.memref_slice %arg8[%mul3A_12, %dma_start3A_17] : memref<10240x128xf32, #tpu.memory_space<vmem_shared>> -> memref<640x128xf32, #tpu.memory_space<vmem_shared>>
      tpu.enqueue_dma source(%dma_start3A_18 : memref<640x128xf32, #tpu.memory_space<vmem_shared>>) target(%dma_start3A_16 : memref<640x128xf32, #tpu.memory_space<hbm>>) target_semaphore(%run_scoped3A : memref<!tpu.dma_semaphore, #tpu.memory_space<semaphore_mem>>)
      %dma_wait3A = arith.constant 0 : i32
      %dma_wait3A_19 = tpu.memref_slice %arg5[%arg0, %mul3A_14, %dma_wait3A] : memref<2x10240x128xf32, #tpu.memory_space<hbm>> -> memref<1x640x128xf32, #tpu.memory_space<hbm>>
      %dma_wait3A_20 = tpu.memref_squeeze %dma_wait3A_19 : memref<1x640x128xf32, #tpu.memory_space<hbm>> -> memref<640x128xf32, #tpu.memory_space<hbm>>
      %dma_wait3A_21 = arith.constant 0 : i32
      %dma_wait3A_22 = tpu.memref_slice %arg8[%mul3A_12, %dma_wait3A_21] : memref<10240x128xf32, #tpu.memory_space<vmem_shared>> -> memref<640x128xf32, #tpu.memory_space<vmem_shared>>
      tpu.wait_dma2 semaphore(%run_scoped3A : memref<!tpu.dma_semaphore, #tpu.memory_space<semaphore_mem>>) src(%dma_wait3A_22 : memref<640x128xf32, #tpu.memory_space<vmem_shared>>) dst(%dma_wait3A_20 : memref<640x128xf32, #tpu.memory_space<hbm>>)
      tpu.yield
    }) : () -> ()
    return
  }
}

#map = affine_map<(d0, d1) -> (0, 0)>
#map1 = affine_map<(d0, d1) -> (0, 0, 0)>
module attributes {stable_mosaic.version = 14 : i64} {
  func.func @k(%arg0: i32, %arg1: i32, %arg2: memref<10240x128xf32, #tpu.memory_space<hbm>>, %arg3: memref<10240x128xf32, #tpu.memory_space<hbm>>, %arg4: memref<32x79x128xi32, #tpu.memory_space<hbm>>, %arg5: memref<32x79x128xi32, #tpu.memory_space<hbm>>, %arg6: memref<323584x128xf32, #tpu.memory_space<hbm>>, %arg7: memref<128xi32, #tpu.memory_space<vmem>>, %arg8: memref<128xi32, #tpu.memory_space<vmem>>, %arg9: memref<128x128xf32, #tpu.memory_space<vmem>>, %arg10: memref<!tpu.dma_semaphore, #tpu.memory_space<semaphore_mem>>) attributes {dimension_semantics = [#tpu.dimension_semantics<core_parallel>, #tpu.dimension_semantics<subcore_parallel>], iteration_bounds = array<i64: 2, 16>, scalar_prefetch = 0 : i64, scratch_operands = 4 : i64, tpu.core_type = #tpu.core_type<sc_vector_subcore>, window_params = [{transform_indices = #map}, {transform_indices = #map}, {transform_indices = #map1}, {transform_indices = #map1}, {transform_indices = #map}]} {
    %mul3A = arith.constant 16 : i32
    %mul3A_0 = arith.muli %arg0, %mul3A : i32
    %add3A = arith.addi %mul3A_0, %arg1 : i32
    %scan3A = arith.constant 0 : i32
    %scan3A_1 = arith.constant 0 : i32
    %scan3A_2 = arith.constant 79 : i32
    %scan3A_3 = arith.addi %scan3A_1, %scan3A_2 : i32
    %scan3A_4 = arith.constant 1 : i32
    scf.for %scan3A_6 = %scan3A_1 to %scan3A_3 step %scan3A_4  : i32 {
      "tpu.region"() ({
        %run_scoped3A = tpu.sem_alloc : memref<!tpu.dma_semaphore, #tpu.memory_space<semaphore_mem>>
        %dma_start3A_22 = arith.constant 0 : i32
        %dma_start3A_23 = tpu.memref_slice %arg4[%add3A, %scan3A_6, %dma_start3A_22] : memref<32x79x128xi32, #tpu.memory_space<hbm>> -> memref<1x1x128xi32, #tpu.memory_space<hbm>>
        %dma_start3A_24 = tpu.memref_squeeze %dma_start3A_23 : memref<1x1x128xi32, #tpu.memory_space<hbm>> -> memref<128xi32, #tpu.memory_space<hbm>>
        %dma_start3A_25 = arith.constant 0 : i32
        %dma_start3A_26 = tpu.memref_slice %arg4[%add3A, %scan3A_6, %dma_start3A_25] : memref<32x79x128xi32, #tpu.memory_space<hbm>> -> memref<1x1x128xi32, #tpu.memory_space<hbm>>
        %dma_start3A_27 = tpu.memref_squeeze %dma_start3A_26 : memref<1x1x128xi32, #tpu.memory_space<hbm>> -> memref<128xi32, #tpu.memory_space<hbm>>
        tpu.enqueue_dma source(%dma_start3A_27 : memref<128xi32, #tpu.memory_space<hbm>>) target(%arg7 : memref<128xi32, #tpu.memory_space<vmem>>) target_semaphore(%run_scoped3A : memref<!tpu.dma_semaphore, #tpu.memory_space<semaphore_mem>>)
        %dma_wait3A_28 = arith.constant 0 : i32
        %dma_wait3A_29 = tpu.memref_slice %arg4[%add3A, %scan3A_6, %dma_wait3A_28] : memref<32x79x128xi32, #tpu.memory_space<hbm>> -> memref<1x1x128xi32, #tpu.memory_space<hbm>>
        %dma_wait3A_30 = tpu.memref_squeeze %dma_wait3A_29 : memref<1x1x128xi32, #tpu.memory_space<hbm>> -> memref<128xi32, #tpu.memory_space<hbm>>
        %dma_wait3A_31 = arith.constant 0 : i32
        %dma_wait3A_32 = tpu.memref_slice %arg4[%add3A, %scan3A_6, %dma_wait3A_31] : memref<32x79x128xi32, #tpu.memory_space<hbm>> -> memref<1x1x128xi32, #tpu.memory_space<hbm>>
        %dma_wait3A_33 = tpu.memref_squeeze %dma_wait3A_32 : memref<1x1x128xi32, #tpu.memory_space<hbm>> -> memref<128xi32, #tpu.memory_space<hbm>>
        tpu.wait_dma2 semaphore(%run_scoped3A : memref<!tpu.dma_semaphore, #tpu.memory_space<semaphore_mem>>) src(%dma_wait3A_33 : memref<128xi32, #tpu.memory_space<hbm>>) dst(%arg7 : memref<128xi32, #tpu.memory_space<vmem>>)
        tpu.yield
      }) : () -> ()
      "tpu.region"() ({
        %run_scoped3A = tpu.sem_alloc : memref<!tpu.dma_semaphore, #tpu.memory_space<semaphore_mem>>
        %dma_start3A_22 = arith.constant 0 : i32
        %dma_start3A_23 = tpu.memref_slice %arg5[%add3A, %scan3A_6, %dma_start3A_22] : memref<32x79x128xi32, #tpu.memory_space<hbm>> -> memref<1x1x128xi32, #tpu.memory_space<hbm>>
        %dma_start3A_24 = tpu.memref_squeeze %dma_start3A_23 : memref<1x1x128xi32, #tpu.memory_space<hbm>> -> memref<128xi32, #tpu.memory_space<hbm>>
        %dma_start3A_25 = arith.constant 0 : i32
        %dma_start3A_26 = tpu.memref_slice %arg5[%add3A, %scan3A_6, %dma_start3A_25] : memref<32x79x128xi32, #tpu.memory_space<hbm>> -> memref<1x1x128xi32, #tpu.memory_space<hbm>>
        %dma_start3A_27 = tpu.memref_squeeze %dma_start3A_26 : memref<1x1x128xi32, #tpu.memory_space<hbm>> -> memref<128xi32, #tpu.memory_space<hbm>>
        tpu.enqueue_dma source(%dma_start3A_27 : memref<128xi32, #tpu.memory_space<hbm>>) target(%arg8 : memref<128xi32, #tpu.memory_space<vmem>>) target_semaphore(%run_scoped3A : memref<!tpu.dma_semaphore, #tpu.memory_space<semaphore_mem>>)
        %dma_wait3A_28 = arith.constant 0 : i32
        %dma_wait3A_29 = tpu.memref_slice %arg5[%add3A, %scan3A_6, %dma_wait3A_28] : memref<32x79x128xi32, #tpu.memory_space<hbm>> -> memref<1x1x128xi32, #tpu.memory_space<hbm>>
        %dma_wait3A_30 = tpu.memref_squeeze %dma_wait3A_29 : memref<1x1x128xi32, #tpu.memory_space<hbm>> -> memref<128xi32, #tpu.memory_space<hbm>>
        %dma_wait3A_31 = arith.constant 0 : i32
        %dma_wait3A_32 = tpu.memref_slice %arg5[%add3A, %scan3A_6, %dma_wait3A_31] : memref<32x79x128xi32, #tpu.memory_space<hbm>> -> memref<1x1x128xi32, #tpu.memory_space<hbm>>
        %dma_wait3A_33 = tpu.memref_squeeze %dma_wait3A_32 : memref<1x1x128xi32, #tpu.memory_space<hbm>> -> memref<128xi32, #tpu.memory_space<hbm>>
        tpu.wait_dma2 semaphore(%run_scoped3A : memref<!tpu.dma_semaphore, #tpu.memory_space<semaphore_mem>>) src(%dma_wait3A_33 : memref<128xi32, #tpu.memory_space<hbm>>) dst(%arg8 : memref<128xi32, #tpu.memory_space<vmem>>)
        tpu.yield
      }) : () -> ()
      %dma_start3A = arith.constant 0 : i32
      %dma_start3A_7 = arith.constant 0 : i32
      %dma_start3A_8 = tpu.memref_slice %arg2[%dma_start3A, %dma_start3A_7] : memref<10240x128xf32, #tpu.memory_space<hbm>> -> memref<10240x128xf32, #tpu.memory_space<hbm>>
      tpu.enqueue_indirect_dma source(%dma_start3A_8 : memref<10240x128xf32, #tpu.memory_space<hbm>>) target(%arg9 : memref<128x128xf32, #tpu.memory_space<vmem>>) offsets(%arg7 : memref<128xi32, #tpu.memory_space<vmem>>) semaphore(%arg10 : memref<!tpu.dma_semaphore, #tpu.memory_space<semaphore_mem>>)
      %dma_wait3A = arith.constant 0 : i32
      %dma_wait3A_9 = arith.constant 0 : i32
      %dma_wait3A_10 = tpu.memref_slice %arg2[%dma_wait3A, %dma_wait3A_9] : memref<10240x128xf32, #tpu.memory_space<hbm>> -> memref<10240x128xf32, #tpu.memory_space<hbm>>
      tpu.wait_indirect_dma semaphore(%arg10 : memref<!tpu.dma_semaphore, #tpu.memory_space<semaphore_mem>>) src(%dma_wait3A_10 : memref<10240x128xf32, #tpu.memory_space<hbm>>) dst(%arg9 : memref<128x128xf32, #tpu.memory_space<vmem>>)
      %dma_start3A_11 = arith.constant 0 : i32
      %dma_start3A_12 = arith.constant 0 : i32
      %dma_start3A_13 = tpu.memref_slice %arg3[%dma_start3A_11, %dma_start3A_12] : memref<10240x128xf32, #tpu.memory_space<hbm>> -> memref<10240x128xf32, #tpu.memory_space<hbm>>
      tpu.enqueue_indirect_dma source(%dma_start3A_13 : memref<10240x128xf32, #tpu.memory_space<hbm>>) target(%arg9 : memref<128x128xf32, #tpu.memory_space<vmem>>) offsets(%arg8 : memref<128xi32, #tpu.memory_space<vmem>>) semaphore(%arg10 : memref<!tpu.dma_semaphore, #tpu.memory_space<semaphore_mem>>) {add = true}
      %dma_wait3A_14 = arith.constant 0 : i32
      %dma_wait3A_15 = arith.constant 0 : i32
      %dma_wait3A_16 = tpu.memref_slice %arg3[%dma_wait3A_14, %dma_wait3A_15] : memref<10240x128xf32, #tpu.memory_space<hbm>> -> memref<10240x128xf32, #tpu.memory_space<hbm>>
      tpu.wait_indirect_dma semaphore(%arg10 : memref<!tpu.dma_semaphore, #tpu.memory_space<semaphore_mem>>) src(%dma_wait3A_16 : memref<10240x128xf32, #tpu.memory_space<hbm>>) dst(%arg9 : memref<128x128xf32, #tpu.memory_space<vmem>>)
      %mul3A_17 = arith.constant 79 : i32
      %mul3A_18 = arith.muli %add3A, %mul3A_17 : i32
      %add3A_19 = arith.addi %mul3A_18, %scan3A_6 : i32
      %mul3A_20 = arith.constant 128 : i32
      %mul3A_21 = arith.muli %add3A_19, %mul3A_20 : i32
      "tpu.region"() ({
        %run_scoped3A = tpu.sem_alloc : memref<!tpu.dma_semaphore, #tpu.memory_space<semaphore_mem>>
        %dma_start3A_22 = arith.constant 0 : i32
        %dma_start3A_23 = tpu.memref_slice %arg6[%mul3A_21, %dma_start3A_22] : memref<323584x128xf32, #tpu.memory_space<hbm>> -> memref<128x128xf32, #tpu.memory_space<hbm>>
        %dma_start3A_24 = arith.constant 0 : i32
        %dma_start3A_25 = tpu.memref_slice %arg6[%mul3A_21, %dma_start3A_24] : memref<323584x128xf32, #tpu.memory_space<hbm>> -> memref<128x128xf32, #tpu.memory_space<hbm>>
        tpu.enqueue_dma source(%arg9 : memref<128x128xf32, #tpu.memory_space<vmem>>) target(%dma_start3A_25 : memref<128x128xf32, #tpu.memory_space<hbm>>) target_semaphore(%run_scoped3A : memref<!tpu.dma_semaphore, #tpu.memory_space<semaphore_mem>>)
        %dma_wait3A_26 = arith.constant 0 : i32
        %dma_wait3A_27 = tpu.memref_slice %arg6[%mul3A_21, %dma_wait3A_26] : memref<323584x128xf32, #tpu.memory_space<hbm>> -> memref<128x128xf32, #tpu.memory_space<hbm>>
        %dma_wait3A_28 = arith.constant 0 : i32
        %dma_wait3A_29 = tpu.memref_slice %arg6[%mul3A_21, %dma_wait3A_28] : memref<323584x128xf32, #tpu.memory_space<hbm>> -> memref<128x128xf32, #tpu.memory_space<hbm>>
        tpu.wait_dma2 semaphore(%run_scoped3A : memref<!tpu.dma_semaphore, #tpu.memory_space<semaphore_mem>>) src(%arg9 : memref<128x128xf32, #tpu.memory_space<vmem>>) dst(%dma_wait3A_29 : memref<128x128xf32, #tpu.memory_space<hbm>>)
        tpu.yield
      }) : () -> ()
    }
    %scan3A_5 = arith.constant 79 : i32
    return
  }
}

#map = affine_map<(d0, d1) -> (0, 0)>
#map1 = affine_map<(d0, d1) -> (0, 0, 0)>
module attributes {stable_mosaic.version = 14 : i64} {
  func.func @k(%arg0: i32, %arg1: i32, %arg2: memref<323584x128xf32, #tpu.memory_space<hbm>>, %arg3: memref<32x79x128xi32, #tpu.memory_space<hbm>>, %arg4: memref<10240x128xf32, #tpu.memory_space<hbm>>, %arg5: memref<2x10240x128xf32, #tpu.memory_space<hbm>>, %arg6: memref<128xi32, #tpu.memory_space<vmem>>, %arg7: memref<128x128xf32, #tpu.memory_space<vmem>>, %arg8: memref<10240x128xf32, #tpu.memory_space<vmem_shared>>) attributes {dimension_semantics = [#tpu.dimension_semantics<core_parallel>, #tpu.dimension_semantics<subcore_parallel>], iteration_bounds = array<i64: 2, 16>, scalar_prefetch = 0 : i64, scratch_operands = 3 : i64, tpu.core_type = #tpu.core_type<sc_vector_subcore>, window_params = [{transform_indices = #map}, {transform_indices = #map1}, {transform_indices = #map}, {transform_indices = #map1}]} {
    %mul3A = arith.constant 640 : i32
    %mul3A_0 = arith.muli %arg1, %mul3A : i32
    %mul3A_1 = arith.constant 640 : i32
    %mul3A_2 = arith.muli %arg1, %mul3A_1 : i32
    "tpu.region"() ({
      %run_scoped3A = tpu.sem_alloc : memref<!tpu.dma_semaphore, #tpu.memory_space<semaphore_mem>>
      %dma_start3A = arith.constant 0 : i32
      %dma_start3A_15 = tpu.memref_slice %arg8[%mul3A_2, %dma_start3A] : memref<10240x128xf32, #tpu.memory_space<vmem_shared>> -> memref<640x128xf32, #tpu.memory_space<vmem_shared>>
      %dma_start3A_16 = arith.constant 0 : i32
      %dma_start3A_17 = tpu.memref_slice %arg4[%mul3A_0, %dma_start3A_16] : memref<10240x128xf32, #tpu.memory_space<hbm>> -> memref<640x128xf32, #tpu.memory_space<hbm>>
      tpu.enqueue_dma source(%dma_start3A_17 : memref<640x128xf32, #tpu.memory_space<hbm>>) target(%dma_start3A_15 : memref<640x128xf32, #tpu.memory_space<vmem_shared>>) target_semaphore(%run_scoped3A : memref<!tpu.dma_semaphore, #tpu.memory_space<semaphore_mem>>)
      %dma_wait3A = arith.constant 0 : i32
      %dma_wait3A_18 = tpu.memref_slice %arg8[%mul3A_2, %dma_wait3A] : memref<10240x128xf32, #tpu.memory_space<vmem_shared>> -> memref<640x128xf32, #tpu.memory_space<vmem_shared>>
      %dma_wait3A_19 = arith.constant 0 : i32
      %dma_wait3A_20 = tpu.memref_slice %arg4[%mul3A_0, %dma_wait3A_19] : memref<10240x128xf32, #tpu.memory_space<hbm>> -> memref<640x128xf32, #tpu.memory_space<hbm>>
      tpu.wait_dma2 semaphore(%run_scoped3A : memref<!tpu.dma_semaphore, #tpu.memory_space<semaphore_mem>>) src(%dma_wait3A_20 : memref<640x128xf32, #tpu.memory_space<hbm>>) dst(%dma_wait3A_18 : memref<640x128xf32, #tpu.memory_space<vmem_shared>>)
      tpu.yield
    }) : () -> ()
    %barrier3A = arith.constant 0 : index
    tpu.barrier barrier_id(%barrier3A)
    %mul3A_3 = arith.constant 16 : i32
    %mul3A_4 = arith.muli %arg0, %mul3A_3 : i32
    %add3A = arith.addi %mul3A_4, %arg1 : i32
    %scan3A = arith.constant 0 : i32
    %scan3A_5 = arith.constant 0 : i32
    %scan3A_6 = arith.constant 79 : i32
    %scan3A_7 = arith.addi %scan3A_5, %scan3A_6 : i32
    %scan3A_8 = arith.constant 1 : i32
    scf.for %scan3A_15 = %scan3A_5 to %scan3A_7 step %scan3A_8  : i32 {
      %mul3A_16 = arith.constant 79 : i32
      %mul3A_17 = arith.muli %add3A, %mul3A_16 : i32
      %add3A_18 = arith.addi %mul3A_17, %scan3A_15 : i32
      %mul3A_19 = arith.constant 128 : i32
      %mul3A_20 = arith.muli %add3A_18, %mul3A_19 : i32
      "tpu.region"() ({
        %run_scoped3A = tpu.sem_alloc : memref<!tpu.dma_semaphore, #tpu.memory_space<semaphore_mem>>
        %dma_start3A = arith.constant 0 : i32
        %dma_start3A_21 = tpu.memref_slice %arg2[%mul3A_20, %dma_start3A] : memref<323584x128xf32, #tpu.memory_space<hbm>> -> memref<128x128xf32, #tpu.memory_space<hbm>>
        %dma_start3A_22 = arith.constant 0 : i32
        %dma_start3A_23 = tpu.memref_slice %arg2[%mul3A_20, %dma_start3A_22] : memref<323584x128xf32, #tpu.memory_space<hbm>> -> memref<128x128xf32, #tpu.memory_space<hbm>>
        tpu.enqueue_dma source(%dma_start3A_23 : memref<128x128xf32, #tpu.memory_space<hbm>>) target(%arg7 : memref<128x128xf32, #tpu.memory_space<vmem>>) target_semaphore(%run_scoped3A : memref<!tpu.dma_semaphore, #tpu.memory_space<semaphore_mem>>)
        %dma_wait3A = arith.constant 0 : i32
        %dma_wait3A_24 = tpu.memref_slice %arg2[%mul3A_20, %dma_wait3A] : memref<323584x128xf32, #tpu.memory_space<hbm>> -> memref<128x128xf32, #tpu.memory_space<hbm>>
        %dma_wait3A_25 = arith.constant 0 : i32
        %dma_wait3A_26 = tpu.memref_slice %arg2[%mul3A_20, %dma_wait3A_25] : memref<323584x128xf32, #tpu.memory_space<hbm>> -> memref<128x128xf32, #tpu.memory_space<hbm>>
        tpu.wait_dma2 semaphore(%run_scoped3A : memref<!tpu.dma_semaphore, #tpu.memory_space<semaphore_mem>>) src(%dma_wait3A_26 : memref<128x128xf32, #tpu.memory_space<hbm>>) dst(%arg7 : memref<128x128xf32, #tpu.memory_space<vmem>>)
        tpu.yield
      }) : () -> ()
      "tpu.region"() ({
        %run_scoped3A = tpu.sem_alloc : memref<!tpu.dma_semaphore, #tpu.memory_space<semaphore_mem>>
        %dma_start3A = arith.constant 0 : i32
        %dma_start3A_21 = tpu.memref_slice %arg3[%add3A, %scan3A_15, %dma_start3A] : memref<32x79x128xi32, #tpu.memory_space<hbm>> -> memref<1x1x128xi32, #tpu.memory_space<hbm>>
        %dma_start3A_22 = tpu.memref_squeeze %dma_start3A_21 : memref<1x1x128xi32, #tpu.memory_space<hbm>> -> memref<128xi32, #tpu.memory_space<hbm>>
        %dma_start3A_23 = arith.constant 0 : i32
        %dma_start3A_24 = tpu.memref_slice %arg3[%add3A, %scan3A_15, %dma_start3A_23] : memref<32x79x128xi32, #tpu.memory_space<hbm>> -> memref<1x1x128xi32, #tpu.memory_space<hbm>>
        %dma_start3A_25 = tpu.memref_squeeze %dma_start3A_24 : memref<1x1x128xi32, #tpu.memory_space<hbm>> -> memref<128xi32, #tpu.memory_space<hbm>>
        tpu.enqueue_dma source(%dma_start3A_25 : memref<128xi32, #tpu.memory_space<hbm>>) target(%arg6 : memref<128xi32, #tpu.memory_space<vmem>>) target_semaphore(%run_scoped3A : memref<!tpu.dma_semaphore, #tpu.memory_space<semaphore_mem>>)
        %dma_wait3A = arith.constant 0 : i32
        %dma_wait3A_26 = tpu.memref_slice %arg3[%add3A, %scan3A_15, %dma_wait3A] : memref<32x79x128xi32, #tpu.memory_space<hbm>> -> memref<1x1x128xi32, #tpu.memory_space<hbm>>
        %dma_wait3A_27 = tpu.memref_squeeze %dma_wait3A_26 : memref<1x1x128xi32, #tpu.memory_space<hbm>> -> memref<128xi32, #tpu.memory_space<hbm>>
        %dma_wait3A_28 = arith.constant 0 : i32
        %dma_wait3A_29 = tpu.memref_slice %arg3[%add3A, %scan3A_15, %dma_wait3A_28] : memref<32x79x128xi32, #tpu.memory_space<hbm>> -> memref<1x1x128xi32, #tpu.memory_space<hbm>>
        %dma_wait3A_30 = tpu.memref_squeeze %dma_wait3A_29 : memref<1x1x128xi32, #tpu.memory_space<hbm>> -> memref<128xi32, #tpu.memory_space<hbm>>
        tpu.wait_dma2 semaphore(%run_scoped3A : memref<!tpu.dma_semaphore, #tpu.memory_space<semaphore_mem>>) src(%dma_wait3A_30 : memref<128xi32, #tpu.memory_space<hbm>>) dst(%arg6 : memref<128xi32, #tpu.memory_space<vmem>>)
        tpu.yield
      }) : () -> ()
      "tpu.region"() ({
        %run_scoped3A = tpu.sem_alloc : memref<!tpu.dma_semaphore, #tpu.memory_space<semaphore_mem>>
        %dma_start3A = arith.constant 0 : i32
        %dma_start3A_21 = arith.constant 0 : i32
        %dma_start3A_22 = tpu.memref_slice %arg8[%dma_start3A, %dma_start3A_21] : memref<10240x128xf32, #tpu.memory_space<vmem_shared>> -> memref<10240x128xf32, #tpu.memory_space<vmem_shared>>
        tpu.enqueue_indirect_dma source(%arg7 : memref<128x128xf32, #tpu.memory_space<vmem>>) target(%dma_start3A_22 : memref<10240x128xf32, #tpu.memory_space<vmem_shared>>) offsets(%arg6 : memref<128xi32, #tpu.memory_space<vmem>>) semaphore(%run_scoped3A : memref<!tpu.dma_semaphore, #tpu.memory_space<semaphore_mem>>) {add = true}
        %dma_wait3A = arith.constant 0 : i32
        %dma_wait3A_23 = arith.constant 0 : i32
        %dma_wait3A_24 = tpu.memref_slice %arg8[%dma_wait3A, %dma_wait3A_23] : memref<10240x128xf32, #tpu.memory_space<vmem_shared>> -> memref<10240x128xf32, #tpu.memory_space<vmem_shared>>
        tpu.wait_indirect_dma semaphore(%run_scoped3A : memref<!tpu.dma_semaphore, #tpu.memory_space<semaphore_mem>>) src(%arg7 : memref<128x128xf32, #tpu.memory_space<vmem>>) dst(%dma_wait3A_24 : memref<10240x128xf32, #tpu.memory_space<vmem_shared>>)
        tpu.yield
      }) : () -> ()
    }
    %scan3A_9 = arith.constant 79 : i32
    %barrier3A_10 = arith.constant 0 : index
    tpu.barrier barrier_id(%barrier3A_10)
    %mul3A_11 = arith.constant 640 : i32
    %mul3A_12 = arith.muli %arg1, %mul3A_11 : i32
    %mul3A_13 = arith.constant 640 : i32
    %mul3A_14 = arith.muli %arg1, %mul3A_13 : i32
    "tpu.region"() ({
      %run_scoped3A = tpu.sem_alloc : memref<!tpu.dma_semaphore, #tpu.memory_space<semaphore_mem>>
      %dma_start3A = arith.constant 0 : i32
      %dma_start3A_15 = tpu.memref_slice %arg5[%arg0, %mul3A_14, %dma_start3A] : memref<2x10240x128xf32, #tpu.memory_space<hbm>> -> memref<1x640x128xf32, #tpu.memory_space<hbm>>
      %dma_start3A_16 = tpu.memref_squeeze %dma_start3A_15 : memref<1x640x128xf32, #tpu.memory_space<hbm>> -> memref<640x128xf32, #tpu.memory_space<hbm>>
      %dma_start3A_17 = arith.constant 0 : i32
      %dma_start3A_18 = tpu.memref_slice %arg8[%mul3A_12, %dma_start3A_17] : memref<10240x128xf32, #tpu.memory_space<vmem_shared>> -> memref<640x128xf32, #tpu.memory_space<vmem_shared>>
      tpu.enqueue_dma source(%dma_start3A_18 : memref<640x128xf32, #tpu.memory_space<vmem_shared>>) target(%dma_start3A_16 : memref<640x128xf32, #tpu.memory_space<hbm>>) target_semaphore(%run_scoped3A : memref<!tpu.dma_semaphore, #tpu.memory_space<semaphore_mem>>)
      %dma_wait3A = arith.constant 0 : i32
      %dma_wait3A_19 = tpu.memref_slice %arg5[%arg0, %mul3A_14, %dma_wait3A] : memref<2x10240x128xf32, #tpu.memory_space<hbm>> -> memref<1x640x128xf32, #tpu.memory_space<hbm>>
      %dma_wait3A_20 = tpu.memref_squeeze %dma_wait3A_19 : memref<1x640x128xf32, #tpu.memory_space<hbm>> -> memref<640x128xf32, #tpu.memory_space<hbm>>
      %dma_wait3A_21 = arith.constant 0 : i32
      %dma_wait3A_22 = tpu.memref_slice %arg8[%mul3A_12, %dma_wait3A_21] : memref<10240x128xf32, #tpu.memory_space<vmem_shared>> -> memref<640x128xf32, #tpu.memory_space<vmem_shared>>
      tpu.wait_dma2 semaphore(%run_scoped3A : memref<!tpu.dma_semaphore, #tpu.memory_space<semaphore_mem>>) src(%dma_wait3A_22 : memref<640x128xf32, #tpu.memory_space<vmem_shared>>) dst(%dma_wait3A_20 : memref<640x128xf32, #tpu.memory_space<hbm>>)
      tpu.yield
    }) : () -> ()
    return
  }
}

module attributes {stable_mosaic.version = 14 : i64} {
  func.func @_node_in_body(%arg0: i32, %arg1: memref<1280x16xf32, #tpu.memory_space<vmem>>, %arg2: memref<16x128xf32, #tpu.memory_space<vmem>>, %arg3: memref<1x128xf32, #tpu.memory_space<vmem>>, %arg4: memref<128x128xf32, #tpu.memory_space<vmem>>, %arg5: memref<1x128xf32, #tpu.memory_space<vmem>>, %arg6: memref<128x128xf32, #tpu.memory_space<vmem>>, %arg7: memref<1x128xf32, #tpu.memory_space<vmem>>, %arg8: memref<1x128xf32, #tpu.memory_space<vmem>>, %arg9: memref<1x128xf32, #tpu.memory_space<vmem>>, %arg10: memref<128x128xf32, #tpu.memory_space<vmem>>, %arg11: memref<128x128xf32, #tpu.memory_space<vmem>>, %arg12: memref<1x128xf32, #tpu.memory_space<vmem>>, %arg13: memref<1280x128xf32, #tpu.memory_space<vmem>>, %arg14: memref<1280x128xf32, #tpu.memory_space<vmem>>, %arg15: memref<1280x128xf32, #tpu.memory_space<vmem>>) attributes {dimension_semantics = [#tpu.dimension_semantics<arbitrary>], iteration_bounds = array<i64: 8>, scalar_prefetch = 0 : i64, scratch_operands = 0 : i64, tpu.core_type = #tpu.core_type<tc>, window_params = [{transform_indices = @transform_0, window_bounds = array<i64: 1280, 16>}, {pipeline_mode = #tpu.pipeline_mode<synchronous>, transform_indices = @transform_1, window_bounds = array<i64: 16, 128>}, {pipeline_mode = #tpu.pipeline_mode<synchronous>, transform_indices = @transform_2, window_bounds = array<i64: 1, 128>}, {pipeline_mode = #tpu.pipeline_mode<synchronous>, transform_indices = @transform_3, window_bounds = array<i64: 128, 128>}, {pipeline_mode = #tpu.pipeline_mode<synchronous>, transform_indices = @transform_4, window_bounds = array<i64: 1, 128>}, {pipeline_mode = #tpu.pipeline_mode<synchronous>, transform_indices = @transform_5, window_bounds = array<i64: 128, 128>}, {pipeline_mode = #tpu.pipeline_mode<synchronous>, transform_indices = @transform_6, window_bounds = array<i64: 1, 128>}, {pipeline_mode = #tpu.pipeline_mode<synchronous>, transform_indices = @transform_7, window_bounds = array<i64: 1, 128>}, {pipeline_mode = #tpu.pipeline_mode<synchronous>, transform_indices = @transform_8, window_bounds = array<i64: 1, 128>}, {pipeline_mode = #tpu.pipeline_mode<synchronous>, transform_indices = @transform_9, window_bounds = array<i64: 128, 128>}, {pipeline_mode = #tpu.pipeline_mode<synchronous>, transform_indices = @transform_10, window_bounds = array<i64: 128, 128>}, {pipeline_mode = #tpu.pipeline_mode<synchronous>, transform_indices = @transform_11, window_bounds = array<i64: 1, 128>}, {transform_indices = @transform_12, window_bounds = array<i64: 1280, 128>}, {transform_indices = @transform_13, window_bounds = array<i64: 1280, 128>}, {transform_indices = @transform_14, window_bounds = array<i64: 1280, 128>}]} {
    %get3A = arith.constant 0 : index
    %get3A_0 = arith.constant 0 : index
    %get3A_1 = vector.load %arg1[%get3A, %get3A_0] : memref<1280x16xf32, #tpu.memory_space<vmem>>, vector<1280x16xf32>
    %get3A_2 = arith.constant 0 : index
    %get3A_3 = arith.constant 0 : index
    %get3A_4 = vector.load %arg2[%get3A_2, %get3A_3] : memref<16x128xf32, #tpu.memory_space<vmem>>, vector<16x128xf32>
    %dot_general3A = arith.constant dense<0.000000e+00> : vector<1280x128xf32>
    %dot_general3A_5 = tpu.matmul %get3A_1, %get3A_4, %dot_general3A {dimension_numbers = #tpu.dot_dimension_numbers<[1], [0], [0], [1], [0, 0, 1, 1], [], []>, transpose_lhs_hint = false} : vector<1280x16xf32>, vector<16x128xf32>, vector<1280x128xf32> -> vector<1280x128xf32>
    %get3A_6 = arith.constant 0 : index
    %get3A_7 = arith.constant 0 : index
    %get3A_8 = vector.load %arg3[%get3A_6, %get3A_7] : memref<1x128xf32, #tpu.memory_space<vmem>>, vector<1x128xf32>
    %add3A = vector.broadcast %get3A_8 : vector<1x128xf32> to vector<1280x128xf32>
    %add3A_9 = arith.addf %dot_general3A_5, %add3A : vector<1280x128xf32>
    %max3A = arith.constant 0.000000e+00 : f32
    %max3A_10 = vector.broadcast %max3A : f32 to vector<1280x128xf32>
    %max3A_11 = arith.maximumf %add3A_9, %max3A_10 : vector<1280x128xf32>
    %get3A_12 = arith.constant 0 : index
    %get3A_13 = arith.constant 0 : index
    %get3A_14 = vector.load %arg4[%get3A_12, %get3A_13] : memref<128x128xf32, #tpu.memory_space<vmem>>, vector<128x128xf32>
    %dot_general3A_15 = arith.constant dense<0.000000e+00> : vector<1280x128xf32>
    %dot_general3A_16 = tpu.matmul %max3A_11, %get3A_14, %dot_general3A_15 {dimension_numbers = #tpu.dot_dimension_numbers<[1], [0], [0], [1], [0, 0, 1, 1], [], []>, transpose_lhs_hint = false} : vector<1280x128xf32>, vector<128x128xf32>, vector<1280x128xf32> -> vector<1280x128xf32>
    %get3A_17 = arith.constant 0 : index
    %get3A_18 = arith.constant 0 : index
    %get3A_19 = vector.load %arg5[%get3A_17, %get3A_18] : memref<1x128xf32, #tpu.memory_space<vmem>>, vector<1x128xf32>
    %add3A_20 = vector.broadcast %get3A_19 : vector<1x128xf32> to vector<1280x128xf32>
    %add3A_21 = arith.addf %dot_general3A_16, %add3A_20 : vector<1280x128xf32>
    %max3A_22 = arith.constant 0.000000e+00 : f32
    %max3A_23 = vector.broadcast %max3A_22 : f32 to vector<1280x128xf32>
    %max3A_24 = arith.maximumf %add3A_21, %max3A_23 : vector<1280x128xf32>
    %get3A_25 = arith.constant 0 : index
    %get3A_26 = arith.constant 0 : index
    %get3A_27 = vector.load %arg6[%get3A_25, %get3A_26] : memref<128x128xf32, #tpu.memory_space<vmem>>, vector<128x128xf32>
    %dot_general3A_28 = arith.constant dense<0.000000e+00> : vector<1280x128xf32>
    %dot_general3A_29 = tpu.matmul %max3A_24, %get3A_27, %dot_general3A_28 {dimension_numbers = #tpu.dot_dimension_numbers<[1], [0], [0], [1], [0, 0, 1, 1], [], []>, transpose_lhs_hint = false} : vector<1280x128xf32>, vector<128x128xf32>, vector<1280x128xf32> -> vector<1280x128xf32>
    %get3A_30 = arith.constant 0 : index
    %get3A_31 = arith.constant 0 : index
    %get3A_32 = vector.load %arg7[%get3A_30, %get3A_31] : memref<1x128xf32, #tpu.memory_space<vmem>>, vector<1x128xf32>
    %add3A_33 = vector.broadcast %get3A_32 : vector<1x128xf32> to vector<1280x128xf32>
    %add3A_34 = arith.addf %dot_general3A_29, %add3A_33 : vector<1280x128xf32>
    %get3A_35 = arith.constant 0 : index
    %get3A_36 = arith.constant 0 : index
    %get3A_37 = vector.load %arg8[%get3A_35, %get3A_36] : memref<1x128xf32, #tpu.memory_space<vmem>>, vector<1x128xf32>
    %get3A_38 = arith.constant 0 : index
    %get3A_39 = arith.constant 0 : index
    %get3A_40 = vector.load %arg9[%get3A_38, %get3A_39] : memref<1x128xf32, #tpu.memory_space<vmem>>, vector<1x128xf32>
    %reduce_sum3A = arith.constant dense<0.000000e+00> : vector<1280xf32>
    %reduce_sum3A_41 = vector.multi_reduction <add>, %add3A_34, %reduce_sum3A [1] : vector<1280x128xf32> to vector<1280xf32>
    %broadcast_in_dim3A = vector.shape_cast %reduce_sum3A_41 : vector<1280xf32> to vector<1280x1xf32>
    %div3A = arith.constant 1.280000e+02 : f32
    %div3A_42 = vector.broadcast %div3A : f32 to vector<1280x1xf32>
    %div3A_43 = arith.divf %broadcast_in_dim3A, %div3A_42 : vector<1280x1xf32>
    %sub3A = vector.broadcast %div3A_43 : vector<1280x1xf32> to vector<1280x128xf32>
    %sub3A_44 = arith.subf %add3A_34, %sub3A : vector<1280x128xf32>
    %integer_pow3A = arith.mulf %sub3A_44, %sub3A_44 : vector<1280x128xf32>
    %reduce_sum3A_45 = arith.constant dense<0.000000e+00> : vector<1280xf32>
    %reduce_sum3A_46 = vector.multi_reduction <add>, %integer_pow3A, %reduce_sum3A_45 [1] : vector<1280x128xf32> to vector<1280xf32>
    %broadcast_in_dim3A_47 = vector.shape_cast %reduce_sum3A_46 : vector<1280xf32> to vector<1280x1xf32>
    %div3A_48 = arith.constant 1.280000e+02 : f32
    %div3A_49 = vector.broadcast %div3A_48 : f32 to vector<1280x1xf32>
    %div3A_50 = arith.divf %broadcast_in_dim3A_47, %div3A_49 : vector<1280x1xf32>
    %sub3A_51 = vector.broadcast %div3A_43 : vector<1280x1xf32> to vector<1280x128xf32>
    %sub3A_52 = arith.subf %add3A_34, %sub3A_51 : vector<1280x128xf32>
    %add3A_53 = arith.constant 9.99999974E-6 : f32
    %add3A_54 = vector.broadcast %add3A_53 : f32 to vector<1280x1xf32>
    %add3A_55 = arith.addf %div3A_50, %add3A_54 : vector<1280x1xf32>
    %rsqrt3A = math.rsqrt %add3A_55 : vector<1280x1xf32>
    %mul3A = vector.broadcast %rsqrt3A : vector<1280x1xf32> to vector<1280x128xf32>
    %mul3A_56 = arith.mulf %sub3A_52, %mul3A : vector<1280x128xf32>
    %mul3A_57 = vector.broadcast %get3A_37 : vector<1x128xf32> to vector<1280x128xf32>
    %mul3A_58 = arith.mulf %mul3A_56, %mul3A_57 : vector<1280x128xf32>
    %add3A_59 = vector.broadcast %get3A_40 : vector<1x128xf32> to vector<1280x128xf32>
    %add3A_60 = arith.addf %mul3A_58, %add3A_59 : vector<1280x128xf32>
    %swap3A = arith.constant 0 : index
    %swap3A_61 = arith.constant 0 : index
    %swap3A_62 = vector.load %arg13[%swap3A, %swap3A_61] : memref<1280x128xf32, #tpu.memory_space<vmem>>, vector<1280x128xf32>
    tpu.vector_store %arg13[%swap3A, %swap3A_61], %add3A_60 {strides = array<i32>} : memref<1280x128xf32, #tpu.memory_space<vmem>>, vector<1280x128xf32>,
    %get3A_63 = arith.constant 0 : index
    %get3A_64 = arith.constant 0 : index
    %get3A_65 = vector.load %arg10[%get3A_63, %get3A_64] : memref<128x128xf32, #tpu.memory_space<vmem>>, vector<128x128xf32>
    %dot_general3A_66 = arith.constant dense<0.000000e+00> : vector<1280x128xf32>
    %dot_general3A_67 = tpu.matmul %add3A_60, %get3A_65, %dot_general3A_66 {dimension_numbers = #tpu.dot_dimension_numbers<[1], [0], [0], [1], [0, 0, 1, 1], [], []>, transpose_lhs_hint = false} : vector<1280x128xf32>, vector<128x128xf32>, vector<1280x128xf32> -> vector<1280x128xf32>
    %get3A_68 = arith.constant 0 : index
    %get3A_69 = arith.constant 0 : index
    %get3A_70 = vector.load %arg12[%get3A_68, %get3A_69] : memref<1x128xf32, #tpu.memory_space<vmem>>, vector<1x128xf32>
    %add3A_71 = vector.broadcast %get3A_70 : vector<1x128xf32> to vector<1280x128xf32>
    %add3A_72 = arith.addf %dot_general3A_67, %add3A_71 : vector<1280x128xf32>
    %swap3A_73 = arith.constant 0 : index
    %swap3A_74 = arith.constant 0 : index
    %swap3A_75 = vector.load %arg14[%swap3A_73, %swap3A_74] : memref<1280x128xf32, #tpu.memory_space<vmem>>, vector<1280x128xf32>
    tpu.vector_store %arg14[%swap3A_73, %swap3A_74], %add3A_72 {strides = array<i32>} : memref<1280x128xf32, #tpu.memory_space<vmem>>, vector<1280x128xf32>,
    %get3A_76 = arith.constant 0 : index
    %get3A_77 = arith.constant 0 : index
    %get3A_78 = vector.load %arg11[%get3A_76, %get3A_77] : memref<128x128xf32, #tpu.memory_space<vmem>>, vector<128x128xf32>
    %dot_general3A_79 = arith.constant dense<0.000000e+00> : vector<1280x128xf32>
    %dot_general3A_80 = tpu.matmul %add3A_60, %get3A_78, %dot_general3A_79 {dimension_numbers = #tpu.dot_dimension_numbers<[1], [0], [0], [1], [0, 0, 1, 1], [], []>, transpose_lhs_hint = false} : vector<1280x128xf32>, vector<128x128xf32>, vector<1280x128xf32> -> vector<1280x128xf32>
    %swap3A_81 = arith.constant 0 : index
    %swap3A_82 = arith.constant 0 : index
    %swap3A_83 = vector.load %arg15[%swap3A_81, %swap3A_82] : memref<1280x128xf32, #tpu.memory_space<vmem>>, vector<1280x128xf32>
    tpu.vector_store %arg15[%swap3A_81, %swap3A_82], %dot_general3A_80 {strides = array<i32>} : memref<1280x128xf32, #tpu.memory_space<vmem>>, vector<1280x128xf32>,
    return
  }
  func.func @transform_0(%arg0: i32) -> (i32, i32) {
    %c0_i32 = arith.constant 0 : i32
    %c0_i32_0 = arith.constant 0 : i32
    return %arg0, %c0_i32 : i32, i32
  }
  func.func @transform_1(%arg0: i32) -> (i32, i32) {
    %c0_i32 = arith.constant 0 : i32
    %c0_i32_0 = arith.constant 0 : i32
    %c0_i32_1 = arith.constant 0 : i32
    return %c0_i32, %c0_i32_0 : i32, i32
  }
  func.func @transform_2(%arg0: i32) -> (i32, i32) {
    %c0_i32 = arith.constant 0 : i32
    %c0_i32_0 = arith.constant 0 : i32
    %c0_i32_1 = arith.constant 0 : i32
    return %c0_i32, %c0_i32_0 : i32, i32
  }
  func.func @transform_3(%arg0: i32) -> (i32, i32) {
    %c0_i32 = arith.constant 0 : i32
    %c0_i32_0 = arith.constant 0 : i32
    %c0_i32_1 = arith.constant 0 : i32
    return %c0_i32, %c0_i32_0 : i32, i32
  }
  func.func @transform_4(%arg0: i32) -> (i32, i32) {
    %c0_i32 = arith.constant 0 : i32
    %c0_i32_0 = arith.constant 0 : i32
    %c0_i32_1 = arith.constant 0 : i32
    return %c0_i32, %c0_i32_0 : i32, i32
  }
  func.func @transform_5(%arg0: i32) -> (i32, i32) {
    %c0_i32 = arith.constant 0 : i32
    %c0_i32_0 = arith.constant 0 : i32
    %c0_i32_1 = arith.constant 0 : i32
    return %c0_i32, %c0_i32_0 : i32, i32
  }
  func.func @transform_6(%arg0: i32) -> (i32, i32) {
    %c0_i32 = arith.constant 0 : i32
    %c0_i32_0 = arith.constant 0 : i32
    %c0_i32_1 = arith.constant 0 : i32
    return %c0_i32, %c0_i32_0 : i32, i32
  }
  func.func @transform_7(%arg0: i32) -> (i32, i32) {
    %c0_i32 = arith.constant 0 : i32
    %c0_i32_0 = arith.constant 0 : i32
    %c0_i32_1 = arith.constant 0 : i32
    return %c0_i32, %c0_i32_0 : i32, i32
  }
  func.func @transform_8(%arg0: i32) -> (i32, i32) {
    %c0_i32 = arith.constant 0 : i32
    %c0_i32_0 = arith.constant 0 : i32
    %c0_i32_1 = arith.constant 0 : i32
    return %c0_i32, %c0_i32_0 : i32, i32
  }
  func.func @transform_9(%arg0: i32) -> (i32, i32) {
    %c0_i32 = arith.constant 0 : i32
    %c0_i32_0 = arith.constant 0 : i32
    %c0_i32_1 = arith.constant 0 : i32
    return %c0_i32, %c0_i32_0 : i32, i32
  }
  func.func @transform_10(%arg0: i32) -> (i32, i32) {
    %c0_i32 = arith.constant 0 : i32
    %c0_i32_0 = arith.constant 0 : i32
    %c0_i32_1 = arith.constant 0 : i32
    return %c0_i32, %c0_i32_0 : i32, i32
  }
  func.func @transform_11(%arg0: i32) -> (i32, i32) {
    %c0_i32 = arith.constant 0 : i32
    %c0_i32_0 = arith.constant 0 : i32
    %c0_i32_1 = arith.constant 0 : i32
    return %c0_i32, %c0_i32_0 : i32, i32
  }
  func.func @transform_12(%arg0: i32) -> (i32, i32) {
    %c0_i32 = arith.constant 0 : i32
    %c0_i32_0 = arith.constant 0 : i32
    return %arg0, %c0_i32 : i32, i32
  }
  func.func @transform_13(%arg0: i32) -> (i32, i32) {
    %c0_i32 = arith.constant 0 : i32
    %c0_i32_0 = arith.constant 0 : i32
    return %arg0, %c0_i32 : i32, i32
  }
  func.func @transform_14(%arg0: i32) -> (i32, i32) {
    %c0_i32 = arith.constant 0 : i32
    %c0_i32_0 = arith.constant 0 : i32
    return %arg0, %c0_i32 : i32, i32
  }
}

module attributes {stable_mosaic.version = 14 : i64} {
  func.func @_edge_in_body(%arg0: i32, %arg1: memref<2048x8xf32, #tpu.memory_space<vmem>>, %arg2: memref<8x128xf32, #tpu.memory_space<vmem>>, %arg3: memref<1x128xf32, #tpu.memory_space<vmem>>, %arg4: memref<128x128xf32, #tpu.memory_space<vmem>>, %arg5: memref<1x128xf32, #tpu.memory_space<vmem>>, %arg6: memref<128x128xf32, #tpu.memory_space<vmem>>, %arg7: memref<1x128xf32, #tpu.memory_space<vmem>>, %arg8: memref<1x128xf32, #tpu.memory_space<vmem>>, %arg9: memref<1x128xf32, #tpu.memory_space<vmem>>, %arg10: memref<128x128xf32, #tpu.memory_space<vmem>>, %arg11: memref<2048x128xf32, #tpu.memory_space<vmem>>) attributes {dimension_semantics = [#tpu.dimension_semantics<arbitrary>], iteration_bounds = array<i64: 158>, scalar_prefetch = 0 : i64, scratch_operands = 0 : i64, tpu.core_type = #tpu.core_type<tc>, window_params = [{transform_indices = @transform_0, window_bounds = array<i64: 2048, 8>}, {pipeline_mode = #tpu.pipeline_mode<synchronous>, transform_indices = @transform_1, window_bounds = array<i64: 8, 128>}, {pipeline_mode = #tpu.pipeline_mode<synchronous>, transform_indices = @transform_2, window_bounds = array<i64: 1, 128>}, {pipeline_mode = #tpu.pipeline_mode<synchronous>, transform_indices = @transform_3, window_bounds = array<i64: 128, 128>}, {pipeline_mode = #tpu.pipeline_mode<synchronous>, transform_indices = @transform_4, window_bounds = array<i64: 1, 128>}, {pipeline_mode = #tpu.pipeline_mode<synchronous>, transform_indices = @transform_5, window_bounds = array<i64: 128, 128>}, {pipeline_mode = #tpu.pipeline_mode<synchronous>, transform_indices = @transform_6, window_bounds = array<i64: 1, 128>}, {pipeline_mode = #tpu.pipeline_mode<synchronous>, transform_indices = @transform_7, window_bounds = array<i64: 1, 128>}, {pipeline_mode = #tpu.pipeline_mode<synchronous>, transform_indices = @transform_8, window_bounds = array<i64: 1, 128>}, {pipeline_mode = #tpu.pipeline_mode<synchronous>, transform_indices = @transform_9, window_bounds = array<i64: 128, 128>}, {transform_indices = @transform_10, window_bounds = array<i64: 2048, 128>}]} {
    %get3A = arith.constant 0 : index
    %get3A_0 = arith.constant 0 : index
    %get3A_1 = vector.load %arg1[%get3A, %get3A_0] : memref<2048x8xf32, #tpu.memory_space<vmem>>, vector<2048x8xf32>
    %get3A_2 = arith.constant 0 : index
    %get3A_3 = arith.constant 0 : index
    %get3A_4 = vector.load %arg2[%get3A_2, %get3A_3] : memref<8x128xf32, #tpu.memory_space<vmem>>, vector<8x128xf32>
    %dot_general3A = arith.constant dense<0.000000e+00> : vector<2048x128xf32>
    %dot_general3A_5 = tpu.matmul %get3A_1, %get3A_4, %dot_general3A {dimension_numbers = #tpu.dot_dimension_numbers<[1], [0], [0], [1], [0, 0, 1, 1], [], []>, transpose_lhs_hint = false} : vector<2048x8xf32>, vector<8x128xf32>, vector<2048x128xf32> -> vector<2048x128xf32>
    %get3A_6 = arith.constant 0 : index
    %get3A_7 = arith.constant 0 : index
    %get3A_8 = vector.load %arg3[%get3A_6, %get3A_7] : memref<1x128xf32, #tpu.memory_space<vmem>>, vector<1x128xf32>
    %add3A = vector.broadcast %get3A_8 : vector<1x128xf32> to vector<2048x128xf32>
    %add3A_9 = arith.addf %dot_general3A_5, %add3A : vector<2048x128xf32>
    %max3A = arith.constant 0.000000e+00 : f32
    %max3A_10 = vector.broadcast %max3A : f32 to vector<2048x128xf32>
    %max3A_11 = arith.maximumf %add3A_9, %max3A_10 : vector<2048x128xf32>
    %get3A_12 = arith.constant 0 : index
    %get3A_13 = arith.constant 0 : index
    %get3A_14 = vector.load %arg4[%get3A_12, %get3A_13] : memref<128x128xf32, #tpu.memory_space<vmem>>, vector<128x128xf32>
    %dot_general3A_15 = arith.constant dense<0.000000e+00> : vector<2048x128xf32>
    %dot_general3A_16 = tpu.matmul %max3A_11, %get3A_14, %dot_general3A_15 {dimension_numbers = #tpu.dot_dimension_numbers<[1], [0], [0], [1], [0, 0, 1, 1], [], []>, transpose_lhs_hint = false} : vector<2048x128xf32>, vector<128x128xf32>, vector<2048x128xf32> -> vector<2048x128xf32>
    %get3A_17 = arith.constant 0 : index
    %get3A_18 = arith.constant 0 : index
    %get3A_19 = vector.load %arg5[%get3A_17, %get3A_18] : memref<1x128xf32, #tpu.memory_space<vmem>>, vector<1x128xf32>
    %add3A_20 = vector.broadcast %get3A_19 : vector<1x128xf32> to vector<2048x128xf32>
    %add3A_21 = arith.addf %dot_general3A_16, %add3A_20 : vector<2048x128xf32>
    %max3A_22 = arith.constant 0.000000e+00 : f32
    %max3A_23 = vector.broadcast %max3A_22 : f32 to vector<2048x128xf32>
    %max3A_24 = arith.maximumf %add3A_21, %max3A_23 : vector<2048x128xf32>
    %get3A_25 = arith.constant 0 : index
    %get3A_26 = arith.constant 0 : index
    %get3A_27 = vector.load %arg6[%get3A_25, %get3A_26] : memref<128x128xf32, #tpu.memory_space<vmem>>, vector<128x128xf32>
    %dot_general3A_28 = arith.constant dense<0.000000e+00> : vector<2048x128xf32>
    %dot_general3A_29 = tpu.matmul %max3A_24, %get3A_27, %dot_general3A_28 {dimension_numbers = #tpu.dot_dimension_numbers<[1], [0], [0], [1], [0, 0, 1, 1], [], []>, transpose_lhs_hint = false} : vector<2048x128xf32>, vector<128x128xf32>, vector<2048x128xf32> -> vector<2048x128xf32>
    %get3A_30 = arith.constant 0 : index
    %get3A_31 = arith.constant 0 : index
    %get3A_32 = vector.load %arg7[%get3A_30, %get3A_31] : memref<1x128xf32, #tpu.memory_space<vmem>>, vector<1x128xf32>
    %add3A_33 = vector.broadcast %get3A_32 : vector<1x128xf32> to vector<2048x128xf32>
    %add3A_34 = arith.addf %dot_general3A_29, %add3A_33 : vector<2048x128xf32>
    %get3A_35 = arith.constant 0 : index
    %get3A_36 = arith.constant 0 : index
    %get3A_37 = vector.load %arg8[%get3A_35, %get3A_36] : memref<1x128xf32, #tpu.memory_space<vmem>>, vector<1x128xf32>
    %get3A_38 = arith.constant 0 : index
    %get3A_39 = arith.constant 0 : index
    %get3A_40 = vector.load %arg9[%get3A_38, %get3A_39] : memref<1x128xf32, #tpu.memory_space<vmem>>, vector<1x128xf32>
    %reduce_sum3A = arith.constant dense<0.000000e+00> : vector<2048xf32>
    %reduce_sum3A_41 = vector.multi_reduction <add>, %add3A_34, %reduce_sum3A [1] : vector<2048x128xf32> to vector<2048xf32>
    %broadcast_in_dim3A = vector.shape_cast %reduce_sum3A_41 : vector<2048xf32> to vector<2048x1xf32>
    %div3A = arith.constant 1.280000e+02 : f32
    %div3A_42 = vector.broadcast %div3A : f32 to vector<2048x1xf32>
    %div3A_43 = arith.divf %broadcast_in_dim3A, %div3A_42 : vector<2048x1xf32>
    %sub3A = vector.broadcast %div3A_43 : vector<2048x1xf32> to vector<2048x128xf32>
    %sub3A_44 = arith.subf %add3A_34, %sub3A : vector<2048x128xf32>
    %integer_pow3A = arith.mulf %sub3A_44, %sub3A_44 : vector<2048x128xf32>
    %reduce_sum3A_45 = arith.constant dense<0.000000e+00> : vector<2048xf32>
    %reduce_sum3A_46 = vector.multi_reduction <add>, %integer_pow3A, %reduce_sum3A_45 [1] : vector<2048x128xf32> to vector<2048xf32>
    %broadcast_in_dim3A_47 = vector.shape_cast %reduce_sum3A_46 : vector<2048xf32> to vector<2048x1xf32>
    %div3A_48 = arith.constant 1.280000e+02 : f32
    %div3A_49 = vector.broadcast %div3A_48 : f32 to vector<2048x1xf32>
    %div3A_50 = arith.divf %broadcast_in_dim3A_47, %div3A_49 : vector<2048x1xf32>
    %sub3A_51 = vector.broadcast %div3A_43 : vector<2048x1xf32> to vector<2048x128xf32>
    %sub3A_52 = arith.subf %add3A_34, %sub3A_51 : vector<2048x128xf32>
    %add3A_53 = arith.constant 9.99999974E-6 : f32
    %add3A_54 = vector.broadcast %add3A_53 : f32 to vector<2048x1xf32>
    %add3A_55 = arith.addf %div3A_50, %add3A_54 : vector<2048x1xf32>
    %rsqrt3A = math.rsqrt %add3A_55 : vector<2048x1xf32>
    %mul3A = vector.broadcast %rsqrt3A : vector<2048x1xf32> to vector<2048x128xf32>
    %mul3A_56 = arith.mulf %sub3A_52, %mul3A : vector<2048x128xf32>
    %mul3A_57 = vector.broadcast %get3A_37 : vector<1x128xf32> to vector<2048x128xf32>
    %mul3A_58 = arith.mulf %mul3A_56, %mul3A_57 : vector<2048x128xf32>
    %add3A_59 = vector.broadcast %get3A_40 : vector<1x128xf32> to vector<2048x128xf32>
    %add3A_60 = arith.addf %mul3A_58, %add3A_59 : vector<2048x128xf32>
    %get3A_61 = arith.constant 0 : index
    %get3A_62 = arith.constant 0 : index
    %get3A_63 = vector.load %arg10[%get3A_61, %get3A_62] : memref<128x128xf32, #tpu.memory_space<vmem>>, vector<128x128xf32>
    %dot_general3A_64 = arith.constant dense<0.000000e+00> : vector<2048x128xf32>
    %dot_general3A_65 = tpu.matmul %add3A_60, %get3A_63, %dot_general3A_64 {dimension_numbers = #tpu.dot_dimension_numbers<[1], [0], [0], [1], [0, 0, 1, 1], [], []>, transpose_lhs_hint = false} : vector<2048x128xf32>, vector<128x128xf32>, vector<2048x128xf32> -> vector<2048x128xf32>
    %swap3A = arith.constant 0 : index
    %swap3A_66 = arith.constant 0 : index
    %swap3A_67 = vector.load %arg11[%swap3A, %swap3A_66] : memref<2048x128xf32, #tpu.memory_space<vmem>>, vector<2048x128xf32>
    tpu.vector_store %arg11[%swap3A, %swap3A_66], %dot_general3A_65 {strides = array<i32>} : memref<2048x128xf32, #tpu.memory_space<vmem>>, vector<2048x128xf32>,
    return
  }
  func.func @transform_0(%arg0: i32) -> (i32, i32) {
    %c0_i32 = arith.constant 0 : i32
    %c0_i32_0 = arith.constant 0 : i32
    return %arg0, %c0_i32 : i32, i32
  }
  func.func @transform_1(%arg0: i32) -> (i32, i32) {
    %c0_i32 = arith.constant 0 : i32
    %c0_i32_0 = arith.constant 0 : i32
    %c0_i32_1 = arith.constant 0 : i32
    return %c0_i32, %c0_i32_0 : i32, i32
  }
  func.func @transform_2(%arg0: i32) -> (i32, i32) {
    %c0_i32 = arith.constant 0 : i32
    %c0_i32_0 = arith.constant 0 : i32
    %c0_i32_1 = arith.constant 0 : i32
    return %c0_i32, %c0_i32_0 : i32, i32
  }
  func.func @transform_3(%arg0: i32) -> (i32, i32) {
    %c0_i32 = arith.constant 0 : i32
    %c0_i32_0 = arith.constant 0 : i32
    %c0_i32_1 = arith.constant 0 : i32
    return %c0_i32, %c0_i32_0 : i32, i32
  }
  func.func @transform_4(%arg0: i32) -> (i32, i32) {
    %c0_i32 = arith.constant 0 : i32
    %c0_i32_0 = arith.constant 0 : i32
    %c0_i32_1 = arith.constant 0 : i32
    return %c0_i32, %c0_i32_0 : i32, i32
  }
  func.func @transform_5(%arg0: i32) -> (i32, i32) {
    %c0_i32 = arith.constant 0 : i32
    %c0_i32_0 = arith.constant 0 : i32
    %c0_i32_1 = arith.constant 0 : i32
    return %c0_i32, %c0_i32_0 : i32, i32
  }
  func.func @transform_6(%arg0: i32) -> (i32, i32) {
    %c0_i32 = arith.constant 0 : i32
    %c0_i32_0 = arith.constant 0 : i32
    %c0_i32_1 = arith.constant 0 : i32
    return %c0_i32, %c0_i32_0 : i32, i32
  }
  func.func @transform_7(%arg0: i32) -> (i32, i32) {
    %c0_i32 = arith.constant 0 : i32
    %c0_i32_0 = arith.constant 0 : i32
    %c0_i32_1 = arith.constant 0 : i32
    return %c0_i32, %c0_i32_0 : i32, i32
  }
  func.func @transform_8(%arg0: i32) -> (i32, i32) {
    %c0_i32 = arith.constant 0 : i32
    %c0_i32_0 = arith.constant 0 : i32
    %c0_i32_1 = arith.constant 0 : i32
    return %c0_i32, %c0_i32_0 : i32, i32
  }
  func.func @transform_9(%arg0: i32) -> (i32, i32) {
    %c0_i32 = arith.constant 0 : i32
    %c0_i32_0 = arith.constant 0 : i32
    %c0_i32_1 = arith.constant 0 : i32
    return %c0_i32, %c0_i32_0 : i32, i32
  }
  func.func @transform_10(%arg0: i32) -> (i32, i32) {
    %c0_i32 = arith.constant 0 : i32
    %c0_i32_0 = arith.constant 0 : i32
    return %arg0, %c0_i32 : i32, i32
  }
}

module attributes {stable_mosaic.version = 14 : i64} {
  func.func @_edge_body(%arg0: i32, %arg1: memref<2048x128xf32, #tpu.memory_space<vmem>>, %arg2: memref<2048x128xf32, #tpu.memory_space<vmem>>, %arg3: memref<128x128xf32, #tpu.memory_space<vmem>>, %arg4: memref<1x128xf32, #tpu.memory_space<vmem>>, %arg5: memref<128x128xf32, #tpu.memory_space<vmem>>, %arg6: memref<1x128xf32, #tpu.memory_space<vmem>>, %arg7: memref<1x128xf32, #tpu.memory_space<vmem>>, %arg8: memref<1x128xf32, #tpu.memory_space<vmem>>, %arg9: memref<128x128xf32, #tpu.memory_space<vmem>>, %arg10: memref<2048x128xf32, #tpu.memory_space<vmem>>, %arg11: memref<2048x128xf32, #tpu.memory_space<vmem>>) attributes {dimension_semantics = [#tpu.dimension_semantics<arbitrary>], iteration_bounds = array<i64: 158>, scalar_prefetch = 0 : i64, scratch_operands = 0 : i64, tpu.core_type = #tpu.core_type<tc>, window_params = [{transform_indices = @transform_0, window_bounds = array<i64: 2048, 128>}, {transform_indices = @transform_1, window_bounds = array<i64: 2048, 128>}, {pipeline_mode = #tpu.pipeline_mode<synchronous>, transform_indices = @transform_2, window_bounds = array<i64: 128, 128>}, {pipeline_mode = #tpu.pipeline_mode<synchronous>, transform_indices = @transform_3, window_bounds = array<i64: 1, 128>}, {pipeline_mode = #tpu.pipeline_mode<synchronous>, transform_indices = @transform_4, window_bounds = array<i64: 128, 128>}, {pipeline_mode = #tpu.pipeline_mode<synchronous>, transform_indices = @transform_5, window_bounds = array<i64: 1, 128>}, {pipeline_mode = #tpu.pipeline_mode<synchronous>, transform_indices = @transform_6, window_bounds = array<i64: 1, 128>}, {pipeline_mode = #tpu.pipeline_mode<synchronous>, transform_indices = @transform_7, window_bounds = array<i64: 1, 128>}, {pipeline_mode = #tpu.pipeline_mode<synchronous>, transform_indices = @transform_8, window_bounds = array<i64: 128, 128>}, {transform_indices = @transform_9, window_bounds = array<i64: 2048, 128>}, {transform_indices = @transform_10, window_bounds = array<i64: 2048, 128>}]} {
    %get3A = arith.constant 0 : index
    %get3A_0 = arith.constant 0 : index
    %get3A_1 = vector.load %arg1[%get3A, %get3A_0] : memref<2048x128xf32, #tpu.memory_space<vmem>>, vector<2048x128xf32>
    %get3A_2 = arith.constant 0 : index
    %get3A_3 = arith.constant 0 : index
    %get3A_4 = vector.load %arg2[%get3A_2, %get3A_3] : memref<2048x128xf32, #tpu.memory_space<vmem>>, vector<2048x128xf32>
    %add3A = arith.addf %get3A_1, %get3A_4 : vector<2048x128xf32>
    %max3A = arith.constant 0.000000e+00 : f32
    %max3A_5 = vector.broadcast %max3A : f32 to vector<2048x128xf32>
    %max3A_6 = arith.maximumf %add3A, %max3A_5 : vector<2048x128xf32>
    %get3A_7 = arith.constant 0 : index
    %get3A_8 = arith.constant 0 : index
    %get3A_9 = vector.load %arg3[%get3A_7, %get3A_8] : memref<128x128xf32, #tpu.memory_space<vmem>>, vector<128x128xf32>
    %dot_general3A = arith.constant dense<0.000000e+00> : vector<2048x128xf32>
    %dot_general3A_10 = tpu.matmul %max3A_6, %get3A_9, %dot_general3A {dimension_numbers = #tpu.dot_dimension_numbers<[1], [0], [0], [1], [0, 0, 1, 1], [], []>, transpose_lhs_hint = false} : vector<2048x128xf32>, vector<128x128xf32>, vector<2048x128xf32> -> vector<2048x128xf32>
    %get3A_11 = arith.constant 0 : index
    %get3A_12 = arith.constant 0 : index
    %get3A_13 = vector.load %arg4[%get3A_11, %get3A_12] : memref<1x128xf32, #tpu.memory_space<vmem>>, vector<1x128xf32>
    %add3A_14 = vector.broadcast %get3A_13 : vector<1x128xf32> to vector<2048x128xf32>
    %add3A_15 = arith.addf %dot_general3A_10, %add3A_14 : vector<2048x128xf32>
    %max3A_16 = arith.constant 0.000000e+00 : f32
    %max3A_17 = vector.broadcast %max3A_16 : f32 to vector<2048x128xf32>
    %max3A_18 = arith.maximumf %add3A_15, %max3A_17 : vector<2048x128xf32>
    %get3A_19 = arith.constant 0 : index
    %get3A_20 = arith.constant 0 : index
    %get3A_21 = vector.load %arg5[%get3A_19, %get3A_20] : memref<128x128xf32, #tpu.memory_space<vmem>>, vector<128x128xf32>
    %dot_general3A_22 = arith.constant dense<0.000000e+00> : vector<2048x128xf32>
    %dot_general3A_23 = tpu.matmul %max3A_18, %get3A_21, %dot_general3A_22 {dimension_numbers = #tpu.dot_dimension_numbers<[1], [0], [0], [1], [0, 0, 1, 1], [], []>, transpose_lhs_hint = false} : vector<2048x128xf32>, vector<128x128xf32>, vector<2048x128xf32> -> vector<2048x128xf32>
    %get3A_24 = arith.constant 0 : index
    %get3A_25 = arith.constant 0 : index
    %get3A_26 = vector.load %arg6[%get3A_24, %get3A_25] : memref<1x128xf32, #tpu.memory_space<vmem>>, vector<1x128xf32>
    %add3A_27 = vector.broadcast %get3A_26 : vector<1x128xf32> to vector<2048x128xf32>
    %add3A_28 = arith.addf %dot_general3A_23, %add3A_27 : vector<2048x128xf32>
    %get3A_29 = arith.constant 0 : index
    %get3A_30 = arith.constant 0 : index
    %get3A_31 = vector.load %arg7[%get3A_29, %get3A_30] : memref<1x128xf32, #tpu.memory_space<vmem>>, vector<1x128xf32>
    %get3A_32 = arith.constant 0 : index
    %get3A_33 = arith.constant 0 : index
    %get3A_34 = vector.load %arg8[%get3A_32, %get3A_33] : memref<1x128xf32, #tpu.memory_space<vmem>>, vector<1x128xf32>
    %reduce_sum3A = arith.constant dense<0.000000e+00> : vector<2048xf32>
    %reduce_sum3A_35 = vector.multi_reduction <add>, %add3A_28, %reduce_sum3A [1] : vector<2048x128xf32> to vector<2048xf32>
    %broadcast_in_dim3A = vector.shape_cast %reduce_sum3A_35 : vector<2048xf32> to vector<2048x1xf32>
    %div3A = arith.constant 1.280000e+02 : f32
    %div3A_36 = vector.broadcast %div3A : f32 to vector<2048x1xf32>
    %div3A_37 = arith.divf %broadcast_in_dim3A, %div3A_36 : vector<2048x1xf32>
    %sub3A = vector.broadcast %div3A_37 : vector<2048x1xf32> to vector<2048x128xf32>
    %sub3A_38 = arith.subf %add3A_28, %sub3A : vector<2048x128xf32>
    %integer_pow3A = arith.mulf %sub3A_38, %sub3A_38 : vector<2048x128xf32>
    %reduce_sum3A_39 = arith.constant dense<0.000000e+00> : vector<2048xf32>
    %reduce_sum3A_40 = vector.multi_reduction <add>, %integer_pow3A, %reduce_sum3A_39 [1] : vector<2048x128xf32> to vector<2048xf32>
    %broadcast_in_dim3A_41 = vector.shape_cast %reduce_sum3A_40 : vector<2048xf32> to vector<2048x1xf32>
    %div3A_42 = arith.constant 1.280000e+02 : f32
    %div3A_43 = vector.broadcast %div3A_42 : f32 to vector<2048x1xf32>
    %div3A_44 = arith.divf %broadcast_in_dim3A_41, %div3A_43 : vector<2048x1xf32>
    %sub3A_45 = vector.broadcast %div3A_37 : vector<2048x1xf32> to vector<2048x128xf32>
    %sub3A_46 = arith.subf %add3A_28, %sub3A_45 : vector<2048x128xf32>
    %add3A_47 = arith.constant 9.99999974E-6 : f32
    %add3A_48 = vector.broadcast %add3A_47 : f32 to vector<2048x1xf32>
    %add3A_49 = arith.addf %div3A_44, %add3A_48 : vector<2048x1xf32>
    %rsqrt3A = math.rsqrt %add3A_49 : vector<2048x1xf32>
    %mul3A = vector.broadcast %rsqrt3A : vector<2048x1xf32> to vector<2048x128xf32>
    %mul3A_50 = arith.mulf %sub3A_46, %mul3A : vector<2048x128xf32>
    %mul3A_51 = vector.broadcast %get3A_31 : vector<1x128xf32> to vector<2048x128xf32>
    %mul3A_52 = arith.mulf %mul3A_50, %mul3A_51 : vector<2048x128xf32>
    %add3A_53 = vector.broadcast %get3A_34 : vector<1x128xf32> to vector<2048x128xf32>
    %add3A_54 = arith.addf %mul3A_52, %add3A_53 : vector<2048x128xf32>
    %swap3A = arith.constant 0 : index
    %swap3A_55 = arith.constant 0 : index
    %swap3A_56 = vector.load %arg10[%swap3A, %swap3A_55] : memref<2048x128xf32, #tpu.memory_space<vmem>>, vector<2048x128xf32>
    tpu.vector_store %arg10[%swap3A, %swap3A_55], %add3A_54 {strides = array<i32>} : memref<2048x128xf32, #tpu.memory_space<vmem>>, vector<2048x128xf32>,
    %get3A_57 = arith.constant 0 : index
    %get3A_58 = arith.constant 0 : index
    %get3A_59 = vector.load %arg2[%get3A_57, %get3A_58] : memref<2048x128xf32, #tpu.memory_space<vmem>>, vector<2048x128xf32>
    %get3A_60 = arith.constant 0 : index
    %get3A_61 = arith.constant 0 : index
    %get3A_62 = vector.load %arg9[%get3A_60, %get3A_61] : memref<128x128xf32, #tpu.memory_space<vmem>>, vector<128x128xf32>
    %dot_general3A_63 = arith.constant dense<0.000000e+00> : vector<2048x128xf32>
    %dot_general3A_64 = tpu.matmul %add3A_54, %get3A_62, %dot_general3A_63 {dimension_numbers = #tpu.dot_dimension_numbers<[1], [0], [0], [1], [0, 0, 1, 1], [], []>, transpose_lhs_hint = false} : vector<2048x128xf32>, vector<128x128xf32>, vector<2048x128xf32> -> vector<2048x128xf32>
    %add3A_65 = arith.addf %get3A_59, %dot_general3A_64 : vector<2048x128xf32>
    %swap3A_66 = arith.constant 0 : index
    %swap3A_67 = arith.constant 0 : index
    %swap3A_68 = vector.load %arg11[%swap3A_66, %swap3A_67] : memref<2048x128xf32, #tpu.memory_space<vmem>>, vector<2048x128xf32>
    tpu.vector_store %arg11[%swap3A_66, %swap3A_67], %add3A_65 {strides = array<i32>} : memref<2048x128xf32, #tpu.memory_space<vmem>>, vector<2048x128xf32>,
    return
  }
  func.func @transform_0(%arg0: i32) -> (i32, i32) {
    %c0_i32 = arith.constant 0 : i32
    %c0_i32_0 = arith.constant 0 : i32
    return %arg0, %c0_i32 : i32, i32
  }
  func.func @transform_1(%arg0: i32) -> (i32, i32) {
    %c0_i32 = arith.constant 0 : i32
    %c0_i32_0 = arith.constant 0 : i32
    return %arg0, %c0_i32 : i32, i32
  }
  func.func @transform_2(%arg0: i32) -> (i32, i32) {
    %c0_i32 = arith.constant 0 : i32
    %c0_i32_0 = arith.constant 0 : i32
    %c0_i32_1 = arith.constant 0 : i32
    return %c0_i32, %c0_i32_0 : i32, i32
  }
  func.func @transform_3(%arg0: i32) -> (i32, i32) {
    %c0_i32 = arith.constant 0 : i32
    %c0_i32_0 = arith.constant 0 : i32
    %c0_i32_1 = arith.constant 0 : i32
    return %c0_i32, %c0_i32_0 : i32, i32
  }
  func.func @transform_4(%arg0: i32) -> (i32, i32) {
    %c0_i32 = arith.constant 0 : i32
    %c0_i32_0 = arith.constant 0 : i32
    %c0_i32_1 = arith.constant 0 : i32
    return %c0_i32, %c0_i32_0 : i32, i32
  }
  func.func @transform_5(%arg0: i32) -> (i32, i32) {
    %c0_i32 = arith.constant 0 : i32
    %c0_i32_0 = arith.constant 0 : i32
    %c0_i32_1 = arith.constant 0 : i32
    return %c0_i32, %c0_i32_0 : i32, i32
  }
  func.func @transform_6(%arg0: i32) -> (i32, i32) {
    %c0_i32 = arith.constant 0 : i32
    %c0_i32_0 = arith.constant 0 : i32
    %c0_i32_1 = arith.constant 0 : i32
    return %c0_i32, %c0_i32_0 : i32, i32
  }
  func.func @transform_7(%arg0: i32) -> (i32, i32) {
    %c0_i32 = arith.constant 0 : i32
    %c0_i32_0 = arith.constant 0 : i32
    %c0_i32_1 = arith.constant 0 : i32
    return %c0_i32, %c0_i32_0 : i32, i32
  }
  func.func @transform_8(%arg0: i32) -> (i32, i32) {
    %c0_i32 = arith.constant 0 : i32
    %c0_i32_0 = arith.constant 0 : i32
    %c0_i32_1 = arith.constant 0 : i32
    return %c0_i32, %c0_i32_0 : i32, i32
  }
  func.func @transform_9(%arg0: i32) -> (i32, i32) {
    %c0_i32 = arith.constant 0 : i32
    %c0_i32_0 = arith.constant 0 : i32
    return %arg0, %c0_i32 : i32, i32
  }
  func.func @transform_10(%arg0: i32) -> (i32, i32) {
    %c0_i32 = arith.constant 0 : i32
    %c0_i32_0 = arith.constant 0 : i32
    return %arg0, %c0_i32 : i32, i32
  }
}

module attributes {stable_mosaic.version = 14 : i64} {
  func.func @_node_body(%arg0: i32, %arg1: memref<1280x128xf32, #tpu.memory_space<vmem>>, %arg2: memref<1280x128xf32, #tpu.memory_space<vmem>>, %arg3: memref<1280x128xf32, #tpu.memory_space<vmem>>, %arg4: memref<128x128xf32, #tpu.memory_space<vmem>>, %arg5: memref<128x128xf32, #tpu.memory_space<vmem>>, %arg6: memref<1x128xf32, #tpu.memory_space<vmem>>, %arg7: memref<128x128xf32, #tpu.memory_space<vmem>>, %arg8: memref<1x128xf32, #tpu.memory_space<vmem>>, %arg9: memref<128x128xf32, #tpu.memory_space<vmem>>, %arg10: memref<1x128xf32, #tpu.memory_space<vmem>>, %arg11: memref<1x128xf32, #tpu.memory_space<vmem>>, %arg12: memref<1x128xf32, #tpu.memory_space<vmem>>, %arg13: memref<128x128xf32, #tpu.memory_space<vmem>>, %arg14: memref<1x128xf32, #tpu.memory_space<vmem>>, %arg15: memref<128x128xf32, #tpu.memory_space<vmem>>, %arg16: memref<1x128xf32, #tpu.memory_space<vmem>>, %arg17: memref<128x128xf32, #tpu.memory_space<vmem>>, %arg18: memref<1x128xf32, #tpu.memory_space<vmem>>, %arg19: memref<128x128xf32, #tpu.memory_space<vmem>>, %arg20: memref<128x128xf32, #tpu.memory_space<vmem>>, %arg21: memref<1x128xf32, #tpu.memory_space<vmem>>, %arg22: memref<1280x128xf32, #tpu.memory_space<vmem>>, %arg23: memref<1280x128xf32, #tpu.memory_space<vmem>>, %arg24: memref<1280x128xf32, #tpu.memory_space<vmem>>, %arg25: memref<1280x128xf32, #tpu.memory_space<vmem>>) attributes {dimension_semantics = [#tpu.dimension_semantics<arbitrary>], iteration_bounds = array<i64: 8>, scalar_prefetch = 0 : i64, scratch_operands = 0 : i64, tpu.core_type = #tpu.core_type<tc>, window_params = [{transform_indices = @transform_0, window_bounds = array<i64: 1280, 128>}, {transform_indices = @transform_1, window_bounds = array<i64: 1280, 128>}, {transform_indices = @transform_2, window_bounds = array<i64: 1280, 128>}, {pipeline_mode = #tpu.pipeline_mode<synchronous>, transform_indices = @transform_3, window_bounds = array<i64: 128, 128>}, {pipeline_mode = #tpu.pipeline_mode<synchronous>, transform_indices = @transform_4, window_bounds = array<i64: 128, 128>}, {pipeline_mode = #tpu.pipeline_mode<synchronous>, transform_indices = @transform_5, window_bounds = array<i64: 1, 128>}, {pipeline_mode = #tpu.pipeline_mode<synchronous>, transform_indices = @transform_6, window_bounds = array<i64: 128, 128>}, {pipeline_mode = #tpu.pipeline_mode<synchronous>, transform_indices = @transform_7, window_bounds = array<i64: 1, 128>}, {pipeline_mode = #tpu.pipeline_mode<synchronous>, transform_indices = @transform_8, window_bounds = array<i64: 128, 128>}, {pipeline_mode = #tpu.pipeline_mode<synchronous>, transform_indices = @transform_9, window_bounds = array<i64: 1, 128>}, {pipeline_mode = #tpu.pipeline_mode<synchronous>, transform_indices = @transform_10, window_bounds = array<i64: 1, 128>}, {pipeline_mode = #tpu.pipeline_mode<synchronous>, transform_indices = @transform_11, window_bounds = array<i64: 1, 128>}, {pipeline_mode = #tpu.pipeline_mode<synchronous>, transform_indices = @transform_12, window_bounds = array<i64: 128, 128>}, {pipeline_mode = #tpu.pipeline_mode<synchronous>, transform_indices = @transform_13, window_bounds = array<i64: 1, 128>}, {pipeline_mode = #tpu.pipeline_mode<synchronous>, transform_indices = @transform_14, window_bounds = array<i64: 128, 128>}, {pipeline_mode = #tpu.pipeline_mode<synchronous>, transform_indices = @transform_15, window_bounds = array<i64: 1, 128>}, {pipeline_mode = #tpu.pipeline_mode<synchronous>, transform_indices = @transform_16, window_bounds = array<i64: 128, 128>}, {pipeline_mode = #tpu.pipeline_mode<synchronous>, transform_indices = @transform_17, window_bounds = array<i64: 1, 128>}, {pipeline_mode = #tpu.pipeline_mode<synchronous>, transform_indices = @transform_18, window_bounds = array<i64: 128, 128>}, {pipeline_mode = #tpu.pipeline_mode<synchronous>, transform_indices = @transform_19, window_bounds = array<i64: 128, 128>}, {pipeline_mode = #tpu.pipeline_mode<synchronous>, transform_indices = @transform_20, window_bounds = array<i64: 1, 128>}, {transform_indices = @transform_21, window_bounds = array<i64: 1280, 128>}, {transform_indices = @transform_22, window_bounds = array<i64: 1280, 128>}, {transform_indices = @transform_23, window_bounds = array<i64: 1280, 128>}, {transform_indices = @transform_24, window_bounds = array<i64: 1280, 128>}]} {
    %get3A = arith.constant 0 : index
    %get3A_0 = arith.constant 0 : index
    %get3A_1 = vector.load %arg2[%get3A, %get3A_0] : memref<1280x128xf32, #tpu.memory_space<vmem>>, vector<1280x128xf32>
    %get3A_2 = arith.constant 0 : index
    %get3A_3 = arith.constant 0 : index
    %get3A_4 = vector.load %arg3[%get3A_2, %get3A_3] : memref<1280x128xf32, #tpu.memory_space<vmem>>, vector<1280x128xf32>
    %add3A = arith.addf %get3A_1, %get3A_4 : vector<1280x128xf32>
    %get3A_5 = arith.constant 0 : index
    %get3A_6 = arith.constant 0 : index
    %get3A_7 = vector.load %arg1[%get3A_5, %get3A_6] : memref<1280x128xf32, #tpu.memory_space<vmem>>, vector<1280x128xf32>
    %get3A_8 = arith.constant 0 : index
    %get3A_9 = arith.constant 0 : index
    %get3A_10 = vector.load %arg4[%get3A_8, %get3A_9] : memref<128x128xf32, #tpu.memory_space<vmem>>, vector<128x128xf32>
    %dot_general3A = arith.constant dense<0.000000e+00> : vector<1280x128xf32>
    %dot_general3A_11 = tpu.matmul %get3A_7, %get3A_10, %dot_general3A {dimension_numbers = #tpu.dot_dimension_numbers<[1], [0], [0], [1], [0, 0, 1, 1], [], []>, transpose_lhs_hint = false} : vector<1280x128xf32>, vector<128x128xf32>, vector<1280x128xf32> -> vector<1280x128xf32>
    %get3A_12 = arith.constant 0 : index
    %get3A_13 = arith.constant 0 : index
    %get3A_14 = vector.load %arg5[%get3A_12, %get3A_13] : memref<128x128xf32, #tpu.memory_space<vmem>>, vector<128x128xf32>
    %dot_general3A_15 = arith.constant dense<0.000000e+00> : vector<1280x128xf32>
    %dot_general3A_16 = tpu.matmul %add3A, %get3A_14, %dot_general3A_15 {dimension_numbers = #tpu.dot_dimension_numbers<[1], [0], [0], [1], [0, 0, 1, 1], [], []>, transpose_lhs_hint = false} : vector<1280x128xf32>, vector<128x128xf32>, vector<1280x128xf32> -> vector<1280x128xf32>
    %add3A_17 = arith.addf %dot_general3A_11, %dot_general3A_16 : vector<1280x128xf32>
    %get3A_18 = arith.constant 0 : index
    %get3A_19 = arith.constant 0 : index
    %get3A_20 = vector.load %arg6[%get3A_18, %get3A_19] : memref<1x128xf32, #tpu.memory_space<vmem>>, vector<1x128xf32>
    %add3A_21 = vector.broadcast %get3A_20 : vector<1x128xf32> to vector<1280x128xf32>
    %add3A_22 = arith.addf %add3A_17, %add3A_21 : vector<1280x128xf32>
    %max3A = arith.constant 0.000000e+00 : f32
    %max3A_23 = vector.broadcast %max3A : f32 to vector<1280x128xf32>
    %max3A_24 = arith.maximumf %add3A_22, %max3A_23 : vector<1280x128xf32>
    %get3A_25 = arith.constant 0 : index
    %get3A_26 = arith.constant 0 : index
    %get3A_27 = vector.load %arg7[%get3A_25, %get3A_26] : memref<128x128xf32, #tpu.memory_space<vmem>>, vector<128x128xf32>
    %dot_general3A_28 = arith.constant dense<0.000000e+00> : vector<1280x128xf32>
    %dot_general3A_29 = tpu.matmul %max3A_24, %get3A_27, %dot_general3A_28 {dimension_numbers = #tpu.dot_dimension_numbers<[1], [0], [0], [1], [0, 0, 1, 1], [], []>, transpose_lhs_hint = false} : vector<1280x128xf32>, vector<128x128xf32>, vector<1280x128xf32> -> vector<1280x128xf32>
    %get3A_30 = arith.constant 0 : index
    %get3A_31 = arith.constant 0 : index
    %get3A_32 = vector.load %arg8[%get3A_30, %get3A_31] : memref<1x128xf32, #tpu.memory_space<vmem>>, vector<1x128xf32>
    %add3A_33 = vector.broadcast %get3A_32 : vector<1x128xf32> to vector<1280x128xf32>
    %add3A_34 = arith.addf %dot_general3A_29, %add3A_33 : vector<1280x128xf32>
    %max3A_35 = arith.constant 0.000000e+00 : f32
    %max3A_36 = vector.broadcast %max3A_35 : f32 to vector<1280x128xf32>
    %max3A_37 = arith.maximumf %add3A_34, %max3A_36 : vector<1280x128xf32>
    %get3A_38 = arith.constant 0 : index
    %get3A_39 = arith.constant 0 : index
    %get3A_40 = vector.load %arg9[%get3A_38, %get3A_39] : memref<128x128xf32, #tpu.memory_space<vmem>>, vector<128x128xf32>
    %dot_general3A_41 = arith.constant dense<0.000000e+00> : vector<1280x128xf32>
    %dot_general3A_42 = tpu.matmul %max3A_37, %get3A_40, %dot_general3A_41 {dimension_numbers = #tpu.dot_dimension_numbers<[1], [0], [0], [1], [0, 0, 1, 1], [], []>, transpose_lhs_hint = false} : vector<1280x128xf32>, vector<128x128xf32>, vector<1280x128xf32> -> vector<1280x128xf32>
    %get3A_43 = arith.constant 0 : index
    %get3A_44 = arith.constant 0 : index
    %get3A_45 = vector.load %arg10[%get3A_43, %get3A_44] : memref<1x128xf32, #tpu.memory_space<vmem>>, vector<1x128xf32>
    %add3A_46 = vector.broadcast %get3A_45 : vector<1x128xf32> to vector<1280x128xf32>
    %add3A_47 = arith.addf %dot_general3A_42, %add3A_46 : vector<1280x128xf32>
    %get3A_48 = arith.constant 0 : index
    %get3A_49 = arith.constant 0 : index
    %get3A_50 = vector.load %arg11[%get3A_48, %get3A_49] : memref<1x128xf32, #tpu.memory_space<vmem>>, vector<1x128xf32>
    %get3A_51 = arith.constant 0 : index
    %get3A_52 = arith.constant 0 : index
    %get3A_53 = vector.load %arg12[%get3A_51, %get3A_52] : memref<1x128xf32, #tpu.memory_space<vmem>>, vector<1x128xf32>
    %reduce_sum3A = arith.constant dense<0.000000e+00> : vector<1280xf32>
    %reduce_sum3A_54 = vector.multi_reduction <add>, %add3A_47, %reduce_sum3A [1] : vector<1280x128xf32> to vector<1280xf32>
    %broadcast_in_dim3A = vector.shape_cast %reduce_sum3A_54 : vector<1280xf32> to vector<1280x1xf32>
    %div3A = arith.constant 1.280000e+02 : f32
    %div3A_55 = vector.broadcast %div3A : f32 to vector<1280x1xf32>
    %div3A_56 = arith.divf %broadcast_in_dim3A, %div3A_55 : vector<1280x1xf32>
    %sub3A = vector.broadcast %div3A_56 : vector<1280x1xf32> to vector<1280x128xf32>
    %sub3A_57 = arith.subf %add3A_47, %sub3A : vector<1280x128xf32>
    %integer_pow3A = arith.mulf %sub3A_57, %sub3A_57 : vector<1280x128xf32>
    %reduce_sum3A_58 = arith.constant dense<0.000000e+00> : vector<1280xf32>
    %reduce_sum3A_59 = vector.multi_reduction <add>, %integer_pow3A, %reduce_sum3A_58 [1] : vector<1280x128xf32> to vector<1280xf32>
    %broadcast_in_dim3A_60 = vector.shape_cast %reduce_sum3A_59 : vector<1280xf32> to vector<1280x1xf32>
    %div3A_61 = arith.constant 1.280000e+02 : f32
    %div3A_62 = vector.broadcast %div3A_61 : f32 to vector<1280x1xf32>
    %div3A_63 = arith.divf %broadcast_in_dim3A_60, %div3A_62 : vector<1280x1xf32>
    %sub3A_64 = vector.broadcast %div3A_56 : vector<1280x1xf32> to vector<1280x128xf32>
    %sub3A_65 = arith.subf %add3A_47, %sub3A_64 : vector<1280x128xf32>
    %add3A_66 = arith.constant 9.99999974E-6 : f32
    %add3A_67 = vector.broadcast %add3A_66 : f32 to vector<1280x1xf32>
    %add3A_68 = arith.addf %div3A_63, %add3A_67 : vector<1280x1xf32>
    %rsqrt3A = math.rsqrt %add3A_68 : vector<1280x1xf32>
    %mul3A = vector.broadcast %rsqrt3A : vector<1280x1xf32> to vector<1280x128xf32>
    %mul3A_69 = arith.mulf %sub3A_65, %mul3A : vector<1280x128xf32>
    %mul3A_70 = vector.broadcast %get3A_50 : vector<1x128xf32> to vector<1280x128xf32>
    %mul3A_71 = arith.mulf %mul3A_69, %mul3A_70 : vector<1280x128xf32>
    %add3A_72 = vector.broadcast %get3A_53 : vector<1x128xf32> to vector<1280x128xf32>
    %add3A_73 = arith.addf %mul3A_71, %add3A_72 : vector<1280x128xf32>
    %get3A_74 = arith.constant 0 : index
    %get3A_75 = arith.constant 0 : index
    %get3A_76 = vector.load %arg1[%get3A_74, %get3A_75] : memref<1280x128xf32, #tpu.memory_space<vmem>>, vector<1280x128xf32>
    %add3A_77 = arith.addf %get3A_76, %add3A_73 : vector<1280x128xf32>
    %swap3A = arith.constant 0 : index
    %swap3A_78 = arith.constant 0 : index
    %swap3A_79 = vector.load %arg22[%swap3A, %swap3A_78] : memref<1280x128xf32, #tpu.memory_space<vmem>>, vector<1280x128xf32>
    tpu.vector_store %arg22[%swap3A, %swap3A_78], %add3A_77 {strides = array<i32>} : memref<1280x128xf32, #tpu.memory_space<vmem>>, vector<1280x128xf32>,
    %get3A_80 = arith.constant 0 : index
    %get3A_81 = arith.constant 0 : index
    %get3A_82 = vector.load %arg13[%get3A_80, %get3A_81] : memref<128x128xf32, #tpu.memory_space<vmem>>, vector<128x128xf32>
    %dot_general3A_83 = arith.constant dense<0.000000e+00> : vector<1280x128xf32>
    %dot_general3A_84 = tpu.matmul %add3A_77, %get3A_82, %dot_general3A_83 {dimension_numbers = #tpu.dot_dimension_numbers<[1], [0], [0], [1], [0, 0, 1, 1], [], []>, transpose_lhs_hint = false} : vector<1280x128xf32>, vector<128x128xf32>, vector<1280x128xf32> -> vector<1280x128xf32>
    %get3A_85 = arith.constant 0 : index
    %get3A_86 = arith.constant 0 : index
    %get3A_87 = vector.load %arg14[%get3A_85, %get3A_86] : memref<1x128xf32, #tpu.memory_space<vmem>>, vector<1x128xf32>
    %add3A_88 = vector.broadcast %get3A_87 : vector<1x128xf32> to vector<1280x128xf32>
    %add3A_89 = arith.addf %dot_general3A_84, %add3A_88 : vector<1280x128xf32>
    %max3A_90 = arith.constant 0.000000e+00 : f32
    %max3A_91 = vector.broadcast %max3A_90 : f32 to vector<1280x128xf32>
    %max3A_92 = arith.maximumf %add3A_89, %max3A_91 : vector<1280x128xf32>
    %get3A_93 = arith.constant 0 : index
    %get3A_94 = arith.constant 0 : index
    %get3A_95 = vector.load %arg15[%get3A_93, %get3A_94] : memref<128x128xf32, #tpu.memory_space<vmem>>, vector<128x128xf32>
    %dot_general3A_96 = arith.constant dense<0.000000e+00> : vector<1280x128xf32>
    %dot_general3A_97 = tpu.matmul %max3A_92, %get3A_95, %dot_general3A_96 {dimension_numbers = #tpu.dot_dimension_numbers<[1], [0], [0], [1], [0, 0, 1, 1], [], []>, transpose_lhs_hint = false} : vector<1280x128xf32>, vector<128x128xf32>, vector<1280x128xf32> -> vector<1280x128xf32>
    %get3A_98 = arith.constant 0 : index
    %get3A_99 = arith.constant 0 : index
    %get3A_100 = vector.load %arg16[%get3A_98, %get3A_99] : memref<1x128xf32, #tpu.memory_space<vmem>>, vector<1x128xf32>
    %add3A_101 = vector.broadcast %get3A_100 : vector<1x128xf32> to vector<1280x128xf32>
    %add3A_102 = arith.addf %dot_general3A_97, %add3A_101 : vector<1280x128xf32>
    %max3A_103 = arith.constant 0.000000e+00 : f32
    %max3A_104 = vector.broadcast %max3A_103 : f32 to vector<1280x128xf32>
    %max3A_105 = arith.maximumf %add3A_102, %max3A_104 : vector<1280x128xf32>
    %get3A_106 = arith.constant 0 : index
    %get3A_107 = arith.constant 0 : index
    %get3A_108 = vector.load %arg17[%get3A_106, %get3A_107] : memref<128x128xf32, #tpu.memory_space<vmem>>, vector<128x128xf32>
    %dot_general3A_109 = arith.constant dense<0.000000e+00> : vector<1280x128xf32>
    %dot_general3A_110 = tpu.matmul %max3A_105, %get3A_108, %dot_general3A_109 {dimension_numbers = #tpu.dot_dimension_numbers<[1], [0], [0], [1], [0, 0, 1, 1], [], []>, transpose_lhs_hint = false} : vector<1280x128xf32>, vector<128x128xf32>, vector<1280x128xf32> -> vector<1280x128xf32>
    %get3A_111 = arith.constant 0 : index
    %get3A_112 = arith.constant 0 : index
    %get3A_113 = vector.load %arg18[%get3A_111, %get3A_112] : memref<1x128xf32, #tpu.memory_space<vmem>>, vector<1x128xf32>
    %add3A_114 = vector.broadcast %get3A_113 : vector<1x128xf32> to vector<1280x128xf32>
    %add3A_115 = arith.addf %dot_general3A_110, %add3A_114 : vector<1280x128xf32>
    %swap3A_116 = arith.constant 0 : index
    %swap3A_117 = arith.constant 0 : index
    %swap3A_118 = vector.load %arg23[%swap3A_116, %swap3A_117] : memref<1280x128xf32, #tpu.memory_space<vmem>>, vector<1280x128xf32>
    tpu.vector_store %arg23[%swap3A_116, %swap3A_117], %add3A_115 {strides = array<i32>} : memref<1280x128xf32, #tpu.memory_space<vmem>>, vector<1280x128xf32>,
    %get3A_119 = arith.constant 0 : index
    %get3A_120 = arith.constant 0 : index
    %get3A_121 = vector.load %arg19[%get3A_119, %get3A_120] : memref<128x128xf32, #tpu.memory_space<vmem>>, vector<128x128xf32>
    %dot_general3A_122 = arith.constant dense<0.000000e+00> : vector<1280x128xf32>
    %dot_general3A_123 = tpu.matmul %add3A_77, %get3A_121, %dot_general3A_122 {dimension_numbers = #tpu.dot_dimension_numbers<[1], [0], [0], [1], [0, 0, 1, 1], [], []>, transpose_lhs_hint = false} : vector<1280x128xf32>, vector<128x128xf32>, vector<1280x128xf32> -> vector<1280x128xf32>
    %get3A_124 = arith.constant 0 : index
    %get3A_125 = arith.constant 0 : index
    %get3A_126 = vector.load %arg21[%get3A_124, %get3A_125] : memref<1x128xf32, #tpu.memory_space<vmem>>, vector<1x128xf32>
    %add3A_127 = vector.broadcast %get3A_126 : vector<1x128xf32> to vector<1280x128xf32>
    %add3A_128 = arith.addf %dot_general3A_123, %add3A_127 : vector<1280x128xf32>
    %swap3A_129 = arith.constant 0 : index
    %swap3A_130 = arith.constant 0 : index
    %swap3A_131 = vector.load %arg24[%swap3A_129, %swap3A_130] : memref<1280x128xf32, #tpu.memory_space<vmem>>, vector<1280x128xf32>
    tpu.vector_store %arg24[%swap3A_129, %swap3A_130], %add3A_128 {strides = array<i32>} : memref<1280x128xf32, #tpu.memory_space<vmem>>, vector<1280x128xf32>,
    %get3A_132 = arith.constant 0 : index
    %get3A_133 = arith.constant 0 : index
    %get3A_134 = vector.load %arg20[%get3A_132, %get3A_133] : memref<128x128xf32, #tpu.memory_space<vmem>>, vector<128x128xf32>
    %dot_general3A_135 = arith.constant dense<0.000000e+00> : vector<1280x128xf32>
    %dot_general3A_136 = tpu.matmul %add3A_77, %get3A_134, %dot_general3A_135 {dimension_numbers = #tpu.dot_dimension_numbers<[1], [0], [0], [1], [0, 0, 1, 1], [], []>, transpose_lhs_hint = false} : vector<1280x128xf32>, vector<128x128xf32>, vector<1280x128xf32> -> vector<1280x128xf32>
    %swap3A_137 = arith.constant 0 : index
    %swap3A_138 = arith.constant 0 : index
    %swap3A_139 = vector.load %arg25[%swap3A_137, %swap3A_138] : memref<1280x128xf32, #tpu.memory_space<vmem>>, vector<1280x128xf32>
    tpu.vector_store %arg25[%swap3A_137, %swap3A_138], %dot_general3A_136 {strides = array<i32>} : memref<1280x128xf32, #tpu.memory_space<vmem>>, vector<1280x128xf32>,
    return
  }
  func.func @transform_0(%arg0: i32) -> (i32, i32) {
    %c0_i32 = arith.constant 0 : i32
    %c0_i32_0 = arith.constant 0 : i32
    return %arg0, %c0_i32 : i32, i32
  }
  func.func @transform_1(%arg0: i32) -> (i32, i32) {
    %c0_i32 = arith.constant 0 : i32
    %c0_i32_0 = arith.constant 0 : i32
    return %arg0, %c0_i32 : i32, i32
  }
  func.func @transform_2(%arg0: i32) -> (i32, i32) {
    %c0_i32 = arith.constant 0 : i32
    %c0_i32_0 = arith.constant 0 : i32
    return %arg0, %c0_i32 : i32, i32
  }
  func.func @transform_3(%arg0: i32) -> (i32, i32) {
    %c0_i32 = arith.constant 0 : i32
    %c0_i32_0 = arith.constant 0 : i32
    %c0_i32_1 = arith.constant 0 : i32
    return %c0_i32, %c0_i32_0 : i32, i32
  }
  func.func @transform_4(%arg0: i32) -> (i32, i32) {
    %c0_i32 = arith.constant 0 : i32
    %c0_i32_0 = arith.constant 0 : i32
    %c0_i32_1 = arith.constant 0 : i32
    return %c0_i32, %c0_i32_0 : i32, i32
  }
  func.func @transform_5(%arg0: i32) -> (i32, i32) {
    %c0_i32 = arith.constant 0 : i32
    %c0_i32_0 = arith.constant 0 : i32
    %c0_i32_1 = arith.constant 0 : i32
    return %c0_i32, %c0_i32_0 : i32, i32
  }
  func.func @transform_6(%arg0: i32) -> (i32, i32) {
    %c0_i32 = arith.constant 0 : i32
    %c0_i32_0 = arith.constant 0 : i32
    %c0_i32_1 = arith.constant 0 : i32
    return %c0_i32, %c0_i32_0 : i32, i32
  }
  func.func @transform_7(%arg0: i32) -> (i32, i32) {
    %c0_i32 = arith.constant 0 : i32
    %c0_i32_0 = arith.constant 0 : i32
    %c0_i32_1 = arith.constant 0 : i32
    return %c0_i32, %c0_i32_0 : i32, i32
  }
  func.func @transform_8(%arg0: i32) -> (i32, i32) {
    %c0_i32 = arith.constant 0 : i32
    %c0_i32_0 = arith.constant 0 : i32
    %c0_i32_1 = arith.constant 0 : i32
    return %c0_i32, %c0_i32_0 : i32, i32
  }
  func.func @transform_9(%arg0: i32) -> (i32, i32) {
    %c0_i32 = arith.constant 0 : i32
    %c0_i32_0 = arith.constant 0 : i32
    %c0_i32_1 = arith.constant 0 : i32
    return %c0_i32, %c0_i32_0 : i32, i32
  }
  func.func @transform_10(%arg0: i32) -> (i32, i32) {
    %c0_i32 = arith.constant 0 : i32
    %c0_i32_0 = arith.constant 0 : i32
    %c0_i32_1 = arith.constant 0 : i32
    return %c0_i32, %c0_i32_0 : i32, i32
  }
  func.func @transform_11(%arg0: i32) -> (i32, i32) {
    %c0_i32 = arith.constant 0 : i32
    %c0_i32_0 = arith.constant 0 : i32
    %c0_i32_1 = arith.constant 0 : i32
    return %c0_i32, %c0_i32_0 : i32, i32
  }
  func.func @transform_12(%arg0: i32) -> (i32, i32) {
    %c0_i32 = arith.constant 0 : i32
    %c0_i32_0 = arith.constant 0 : i32
    %c0_i32_1 = arith.constant 0 : i32
    return %c0_i32, %c0_i32_0 : i32, i32
  }
  func.func @transform_13(%arg0: i32) -> (i32, i32) {
    %c0_i32 = arith.constant 0 : i32
    %c0_i32_0 = arith.constant 0 : i32
    %c0_i32_1 = arith.constant 0 : i32
    return %c0_i32, %c0_i32_0 : i32, i32
  }
  func.func @transform_14(%arg0: i32) -> (i32, i32) {
    %c0_i32 = arith.constant 0 : i32
    %c0_i32_0 = arith.constant 0 : i32
    %c0_i32_1 = arith.constant 0 : i32
    return %c0_i32, %c0_i32_0 : i32, i32
  }
  func.func @transform_15(%arg0: i32) -> (i32, i32) {
    %c0_i32 = arith.constant 0 : i32
    %c0_i32_0 = arith.constant 0 : i32
    %c0_i32_1 = arith.constant 0 : i32
    return %c0_i32, %c0_i32_0 : i32, i32
  }
  func.func @transform_16(%arg0: i32) -> (i32, i32) {
    %c0_i32 = arith.constant 0 : i32
    %c0_i32_0 = arith.constant 0 : i32
    %c0_i32_1 = arith.constant 0 : i32
    return %c0_i32, %c0_i32_0 : i32, i32
  }
  func.func @transform_17(%arg0: i32) -> (i32, i32) {
    %c0_i32 = arith.constant 0 : i32
    %c0_i32_0 = arith.constant 0 : i32
    %c0_i32_1 = arith.constant 0 : i32
    return %c0_i32, %c0_i32_0 : i32, i32
  }
  func.func @transform_18(%arg0: i32) -> (i32, i32) {
    %c0_i32 = arith.constant 0 : i32
    %c0_i32_0 = arith.constant 0 : i32
    %c0_i32_1 = arith.constant 0 : i32
    return %c0_i32, %c0_i32_0 : i32, i32
  }
  func.func @transform_19(%arg0: i32) -> (i32, i32) {
    %c0_i32 = arith.constant 0 : i32
    %c0_i32_0 = arith.constant 0 : i32
    %c0_i32_1 = arith.constant 0 : i32
    return %c0_i32, %c0_i32_0 : i32, i32
  }
  func.func @transform_20(%arg0: i32) -> (i32, i32) {
    %c0_i32 = arith.constant 0 : i32
    %c0_i32_0 = arith.constant 0 : i32
    %c0_i32_1 = arith.constant 0 : i32
    return %c0_i32, %c0_i32_0 : i32, i32
  }
  func.func @transform_21(%arg0: i32) -> (i32, i32) {
    %c0_i32 = arith.constant 0 : i32
    %c0_i32_0 = arith.constant 0 : i32
    return %arg0, %c0_i32 : i32, i32
  }
  func.func @transform_22(%arg0: i32) -> (i32, i32) {
    %c0_i32 = arith.constant 0 : i32
    %c0_i32_0 = arith.constant 0 : i32
    return %arg0, %c0_i32 : i32, i32
  }
  func.func @transform_23(%arg0: i32) -> (i32, i32) {
    %c0_i32 = arith.constant 0 : i32
    %c0_i32_0 = arith.constant 0 : i32
    return %arg0, %c0_i32 : i32, i32
  }
  func.func @transform_24(%arg0: i32) -> (i32, i32) {
    %c0_i32 = arith.constant 0 : i32
    %c0_i32_0 = arith.constant 0 : i32
    return %arg0, %c0_i32 : i32, i32
  }
}

module attributes {stable_mosaic.version = 14 : i64} {
  func.func @_edge_body(%arg0: i32, %arg1: memref<2048x128xf32, #tpu.memory_space<vmem>>, %arg2: memref<2048x128xf32, #tpu.memory_space<vmem>>, %arg3: memref<128x128xf32, #tpu.memory_space<vmem>>, %arg4: memref<1x128xf32, #tpu.memory_space<vmem>>, %arg5: memref<128x128xf32, #tpu.memory_space<vmem>>, %arg6: memref<1x128xf32, #tpu.memory_space<vmem>>, %arg7: memref<1x128xf32, #tpu.memory_space<vmem>>, %arg8: memref<1x128xf32, #tpu.memory_space<vmem>>, %arg9: memref<128x128xf32, #tpu.memory_space<vmem>>, %arg10: memref<2048x128xf32, #tpu.memory_space<vmem>>) attributes {dimension_semantics = [#tpu.dimension_semantics<arbitrary>], iteration_bounds = array<i64: 158>, scalar_prefetch = 0 : i64, scratch_operands = 0 : i64, tpu.core_type = #tpu.core_type<tc>, window_params = [{transform_indices = @transform_0, window_bounds = array<i64: 2048, 128>}, {transform_indices = @transform_1, window_bounds = array<i64: 2048, 128>}, {pipeline_mode = #tpu.pipeline_mode<synchronous>, transform_indices = @transform_2, window_bounds = array<i64: 128, 128>}, {pipeline_mode = #tpu.pipeline_mode<synchronous>, transform_indices = @transform_3, window_bounds = array<i64: 1, 128>}, {pipeline_mode = #tpu.pipeline_mode<synchronous>, transform_indices = @transform_4, window_bounds = array<i64: 128, 128>}, {pipeline_mode = #tpu.pipeline_mode<synchronous>, transform_indices = @transform_5, window_bounds = array<i64: 1, 128>}, {pipeline_mode = #tpu.pipeline_mode<synchronous>, transform_indices = @transform_6, window_bounds = array<i64: 1, 128>}, {pipeline_mode = #tpu.pipeline_mode<synchronous>, transform_indices = @transform_7, window_bounds = array<i64: 1, 128>}, {pipeline_mode = #tpu.pipeline_mode<synchronous>, transform_indices = @transform_8, window_bounds = array<i64: 128, 128>}, {transform_indices = @transform_9, window_bounds = array<i64: 2048, 128>}]} {
    %get3A = arith.constant 0 : index
    %get3A_0 = arith.constant 0 : index
    %get3A_1 = vector.load %arg1[%get3A, %get3A_0] : memref<2048x128xf32, #tpu.memory_space<vmem>>, vector<2048x128xf32>
    %get3A_2 = arith.constant 0 : index
    %get3A_3 = arith.constant 0 : index
    %get3A_4 = vector.load %arg2[%get3A_2, %get3A_3] : memref<2048x128xf32, #tpu.memory_space<vmem>>, vector<2048x128xf32>
    %add3A = arith.addf %get3A_1, %get3A_4 : vector<2048x128xf32>
    %max3A = arith.constant 0.000000e+00 : f32
    %max3A_5 = vector.broadcast %max3A : f32 to vector<2048x128xf32>
    %max3A_6 = arith.maximumf %add3A, %max3A_5 : vector<2048x128xf32>
    %get3A_7 = arith.constant 0 : index
    %get3A_8 = arith.constant 0 : index
    %get3A_9 = vector.load %arg3[%get3A_7, %get3A_8] : memref<128x128xf32, #tpu.memory_space<vmem>>, vector<128x128xf32>
    %dot_general3A = arith.constant dense<0.000000e+00> : vector<2048x128xf32>
    %dot_general3A_10 = tpu.matmul %max3A_6, %get3A_9, %dot_general3A {dimension_numbers = #tpu.dot_dimension_numbers<[1], [0], [0], [1], [0, 0, 1, 1], [], []>, transpose_lhs_hint = false} : vector<2048x128xf32>, vector<128x128xf32>, vector<2048x128xf32> -> vector<2048x128xf32>
    %get3A_11 = arith.constant 0 : index
    %get3A_12 = arith.constant 0 : index
    %get3A_13 = vector.load %arg4[%get3A_11, %get3A_12] : memref<1x128xf32, #tpu.memory_space<vmem>>, vector<1x128xf32>
    %add3A_14 = vector.broadcast %get3A_13 : vector<1x128xf32> to vector<2048x128xf32>
    %add3A_15 = arith.addf %dot_general3A_10, %add3A_14 : vector<2048x128xf32>
    %max3A_16 = arith.constant 0.000000e+00 : f32
    %max3A_17 = vector.broadcast %max3A_16 : f32 to vector<2048x128xf32>
    %max3A_18 = arith.maximumf %add3A_15, %max3A_17 : vector<2048x128xf32>
    %get3A_19 = arith.constant 0 : index
    %get3A_20 = arith.constant 0 : index
    %get3A_21 = vector.load %arg5[%get3A_19, %get3A_20] : memref<128x128xf32, #tpu.memory_space<vmem>>, vector<128x128xf32>
    %dot_general3A_22 = arith.constant dense<0.000000e+00> : vector<2048x128xf32>
    %dot_general3A_23 = tpu.matmul %max3A_18, %get3A_21, %dot_general3A_22 {dimension_numbers = #tpu.dot_dimension_numbers<[1], [0], [0], [1], [0, 0, 1, 1], [], []>, transpose_lhs_hint = false} : vector<2048x128xf32>, vector<128x128xf32>, vector<2048x128xf32> -> vector<2048x128xf32>
    %get3A_24 = arith.constant 0 : index
    %get3A_25 = arith.constant 0 : index
    %get3A_26 = vector.load %arg6[%get3A_24, %get3A_25] : memref<1x128xf32, #tpu.memory_space<vmem>>, vector<1x128xf32>
    %add3A_27 = vector.broadcast %get3A_26 : vector<1x128xf32> to vector<2048x128xf32>
    %add3A_28 = arith.addf %dot_general3A_23, %add3A_27 : vector<2048x128xf32>
    %get3A_29 = arith.constant 0 : index
    %get3A_30 = arith.constant 0 : index
    %get3A_31 = vector.load %arg7[%get3A_29, %get3A_30] : memref<1x128xf32, #tpu.memory_space<vmem>>, vector<1x128xf32>
    %get3A_32 = arith.constant 0 : index
    %get3A_33 = arith.constant 0 : index
    %get3A_34 = vector.load %arg8[%get3A_32, %get3A_33] : memref<1x128xf32, #tpu.memory_space<vmem>>, vector<1x128xf32>
    %reduce_sum3A = arith.constant dense<0.000000e+00> : vector<2048xf32>
    %reduce_sum3A_35 = vector.multi_reduction <add>, %add3A_28, %reduce_sum3A [1] : vector<2048x128xf32> to vector<2048xf32>
    %broadcast_in_dim3A = vector.shape_cast %reduce_sum3A_35 : vector<2048xf32> to vector<2048x1xf32>
    %div3A = arith.constant 1.280000e+02 : f32
    %div3A_36 = vector.broadcast %div3A : f32 to vector<2048x1xf32>
    %div3A_37 = arith.divf %broadcast_in_dim3A, %div3A_36 : vector<2048x1xf32>
    %sub3A = vector.broadcast %div3A_37 : vector<2048x1xf32> to vector<2048x128xf32>
    %sub3A_38 = arith.subf %add3A_28, %sub3A : vector<2048x128xf32>
    %integer_pow3A = arith.mulf %sub3A_38, %sub3A_38 : vector<2048x128xf32>
    %reduce_sum3A_39 = arith.constant dense<0.000000e+00> : vector<2048xf32>
    %reduce_sum3A_40 = vector.multi_reduction <add>, %integer_pow3A, %reduce_sum3A_39 [1] : vector<2048x128xf32> to vector<2048xf32>
    %broadcast_in_dim3A_41 = vector.shape_cast %reduce_sum3A_40 : vector<2048xf32> to vector<2048x1xf32>
    %div3A_42 = arith.constant 1.280000e+02 : f32
    %div3A_43 = vector.broadcast %div3A_42 : f32 to vector<2048x1xf32>
    %div3A_44 = arith.divf %broadcast_in_dim3A_41, %div3A_43 : vector<2048x1xf32>
    %sub3A_45 = vector.broadcast %div3A_37 : vector<2048x1xf32> to vector<2048x128xf32>
    %sub3A_46 = arith.subf %add3A_28, %sub3A_45 : vector<2048x128xf32>
    %add3A_47 = arith.constant 9.99999974E-6 : f32
    %add3A_48 = vector.broadcast %add3A_47 : f32 to vector<2048x1xf32>
    %add3A_49 = arith.addf %div3A_44, %add3A_48 : vector<2048x1xf32>
    %rsqrt3A = math.rsqrt %add3A_49 : vector<2048x1xf32>
    %mul3A = vector.broadcast %rsqrt3A : vector<2048x1xf32> to vector<2048x128xf32>
    %mul3A_50 = arith.mulf %sub3A_46, %mul3A : vector<2048x128xf32>
    %mul3A_51 = vector.broadcast %get3A_31 : vector<1x128xf32> to vector<2048x128xf32>
    %mul3A_52 = arith.mulf %mul3A_50, %mul3A_51 : vector<2048x128xf32>
    %add3A_53 = vector.broadcast %get3A_34 : vector<1x128xf32> to vector<2048x128xf32>
    %add3A_54 = arith.addf %mul3A_52, %add3A_53 : vector<2048x128xf32>
    %swap3A = arith.constant 0 : index
    %swap3A_55 = arith.constant 0 : index
    %swap3A_56 = vector.load %arg10[%swap3A, %swap3A_55] : memref<2048x128xf32, #tpu.memory_space<vmem>>, vector<2048x128xf32>
    tpu.vector_store %arg10[%swap3A, %swap3A_55], %add3A_54 {strides = array<i32>} : memref<2048x128xf32, #tpu.memory_space<vmem>>, vector<2048x128xf32>,
    return
  }
  func.func @transform_0(%arg0: i32) -> (i32, i32) {
    %c0_i32 = arith.constant 0 : i32
    %c0_i32_0 = arith.constant 0 : i32
    return %arg0, %c0_i32 : i32, i32
  }
  func.func @transform_1(%arg0: i32) -> (i32, i32) {
    %c0_i32 = arith.constant 0 : i32
    %c0_i32_0 = arith.constant 0 : i32
    return %arg0, %c0_i32 : i32, i32
  }
  func.func @transform_2(%arg0: i32) -> (i32, i32) {
    %c0_i32 = arith.constant 0 : i32
    %c0_i32_0 = arith.constant 0 : i32
    %c0_i32_1 = arith.constant 0 : i32
    return %c0_i32, %c0_i32_0 : i32, i32
  }
  func.func @transform_3(%arg0: i32) -> (i32, i32) {
    %c0_i32 = arith.constant 0 : i32
    %c0_i32_0 = arith.constant 0 : i32
    %c0_i32_1 = arith.constant 0 : i32
    return %c0_i32, %c0_i32_0 : i32, i32
  }
  func.func @transform_4(%arg0: i32) -> (i32, i32) {
    %c0_i32 = arith.constant 0 : i32
    %c0_i32_0 = arith.constant 0 : i32
    %c0_i32_1 = arith.constant 0 : i32
    return %c0_i32, %c0_i32_0 : i32, i32
  }
  func.func @transform_5(%arg0: i32) -> (i32, i32) {
    %c0_i32 = arith.constant 0 : i32
    %c0_i32_0 = arith.constant 0 : i32
    %c0_i32_1 = arith.constant 0 : i32
    return %c0_i32, %c0_i32_0 : i32, i32
  }
  func.func @transform_6(%arg0: i32) -> (i32, i32) {
    %c0_i32 = arith.constant 0 : i32
    %c0_i32_0 = arith.constant 0 : i32
    %c0_i32_1 = arith.constant 0 : i32
    return %c0_i32, %c0_i32_0 : i32, i32
  }
  func.func @transform_7(%arg0: i32) -> (i32, i32) {
    %c0_i32 = arith.constant 0 : i32
    %c0_i32_0 = arith.constant 0 : i32
    %c0_i32_1 = arith.constant 0 : i32
    return %c0_i32, %c0_i32_0 : i32, i32
  }
  func.func @transform_8(%arg0: i32) -> (i32, i32) {
    %c0_i32 = arith.constant 0 : i32
    %c0_i32_0 = arith.constant 0 : i32
    %c0_i32_1 = arith.constant 0 : i32
    return %c0_i32, %c0_i32_0 : i32, i32
  }
  func.func @transform_9(%arg0: i32) -> (i32, i32) {
    %c0_i32 = arith.constant 0 : i32
    %c0_i32_0 = arith.constant 0 : i32
    return %arg0, %c0_i32 : i32, i32
  }
}

module attributes {stable_mosaic.version = 14 : i64} {
  func.func @_targets_body(%arg0: i32, %arg1: memref<2000x22xf32, #tpu.memory_space<vmem>>, %arg2: memref<2000x10xf32, #tpu.memory_space<vmem>>) attributes {dimension_semantics = [#tpu.dimension_semantics<arbitrary>], iteration_bounds = array<i64: 5>, scalar_prefetch = 0 : i64, scratch_operands = 0 : i64, tpu.core_type = #tpu.core_type<tc>, window_params = [{transform_indices = @transform_0, window_bounds = array<i64: 2000, 22>}, {transform_indices = @transform_1, window_bounds = array<i64: 2000, 10>}]} {
    %get3A = arith.constant 0 : index
    %get3A_0 = arith.constant 2 : index
    %get3A_1 = vector.load %arg1[%get3A, %get3A_0] : memref<2000x22xf32, #tpu.memory_space<vmem>>, vector<2000x1xf32>
    %get3A_2 = arith.constant 0 : index
    %get3A_3 = arith.constant 3 : index
    %get3A_4 = vector.load %arg1[%get3A_2, %get3A_3] : memref<2000x22xf32, #tpu.memory_space<vmem>>, vector<2000x1xf32>
    %get3A_5 = arith.constant 0 : index
    %get3A_6 = arith.constant 17 : index
    %get3A_7 = vector.load %arg1[%get3A_5, %get3A_6] : memref<2000x22xf32, #tpu.memory_space<vmem>>, vector<2000x1xf32>
    %get3A_8 = arith.constant 0 : index
    %get3A_9 = arith.constant 18 : index
    %get3A_10 = vector.load %arg1[%get3A_8, %get3A_9] : memref<2000x22xf32, #tpu.memory_space<vmem>>, vector<2000x1xf32>
    %sub3A = arith.subf %get3A_10, %get3A_1 : vector<2000x1xf32>
    %div3A = arith.constant 5.000000e+00 : f32
    %div3A_11 = vector.broadcast %div3A : f32 to vector<2000x1xf32>
    %div3A_12 = arith.divf %sub3A, %div3A_11 : vector<2000x1xf32>
    %get3A_13 = arith.constant 0 : index
    %get3A_14 = arith.constant 19 : index
    %get3A_15 = vector.load %arg1[%get3A_13, %get3A_14] : memref<2000x22xf32, #tpu.memory_space<vmem>>, vector<2000x1xf32>
    %sub3A_16 = arith.subf %get3A_15, %get3A_4 : vector<2000x1xf32>
    %div3A_17 = arith.constant 5.000000e+00 : f32
    %div3A_18 = vector.broadcast %div3A_17 : f32 to vector<2000x1xf32>
    %div3A_19 = arith.divf %sub3A_16, %div3A_18 : vector<2000x1xf32>
    %mul3A = arith.constant 1.000000e+00 : f32
    %mul3A_20 = vector.broadcast %mul3A : f32 to vector<2000x1xf32>
    %mul3A_21 = arith.mulf %div3A_12, %mul3A_20 : vector<2000x1xf32>
    %mul3A_22 = arith.mulf %mul3A_21, %get3A_7 : vector<2000x1xf32>
    %add3A = arith.addf %get3A_1, %mul3A_22 : vector<2000x1xf32>
    %mul3A_23 = arith.constant 2.000000e+00 : f32
    %mul3A_24 = vector.broadcast %mul3A_23 : f32 to vector<2000x1xf32>
    %mul3A_25 = arith.mulf %div3A_12, %mul3A_24 : vector<2000x1xf32>
    %mul3A_26 = arith.mulf %mul3A_25, %get3A_7 : vector<2000x1xf32>
    %add3A_27 = arith.addf %get3A_1, %mul3A_26 : vector<2000x1xf32>
    %mul3A_28 = arith.constant 3.000000e+00 : f32
    %mul3A_29 = vector.broadcast %mul3A_28 : f32 to vector<2000x1xf32>
    %mul3A_30 = arith.mulf %div3A_12, %mul3A_29 : vector<2000x1xf32>
    %mul3A_31 = arith.mulf %mul3A_30, %get3A_7 : vector<2000x1xf32>
    %add3A_32 = arith.addf %get3A_1, %mul3A_31 : vector<2000x1xf32>
    %mul3A_33 = arith.constant 4.000000e+00 : f32
    %mul3A_34 = vector.broadcast %mul3A_33 : f32 to vector<2000x1xf32>
    %mul3A_35 = arith.mulf %div3A_12, %mul3A_34 : vector<2000x1xf32>
    %mul3A_36 = arith.mulf %mul3A_35, %get3A_7 : vector<2000x1xf32>
    %add3A_37 = arith.addf %get3A_1, %mul3A_36 : vector<2000x1xf32>
    %mul3A_38 = arith.constant 5.000000e+00 : f32
    %mul3A_39 = vector.broadcast %mul3A_38 : f32 to vector<2000x1xf32>
    %mul3A_40 = arith.mulf %div3A_12, %mul3A_39 : vector<2000x1xf32>
    %mul3A_41 = arith.mulf %mul3A_40, %get3A_7 : vector<2000x1xf32>
    %add3A_42 = arith.addf %get3A_1, %mul3A_41 : vector<2000x1xf32>
    %mul3A_43 = arith.constant 1.000000e+00 : f32
    %mul3A_44 = vector.broadcast %mul3A_43 : f32 to vector<2000x1xf32>
    %mul3A_45 = arith.mulf %div3A_19, %mul3A_44 : vector<2000x1xf32>
    %mul3A_46 = arith.mulf %mul3A_45, %get3A_7 : vector<2000x1xf32>
    %add3A_47 = arith.addf %get3A_4, %mul3A_46 : vector<2000x1xf32>
    %mul3A_48 = arith.constant 2.000000e+00 : f32
    %mul3A_49 = vector.broadcast %mul3A_48 : f32 to vector<2000x1xf32>
    %mul3A_50 = arith.mulf %div3A_19, %mul3A_49 : vector<2000x1xf32>
    %mul3A_51 = arith.mulf %mul3A_50, %get3A_7 : vector<2000x1xf32>
    %add3A_52 = arith.addf %get3A_4, %mul3A_51 : vector<2000x1xf32>
    %mul3A_53 = arith.constant 3.000000e+00 : f32
    %mul3A_54 = vector.broadcast %mul3A_53 : f32 to vector<2000x1xf32>
    %mul3A_55 = arith.mulf %div3A_19, %mul3A_54 : vector<2000x1xf32>
    %mul3A_56 = arith.mulf %mul3A_55, %get3A_7 : vector<2000x1xf32>
    %add3A_57 = arith.addf %get3A_4, %mul3A_56 : vector<2000x1xf32>
    %mul3A_58 = arith.constant 4.000000e+00 : f32
    %mul3A_59 = vector.broadcast %mul3A_58 : f32 to vector<2000x1xf32>
    %mul3A_60 = arith.mulf %div3A_19, %mul3A_59 : vector<2000x1xf32>
    %mul3A_61 = arith.mulf %mul3A_60, %get3A_7 : vector<2000x1xf32>
    %add3A_62 = arith.addf %get3A_4, %mul3A_61 : vector<2000x1xf32>
    %mul3A_63 = arith.constant 5.000000e+00 : f32
    %mul3A_64 = vector.broadcast %mul3A_63 : f32 to vector<2000x1xf32>
    %mul3A_65 = arith.mulf %div3A_19, %mul3A_64 : vector<2000x1xf32>
    %mul3A_66 = arith.mulf %mul3A_65, %get3A_7 : vector<2000x1xf32>
    %add3A_67 = arith.addf %get3A_4, %mul3A_66 : vector<2000x1xf32>
    %concatenate3A = tpu.concatenate %add3A, %add3A_27, %add3A_32, %add3A_37, %add3A_42, %add3A_47, %add3A_52, %add3A_57, %add3A_62, %add3A_67 in 1 : vector<2000x1xf32>, vector<2000x1xf32>, vector<2000x1xf32>, vector<2000x1xf32>, vector<2000x1xf32>, vector<2000x1xf32>, vector<2000x1xf32>, vector<2000x1xf32>, vector<2000x1xf32>, vector<2000x1xf32> -> vector<2000x10xf32>
    %swap3A = arith.constant 0 : index
    %swap3A_68 = arith.constant 0 : index
    %swap3A_69 = vector.load %arg2[%swap3A, %swap3A_68] : memref<2000x10xf32, #tpu.memory_space<vmem>>, vector<2000x10xf32>
    tpu.vector_store %arg2[%swap3A, %swap3A_68], %concatenate3A {strides = array<i32>} : memref<2000x10xf32, #tpu.memory_space<vmem>>, vector<2000x10xf32>,
    return
  }
  func.func @transform_0(%arg0: i32) -> (i32, i32) {
    %c0_i32 = arith.constant 0 : i32
    %c0_i32_0 = arith.constant 0 : i32
    return %arg0, %c0_i32 : i32, i32
  }
  func.func @transform_1(%arg0: i32) -> (i32, i32) {
    %c0_i32 = arith.constant 0 : i32
    %c0_i32_0 = arith.constant 0 : i32
    return %arg0, %c0_i32 : i32, i32
  }
}

module attributes {stable_mosaic.version = 14 : i64} {
  func.func @_node_body(%arg0: i32, %arg1: memref<1280x128xf32, #tpu.memory_space<vmem>>, %arg2: memref<1280x128xf32, #tpu.memory_space<vmem>>, %arg3: memref<1280x128xf32, #tpu.memory_space<vmem>>, %arg4: memref<128x128xf32, #tpu.memory_space<vmem>>, %arg5: memref<128x128xf32, #tpu.memory_space<vmem>>, %arg6: memref<1x128xf32, #tpu.memory_space<vmem>>, %arg7: memref<128x128xf32, #tpu.memory_space<vmem>>, %arg8: memref<1x128xf32, #tpu.memory_space<vmem>>, %arg9: memref<128x128xf32, #tpu.memory_space<vmem>>, %arg10: memref<1x128xf32, #tpu.memory_space<vmem>>, %arg11: memref<1x128xf32, #tpu.memory_space<vmem>>, %arg12: memref<1x128xf32, #tpu.memory_space<vmem>>, %arg13: memref<128x128xf32, #tpu.memory_space<vmem>>, %arg14: memref<1x128xf32, #tpu.memory_space<vmem>>, %arg15: memref<128x128xf32, #tpu.memory_space<vmem>>, %arg16: memref<1x128xf32, #tpu.memory_space<vmem>>, %arg17: memref<128x128xf32, #tpu.memory_space<vmem>>, %arg18: memref<1x128xf32, #tpu.memory_space<vmem>>, %arg19: memref<128x128xf32, #tpu.memory_space<vmem>>, %arg20: memref<128x128xf32, #tpu.memory_space<vmem>>, %arg21: memref<1x128xf32, #tpu.memory_space<vmem>>, %arg22: memref<1280x128xf32, #tpu.memory_space<vmem>>, %arg23: memref<1280x128xf32, #tpu.memory_space<vmem>>, %arg24: memref<1280x128xf32, #tpu.memory_space<vmem>>, %arg25: memref<1280x128xf32, #tpu.memory_space<vmem>>) attributes {dimension_semantics = [#tpu.dimension_semantics<arbitrary>], iteration_bounds = array<i64: 8>, scalar_prefetch = 0 : i64, scratch_operands = 0 : i64, tpu.core_type = #tpu.core_type<tc>, window_params = [{transform_indices = @transform_0, window_bounds = array<i64: 1280, 128>}, {transform_indices = @transform_1, window_bounds = array<i64: 1280, 128>}, {transform_indices = @transform_2, window_bounds = array<i64: 1280, 128>}, {pipeline_mode = #tpu.pipeline_mode<synchronous>, transform_indices = @transform_3, window_bounds = array<i64: 128, 128>}, {pipeline_mode = #tpu.pipeline_mode<synchronous>, transform_indices = @transform_4, window_bounds = array<i64: 128, 128>}, {pipeline_mode = #tpu.pipeline_mode<synchronous>, transform_indices = @transform_5, window_bounds = array<i64: 1, 128>}, {pipeline_mode = #tpu.pipeline_mode<synchronous>, transform_indices = @transform_6, window_bounds = array<i64: 128, 128>}, {pipeline_mode = #tpu.pipeline_mode<synchronous>, transform_indices = @transform_7, window_bounds = array<i64: 1, 128>}, {pipeline_mode = #tpu.pipeline_mode<synchronous>, transform_indices = @transform_8, window_bounds = array<i64: 128, 128>}, {pipeline_mode = #tpu.pipeline_mode<synchronous>, transform_indices = @transform_9, window_bounds = array<i64: 1, 128>}, {pipeline_mode = #tpu.pipeline_mode<synchronous>, transform_indices = @transform_10, window_bounds = array<i64: 1, 128>}, {pipeline_mode = #tpu.pipeline_mode<synchronous>, transform_indices = @transform_11, window_bounds = array<i64: 1, 128>}, {pipeline_mode = #tpu.pipeline_mode<synchronous>, transform_indices = @transform_12, window_bounds = array<i64: 128, 128>}, {pipeline_mode = #tpu.pipeline_mode<synchronous>, transform_indices = @transform_13, window_bounds = array<i64: 1, 128>}, {pipeline_mode = #tpu.pipeline_mode<synchronous>, transform_indices = @transform_14, window_bounds = array<i64: 128, 128>}, {pipeline_mode = #tpu.pipeline_mode<synchronous>, transform_indices = @transform_15, window_bounds = array<i64: 1, 128>}, {pipeline_mode = #tpu.pipeline_mode<synchronous>, transform_indices = @transform_16, window_bounds = array<i64: 128, 128>}, {pipeline_mode = #tpu.pipeline_mode<synchronous>, transform_indices = @transform_17, window_bounds = array<i64: 1, 128>}, {pipeline_mode = #tpu.pipeline_mode<synchronous>, transform_indices = @transform_18, window_bounds = array<i64: 128, 128>}, {pipeline_mode = #tpu.pipeline_mode<synchronous>, transform_indices = @transform_19, window_bounds = array<i64: 128, 128>}, {pipeline_mode = #tpu.pipeline_mode<synchronous>, transform_indices = @transform_20, window_bounds = array<i64: 1, 128>}, {transform_indices = @transform_21, window_bounds = array<i64: 1280, 128>}, {transform_indices = @transform_22, window_bounds = array<i64: 1280, 128>}, {transform_indices = @transform_23, window_bounds = array<i64: 1280, 128>}, {transform_indices = @transform_24, window_bounds = array<i64: 1280, 128>}]} {
    %get3A = arith.constant 0 : index
    %get3A_0 = arith.constant 0 : index
    %get3A_1 = vector.load %arg2[%get3A, %get3A_0] : memref<1280x128xf32, #tpu.memory_space<vmem>>, vector<1280x128xf32>
    %get3A_2 = arith.constant 0 : index
    %get3A_3 = arith.constant 0 : index
    %get3A_4 = vector.load %arg3[%get3A_2, %get3A_3] : memref<1280x128xf32, #tpu.memory_space<vmem>>, vector<1280x128xf32>
    %add3A = arith.addf %get3A_1, %get3A_4 : vector<1280x128xf32>
    %get3A_5 = arith.constant 0 : index
    %get3A_6 = arith.constant 0 : index
    %get3A_7 = vector.load %arg1[%get3A_5, %get3A_6] : memref<1280x128xf32, #tpu.memory_space<vmem>>, vector<1280x128xf32>
    %get3A_8 = arith.constant 0 : index
    %get3A_9 = arith.constant 0 : index
    %get3A_10 = vector.load %arg4[%get3A_8, %get3A_9] : memref<128x128xf32, #tpu.memory_space<vmem>>, vector<128x128xf32>
    %dot_general3A = arith.constant dense<0.000000e+00> : vector<1280x128xf32>
    %dot_general3A_11 = tpu.matmul %get3A_7, %get3A_10, %dot_general3A {dimension_numbers = #tpu.dot_dimension_numbers<[1], [0], [0], [1], [0, 0, 1, 1], [], []>, transpose_lhs_hint = false} : vector<1280x128xf32>, vector<128x128xf32>, vector<1280x128xf32> -> vector<1280x128xf32>
    %get3A_12 = arith.constant 0 : index
    %get3A_13 = arith.constant 0 : index
    %get3A_14 = vector.load %arg5[%get3A_12, %get3A_13] : memref<128x128xf32, #tpu.memory_space<vmem>>, vector<128x128xf32>
    %dot_general3A_15 = arith.constant dense<0.000000e+00> : vector<1280x128xf32>
    %dot_general3A_16 = tpu.matmul %add3A, %get3A_14, %dot_general3A_15 {dimension_numbers = #tpu.dot_dimension_numbers<[1], [0], [0], [1], [0, 0, 1, 1], [], []>, transpose_lhs_hint = false} : vector<1280x128xf32>, vector<128x128xf32>, vector<1280x128xf32> -> vector<1280x128xf32>
    %add3A_17 = arith.addf %dot_general3A_11, %dot_general3A_16 : vector<1280x128xf32>
    %get3A_18 = arith.constant 0 : index
    %get3A_19 = arith.constant 0 : index
    %get3A_20 = vector.load %arg6[%get3A_18, %get3A_19] : memref<1x128xf32, #tpu.memory_space<vmem>>, vector<1x128xf32>
    %add3A_21 = vector.broadcast %get3A_20 : vector<1x128xf32> to vector<1280x128xf32>
    %add3A_22 = arith.addf %add3A_17, %add3A_21 : vector<1280x128xf32>
    %max3A = arith.constant 0.000000e+00 : f32
    %max3A_23 = vector.broadcast %max3A : f32 to vector<1280x128xf32>
    %max3A_24 = arith.maximumf %add3A_22, %max3A_23 : vector<1280x128xf32>
    %get3A_25 = arith.constant 0 : index
    %get3A_26 = arith.constant 0 : index
    %get3A_27 = vector.load %arg7[%get3A_25, %get3A_26] : memref<128x128xf32, #tpu.memory_space<vmem>>, vector<128x128xf32>
    %dot_general3A_28 = arith.constant dense<0.000000e+00> : vector<1280x128xf32>
    %dot_general3A_29 = tpu.matmul %max3A_24, %get3A_27, %dot_general3A_28 {dimension_numbers = #tpu.dot_dimension_numbers<[1], [0], [0], [1], [0, 0, 1, 1], [], []>, transpose_lhs_hint = false} : vector<1280x128xf32>, vector<128x128xf32>, vector<1280x128xf32> -> vector<1280x128xf32>
    %get3A_30 = arith.constant 0 : index
    %get3A_31 = arith.constant 0 : index
    %get3A_32 = vector.load %arg8[%get3A_30, %get3A_31] : memref<1x128xf32, #tpu.memory_space<vmem>>, vector<1x128xf32>
    %add3A_33 = vector.broadcast %get3A_32 : vector<1x128xf32> to vector<1280x128xf32>
    %add3A_34 = arith.addf %dot_general3A_29, %add3A_33 : vector<1280x128xf32>
    %max3A_35 = arith.constant 0.000000e+00 : f32
    %max3A_36 = vector.broadcast %max3A_35 : f32 to vector<1280x128xf32>
    %max3A_37 = arith.maximumf %add3A_34, %max3A_36 : vector<1280x128xf32>
    %get3A_38 = arith.constant 0 : index
    %get3A_39 = arith.constant 0 : index
    %get3A_40 = vector.load %arg9[%get3A_38, %get3A_39] : memref<128x128xf32, #tpu.memory_space<vmem>>, vector<128x128xf32>
    %dot_general3A_41 = arith.constant dense<0.000000e+00> : vector<1280x128xf32>
    %dot_general3A_42 = tpu.matmul %max3A_37, %get3A_40, %dot_general3A_41 {dimension_numbers = #tpu.dot_dimension_numbers<[1], [0], [0], [1], [0, 0, 1, 1], [], []>, transpose_lhs_hint = false} : vector<1280x128xf32>, vector<128x128xf32>, vector<1280x128xf32> -> vector<1280x128xf32>
    %get3A_43 = arith.constant 0 : index
    %get3A_44 = arith.constant 0 : index
    %get3A_45 = vector.load %arg10[%get3A_43, %get3A_44] : memref<1x128xf32, #tpu.memory_space<vmem>>, vector<1x128xf32>
    %add3A_46 = vector.broadcast %get3A_45 : vector<1x128xf32> to vector<1280x128xf32>
    %add3A_47 = arith.addf %dot_general3A_42, %add3A_46 : vector<1280x128xf32>
    %get3A_48 = arith.constant 0 : index
    %get3A_49 = arith.constant 0 : index
    %get3A_50 = vector.load %arg11[%get3A_48, %get3A_49] : memref<1x128xf32, #tpu.memory_space<vmem>>, vector<1x128xf32>
    %get3A_51 = arith.constant 0 : index
    %get3A_52 = arith.constant 0 : index
    %get3A_53 = vector.load %arg12[%get3A_51, %get3A_52] : memref<1x128xf32, #tpu.memory_space<vmem>>, vector<1x128xf32>
    %reduce_sum3A = arith.constant dense<0.000000e+00> : vector<1280xf32>
    %reduce_sum3A_54 = vector.multi_reduction <add>, %add3A_47, %reduce_sum3A [1] : vector<1280x128xf32> to vector<1280xf32>
    %broadcast_in_dim3A = vector.shape_cast %reduce_sum3A_54 : vector<1280xf32> to vector<1280x1xf32>
    %div3A = arith.constant 1.280000e+02 : f32
    %div3A_55 = vector.broadcast %div3A : f32 to vector<1280x1xf32>
    %div3A_56 = arith.divf %broadcast_in_dim3A, %div3A_55 : vector<1280x1xf32>
    %sub3A = vector.broadcast %div3A_56 : vector<1280x1xf32> to vector<1280x128xf32>
    %sub3A_57 = arith.subf %add3A_47, %sub3A : vector<1280x128xf32>
    %integer_pow3A = arith.mulf %sub3A_57, %sub3A_57 : vector<1280x128xf32>
    %reduce_sum3A_58 = arith.constant dense<0.000000e+00> : vector<1280xf32>
    %reduce_sum3A_59 = vector.multi_reduction <add>, %integer_pow3A, %reduce_sum3A_58 [1] : vector<1280x128xf32> to vector<1280xf32>
    %broadcast_in_dim3A_60 = vector.shape_cast %reduce_sum3A_59 : vector<1280xf32> to vector<1280x1xf32>
    %div3A_61 = arith.constant 1.280000e+02 : f32
    %div3A_62 = vector.broadcast %div3A_61 : f32 to vector<1280x1xf32>
    %div3A_63 = arith.divf %broadcast_in_dim3A_60, %div3A_62 : vector<1280x1xf32>
    %sub3A_64 = vector.broadcast %div3A_56 : vector<1280x1xf32> to vector<1280x128xf32>
    %sub3A_65 = arith.subf %add3A_47, %sub3A_64 : vector<1280x128xf32>
    %add3A_66 = arith.constant 9.99999974E-6 : f32
    %add3A_67 = vector.broadcast %add3A_66 : f32 to vector<1280x1xf32>
    %add3A_68 = arith.addf %div3A_63, %add3A_67 : vector<1280x1xf32>
    %rsqrt3A = math.rsqrt %add3A_68 : vector<1280x1xf32>
    %mul3A = vector.broadcast %rsqrt3A : vector<1280x1xf32> to vector<1280x128xf32>
    %mul3A_69 = arith.mulf %sub3A_65, %mul3A : vector<1280x128xf32>
    %mul3A_70 = vector.broadcast %get3A_50 : vector<1x128xf32> to vector<1280x128xf32>
    %mul3A_71 = arith.mulf %mul3A_69, %mul3A_70 : vector<1280x128xf32>
    %add3A_72 = vector.broadcast %get3A_53 : vector<1x128xf32> to vector<1280x128xf32>
    %add3A_73 = arith.addf %mul3A_71, %add3A_72 : vector<1280x128xf32>
    %get3A_74 = arith.constant 0 : index
    %get3A_75 = arith.constant 0 : index
    %get3A_76 = vector.load %arg1[%get3A_74, %get3A_75] : memref<1280x128xf32, #tpu.memory_space<vmem>>, vector<1280x128xf32>
    %add3A_77 = arith.addf %get3A_76, %add3A_73 : vector<1280x128xf32>
    %swap3A = arith.constant 0 : index
    %swap3A_78 = arith.constant 0 : index
    %swap3A_79 = vector.load %arg22[%swap3A, %swap3A_78] : memref<1280x128xf32, #tpu.memory_space<vmem>>, vector<1280x128xf32>
    tpu.vector_store %arg22[%swap3A, %swap3A_78], %add3A_77 {strides = array<i32>} : memref<1280x128xf32, #tpu.memory_space<vmem>>, vector<1280x128xf32>,
    %get3A_80 = arith.constant 0 : index
    %get3A_81 = arith.constant 0 : index
    %get3A_82 = vector.load %arg13[%get3A_80, %get3A_81] : memref<128x128xf32, #tpu.memory_space<vmem>>, vector<128x128xf32>
    %dot_general3A_83 = arith.constant dense<0.000000e+00> : vector<1280x128xf32>
    %dot_general3A_84 = tpu.matmul %add3A_77, %get3A_82, %dot_general3A_83 {dimension_numbers = #tpu.dot_dimension_numbers<[1], [0], [0], [1], [0, 0, 1, 1], [], []>, transpose_lhs_hint = false} : vector<1280x128xf32>, vector<128x128xf32>, vector<1280x128xf32> -> vector<1280x128xf32>
    %get3A_85 = arith.constant 0 : index
    %get3A_86 = arith.constant 0 : index
    %get3A_87 = vector.load %arg14[%get3A_85, %get3A_86] : memref<1x128xf32, #tpu.memory_space<vmem>>, vector<1x128xf32>
    %add3A_88 = vector.broadcast %get3A_87 : vector<1x128xf32> to vector<1280x128xf32>
    %add3A_89 = arith.addf %dot_general3A_84, %add3A_88 : vector<1280x128xf32>
    %max3A_90 = arith.constant 0.000000e+00 : f32
    %max3A_91 = vector.broadcast %max3A_90 : f32 to vector<1280x128xf32>
    %max3A_92 = arith.maximumf %add3A_89, %max3A_91 : vector<1280x128xf32>
    %get3A_93 = arith.constant 0 : index
    %get3A_94 = arith.constant 0 : index
    %get3A_95 = vector.load %arg15[%get3A_93, %get3A_94] : memref<128x128xf32, #tpu.memory_space<vmem>>, vector<128x128xf32>
    %dot_general3A_96 = arith.constant dense<0.000000e+00> : vector<1280x128xf32>
    %dot_general3A_97 = tpu.matmul %max3A_92, %get3A_95, %dot_general3A_96 {dimension_numbers = #tpu.dot_dimension_numbers<[1], [0], [0], [1], [0, 0, 1, 1], [], []>, transpose_lhs_hint = false} : vector<1280x128xf32>, vector<128x128xf32>, vector<1280x128xf32> -> vector<1280x128xf32>
    %get3A_98 = arith.constant 0 : index
    %get3A_99 = arith.constant 0 : index
    %get3A_100 = vector.load %arg16[%get3A_98, %get3A_99] : memref<1x128xf32, #tpu.memory_space<vmem>>, vector<1x128xf32>
    %add3A_101 = vector.broadcast %get3A_100 : vector<1x128xf32> to vector<1280x128xf32>
    %add3A_102 = arith.addf %dot_general3A_97, %add3A_101 : vector<1280x128xf32>
    %max3A_103 = arith.constant 0.000000e+00 : f32
    %max3A_104 = vector.broadcast %max3A_103 : f32 to vector<1280x128xf32>
    %max3A_105 = arith.maximumf %add3A_102, %max3A_104 : vector<1280x128xf32>
    %get3A_106 = arith.constant 0 : index
    %get3A_107 = arith.constant 0 : index
    %get3A_108 = vector.load %arg17[%get3A_106, %get3A_107] : memref<128x128xf32, #tpu.memory_space<vmem>>, vector<128x128xf32>
    %dot_general3A_109 = arith.constant dense<0.000000e+00> : vector<1280x128xf32>
    %dot_general3A_110 = tpu.matmul %max3A_105, %get3A_108, %dot_general3A_109 {dimension_numbers = #tpu.dot_dimension_numbers<[1], [0], [0], [1], [0, 0, 1, 1], [], []>, transpose_lhs_hint = false} : vector<1280x128xf32>, vector<128x128xf32>, vector<1280x128xf32> -> vector<1280x128xf32>
    %get3A_111 = arith.constant 0 : index
    %get3A_112 = arith.constant 0 : index
    %get3A_113 = vector.load %arg18[%get3A_111, %get3A_112] : memref<1x128xf32, #tpu.memory_space<vmem>>, vector<1x128xf32>
    %add3A_114 = vector.broadcast %get3A_113 : vector<1x128xf32> to vector<1280x128xf32>
    %add3A_115 = arith.addf %dot_general3A_110, %add3A_114 : vector<1280x128xf32>
    %swap3A_116 = arith.constant 0 : index
    %swap3A_117 = arith.constant 0 : index
    %swap3A_118 = vector.load %arg23[%swap3A_116, %swap3A_117] : memref<1280x128xf32, #tpu.memory_space<vmem>>, vector<1280x128xf32>
    tpu.vector_store %arg23[%swap3A_116, %swap3A_117], %add3A_115 {strides = array<i32>} : memref<1280x128xf32, #tpu.memory_space<vmem>>, vector<1280x128xf32>,
    %get3A_119 = arith.constant 0 : index
    %get3A_120 = arith.constant 0 : index
    %get3A_121 = vector.load %arg19[%get3A_119, %get3A_120] : memref<128x128xf32, #tpu.memory_space<vmem>>, vector<128x128xf32>
    %dot_general3A_122 = arith.constant dense<0.000000e+00> : vector<1280x128xf32>
    %dot_general3A_123 = tpu.matmul %add3A_77, %get3A_121, %dot_general3A_122 {dimension_numbers = #tpu.dot_dimension_numbers<[1], [0], [0], [1], [0, 0, 1, 1], [], []>, transpose_lhs_hint = false} : vector<1280x128xf32>, vector<128x128xf32>, vector<1280x128xf32> -> vector<1280x128xf32>
    %get3A_124 = arith.constant 0 : index
    %get3A_125 = arith.constant 0 : index
    %get3A_126 = vector.load %arg21[%get3A_124, %get3A_125] : memref<1x128xf32, #tpu.memory_space<vmem>>, vector<1x128xf32>
    %add3A_127 = vector.broadcast %get3A_126 : vector<1x128xf32> to vector<1280x128xf32>
    %add3A_128 = arith.addf %dot_general3A_123, %add3A_127 : vector<1280x128xf32>
    %swap3A_129 = arith.constant 0 : index
    %swap3A_130 = arith.constant 0 : index
    %swap3A_131 = vector.load %arg24[%swap3A_129, %swap3A_130] : memref<1280x128xf32, #tpu.memory_space<vmem>>, vector<1280x128xf32>
    tpu.vector_store %arg24[%swap3A_129, %swap3A_130], %add3A_128 {strides = array<i32>} : memref<1280x128xf32, #tpu.memory_space<vmem>>, vector<1280x128xf32>,
    %get3A_132 = arith.constant 0 : index
    %get3A_133 = arith.constant 0 : index
    %get3A_134 = vector.load %arg20[%get3A_132, %get3A_133] : memref<128x128xf32, #tpu.memory_space<vmem>>, vector<128x128xf32>
    %dot_general3A_135 = arith.constant dense<0.000000e+00> : vector<1280x128xf32>
    %dot_general3A_136 = tpu.matmul %add3A_77, %get3A_134, %dot_general3A_135 {dimension_numbers = #tpu.dot_dimension_numbers<[1], [0], [0], [1], [0, 0, 1, 1], [], []>, transpose_lhs_hint = false} : vector<1280x128xf32>, vector<128x128xf32>, vector<1280x128xf32> -> vector<1280x128xf32>
    %swap3A_137 = arith.constant 0 : index
    %swap3A_138 = arith.constant 0 : index
    %swap3A_139 = vector.load %arg25[%swap3A_137, %swap3A_138] : memref<1280x128xf32, #tpu.memory_space<vmem>>, vector<1280x128xf32>
    tpu.vector_store %arg25[%swap3A_137, %swap3A_138], %dot_general3A_136 {strides = array<i32>} : memref<1280x128xf32, #tpu.memory_space<vmem>>, vector<1280x128xf32>,
    return
  }
  func.func @transform_0(%arg0: i32) -> (i32, i32) {
    %c0_i32 = arith.constant 0 : i32
    %c0_i32_0 = arith.constant 0 : i32
    return %arg0, %c0_i32 : i32, i32
  }
  func.func @transform_1(%arg0: i32) -> (i32, i32) {
    %c0_i32 = arith.constant 0 : i32
    %c0_i32_0 = arith.constant 0 : i32
    return %arg0, %c0_i32 : i32, i32
  }
  func.func @transform_2(%arg0: i32) -> (i32, i32) {
    %c0_i32 = arith.constant 0 : i32
    %c0_i32_0 = arith.constant 0 : i32
    return %arg0, %c0_i32 : i32, i32
  }
  func.func @transform_3(%arg0: i32) -> (i32, i32) {
    %c0_i32 = arith.constant 0 : i32
    %c0_i32_0 = arith.constant 0 : i32
    %c0_i32_1 = arith.constant 0 : i32
    return %c0_i32, %c0_i32_0 : i32, i32
  }
  func.func @transform_4(%arg0: i32) -> (i32, i32) {
    %c0_i32 = arith.constant 0 : i32
    %c0_i32_0 = arith.constant 0 : i32
    %c0_i32_1 = arith.constant 0 : i32
    return %c0_i32, %c0_i32_0 : i32, i32
  }
  func.func @transform_5(%arg0: i32) -> (i32, i32) {
    %c0_i32 = arith.constant 0 : i32
    %c0_i32_0 = arith.constant 0 : i32
    %c0_i32_1 = arith.constant 0 : i32
    return %c0_i32, %c0_i32_0 : i32, i32
  }
  func.func @transform_6(%arg0: i32) -> (i32, i32) {
    %c0_i32 = arith.constant 0 : i32
    %c0_i32_0 = arith.constant 0 : i32
    %c0_i32_1 = arith.constant 0 : i32
    return %c0_i32, %c0_i32_0 : i32, i32
  }
  func.func @transform_7(%arg0: i32) -> (i32, i32) {
    %c0_i32 = arith.constant 0 : i32
    %c0_i32_0 = arith.constant 0 : i32
    %c0_i32_1 = arith.constant 0 : i32
    return %c0_i32, %c0_i32_0 : i32, i32
  }
  func.func @transform_8(%arg0: i32) -> (i32, i32) {
    %c0_i32 = arith.constant 0 : i32
    %c0_i32_0 = arith.constant 0 : i32
    %c0_i32_1 = arith.constant 0 : i32
    return %c0_i32, %c0_i32_0 : i32, i32
  }
  func.func @transform_9(%arg0: i32) -> (i32, i32) {
    %c0_i32 = arith.constant 0 : i32
    %c0_i32_0 = arith.constant 0 : i32
    %c0_i32_1 = arith.constant 0 : i32
    return %c0_i32, %c0_i32_0 : i32, i32
  }
  func.func @transform_10(%arg0: i32) -> (i32, i32) {
    %c0_i32 = arith.constant 0 : i32
    %c0_i32_0 = arith.constant 0 : i32
    %c0_i32_1 = arith.constant 0 : i32
    return %c0_i32, %c0_i32_0 : i32, i32
  }
  func.func @transform_11(%arg0: i32) -> (i32, i32) {
    %c0_i32 = arith.constant 0 : i32
    %c0_i32_0 = arith.constant 0 : i32
    %c0_i32_1 = arith.constant 0 : i32
    return %c0_i32, %c0_i32_0 : i32, i32
  }
  func.func @transform_12(%arg0: i32) -> (i32, i32) {
    %c0_i32 = arith.constant 0 : i32
    %c0_i32_0 = arith.constant 0 : i32
    %c0_i32_1 = arith.constant 0 : i32
    return %c0_i32, %c0_i32_0 : i32, i32
  }
  func.func @transform_13(%arg0: i32) -> (i32, i32) {
    %c0_i32 = arith.constant 0 : i32
    %c0_i32_0 = arith.constant 0 : i32
    %c0_i32_1 = arith.constant 0 : i32
    return %c0_i32, %c0_i32_0 : i32, i32
  }
  func.func @transform_14(%arg0: i32) -> (i32, i32) {
    %c0_i32 = arith.constant 0 : i32
    %c0_i32_0 = arith.constant 0 : i32
    %c0_i32_1 = arith.constant 0 : i32
    return %c0_i32, %c0_i32_0 : i32, i32
  }
  func.func @transform_15(%arg0: i32) -> (i32, i32) {
    %c0_i32 = arith.constant 0 : i32
    %c0_i32_0 = arith.constant 0 : i32
    %c0_i32_1 = arith.constant 0 : i32
    return %c0_i32, %c0_i32_0 : i32, i32
  }
  func.func @transform_16(%arg0: i32) -> (i32, i32) {
    %c0_i32 = arith.constant 0 : i32
    %c0_i32_0 = arith.constant 0 : i32
    %c0_i32_1 = arith.constant 0 : i32
    return %c0_i32, %c0_i32_0 : i32, i32
  }
  func.func @transform_17(%arg0: i32) -> (i32, i32) {
    %c0_i32 = arith.constant 0 : i32
    %c0_i32_0 = arith.constant 0 : i32
    %c0_i32_1 = arith.constant 0 : i32
    return %c0_i32, %c0_i32_0 : i32, i32
  }
  func.func @transform_18(%arg0: i32) -> (i32, i32) {
    %c0_i32 = arith.constant 0 : i32
    %c0_i32_0 = arith.constant 0 : i32
    %c0_i32_1 = arith.constant 0 : i32
    return %c0_i32, %c0_i32_0 : i32, i32
  }
  func.func @transform_19(%arg0: i32) -> (i32, i32) {
    %c0_i32 = arith.constant 0 : i32
    %c0_i32_0 = arith.constant 0 : i32
    %c0_i32_1 = arith.constant 0 : i32
    return %c0_i32, %c0_i32_0 : i32, i32
  }
  func.func @transform_20(%arg0: i32) -> (i32, i32) {
    %c0_i32 = arith.constant 0 : i32
    %c0_i32_0 = arith.constant 0 : i32
    %c0_i32_1 = arith.constant 0 : i32
    return %c0_i32, %c0_i32_0 : i32, i32
  }
  func.func @transform_21(%arg0: i32) -> (i32, i32) {
    %c0_i32 = arith.constant 0 : i32
    %c0_i32_0 = arith.constant 0 : i32
    return %arg0, %c0_i32 : i32, i32
  }
  func.func @transform_22(%arg0: i32) -> (i32, i32) {
    %c0_i32 = arith.constant 0 : i32
    %c0_i32_0 = arith.constant 0 : i32
    return %arg0, %c0_i32 : i32, i32
  }
  func.func @transform_23(%arg0: i32) -> (i32, i32) {
    %c0_i32 = arith.constant 0 : i32
    %c0_i32_0 = arith.constant 0 : i32
    return %arg0, %c0_i32 : i32, i32
  }
  func.func @transform_24(%arg0: i32) -> (i32, i32) {
    %c0_i32 = arith.constant 0 : i32
    %c0_i32_0 = arith.constant 0 : i32
    return %arg0, %c0_i32 : i32, i32
  }
}

</mosaic_0001>

<sc_bundles>
// kernel: kernel.25.cloned.1.call-start
scs
__scs_entry_jumppad:
0x0: {  	(pc) =	sbr.rel $0x88, $3  }
0x1: {  	(tag) =	ssettag $0x0;
	lr =	simm.s32 $0x1  }
0x2: {  	[smem:$0x3F76] =	sst lr;
	_ =	strace $0xD0000000  }
0x3: {  	_ = 	snop  }
0x4: {  	_ = 	snop  }
0x5: {  	_ = 	snop  }
0x6: {  	_ = 	snop  }
0x7: {  	_ = 	snop  }
__scs_overlays_trampoline_lowered:
0x8: {  	[smem:$0x3F85] =	sst s0  }
0x9: {  	[smem:$0x3F86] =	sst s1  }
0xa: {  	[smem:$0x3F87] =	sst s2  }
0xb: {  	[smem:$0x3F88] =	sst s3  }
0xc: {  	[smem:$0x3F89] =	sst s4  }
0xd: {  	[smem:$0x3F8A] =	sst s5  }
0xe: {  	[smem:$0x3F8B] =	sst s6  }
0xf: {  	[smem:$0x3F8C] =	sst s7  }
0x10: {  	[smem:$0x3F8D] =	sst s8  }
0x11: {  	[smem:$0x3F8E] =	sst s9;
	s0 =	simm.s32 @!p0 $0x0  }
0x12: {  	s1 =	sld [smem:$0x3F74];
	s0 =	simm.s32 @p0 $0x1  }
0x13: {  	[smem:$0x3F8F] =	sst s0;
	s0 =	simm.s32 @!p1 $0x0  }
0x14: {  	s2 =	sld [smem:$0x3F73];
	s0 =	simm.s32 @p1 $0x1  }
0x15: {  	[smem:$0x3F90] =	sst s0;
	s0 =	simm.s32 @!p2 $0x0  }
0x16: {  	s3 =	sld [smem:$0x3FDB];
	s0 =	simm.s32 @p2 $0x1  }
0x17: {  	s4 =	simm.s32 $0x1BF5;
	[smem:$0x3F92] =	sst s0  }
0x18: {  	s0 =	sld [smem:$0x3F75];
	_ =	swait.ge [sflag:s4], $0x0  }
0x19: {  	s7 =	sld [smem:$0x3F76]  }
0x1a: {  	s8 =	sadd.s32 $0xFFFFE003, lr  }
0x1b: {  	s9 =	sadd.s32 $0xFFFFFEF7, lr;
	s5 =	simm.s32 $0xFFFFFFFF;
	p2 =	slt.u32 s8, $0xFFFFF086  }
0x1c: {  	p1 =	slt.u32 s9, $0xF7A;
	s5 =	simm.s32 @!p2 $0x0  }
0x1d: {  	s5 =	simm.s32 @p1 $0x1;
	p0 =	seq.s32 s7, s2  }
0x1e: {  	s7 =	smul.u32 @!p0 $0xF7A, s2;
	p2 =	seq.s32 @!p0 s5, $0x0  }
0x1f: {  	s9 =	smul.u32 $0xF7A, s1;
	s8 =	simm.s32 @!p0 $0x1BF5;
	p2 =	por !p2, p0  }
0x20: {  	[sflag:s8] =	ssyncset.s32 @!p0 $0xFFFFF086;
	s6 =	sadd.s32 @!p0 s3, s7;
	s7 =	simm.s32 @!p0 $0x108  }
0x21: {  	s3 =	sadd.s32 s3, s9;
	s6 =	sadd.s32 @!p0 $0x88, s6;
	s7 =	simm.s32 @p2 $0x1082  }
0x22: {  	[simem:s7], [sflag:s8] =	dma.local @!p0 [hbm:s6], $0xF7A  }
0x23: {  	s9 =	sor.u32 $0xD0000000, s2;
	s6 =	simm.s32 $0x108;
	_ =	swait.ge @!p0 [sflag:s8], $0x0  }
0x24: {  	s3 =	sadd.s32 $0x88, s3;
	s6 =	simm.s32 @!p1 $0x1082;
	[sflag:s4] =	ssyncset.s32 $0xFFFFF086  }
0x25: {  	[simem:s6], [sflag:s4] =	dma.local [hbm:s3], $0xF7A  }
0x26: {  	[smem:$0x3F76] =	sst s1;
	(tag) =	ssettag s2;
	_ =	strace s9  }
0x27: {  	s1 =	sld [smem:$0x3F86]  }
0x28: {  	s2 =	sld [smem:$0x3F87]  }
0x29: {  	s4 =	sld [smem:$0x3F89]  }
0x2a: {  	p0 =	seq.s32 s5, $0x0;
	s5 =	sld [smem:$0x3F8A]  }
0x2b: {  	s6 =	sld [smem:$0x3F8B]  }
0x2c: {  	s7 =	sld [smem:$0x3F8C]  }
0x2d: {  	s3 =	simm.s32 $0x108;
	s8 =	sld [smem:$0x3F8D]  }
0x2e: {  	s3 =	simm.s32 @!p0 $0x1082;
	s9 =	sld [smem:$0x3F8E]  }
0x2f: {  	lr =	sadd.s32 s0, s3;
	s0 =	sld [smem:$0x3F85]  }
0x30: {  	s3 =	sld [smem:$0x3F88]  }
0x31: {  	[smem:$0x3F91] =	sst s10  }
0x32: {  	s10 =	sld [smem:$0x3F8F];
	_ =	sdelay $0x3  }
0x33: {  	p0 =	seq.s32 s10, $0x1;
	s10 =	sld [smem:$0x3F91];
	_ =	sdelay $0x3  }
0x34: {  	[smem:$0x3F91] =	sst s10  }
0x35: {  	s10 =	sld [smem:$0x3F90];
	_ =	sdelay $0x3  }
0x36: {  	p1 =	seq.s32 s10, $0x1;
	s10 =	sld [smem:$0x3F91];
	_ =	sdelay $0x3  }
0x37: {  	[smem:$0x3F91] =	sst s10  }
0x38: {  	s10 =	sld [smem:$0x3F92]  }
0x39: {  	_ = 	snop;
	(pc) =	sbr.ind lr, $3  }
0x3a: {  	_ = 	snop  }
0x3b: {  	_ = 	snop  }
0x3c: {  	p2 =	seq.s32 s10, $0x1;
	s10 =	sld [smem:$0x3F91]  }
0x3d: {  	_ =	shalt  }
0x3e: {  	_ =	shalt  }
0x3f: {  	_ =	shalt  }
0x40: {  	_ =	shalt  }
0x41: {  	_ =	shalt  }
0x42: {  	_ =	shalt  }
0x43: {  	_ =	shalt  }
0x44: {  	_ =	shalt  }
0x45: {  	_ =	shalt  }
0x46: {  	_ =	shalt  }
0x47: {  	_ =	shalt  }
0x48: {  	_ =	shalt  }
0x49: {  	_ =	shalt  }
0x4a: {  	_ =	shalt  }
0x4b: {  	_ =	shalt  }
0x4c: {  	_ =	shalt  }
0x4d: {  	_ =	shalt  }
0x4e: {  	_ =	shalt  }
0x4f: {  	_ =	shalt  }
0x50: {  	_ =	shalt  }
0x51: {  	_ =	shalt  }
0x52: {  	_ =	shalt  }
0x53: {  	_ =	shalt  }
0x54: {  	_ =	shalt  }
0x55: {  	_ =	shalt  }
0x56: {  	_ =	shalt  }
0x57: {  	_ =	shalt  }
0x58: {  	_ =	shalt  }
0x59: {  	_ =	shalt  }
0x5a: {  	_ =	shalt  }
0x5b: {  	_ =	shalt  }
0x5c: {  	_ =	shalt  }
0x5d: {  	_ =	shalt  }
0x5e: {  	_ =	shalt  }
0x5f: {  	_ =	shalt  }
0x60: {  	_ =	shalt  }
0x61: {  	_ =	shalt  }
0x62: {  	_ =	shalt  }
0x63: {  	_ =	shalt  }
0x64: {  	_ =	shalt  }
0x65: {  	_ =	shalt  }
0x66: {  	_ =	shalt  }
0x67: {  	_ =	shalt  }
0x68: {  	_ =	shalt  }
0x69: {  	_ =	shalt  }
0x6a: {  	_ =	shalt  }
0x6b: {  	_ =	shalt  }
0x6c: {  	_ =	shalt  }
0x6d: {  	_ =	shalt  }
0x6e: {  	_ =	shalt  }
0x6f: {  	_ =	shalt  }
0x70: {  	_ =	shalt  }
0x71: {  	_ =	shalt  }
0x72: {  	_ =	shalt  }
0x73: {  	_ =	shalt  }
0x74: {  	_ =	shalt  }
0x75: {  	_ =	shalt  }
0x76: {  	_ =	shalt  }
0x77: {  	_ =	shalt  }
0x78: {  	_ =	shalt  }
0x79: {  	_ =	shalt  }
0x7a: {  	_ =	shalt  }
0x7b: {  	_ =	shalt  }
0x7c: {  	_ =	shalt  }
0x7d: {  	_ =	shalt  }
0x7e: {  	_ =	shalt  }
0x7f: {  	_ =	shalt  }
0x80: {  	_ =	shalt  }
0x81: {  	_ =	shalt  }
0x82: {  	_ =	shalt  }
0x83: {  	_ =	shalt  }
0x84: {  	_ =	shalt  }
0x85: {  	_ =	shalt  }
0x86: {  	_ =	shalt  }
0x87: {  	_ =	shalt  }
.Lfunc_end0:
.L_simem_size_0:
called_computation_lowered:
.L_overlay_start_0:
0x88: {  	s2 =	sld [smem:$0x3FD9]  }
0x89: {  	s3 =	sld [smem:$0x3FFE];
	_ =	sdelay $0x1  }
0x8a: {  	s1 =	srdreg.scid  }
0x8b: {  	s0 =	sand.u32 $0x1, s1  }
0x8c: {  	s16 =	sshll.u32 s0, $0xA;
	s2 =	sadd.s32 s3, s2  }
0x8d: {  	s2 =	sadd.s32 s2, s16  }
0x8e: {  	[smem:$0x3F9D] =	sst s2  }
0x8f: {  	_ = 	snop  }
0x90: {  	(tm) =	ssettm $0x1  }
0x91: {  	s17 =	sld [smem:$0x3FFB];
	_ =	sdelay $0x3  }
0x92: {  	_ =	strace s17  }
0x93: {  	s2 =	sld [smem:$0x3FFC];
	_ =	sdelay $0x3  }
0x94: {  	_ =	strace s2  }
0x95: {  	s2 =	sld [smem:$0x3FFD];
	_ =	sdelay $0x3  }
0x96: {  	_ =	strace s2  }
0x97: {  	_ =	strace $0x8FFFFFFF  }
0x98: {  	s18 =	sld [smem:$0x3FDB];
	_ =	sdelay $0x1  }
0x99: {  	s19 =	simm.s32 $_scs_section_size  }
0x9a: {  	s4 =	simm.s32 $_size__tile_overlayer_lowered;
	s5 =	simm.s32 $_tile_overlayer_lowered  }
0x9b: {  	s22 =	simm.s32 $0x1BFF;
	s21 =	sshll.u32 s5, $0x1;
	s2 =	sadd.s32 s19, s18  }
0x9c: {  	s6 =	simm.s32 $0x0;
	s20 =	sshll.u32 s4, $0x1;
	s4 =	sadd.s32 s21, s2  }
0x9d: {  	[timem:s6], [sflag:s22] =	dma.local [hbm:s4], s20  }
0x9e: {  	_ =	swait.ge [sflag:s22], s20  }
0x9f: {  	s3 =	ssub.s32 $0x0, s20;
	[sflag:s22] =	ssyncset.done $0x0  }
0xa0: {  	[sflag:s22] =	ssyncadd.s32 s3;
	_ =	sdelay $0x1  }
0xa1: {  	s23 =	simm.s32 $0x1B8B  }
0xa2: {  	_ =	swait.ge [sflag:s23], $0x1  }
0xa3: {  	[sflag:s23] =	ssyncset.done $0x0  }
0xa4: {  	s25 =	simm.s32 $0x1B8E;
	s24 =	sld [smem:$0x3FFE];
	[sflag:s23] =	ssyncadd.s32 $0xFFFFFFFF  }
0xa5: {  	s26 =	simm.s32 $execute0_lowered;
	[smem:$0x3FD2] =	sst s25  }
0xa6: {  	s4 =	sshll.u32 s26, $0x1;
	_ =	strace $0x80000046;
	[dreg:$0x1] =	wrdreg $0xFFFFFFFF  }
0xa7: {  	s28 =	simm.s32 $_size_execute0_lowered;
	s2 =	sadd.s32 s2, s4;
	[dreg:$0x0] =	wrdreg $0x0  }
0xa8: {  	s4 =	sshll.u32 s28, $0x1;
	[dreg:$0x2] =	wrdreg s2  }
0xa9: {  	[dreg:$0x3] =	wrdreg s4  }
0xaa: {  	[dreg:$0x4] =	wrdreg $0xC0  }
0xab: {  	_ =	task [dreg:s6], $0x5FFFF  }
0xac: {  	[dreg:$0x1] =	wrdreg $0xFFFFFFFF  }
0xad: {  	[dreg:$0x0] =	wrdreg $0x60  }
0xae: {  	[dreg:$0x2] =	wrdreg s24  }
0xaf: {  	[dreg:$0x3] =	wrdreg $0x9  }
0xb0: {  	_ =	task.clear_ibuf [dreg:s6], $0x4FFFF;
	_ =	strace $0x90000046  }
0xb1: {  	s29 =	simm.s32 $0x9;
	_ =	strace $0x80000048  }
0xb2: {  	_ =	swait.ge [sflag:s29], $0x1  }
0xb3: {  	[sflag:s29] =	ssyncadd.s32 $0xFFFFFFFF  }
0xb4: {  	_ =	strace $0x90000048  }
0xb5: {  	_ =	sfence  }
0xb6: {  	s30 =	sld [smem:$0x0];
	_ =	sdelay $0x2  }
0xb7: {  	s31 =	sshll.u32 s1, $0xD;
	s1 =	sshrl.u32 s1, $0x2  }
0xb8: {  	s3 =	sand.u32 $0x4000, s31;
	s1 =	sadd.s32 s1, s30  }
0xb9: {  	s0 =	sor.u32 s3, s0;
	s1 =	sshll.u32 s1, $0x11  }
0xba: {  	s0 =	sor.u32 s1, s0  }
0xbb: {  	s0 =	sadd.s32 $0x8F2B, s0  }
0xbc: {  	[sflag:s0] =	ssyncadd.remote.s32 $0x1  }
0xbd: {  	_ =	sfence.sel $0xFFFF  }
0xbe: {  	[dreg:$0x0] =	wrdreg $0xFFFFFFFF;
	(pc) =	sbr.abs _section_cstart, $3  }
0xbf: {  	[dreg:$0x1] =	wrdreg $0xFFFFFFFF  }
0xc0: {  	_ =	task.clear_ibuf [dreg:s6], $0x2FFFF;
	_ =	strace $0x9FFFFFFF  }
0xc1: {  	(tm) =	ssettm $0x7FFFFFFF  }
tec
execute0_lowered:
.L_overlay_start_1:
0x0: {  	(tag) =	ssettag $0x1  }
0x1: {  	s7 =	rddreg [dreg:$0x0]  }
0x2: {  	s0 =	rddreg [dreg:$0x1]  }
0x3: {  	s1 =	simm.s32 $0x0;
	s4 =	srdreg.scid;
	s13 =	simm.s32 $0x1  }
0x4: {  	s14 =	simm.s32 $0x0;
	[smem:$0x7FF] =	sst s1;
	s2 =	sadd.s32 $0x31600, s7  }
0x5: {  	s3 =	sadd.s32 $0x59600, s7;
	s5 =	sadd.s32 $0x1BE00, s7;
	s6 =	sadd.s32 $0x25E00, s7  }
0x6: {  	s8 =	sand.u32 $0x1, s4;
	s4 =	stileid.u32;
	_ =	strace $0x80000047  }
0x7: {  	s9 =	smul.u32 $0x278000, s8;
	s10 =	ssub.s32 $0x2, s8;
	s8 =	sshll.u32 s8, $0x4  }
0x8: {  	s12 =	smul.u32 $0x27800, s4;
	s11 =	sshrl.u32 s10, $0x1;
	s31 =	sor.u32 s4, s8  }
0x9: {  	s9 =	sadd.s32 s9, s7;
	s10 =	ssub.s32 s10, s11;
	s7 =	smul.u32 $0x2800, s31  }
0xa: {  	s11 =	simm.s32 $0x80;
	s8 =	smax.u32 s10, $0x1;
	s9 =	sadd.s32 s12, s9  }
0xb: {  	s10 =	simm.s32 $0x2;
	s12 =	simm.s32 $0x100;
	s9 =	sadd.s32 $0xA9600, s9  }
.LBB2_1:
0xc: {  	s15 =	sand.u32 $0x3C00, s1  }
0xd: {  	s16 =	sand.u32 $0x380, s1;
	s15 =	sadd.s32 s7, s15  }
0xe: {  	s15 =	sor.u32 s16, s15  }
0xf: {  	s15 =	sshrl.u32 s15, $0x3  }
0x10: {  	s30 =	sadd.s32 s5, s15  }
0x11: {  	[tilespmem:s1], [sflag:$0x2] =	stream.linear.gather [hbm4b:s30+s1], $0x80, $0x38;
	[tilespmem:$0x4100] =	vst v63  }
0x12: {  	_ =	swait.ge [sflag:s10], $0x80  }
0x13: {  	[sflag:s10] =	ssyncset.done $0x0  }
0x14: {  	s15 =	sadd.s32 s6, s15;
	[sflag:s10] =	ssyncadd.s32 $0xFFFFFF80  }
0x15: {  	[tilespmem:s11], [sflag:$0x2] =	stream.linear.gather [hbm4b:s15+s1], $0x80, $0x38;
	[tilespmem:$0x4100] =	vst v63  }
0x16: {  	_ =	swait.ge [sflag:s10], $0x80  }
0x17: {  	[sflag:s10] =	ssyncset.done $0x0  }
0x18: {  	[sflag:s10] =	ssyncadd.s32 $0xFFFFFF80  }
0x19: {  	[tilespmem:s12], [sflag:$0x1] =	stream.indirect.gather [hbm4b:s2+s11], $0x80, s1, s11, $0xb8;
	[tilespmem:$0x4100] =	vst v63  }
0x1a: {  	_ =	swait.ge [sflag:s13], $0x4000  }
0x1b: {  	[sflag:s13] =	ssyncset.done $0x0  }
0x1c: {  	[sflag:s13] =	ssyncadd.s32 $0xFFFFC000  }
0x1d: {  	[tilespmem:s12], [sflag:$0x1] =	stream.indirect.gather.add.f32 [hbm:s3], $0x80, s11, s11, $0xb8;
	[tilespmem:$0x4100] =	vst v63  }
0x1e: {  	_ =	swait.ge [sflag:s13], $0x4000  }
0x1f: {  	s31 =	simm.s32 $0x80;
	[sflag:s13] =	ssyncset.done $0x0  }
0x20: {  	s17 =	sand.u32 $0x3C00, s31;
	s16 =	simm.s32 $0x100;
	[sflag:s13] =	ssyncadd.s32 $0xFFFFC000  }
0x21: {  	[hbm4b:s9+s1] =	stream.linear.scatter [tilespmem:s12], [sflag:$0x2], $0x4000, $0x38;
	[tilespmem:$0x4100] =	vst v63  }
0x22: {  	s17 =	sadd.s32 s7, s17;
	s15 =	sand.u32 $0x380, s31;
	_ =	swait.ge [sflag:s10], $0x4000  }
0x23: {  	s17 =	sor.u32 s15, s17;
	s15 =	sadd.s32 $0x800, s9;
	[sflag:s10] =	ssyncset.done $0x0  }
.LBB2_2:
0x24: {  	s17 =	sshrl.u32 s17, $0x3  }
0x25: {  	[sflag:s10] =	ssyncadd.s32 $0xFFFFC000;
	s18 =	smov.u32 s16;
	s19 =	sadd.s32 $0x80, s16  }
0x26: {  	p0 =	sne.s32 s16, $0x2700;
	s16 =	sadd.s32 s5, s17  }
0x27: {  	[tilespmem:s1], [sflag:$0x2] =	stream.linear.gather [hbm4b:s16+s1], $0x80, $0x38;
	[tilespmem:$0x4100] =	vst v63  }
0x28: {  	_ =	swait.ge [sflag:s10], $0x80  }
0x29: {  	[sflag:s10] =	ssyncset.done $0x0  }
0x2a: {  	s16 =	sadd.s32 s6, s17;
	[sflag:s10] =	ssyncadd.s32 $0xFFFFFF80  }
0x2b: {  	[tilespmem:s11], [sflag:$0x2] =	stream.linear.gather [hbm4b:s16+s1], $0x80, $0x38;
	[tilespmem:$0x4100] =	vst v63  }
0x2c: {  	_ =	swait.ge [sflag:s10], $0x80  }
0x2d: {  	[sflag:s10] =	ssyncset.done $0x0  }
0x2e: {  	[sflag:s10] =	ssyncadd.s32 $0xFFFFFF80  }
0x2f: {  	[tilespmem:s12], [sflag:$0x1] =	stream.indirect.gather [hbm4b:s2+s11], $0x80, s1, s11, $0xb8;
	[tilespmem:$0x4100] =	vst v63  }
0x30: {  	_ =	swait.ge [sflag:s13], $0x4000  }
0x31: {  	[sflag:s13] =	ssyncset.done $0x0  }
0x32: {  	[sflag:s13] =	ssyncadd.s32 $0xFFFFC000  }
0x33: {  	[tilespmem:s12], [sflag:$0x1] =	stream.indirect.gather.add.f32 [hbm:s3], $0x80, s11, s11, $0xb8;
	[tilespmem:$0x4100] =	vst v63  }
0x34: {  	_ =	swait.ge [sflag:s13], $0x4000  }
.Ltmp0:
0x35: {  	s16 =	sand.u32 $0x3C00, s18;
	[sflag:s13] =	ssyncset.done $0x0;
	(pc) =	sbr.rel @p0 .LBB2_2-.Ltmp0, $4  }
0x36: {  	s17 =	sand.u32 $0x380, s18;
	s16 =	sadd.s32 s7, s16;
	[sflag:s13] =	ssyncadd.s32 $0xFFFFC000  }
0x37: {  	[hbm4b:s15+s1] =	stream.linear.scatter [tilespmem:s12], [sflag:$0x2], $0x4000, $0x38;
	[tilespmem:$0x4100] =	vst v63  }
0x38: {  	s17 =	sor.u32 s17, s16;
	_ =	swait.ge [sflag:s10], $0x4000  }
0x39: {  	s16 =	smov.u32 s19;
	s15 =	sadd.s32 $0x800, s15;
	[sflag:s10] =	ssyncset.done $0x0  }
0x3a: {  	s16 =	sshrl.u32 s17, $0x3  }
0x3b: {  	[sflag:s10] =	ssyncadd.s32 $0xFFFFC000;
	s17 =	sadd.s32 s5, s16  }
0x3c: {  	[tilespmem:s1], [sflag:$0x2] =	stream.linear.gather [hbm4b:s17+s1], $0x80, $0x38;
	[tilespmem:$0x4100] =	vst v63  }
0x3d: {  	_ =	swait.ge [sflag:s10], $0x80  }
0x3e: {  	[sflag:s10] =	ssyncset.done $0x0  }
0x3f: {  	s16 =	sadd.s32 s6, s16;
	[sflag:s10] =	ssyncadd.s32 $0xFFFFFF80  }
0x40: {  	[tilespmem:s11], [sflag:$0x2] =	stream.linear.gather [hbm4b:s16+s1], $0x80, $0x38;
	[tilespmem:$0x4100] =	vst v63  }
0x41: {  	_ =	swait.ge [sflag:s10], $0x80  }
0x42: {  	[sflag:s10] =	ssyncset.done $0x0  }
0x43: {  	[sflag:s10] =	ssyncadd.s32 $0xFFFFFF80  }
0x44: {  	[tilespmem:s12], [sflag:$0x1] =	stream.indirect.gather [hbm4b:s2+s11], $0x80, s1, s11, $0xb8;
	[tilespmem:$0x4100] =	vst v63  }
0x45: {  	_ =	swait.ge [sflag:s13], $0x4000  }
0x46: {  	[sflag:s13] =	ssyncset.done $0x0  }
0x47: {  	[sflag:s13] =	ssyncadd.s32 $0xFFFFC000  }
0x48: {  	[tilespmem:s12], [sflag:$0x1] =	stream.indirect.gather.add.f32 [hbm:s3], $0x80, s11, s11, $0xb8;
	[tilespmem:$0x4100] =	vst v63  }
0x49: {  	s14 =	sadd.s32 $0x1, s14;
	_ =	swait.ge [sflag:s13], $0x4000  }
0x4a: {  	p0 =	sne.s32 s14, s8;
	[sflag:s13] =	ssyncset.done $0x0  }
.Ltmp1:
0x4b: {  	[sflag:s13] =	ssyncadd.s32 $0xFFFFC000;
	(pc) =	sbr.rel @p0 .LBB2_1-.Ltmp1, $4  }
0x4c: {  	[hbm4b:s15+s1] =	stream.linear.scatter [tilespmem:s12], [sflag:$0x2], $0x4000, $0x38;
	[tilespmem:$0x4100] =	vst v63  }
0x4d: {  	_ =	swait.ge [sflag:s10], $0x4000  }
0x4e: {  	[sflag:s10] =	ssyncset.done $0x0  }
0x4f: {  	[sflag:s10] =	ssyncadd.s32 $0xFFFFC000  }
0x50: {  	_ =	sfence.sel $0x180000  }
0x51: {  	[bflag:$0x0] =	sbarrier.arrive $0xFFFF  }
0x52: {  	p0 =	sne.s32 s4, $0x0;
	_ =	strace $0x90000047  }
0x53: {  	s0 =	sadd.s32 @!p0 $0x100000, s0;
	[bflag:$0x2] =	sbarrier.arrive $0xFFFF  }
0x54: {  	[sflag:s0] =	ssyncadd.tile.s32 @!p0 $0x1;
	_ =	shalt  }
.Lfunc_end2:
_tile_overlayer_lowered:
.L_overlay_start_2:
0x55: {  	(tag) =	ssettag $0x2  }
0x56: {  	s0 =	rddreg [dreg:$0x0];
	s2 =	stileid.u32  }
0x57: {  	s1 =	rddreg [dreg:$0x1];
	p0 =	sne.s32 s2, $0x0  }
0x58: {  	s3 =	rddreg [dreg:$0x2];
	[bflag:$0x3] =	sbarrier.arrive $0xFFFF;
	s2 =	simm.s32 @!p0 $0x1C02  }
0x59: {  	[timem:s3], [sflag:s2] =	dma.local @!p0 [hbm:s0], s1  }
0x5a: {  	s0 =	simm.s32 @!p0 $0x2  }
0x5b: {  	_ =	swait.ge @!p0 [sflag:s0], s1  }
0x5c: {  	s1 =	ssub.s32 @!p0 $0x0, s1;
	[sflag:s0] =	ssyncset.done @!p0 $0x0  }
0x5d: {  	[sflag:s0] =	ssyncadd.s32 @!p0 s1  }
0x5e: {  	[bflag:$0x3] =	sbarrier.arrive $0xFFFF  }
0x5f: {  	_ =	shalt  }

// kernel: kernel.28.cloned.1.call-start
scs
__scs_entry_jumppad:
0x0: {  	(pc) =	sbr.rel $0x88, $3  }
0x1: {  	(tag) =	ssettag $0x0;
	lr =	simm.s32 $0x1  }
0x2: {  	[smem:$0x3F76] =	sst lr;
	_ =	strace $0xD0000000  }
0x3: {  	_ = 	snop  }
0x4: {  	_ = 	snop  }
0x5: {  	_ = 	snop  }
0x6: {  	_ = 	snop  }
0x7: {  	_ = 	snop  }
__scs_overlays_trampoline_lowered:
0x8: {  	[smem:$0x3F85] =	sst s0  }
0x9: {  	[smem:$0x3F86] =	sst s1  }
0xa: {  	[smem:$0x3F87] =	sst s2  }
0xb: {  	[smem:$0x3F88] =	sst s3  }
0xc: {  	[smem:$0x3F89] =	sst s4  }
0xd: {  	[smem:$0x3F8A] =	sst s5  }
0xe: {  	[smem:$0x3F8B] =	sst s6  }
0xf: {  	[smem:$0x3F8C] =	sst s7  }
0x10: {  	[smem:$0x3F8D] =	sst s8  }
0x11: {  	[smem:$0x3F8E] =	sst s9;
	s0 =	simm.s32 @!p0 $0x0  }
0x12: {  	s1 =	sld [smem:$0x3F74];
	s0 =	simm.s32 @p0 $0x1  }
0x13: {  	[smem:$0x3F8F] =	sst s0;
	s0 =	simm.s32 @!p1 $0x0  }
0x14: {  	s2 =	sld [smem:$0x3F73];
	s0 =	simm.s32 @p1 $0x1  }
0x15: {  	[smem:$0x3F90] =	sst s0;
	s0 =	simm.s32 @!p2 $0x0  }
0x16: {  	s3 =	sld [smem:$0x3FDB];
	s0 =	simm.s32 @p2 $0x1  }
0x17: {  	s4 =	simm.s32 $0x1BF5;
	[smem:$0x3F92] =	sst s0  }
0x18: {  	s0 =	sld [smem:$0x3F75];
	_ =	swait.ge [sflag:s4], $0x0  }
0x19: {  	s7 =	sld [smem:$0x3F76]  }
0x1a: {  	s8 =	sadd.s32 $0xFFFFE003, lr  }
0x1b: {  	s9 =	sadd.s32 $0xFFFFFEF7, lr;
	s5 =	simm.s32 $0xFFFFFFFF;
	p2 =	slt.u32 s8, $0xFFFFF086  }
0x1c: {  	p1 =	slt.u32 s9, $0xF7A;
	s5 =	simm.s32 @!p2 $0x0  }
0x1d: {  	s5 =	simm.s32 @p1 $0x1;
	p0 =	seq.s32 s7, s2  }
0x1e: {  	s7 =	smul.u32 @!p0 $0xF7A, s2;
	p2 =	seq.s32 @!p0 s5, $0x0  }
0x1f: {  	s9 =	smul.u32 $0xF7A, s1;
	s8 =	simm.s32 @!p0 $0x1BF5;
	p2 =	por !p2, p0  }
0x20: {  	[sflag:s8] =	ssyncset.s32 @!p0 $0xFFFFF086;
	s6 =	sadd.s32 @!p0 s3, s7;
	s7 =	simm.s32 @!p0 $0x108  }
0x21: {  	s3 =	sadd.s32 s3, s9;
	s6 =	sadd.s32 @!p0 $0x88, s6;
	s7 =	simm.s32 @p2 $0x1082  }
0x22: {  	[simem:s7], [sflag:s8] =	dma.local @!p0 [hbm:s6], $0xF7A  }
0x23: {  	s9 =	sor.u32 $0xD0000000, s2;
	s6 =	simm.s32 $0x108;
	_ =	swait.ge @!p0 [sflag:s8], $0x0  }
0x24: {  	s3 =	sadd.s32 $0x88, s3;
	s6 =	simm.s32 @!p1 $0x1082;
	[sflag:s4] =	ssyncset.s32 $0xFFFFF086  }
0x25: {  	[simem:s6], [sflag:s4] =	dma.local [hbm:s3], $0xF7A  }
0x26: {  	[smem:$0x3F76] =	sst s1;
	(tag) =	ssettag s2;
	_ =	strace s9  }
0x27: {  	s1 =	sld [smem:$0x3F86]  }
0x28: {  	s2 =	sld [smem:$0x3F87]  }
0x29: {  	s4 =	sld [smem:$0x3F89]  }
0x2a: {  	p0 =	seq.s32 s5, $0x0;
	s5 =	sld [smem:$0x3F8A]  }
0x2b: {  	s6 =	sld [smem:$0x3F8B]  }
0x2c: {  	s7 =	sld [smem:$0x3F8C]  }
0x2d: {  	s3 =	simm.s32 $0x108;
	s8 =	sld [smem:$0x3F8D]  }
0x2e: {  	s3 =	simm.s32 @!p0 $0x1082;
	s9 =	sld [smem:$0x3F8E]  }
0x2f: {  	lr =	sadd.s32 s0, s3;
	s0 =	sld [smem:$0x3F85]  }
0x30: {  	s3 =	sld [smem:$0x3F88]  }
0x31: {  	[smem:$0x3F91] =	sst s10  }
0x32: {  	s10 =	sld [smem:$0x3F8F];
	_ =	sdelay $0x3  }
0x33: {  	p0 =	seq.s32 s10, $0x1;
	s10 =	sld [smem:$0x3F91];
	_ =	sdelay $0x3  }
0x34: {  	[smem:$0x3F91] =	sst s10  }
0x35: {  	s10 =	sld [smem:$0x3F90];
	_ =	sdelay $0x3  }
0x36: {  	p1 =	seq.s32 s10, $0x1;
	s10 =	sld [smem:$0x3F91];
	_ =	sdelay $0x3  }
0x37: {  	[smem:$0x3F91] =	sst s10  }
0x38: {  	s10 =	sld [smem:$0x3F92]  }
0x39: {  	_ = 	snop;
	(pc) =	sbr.ind lr, $3  }
0x3a: {  	_ = 	snop  }
0x3b: {  	_ = 	snop  }
0x3c: {  	p2 =	seq.s32 s10, $0x1;
	s10 =	sld [smem:$0x3F91]  }
0x3d: {  	_ =	shalt  }
0x3e: {  	_ =	shalt  }
0x3f: {  	_ =	shalt  }
0x40: {  	_ =	shalt  }
0x41: {  	_ =	shalt  }
0x42: {  	_ =	shalt  }
0x43: {  	_ =	shalt  }
0x44: {  	_ =	shalt  }
0x45: {  	_ =	shalt  }
0x46: {  	_ =	shalt  }
0x47: {  	_ =	shalt  }
0x48: {  	_ =	shalt  }
0x49: {  	_ =	shalt  }
0x4a: {  	_ =	shalt  }
0x4b: {  	_ =	shalt  }
0x4c: {  	_ =	shalt  }
0x4d: {  	_ =	shalt  }
0x4e: {  	_ =	shalt  }
0x4f: {  	_ =	shalt  }
0x50: {  	_ =	shalt  }
0x51: {  	_ =	shalt  }
0x52: {  	_ =	shalt  }
0x53: {  	_ =	shalt  }
0x54: {  	_ =	shalt  }
0x55: {  	_ =	shalt  }
0x56: {  	_ =	shalt  }
0x57: {  	_ =	shalt  }
0x58: {  	_ =	shalt  }
0x59: {  	_ =	shalt  }
0x5a: {  	_ =	shalt  }
0x5b: {  	_ =	shalt  }
0x5c: {  	_ =	shalt  }
0x5d: {  	_ =	shalt  }
0x5e: {  	_ =	shalt  }
0x5f: {  	_ =	shalt  }
0x60: {  	_ =	shalt  }
0x61: {  	_ =	shalt  }
0x62: {  	_ =	shalt  }
0x63: {  	_ =	shalt  }
0x64: {  	_ =	shalt  }
0x65: {  	_ =	shalt  }
0x66: {  	_ =	shalt  }
0x67: {  	_ =	shalt  }
0x68: {  	_ =	shalt  }
0x69: {  	_ =	shalt  }
0x6a: {  	_ =	shalt  }
0x6b: {  	_ =	shalt  }
0x6c: {  	_ =	shalt  }
0x6d: {  	_ =	shalt  }
0x6e: {  	_ =	shalt  }
0x6f: {  	_ =	shalt  }
0x70: {  	_ =	shalt  }
0x71: {  	_ =	shalt  }
0x72: {  	_ =	shalt  }
0x73: {  	_ =	shalt  }
0x74: {  	_ =	shalt  }
0x75: {  	_ =	shalt  }
0x76: {  	_ =	shalt  }
0x77: {  	_ =	shalt  }
0x78: {  	_ =	shalt  }
0x79: {  	_ =	shalt  }
0x7a: {  	_ =	shalt  }
0x7b: {  	_ =	shalt  }
0x7c: {  	_ =	shalt  }
0x7d: {  	_ =	shalt  }
0x7e: {  	_ =	shalt  }
0x7f: {  	_ =	shalt  }
0x80: {  	_ =	shalt  }
0x81: {  	_ =	shalt  }
0x82: {  	_ =	shalt  }
0x83: {  	_ =	shalt  }
0x84: {  	_ =	shalt  }
0x85: {  	_ =	shalt  }
0x86: {  	_ =	shalt  }
0x87: {  	_ =	shalt  }
.Lfunc_end0:
.L_simem_size_0:
called_computation.1_lowered:
.L_overlay_start_0:
0x88: {  	s2 =	sld [smem:$0x3FD9]  }
0x89: {  	s3 =	sld [smem:$0x3FFE];
	_ =	sdelay $0x1  }
0x8a: {  	s1 =	srdreg.scid  }
0x8b: {  	s0 =	sand.u32 $0x1, s1  }
0x8c: {  	s16 =	sshll.u32 s0, $0xA;
	s2 =	sadd.s32 s3, s2  }
0x8d: {  	s2 =	sadd.s32 s2, s16  }
0x8e: {  	[smem:$0x3F9D] =	sst s2  }
0x8f: {  	_ = 	snop  }
0x90: {  	(tm) =	ssettm $0x1  }
0x91: {  	s17 =	sld [smem:$0x3FFB];
	_ =	sdelay $0x3  }
0x92: {  	_ =	strace s17  }
0x93: {  	s2 =	sld [smem:$0x3FFC];
	_ =	sdelay $0x3  }
0x94: {  	_ =	strace s2  }
0x95: {  	s2 =	sld [smem:$0x3FFD];
	_ =	sdelay $0x3  }
0x96: {  	_ =	strace s2  }
0x97: {  	_ =	strace $0x8FFFFFFF  }
0x98: {  	s18 =	sld [smem:$0x3FDB];
	_ =	sdelay $0x1  }
0x99: {  	s19 =	simm.s32 $_scs_section_size  }
0x9a: {  	s4 =	simm.s32 $_size__tile_overlayer_lowered;
	s5 =	simm.s32 $_tile_overlayer_lowered  }
0x9b: {  	s22 =	simm.s32 $0x1BFF;
	s21 =	sshll.u32 s5, $0x1;
	s2 =	sadd.s32 s19, s18  }
0x9c: {  	s6 =	simm.s32 $0x0;
	s20 =	sshll.u32 s4, $0x1;
	s4 =	sadd.s32 s21, s2  }
0x9d: {  	[timem:s6], [sflag:s22] =	dma.local [hbm:s4], s20  }
0x9e: {  	_ =	swait.ge [sflag:s22], s20  }
0x9f: {  	s3 =	ssub.s32 $0x0, s20;
	[sflag:s22] =	ssyncset.done $0x0  }
0xa0: {  	[sflag:s22] =	ssyncadd.s32 s3;
	_ =	sdelay $0x1  }
0xa1: {  	s23 =	simm.s32 $0x1B8B  }
0xa2: {  	_ =	swait.ge [sflag:s23], $0x1  }
0xa3: {  	[sflag:s23] =	ssyncset.done $0x0  }
0xa4: {  	s25 =	simm.s32 $0x1B8E;
	s24 =	sld [smem:$0x3FFE];
	[sflag:s23] =	ssyncadd.s32 $0xFFFFFFFF  }
0xa5: {  	s26 =	simm.s32 $execute0_lowered;
	[smem:$0x3FD2] =	sst s25  }
0xa6: {  	s4 =	sshll.u32 s26, $0x1;
	_ =	strace $0x80000049;
	[dreg:$0x1] =	wrdreg $0xFFFFFFFF  }
0xa7: {  	s28 =	simm.s32 $_size_execute0_lowered;
	s2 =	sadd.s32 s2, s4;
	[dreg:$0x0] =	wrdreg $0x0  }
0xa8: {  	s4 =	sshll.u32 s28, $0x1;
	[dreg:$0x2] =	wrdreg s2  }
0xa9: {  	[dreg:$0x3] =	wrdreg s4  }
0xaa: {  	[dreg:$0x4] =	wrdreg $0xC0  }
0xab: {  	_ =	task [dreg:s6], $0x5FFFF  }
0xac: {  	[dreg:$0x1] =	wrdreg $0xFFFFFFFF  }
0xad: {  	[dreg:$0x0] =	wrdreg $0x60  }
0xae: {  	[dreg:$0x2] =	wrdreg s24  }
0xaf: {  	[dreg:$0x3] =	wrdreg $0x40800  }
0xb0: {  	[dreg:$0x4] =	wrdreg $0x9  }
0xb1: {  	_ =	task.clear_ibuf [dreg:s6], $0x5FFFF;
	_ =	strace $0x90000049  }
0xb2: {  	s29 =	simm.s32 $0x9;
	_ =	strace $0x8000004B  }
0xb3: {  	_ =	swait.ge [sflag:s29], $0x1  }
0xb4: {  	[sflag:s29] =	ssyncadd.s32 $0xFFFFFFFF  }
0xb5: {  	_ =	strace $0x9000004B  }
0xb6: {  	_ =	sfence  }
0xb7: {  	s30 =	sld [smem:$0x0];
	_ =	sdelay $0x2  }
0xb8: {  	s31 =	sshll.u32 s1, $0xD;
	s1 =	sshrl.u32 s1, $0x2  }
0xb9: {  	s3 =	sand.u32 $0x4000, s31;
	s1 =	sadd.s32 s1, s30  }
0xba: {  	s0 =	sor.u32 s3, s0;
	s1 =	sshll.u32 s1, $0x11  }
0xbb: {  	s0 =	sor.u32 s1, s0  }
0xbc: {  	s0 =	sadd.s32 $0x8F2B, s0  }
0xbd: {  	[sflag:s0] =	ssyncadd.remote.s32 $0x1  }
0xbe: {  	_ =	sfence.sel $0xFFFF  }
0xbf: {  	[dreg:$0x0] =	wrdreg $0xFFFFFFFF;
	(pc) =	sbr.abs _section_cstart, $3  }
0xc0: {  	[dreg:$0x1] =	wrdreg $0xFFFFFFFF  }
0xc1: {  	_ =	task.clear_ibuf [dreg:s6], $0x2FFFF;
	_ =	strace $0x9FFFFFFF  }
0xc2: {  	(tm) =	ssettm $0x7FFFFFFF  }
0xc3: {  	_ =	shalt  }
tec
execute0_lowered:
.L_overlay_start_1:
0x0: {  	(tag) =	ssettag $0x1  }
0x1: {  	s2 =	srdreg.scid  }
0x2: {  	s5 =	rddreg [dreg:$0x0];
	s6 =	sand.u32 $0x1, s2  }
0x3: {  	s2 =	stileid.u32;
	s4 =	smul.u32 $0x278000, s6  }
0x4: {  	s1 =	rddreg [dreg:$0x1];
	s3 =	simm.s32 $0x0;
	s7 =	smul.u32 $0x14000, s2  }
0x5: {  	[smem:$0x7FF] =	sst s3;
	s8 =	smul.u32 $0x140000, s6  }
0x6: {  	s0 =	rddreg [dreg:$0x2];
	_ =	strace $0x8000004A;
	s11 =	smul.u32 $0x50000, s2  }
0x7: {  	s26 =	ssub.s32 $0x2, s6;
	s28 =	sshll.u32 s2, $0x6;
	s29 =	sshll.u32 s6, $0x4  }
0x8: {  	s14 =	smul.u32 $0x27800, s2;
	s12 =	sshrl.u32 s26, $0x1;
	s6 =	sor.u32 $0x1C01, s28  }
0x9: {  	s30 =	sor.u32 s2, s29;
	s9 =	sadd.s32 s4, s5;
	s4 =	sadd.s32 $0x1BE00, s5  }
0xa: {  	s10 =	sshrl.u32 s7, $0x3;
	s7 =	sadd.s32 s7, s8;
	s11 =	sshrl.u32 s11, $0x2  }
0xb: {  	s12 =	ssub.s32 s26, s12;
	s10 =	sadd.s32 s10, s5;
	s7 =	sshrl.u32 s7, $0x3  }
0xc: {  	s11 =	sadd.s32 s11, s1;
	s31 =	sadd.s32 s14, s9;
	s9 =	smax.u32 s12, $0x1  }
0xd: {  	s12 =	simm.s32 $0x1;
	s14 =	simm.s32 $0x0;
	s13 =	sadd.s32 s7, s5  }
0xe: {  	s5 =	sadd.s32 $0x31600, s10;
	s7 =	smul.u32 $0x2800, s30;
	s10 =	sadd.s32 $0x599600, s31  }
0xf: {  	s11 =	sshrl.u32 s11, $0x3;
	s8 =	sadd.s32 $0xA9600, s13;
	s13 =	simm.s32 $0x80  }
.LBB2_1:
0x10: {  	[spmem:s11], [sflag:s6] =	dma.local [hbm:s5], $0x2800  }
0x11: {  	_ =	swait.ge [sflag:s12], $0x2800  }
0x12: {  	[sflag:s12] =	ssyncset.done $0x0  }
0x13: {  	s15 =	sand.u32 $0x3C00, s3;
	[sflag:s12] =	ssyncadd.s32 $0xFFFFD800  }
0x14: {  	s16 =	sand.u32 $0x380, s3;
	s15 =	sadd.s32 s7, s15;
	[bflag:$0x0] =	sbarrier.arrive $0xFFFF  }
0x15: {  	[tilespmem:s13], [sflag:$0x1] =	stream.linear.gather [hbm4b:s10+s3], $0x4000, $0x38;
	[tilespmem:$0x18080] =	vst v63  }
0x16: {  	s15 =	sor.u32 s16, s15;
	_ =	swait.ge [sflag:s12], $0x4000  }
0x17: {  	s15 =	sshrl.u32 s15, $0x3;
	[sflag:s12] =	ssyncset.done $0x0  }
0x18: {  	s15 =	sadd.s32 s4, s15;
	[sflag:s12] =	ssyncadd.s32 $0xFFFFC000  }
0x19: {  	[tilespmem:s3], [sflag:$0x1] =	stream.linear.gather [hbm4b:s15+s3], $0x80, $0x38;
	[tilespmem:$0x18080] =	vst v63  }
0x1a: {  	s31 =	simm.s32 $0x80;
	_ =	swait.ge [sflag:s12], $0x80  }
0x1b: {  	s18 =	simm.s32 $0x100;
	s17 =	sand.u32 $0x380, s31;
	[sflag:s12] =	ssyncset.done $0x0  }
0x1c: {  	s16 =	sadd.s32 $0x800, s10;
	s15 =	sand.u32 $0x3C00, s31;
	[sflag:s12] =	ssyncadd.s32 $0xFFFFFF80  }
.LBB2_2:
0x1d: {  	[spmem:s1] =	stream.indirect.scatter.add.f32 [tilespmem:s13], [sflag:$0x1], $0x80, s3, s13, $0xb8;
	[tilespmem:$0x18080] =	vst v63  }
0x1e: {  	s19 =	smov.u32 s18  }
0x1f: {  	s20 =	sadd.s32 s7, s15;
	s15 =	sand.u32 $0x3C00, s18;
	_ =	swait.ge [sflag:s12], $0x4000  }
0x20: {  	s21 =	sadd.s32 $0x80, s18;
	s17 =	sor.u32 s17, s20;
	[sflag:s12] =	ssyncset.done $0x0  }
0x21: {  	p0 =	sne.s32 s18, $0x2700;
	s17 =	sshrl.u32 s17, $0x3;
	[sflag:s12] =	ssyncadd.s32 $0xFFFFC000  }
0x22: {  	[tilespmem:s13], [sflag:$0x1] =	stream.linear.gather [hbm4b:s16+s3], $0x4000, $0x38;
	[tilespmem:$0x18080] =	vst v63  }
0x23: {  	_ =	swait.ge [sflag:s12], $0x4000  }
0x24: {  	s17 =	sadd.s32 s4, s17;
	[sflag:s12] =	ssyncset.done $0x0  }
.Ltmp0:
0x25: {  	[sflag:s12] =	ssyncadd.s32 $0xFFFFC000;
	(pc) =	sbr.rel @p0 .LBB2_2-.Ltmp0, $4  }
0x26: {  	[tilespmem:s3], [sflag:$0x1] =	stream.linear.gather [hbm4b:s17+s3], $0x80, $0x38;
	[tilespmem:$0x18080] =	vst v63  }
0x27: {  	_ =	swait.ge [sflag:s12], $0x80  }
0x28: {  	s18 =	smov.u32 s21;
	[sflag:s12] =	ssyncset.done $0x0  }
0x29: {  	s16 =	sadd.s32 $0x800, s16;
	s17 =	sand.u32 $0x380, s19;
	[sflag:s12] =	ssyncadd.s32 $0xFFFFFF80  }
0x2a: {  	[spmem:s1] =	stream.indirect.scatter.add.f32 [tilespmem:s13], [sflag:$0x1], $0x80, s3, s13, $0xb8;
	[tilespmem:$0x18080] =	vst v63  }
0x2b: {  	_ =	swait.ge [sflag:s12], $0x4000  }
0x2c: {  	[sflag:s12] =	ssyncset.done $0x0  }
0x2d: {  	s15 =	sadd.s32 s7, s15;
	[sflag:s12] =	ssyncadd.s32 $0xFFFFC000  }
0x2e: {  	[tilespmem:s13], [sflag:$0x1] =	stream.linear.gather [hbm4b:s16+s3], $0x4000, $0x38;
	[tilespmem:$0x18080] =	vst v63  }
0x2f: {  	s15 =	sor.u32 s17, s15;
	_ =	swait.ge [sflag:s12], $0x4000  }
0x30: {  	s15 =	sshrl.u32 s15, $0x3;
	[sflag:s12] =	ssyncset.done $0x0  }
0x31: {  	s15 =	sadd.s32 s4, s15;
	[sflag:s12] =	ssyncadd.s32 $0xFFFFC000  }
0x32: {  	[tilespmem:s3], [sflag:$0x1] =	stream.linear.gather [hbm4b:s15+s3], $0x80, $0x38;
	[tilespmem:$0x18080] =	vst v63  }
0x33: {  	_ =	swait.ge [sflag:s12], $0x80  }
0x34: {  	[sflag:s12] =	ssyncset.done $0x0  }
0x35: {  	[sflag:s12] =	ssyncadd.s32 $0xFFFFFF80  }
0x36: {  	[spmem:s1] =	stream.indirect.scatter.add.f32 [tilespmem:s13], [sflag:$0x1], $0x80, s3, s13, $0xb8;
	[tilespmem:$0x18080] =	vst v63  }
0x37: {  	_ =	swait.ge [sflag:s12], $0x4000  }
0x38: {  	s14 =	sadd.s32 $0x1, s14;
	[sflag:s12] =	ssyncset.done $0x0  }
0x39: {  	p0 =	sne.s32 s14, s9;
	[sflag:s12] =	ssyncadd.s32 $0xFFFFC000  }
.Ltmp1:
0x3a: {  	[bflag:$0x0] =	sbarrier.arrive $0xFFFF;
	(pc) =	sbr.rel @p0 .LBB2_1-.Ltmp1, $4  }
0x3b: {  	[hbm:s8], [sflag:s6] =	dma.local [spmem:s11], $0x2800  }
0x3c: {  	_ =	swait.ge [sflag:s12], $0x2800  }
0x3d: {  	[sflag:s12] =	ssyncset.done $0x0  }
0x3e: {  	[sflag:s12] =	ssyncadd.s32 $0xFFFFD800  }
0x3f: {  	_ =	sfence.sel $0x180000  }
0x40: {  	[bflag:$0x0] =	sbarrier.arrive $0xFFFF  }
0x41: {  	p0 =	sne.s32 s2, $0x0;
	_ =	strace $0x9000004A  }
0x42: {  	s0 =	sadd.s32 @!p0 $0x100000, s0;
	[bflag:$0x2] =	sbarrier.arrive $0xFFFF  }
0x43: {  	[sflag:s0] =	ssyncadd.tile.s32 @!p0 $0x1;
	_ =	shalt  }
.Lfunc_end2:
_tile_overlayer_lowered:
.L_overlay_start_2:
0x44: {  	(tag) =	ssettag $0x2  }
0x45: {  	s0 =	rddreg [dreg:$0x0];
	s2 =	stileid.u32  }
0x46: {  	s1 =	rddreg [dreg:$0x1];
	p0 =	sne.s32 s2, $0x0  }
0x47: {  	s3 =	rddreg [dreg:$0x2];
	[bflag:$0x3] =	sbarrier.arrive $0xFFFF;
	s2 =	simm.s32 @!p0 $0x1C01  }
0x48: {  	[timem:s3], [sflag:s2] =	dma.local @!p0 [hbm:s0], s1  }
0x49: {  	s0 =	simm.s32 @!p0 $0x1  }
0x4a: {  	_ =	swait.ge @!p0 [sflag:s0], s1  }
0x4b: {  	s1 =	ssub.s32 @!p0 $0x0, s1;
	[sflag:s0] =	ssyncset.done @!p0 $0x0  }
0x4c: {  	[sflag:s0] =	ssyncadd.s32 @!p0 s1  }
0x4d: {  	[bflag:$0x3] =	sbarrier.arrive $0xFFFF  }
0x4e: {  	_ =	shalt  }

// kernel: kernel.31.cloned.1.call-start
scs
__scs_entry_jumppad:
0x0: {  	(pc) =	sbr.rel $0x88, $3  }
0x1: {  	(tag) =	ssettag $0x0;
	lr =	simm.s32 $0x1  }
0x2: {  	[smem:$0x3F76] =	sst lr;
	_ =	strace $0xD0000000  }
0x3: {  	_ = 	snop  }
0x4: {  	_ = 	snop  }
0x5: {  	_ = 	snop  }
0x6: {  	_ = 	snop  }
0x7: {  	_ = 	snop  }
__scs_overlays_trampoline_lowered:
0x8: {  	[smem:$0x3F85] =	sst s0  }
0x9: {  	[smem:$0x3F86] =	sst s1  }
0xa: {  	[smem:$0x3F87] =	sst s2  }
0xb: {  	[smem:$0x3F88] =	sst s3  }
0xc: {  	[smem:$0x3F89] =	sst s4  }
0xd: {  	[smem:$0x3F8A] =	sst s5  }
0xe: {  	[smem:$0x3F8B] =	sst s6  }
0xf: {  	[smem:$0x3F8C] =	sst s7  }
0x10: {  	[smem:$0x3F8D] =	sst s8  }
0x11: {  	[smem:$0x3F8E] =	sst s9;
	s0 =	simm.s32 @!p0 $0x0  }
0x12: {  	s1 =	sld [smem:$0x3F74];
	s0 =	simm.s32 @p0 $0x1  }
0x13: {  	[smem:$0x3F8F] =	sst s0;
	s0 =	simm.s32 @!p1 $0x0  }
0x14: {  	s2 =	sld [smem:$0x3F73];
	s0 =	simm.s32 @p1 $0x1  }
0x15: {  	[smem:$0x3F90] =	sst s0;
	s0 =	simm.s32 @!p2 $0x0  }
0x16: {  	s3 =	sld [smem:$0x3FDB];
	s0 =	simm.s32 @p2 $0x1  }
0x17: {  	s4 =	simm.s32 $0x1BF5;
	[smem:$0x3F92] =	sst s0  }
0x18: {  	s0 =	sld [smem:$0x3F75];
	_ =	swait.ge [sflag:s4], $0x0  }
0x19: {  	s7 =	sld [smem:$0x3F76]  }
0x1a: {  	s8 =	sadd.s32 $0xFFFFE003, lr  }
0x1b: {  	s9 =	sadd.s32 $0xFFFFFEF7, lr;
	s5 =	simm.s32 $0xFFFFFFFF;
	p2 =	slt.u32 s8, $0xFFFFF086  }
0x1c: {  	p1 =	slt.u32 s9, $0xF7A;
	s5 =	simm.s32 @!p2 $0x0  }
0x1d: {  	s5 =	simm.s32 @p1 $0x1;
	p0 =	seq.s32 s7, s2  }
0x1e: {  	s7 =	smul.u32 @!p0 $0xF7A, s2;
	p2 =	seq.s32 @!p0 s5, $0x0  }
0x1f: {  	s9 =	smul.u32 $0xF7A, s1;
	s8 =	simm.s32 @!p0 $0x1BF5;
	p2 =	por !p2, p0  }
0x20: {  	[sflag:s8] =	ssyncset.s32 @!p0 $0xFFFFF086;
	s6 =	sadd.s32 @!p0 s3, s7;
	s7 =	simm.s32 @!p0 $0x108  }
0x21: {  	s3 =	sadd.s32 s3, s9;
	s6 =	sadd.s32 @!p0 $0x88, s6;
	s7 =	simm.s32 @p2 $0x1082  }
0x22: {  	[simem:s7], [sflag:s8] =	dma.local @!p0 [hbm:s6], $0xF7A  }
0x23: {  	s9 =	sor.u32 $0xD0000000, s2;
	s6 =	simm.s32 $0x108;
	_ =	swait.ge @!p0 [sflag:s8], $0x0  }
0x24: {  	s3 =	sadd.s32 $0x88, s3;
	s6 =	simm.s32 @!p1 $0x1082;
	[sflag:s4] =	ssyncset.s32 $0xFFFFF086  }
0x25: {  	[simem:s6], [sflag:s4] =	dma.local [hbm:s3], $0xF7A  }
0x26: {  	[smem:$0x3F76] =	sst s1;
	(tag) =	ssettag s2;
	_ =	strace s9  }
0x27: {  	s1 =	sld [smem:$0x3F86]  }
0x28: {  	s2 =	sld [smem:$0x3F87]  }
0x29: {  	s4 =	sld [smem:$0x3F89]  }
0x2a: {  	p0 =	seq.s32 s5, $0x0;
	s5 =	sld [smem:$0x3F8A]  }
0x2b: {  	s6 =	sld [smem:$0x3F8B]  }
0x2c: {  	s7 =	sld [smem:$0x3F8C]  }
0x2d: {  	s3 =	simm.s32 $0x108;
	s8 =	sld [smem:$0x3F8D]  }
0x2e: {  	s3 =	simm.s32 @!p0 $0x1082;
	s9 =	sld [smem:$0x3F8E]  }
0x2f: {  	lr =	sadd.s32 s0, s3;
	s0 =	sld [smem:$0x3F85]  }
0x30: {  	s3 =	sld [smem:$0x3F88]  }
0x31: {  	[smem:$0x3F91] =	sst s10  }
0x32: {  	s10 =	sld [smem:$0x3F8F];
	_ =	sdelay $0x3  }
0x33: {  	p0 =	seq.s32 s10, $0x1;
	s10 =	sld [smem:$0x3F91];
	_ =	sdelay $0x3  }
0x34: {  	[smem:$0x3F91] =	sst s10  }
0x35: {  	s10 =	sld [smem:$0x3F90];
	_ =	sdelay $0x3  }
0x36: {  	p1 =	seq.s32 s10, $0x1;
	s10 =	sld [smem:$0x3F91];
	_ =	sdelay $0x3  }
0x37: {  	[smem:$0x3F91] =	sst s10  }
0x38: {  	s10 =	sld [smem:$0x3F92]  }
0x39: {  	_ = 	snop;
	(pc) =	sbr.ind lr, $3  }
0x3a: {  	_ = 	snop  }
0x3b: {  	_ = 	snop  }
0x3c: {  	p2 =	seq.s32 s10, $0x1;
	s10 =	sld [smem:$0x3F91]  }
0x3d: {  	_ =	shalt  }
0x3e: {  	_ =	shalt  }
0x3f: {  	_ =	shalt  }
0x40: {  	_ =	shalt  }
0x41: {  	_ =	shalt  }
0x42: {  	_ =	shalt  }
0x43: {  	_ =	shalt  }
0x44: {  	_ =	shalt  }
0x45: {  	_ =	shalt  }
0x46: {  	_ =	shalt  }
0x47: {  	_ =	shalt  }
0x48: {  	_ =	shalt  }
0x49: {  	_ =	shalt  }
0x4a: {  	_ =	shalt  }
0x4b: {  	_ =	shalt  }
0x4c: {  	_ =	shalt  }
0x4d: {  	_ =	shalt  }
0x4e: {  	_ =	shalt  }
0x4f: {  	_ =	shalt  }
0x50: {  	_ =	shalt  }
0x51: {  	_ =	shalt  }
0x52: {  	_ =	shalt  }
0x53: {  	_ =	shalt  }
0x54: {  	_ =	shalt  }
0x55: {  	_ =	shalt  }
0x56: {  	_ =	shalt  }
0x57: {  	_ =	shalt  }
0x58: {  	_ =	shalt  }
0x59: {  	_ =	shalt  }
0x5a: {  	_ =	shalt  }
0x5b: {  	_ =	shalt  }
0x5c: {  	_ =	shalt  }
0x5d: {  	_ =	shalt  }
0x5e: {  	_ =	shalt  }
0x5f: {  	_ =	shalt  }
0x60: {  	_ =	shalt  }
0x61: {  	_ =	shalt  }
0x62: {  	_ =	shalt  }
0x63: {  	_ =	shalt  }
0x64: {  	_ =	shalt  }
0x65: {  	_ =	shalt  }
0x66: {  	_ =	shalt  }
0x67: {  	_ =	shalt  }
0x68: {  	_ =	shalt  }
0x69: {  	_ =	shalt  }
0x6a: {  	_ =	shalt  }
0x6b: {  	_ =	shalt  }
0x6c: {  	_ =	shalt  }
0x6d: {  	_ =	shalt  }
0x6e: {  	_ =	shalt  }
0x6f: {  	_ =	shalt  }
0x70: {  	_ =	shalt  }
0x71: {  	_ =	shalt  }
0x72: {  	_ =	shalt  }
0x73: {  	_ =	shalt  }
0x74: {  	_ =	shalt  }
0x75: {  	_ =	shalt  }
0x76: {  	_ =	shalt  }
0x77: {  	_ =	shalt  }
0x78: {  	_ =	shalt  }
0x79: {  	_ =	shalt  }
0x7a: {  	_ =	shalt  }
0x7b: {  	_ =	shalt  }
0x7c: {  	_ =	shalt  }
0x7d: {  	_ =	shalt  }
0x7e: {  	_ =	shalt  }
0x7f: {  	_ =	shalt  }
0x80: {  	_ =	shalt  }
0x81: {  	_ =	shalt  }
0x82: {  	_ =	shalt  }
0x83: {  	_ =	shalt  }
0x84: {  	_ =	shalt  }
0x85: {  	_ =	shalt  }
0x86: {  	_ =	shalt  }
0x87: {  	_ =	shalt  }
.Lfunc_end0:
.L_simem_size_0:
called_computation.2_lowered:
.L_overlay_start_0:
0x88: {  	s2 =	sld [smem:$0x3FD9]  }
0x89: {  	s3 =	sld [smem:$0x3FFE];
	_ =	sdelay $0x1  }
0x8a: {  	s1 =	srdreg.scid  }
0x8b: {  	s0 =	sand.u32 $0x1, s1  }
0x8c: {  	s16 =	sshll.u32 s0, $0xA;
	s2 =	sadd.s32 s3, s2  }
0x8d: {  	s2 =	sadd.s32 s2, s16  }
0x8e: {  	[smem:$0x3F9D] =	sst s2  }
0x8f: {  	_ = 	snop  }
0x90: {  	(tm) =	ssettm $0x1  }
0x91: {  	s17 =	sld [smem:$0x3FFB];
	_ =	sdelay $0x3  }
0x92: {  	_ =	strace s17  }
0x93: {  	s2 =	sld [smem:$0x3FFC];
	_ =	sdelay $0x3  }
0x94: {  	_ =	strace s2  }
0x95: {  	s2 =	sld [smem:$0x3FFD];
	_ =	sdelay $0x3  }
0x96: {  	_ =	strace s2  }
0x97: {  	_ =	strace $0x8FFFFFFF  }
0x98: {  	s18 =	sld [smem:$0x3FDB];
	_ =	sdelay $0x1  }
0x99: {  	s19 =	simm.s32 $_scs_section_size  }
0x9a: {  	s4 =	simm.s32 $_size__tile_overlayer_lowered;
	s5 =	simm.s32 $_tile_overlayer_lowered  }
0x9b: {  	s22 =	simm.s32 $0x1BFF;
	s21 =	sshll.u32 s5, $0x1;
	s2 =	sadd.s32 s19, s18  }
0x9c: {  	s6 =	simm.s32 $0x0;
	s20 =	sshll.u32 s4, $0x1;
	s4 =	sadd.s32 s21, s2  }
0x9d: {  	[timem:s6], [sflag:s22] =	dma.local [hbm:s4], s20  }
0x9e: {  	_ =	swait.ge [sflag:s22], s20  }
0x9f: {  	s3 =	ssub.s32 $0x0, s20;
	[sflag:s22] =	ssyncset.done $0x0  }
0xa0: {  	[sflag:s22] =	ssyncadd.s32 s3;
	_ =	sdelay $0x1  }
0xa1: {  	s23 =	simm.s32 $0x1B8B  }
0xa2: {  	_ =	swait.ge [sflag:s23], $0x1  }
0xa3: {  	[sflag:s23] =	ssyncset.done $0x0  }
0xa4: {  	s25 =	simm.s32 $0x1B8E;
	s24 =	sld [smem:$0x3FFE];
	[sflag:s23] =	ssyncadd.s32 $0xFFFFFFFF  }
0xa5: {  	s26 =	simm.s32 $execute0_lowered;
	[smem:$0x3FD2] =	sst s25  }
0xa6: {  	s4 =	sshll.u32 s26, $0x1;
	_ =	strace $0x8000004C;
	[dreg:$0x1] =	wrdreg $0xFFFFFFFF  }
0xa7: {  	s28 =	simm.s32 $_size_execute0_lowered;
	s2 =	sadd.s32 s2, s4;
	[dreg:$0x0] =	wrdreg $0x0  }
0xa8: {  	s4 =	sshll.u32 s28, $0x1;
	[dreg:$0x2] =	wrdreg s2  }
0xa9: {  	[dreg:$0x3] =	wrdreg s4  }
0xaa: {  	[dreg:$0x4] =	wrdreg $0xC0  }
0xab: {  	_ =	task [dreg:s6], $0x5FFFF  }
0xac: {  	[dreg:$0x1] =	wrdreg $0xFFFFFFFF  }
0xad: {  	[dreg:$0x0] =	wrdreg $0x60  }
0xae: {  	[dreg:$0x2] =	wrdreg s24  }
0xaf: {  	[dreg:$0x3] =	wrdreg $0x9  }
0xb0: {  	_ =	task.clear_ibuf [dreg:s6], $0x4FFFF;
	_ =	strace $0x9000004C  }
0xb1: {  	s29 =	simm.s32 $0x9;
	_ =	strace $0x8000004E  }
0xb2: {  	_ =	swait.ge [sflag:s29], $0x1  }
0xb3: {  	[sflag:s29] =	ssyncadd.s32 $0xFFFFFFFF  }
0xb4: {  	_ =	strace $0x9000004E  }
0xb5: {  	_ =	sfence  }
0xb6: {  	s30 =	sld [smem:$0x0];
	_ =	sdelay $0x2  }
0xb7: {  	s31 =	sshll.u32 s1, $0xD;
	s1 =	sshrl.u32 s1, $0x2  }
0xb8: {  	s3 =	sand.u32 $0x4000, s31;
	s1 =	sadd.s32 s1, s30  }
0xb9: {  	s0 =	sor.u32 s3, s0;
	s1 =	sshll.u32 s1, $0x11  }
0xba: {  	s0 =	sor.u32 s1, s0  }
0xbb: {  	s0 =	sadd.s32 $0x8F2B, s0  }
0xbc: {  	[sflag:s0] =	ssyncadd.remote.s32 $0x1  }
0xbd: {  	_ =	sfence.sel $0xFFFF  }
0xbe: {  	[dreg:$0x0] =	wrdreg $0xFFFFFFFF;
	(pc) =	sbr.abs _section_cstart, $3  }
0xbf: {  	[dreg:$0x1] =	wrdreg $0xFFFFFFFF  }
0xc0: {  	_ =	task.clear_ibuf [dreg:s6], $0x2FFFF;
	_ =	strace $0x9FFFFFFF  }
0xc1: {  	(tm) =	ssettm $0x7FFFFFFF  }
tec
execute0_lowered:
.L_overlay_start_1:
0x0: {  	(tag) =	ssettag $0x1  }
0x1: {  	s7 =	rddreg [dreg:$0x0]  }
0x2: {  	s0 =	rddreg [dreg:$0x1]  }
0x3: {  	s1 =	simm.s32 $0x0;
	s4 =	srdreg.scid;
	s13 =	simm.s32 $0x1  }
0x4: {  	s14 =	simm.s32 $0x0;
	[smem:$0x7FF] =	sst s1;
	s2 =	sadd.s32 $0x5A000, s7  }
0x5: {  	s3 =	sadd.s32 $0x82000, s7;
	s5 =	sadd.s32 $0x1BE00, s7;
	s6 =	sadd.s32 $0x25E00, s7  }
0x6: {  	s8 =	sand.u32 $0x1, s4;
	s4 =	stileid.u32;
	_ =	strace $0x8000004D  }
0x7: {  	s9 =	smul.u32 $0x278000, s8;
	s10 =	ssub.s32 $0x2, s8;
	s8 =	sshll.u32 s8, $0x4  }
0x8: {  	s12 =	smul.u32 $0x27800, s4;
	s11 =	sshrl.u32 s10, $0x1;
	s31 =	sor.u32 s4, s8  }
0x9: {  	s9 =	sadd.s32 s9, s7;
	s10 =	ssub.s32 s10, s11;
	s7 =	smul.u32 $0x2800, s31  }
0xa: {  	s11 =	simm.s32 $0x80;
	s8 =	smax.u32 s10, $0x1;
	s9 =	sadd.s32 s12, s9  }
0xb: {  	s10 =	simm.s32 $0x2;
	s12 =	simm.s32 $0x100;
	s9 =	sadd.s32 $0xFA000, s9  }
.LBB2_1:
0xc: {  	s15 =	sand.u32 $0x3C00, s1  }
0xd: {  	s16 =	sand.u32 $0x380, s1;
	s15 =	sadd.s32 s7, s15  }
0xe: {  	s15 =	sor.u32 s16, s15  }
0xf: {  	s15 =	sshrl.u32 s15, $0x3  }
0x10: {  	s30 =	sadd.s32 s5, s15  }
0x11: {  	[tilespmem:s1], [sflag:$0x2] =	stream.linear.gather [hbm4b:s30+s1], $0x80, $0x38;
	[tilespmem:$0x4100] =	vst v63  }
0x12: {  	_ =	swait.ge [sflag:s10], $0x80  }
0x13: {  	[sflag:s10] =	ssyncset.done $0x0  }
0x14: {  	s15 =	sadd.s32 s6, s15;
	[sflag:s10] =	ssyncadd.s32 $0xFFFFFF80  }
0x15: {  	[tilespmem:s11], [sflag:$0x2] =	stream.linear.gather [hbm4b:s15+s1], $0x80, $0x38;
	[tilespmem:$0x4100] =	vst v63  }
0x16: {  	_ =	swait.ge [sflag:s10], $0x80  }
0x17: {  	[sflag:s10] =	ssyncset.done $0x0  }
0x18: {  	[sflag:s10] =	ssyncadd.s32 $0xFFFFFF80  }
0x19: {  	[tilespmem:s12], [sflag:$0x1] =	stream.indirect.gather [hbm4b:s2+s11], $0x80, s1, s11, $0xb8;
	[tilespmem:$0x4100] =	vst v63  }
0x1a: {  	_ =	swait.ge [sflag:s13], $0x4000  }
0x1b: {  	[sflag:s13] =	ssyncset.done $0x0  }
0x1c: {  	[sflag:s13] =	ssyncadd.s32 $0xFFFFC000  }
0x1d: {  	[tilespmem:s12], [sflag:$0x1] =	stream.indirect.gather.add.f32 [hbm:s3], $0x80, s11, s11, $0xb8;
	[tilespmem:$0x4100] =	vst v63  }
0x1e: {  	_ =	swait.ge [sflag:s13], $0x4000  }
0x1f: {  	s31 =	simm.s32 $0x80;
	[sflag:s13] =	ssyncset.done $0x0  }
0x20: {  	s17 =	sand.u32 $0x3C00, s31;
	s16 =	simm.s32 $0x100;
	[sflag:s13] =	ssyncadd.s32 $0xFFFFC000  }
0x21: {  	[hbm4b:s9+s1] =	stream.linear.scatter [tilespmem:s12], [sflag:$0x2], $0x4000, $0x38;
	[tilespmem:$0x4100] =	vst v63  }
0x22: {  	s17 =	sadd.s32 s7, s17;
	s15 =	sand.u32 $0x380, s31;
	_ =	swait.ge [sflag:s10], $0x4000  }
0x23: {  	s17 =	sor.u32 s15, s17;
	s15 =	sadd.s32 $0x800, s9;
	[sflag:s10] =	ssyncset.done $0x0  }
.LBB2_2:
0x24: {  	s17 =	sshrl.u32 s17, $0x3  }
0x25: {  	[sflag:s10] =	ssyncadd.s32 $0xFFFFC000;
	s18 =	smov.u32 s16;
	s19 =	sadd.s32 $0x80, s16  }
0x26: {  	p0 =	sne.s32 s16, $0x2700;
	s16 =	sadd.s32 s5, s17  }
0x27: {  	[tilespmem:s1], [sflag:$0x2] =	stream.linear.gather [hbm4b:s16+s1], $0x80, $0x38;
	[tilespmem:$0x4100] =	vst v63  }
0x28: {  	_ =	swait.ge [sflag:s10], $0x80  }
0x29: {  	[sflag:s10] =	ssyncset.done $0x0  }
0x2a: {  	s16 =	sadd.s32 s6, s17;
	[sflag:s10] =	ssyncadd.s32 $0xFFFFFF80  }
0x2b: {  	[tilespmem:s11], [sflag:$0x2] =	stream.linear.gather [hbm4b:s16+s1], $0x80, $0x38;
	[tilespmem:$0x4100] =	vst v63  }
0x2c: {  	_ =	swait.ge [sflag:s10], $0x80  }
0x2d: {  	[sflag:s10] =	ssyncset.done $0x0  }
0x2e: {  	[sflag:s10] =	ssyncadd.s32 $0xFFFFFF80  }
0x2f: {  	[tilespmem:s12], [sflag:$0x1] =	stream.indirect.gather [hbm4b:s2+s11], $0x80, s1, s11, $0xb8;
	[tilespmem:$0x4100] =	vst v63  }
0x30: {  	_ =	swait.ge [sflag:s13], $0x4000  }
0x31: {  	[sflag:s13] =	ssyncset.done $0x0  }
0x32: {  	[sflag:s13] =	ssyncadd.s32 $0xFFFFC000  }
0x33: {  	[tilespmem:s12], [sflag:$0x1] =	stream.indirect.gather.add.f32 [hbm:s3], $0x80, s11, s11, $0xb8;
	[tilespmem:$0x4100] =	vst v63  }
0x34: {  	_ =	swait.ge [sflag:s13], $0x4000  }
.Ltmp0:
0x35: {  	s16 =	sand.u32 $0x3C00, s18;
	[sflag:s13] =	ssyncset.done $0x0;
	(pc) =	sbr.rel @p0 .LBB2_2-.Ltmp0, $4  }
0x36: {  	s17 =	sand.u32 $0x380, s18;
	s16 =	sadd.s32 s7, s16;
	[sflag:s13] =	ssyncadd.s32 $0xFFFFC000  }
0x37: {  	[hbm4b:s15+s1] =	stream.linear.scatter [tilespmem:s12], [sflag:$0x2], $0x4000, $0x38;
	[tilespmem:$0x4100] =	vst v63  }
0x38: {  	s17 =	sor.u32 s17, s16;
	_ =	swait.ge [sflag:s10], $0x4000  }
0x39: {  	s16 =	smov.u32 s19;
	s15 =	sadd.s32 $0x800, s15;
	[sflag:s10] =	ssyncset.done $0x0  }
0x3a: {  	s16 =	sshrl.u32 s17, $0x3  }
0x3b: {  	[sflag:s10] =	ssyncadd.s32 $0xFFFFC000;
	s17 =	sadd.s32 s5, s16  }
0x3c: {  	[tilespmem:s1], [sflag:$0x2] =	stream.linear.gather [hbm4b:s17+s1], $0x80, $0x38;
	[tilespmem:$0x4100] =	vst v63  }
0x3d: {  	_ =	swait.ge [sflag:s10], $0x80  }
0x3e: {  	[sflag:s10] =	ssyncset.done $0x0  }
0x3f: {  	s16 =	sadd.s32 s6, s16;
	[sflag:s10] =	ssyncadd.s32 $0xFFFFFF80  }
0x40: {  	[tilespmem:s11], [sflag:$0x2] =	stream.linear.gather [hbm4b:s16+s1], $0x80, $0x38;
	[tilespmem:$0x4100] =	vst v63  }
0x41: {  	_ =	swait.ge [sflag:s10], $0x80  }
0x42: {  	[sflag:s10] =	ssyncset.done $0x0  }
0x43: {  	[sflag:s10] =	ssyncadd.s32 $0xFFFFFF80  }
0x44: {  	[tilespmem:s12], [sflag:$0x1] =	stream.indirect.gather [hbm4b:s2+s11], $0x80, s1, s11, $0xb8;
	[tilespmem:$0x4100] =	vst v63  }
0x45: {  	_ =	swait.ge [sflag:s13], $0x4000  }
0x46: {  	[sflag:s13] =	ssyncset.done $0x0  }
0x47: {  	[sflag:s13] =	ssyncadd.s32 $0xFFFFC000  }
0x48: {  	[tilespmem:s12], [sflag:$0x1] =	stream.indirect.gather.add.f32 [hbm:s3], $0x80, s11, s11, $0xb8;
	[tilespmem:$0x4100] =	vst v63  }
0x49: {  	s14 =	sadd.s32 $0x1, s14;
	_ =	swait.ge [sflag:s13], $0x4000  }
0x4a: {  	p0 =	sne.s32 s14, s8;
	[sflag:s13] =	ssyncset.done $0x0  }
.Ltmp1:
0x4b: {  	[sflag:s13] =	ssyncadd.s32 $0xFFFFC000;
	(pc) =	sbr.rel @p0 .LBB2_1-.Ltmp1, $4  }
0x4c: {  	[hbm4b:s15+s1] =	stream.linear.scatter [tilespmem:s12], [sflag:$0x2], $0x4000, $0x38;
	[tilespmem:$0x4100] =	vst v63  }
0x4d: {  	_ =	swait.ge [sflag:s10], $0x4000  }
0x4e: {  	[sflag:s10] =	ssyncset.done $0x0  }
0x4f: {  	[sflag:s10] =	ssyncadd.s32 $0xFFFFC000  }
0x50: {  	_ =	sfence.sel $0x180000  }
0x51: {  	[bflag:$0x0] =	sbarrier.arrive $0xFFFF  }
0x52: {  	p0 =	sne.s32 s4, $0x0;
	_ =	strace $0x9000004D  }
0x53: {  	s0 =	sadd.s32 @!p0 $0x100000, s0;
	[bflag:$0x2] =	sbarrier.arrive $0xFFFF  }
0x54: {  	[sflag:s0] =	ssyncadd.tile.s32 @!p0 $0x1;
	_ =	shalt  }
.Lfunc_end2:
_tile_overlayer_lowered:
.L_overlay_start_2:
0x55: {  	(tag) =	ssettag $0x2  }
0x56: {  	s0 =	rddreg [dreg:$0x0];
	s2 =	stileid.u32  }
0x57: {  	s1 =	rddreg [dreg:$0x1];
	p0 =	sne.s32 s2, $0x0  }
0x58: {  	s3 =	rddreg [dreg:$0x2];
	[bflag:$0x3] =	sbarrier.arrive $0xFFFF;
	s2 =	simm.s32 @!p0 $0x1C02  }
0x59: {  	[timem:s3], [sflag:s2] =	dma.local @!p0 [hbm:s0], s1  }
0x5a: {  	s0 =	simm.s32 @!p0 $0x2  }
0x5b: {  	_ =	swait.ge @!p0 [sflag:s0], s1  }
0x5c: {  	s1 =	ssub.s32 @!p0 $0x0, s1;
	[sflag:s0] =	ssyncset.done @!p0 $0x0  }
0x5d: {  	[sflag:s0] =	ssyncadd.s32 @!p0 s1  }
0x5e: {  	[bflag:$0x3] =	sbarrier.arrive $0xFFFF  }
0x5f: {  	_ =	shalt  }

// kernel: kernel.34.cloned.1.call-start
scs
__scs_entry_jumppad:
0x0: {  	(pc) =	sbr.rel $0x88, $3  }
0x1: {  	(tag) =	ssettag $0x0;
	lr =	simm.s32 $0x1  }
0x2: {  	[smem:$0x3F76] =	sst lr;
	_ =	strace $0xD0000000  }
0x3: {  	_ = 	snop  }
0x4: {  	_ = 	snop  }
0x5: {  	_ = 	snop  }
0x6: {  	_ = 	snop  }
0x7: {  	_ = 	snop  }
__scs_overlays_trampoline_lowered:
0x8: {  	[smem:$0x3F85] =	sst s0  }
0x9: {  	[smem:$0x3F86] =	sst s1  }
0xa: {  	[smem:$0x3F87] =	sst s2  }
0xb: {  	[smem:$0x3F88] =	sst s3  }
0xc: {  	[smem:$0x3F89] =	sst s4  }
0xd: {  	[smem:$0x3F8A] =	sst s5  }
0xe: {  	[smem:$0x3F8B] =	sst s6  }
0xf: {  	[smem:$0x3F8C] =	sst s7  }
0x10: {  	[smem:$0x3F8D] =	sst s8  }
0x11: {  	[smem:$0x3F8E] =	sst s9;
	s0 =	simm.s32 @!p0 $0x0  }
0x12: {  	s1 =	sld [smem:$0x3F74];
	s0 =	simm.s32 @p0 $0x1  }
0x13: {  	[smem:$0x3F8F] =	sst s0;
	s0 =	simm.s32 @!p1 $0x0  }
0x14: {  	s2 =	sld [smem:$0x3F73];
	s0 =	simm.s32 @p1 $0x1  }
0x15: {  	[smem:$0x3F90] =	sst s0;
	s0 =	simm.s32 @!p2 $0x0  }
0x16: {  	s3 =	sld [smem:$0x3FDB];
	s0 =	simm.s32 @p2 $0x1  }
0x17: {  	s4 =	simm.s32 $0x1BF5;
	[smem:$0x3F92] =	sst s0  }
0x18: {  	s0 =	sld [smem:$0x3F75];
	_ =	swait.ge [sflag:s4], $0x0  }
0x19: {  	s7 =	sld [smem:$0x3F76]  }
0x1a: {  	s8 =	sadd.s32 $0xFFFFE003, lr  }
0x1b: {  	s9 =	sadd.s32 $0xFFFFFEF7, lr;
	s5 =	simm.s32 $0xFFFFFFFF;
	p2 =	slt.u32 s8, $0xFFFFF086  }
0x1c: {  	p1 =	slt.u32 s9, $0xF7A;
	s5 =	simm.s32 @!p2 $0x0  }
0x1d: {  	s5 =	simm.s32 @p1 $0x1;
	p0 =	seq.s32 s7, s2  }
0x1e: {  	s7 =	smul.u32 @!p0 $0xF7A, s2;
	p2 =	seq.s32 @!p0 s5, $0x0  }
0x1f: {  	s9 =	smul.u32 $0xF7A, s1;
	s8 =	simm.s32 @!p0 $0x1BF5;
	p2 =	por !p2, p0  }
0x20: {  	[sflag:s8] =	ssyncset.s32 @!p0 $0xFFFFF086;
	s6 =	sadd.s32 @!p0 s3, s7;
	s7 =	simm.s32 @!p0 $0x108  }
0x21: {  	s3 =	sadd.s32 s3, s9;
	s6 =	sadd.s32 @!p0 $0x88, s6;
	s7 =	simm.s32 @p2 $0x1082  }
0x22: {  	[simem:s7], [sflag:s8] =	dma.local @!p0 [hbm:s6], $0xF7A  }
0x23: {  	s9 =	sor.u32 $0xD0000000, s2;
	s6 =	simm.s32 $0x108;
	_ =	swait.ge @!p0 [sflag:s8], $0x0  }
0x24: {  	s3 =	sadd.s32 $0x88, s3;
	s6 =	simm.s32 @!p1 $0x1082;
	[sflag:s4] =	ssyncset.s32 $0xFFFFF086  }
0x25: {  	[simem:s6], [sflag:s4] =	dma.local [hbm:s3], $0xF7A  }
0x26: {  	[smem:$0x3F76] =	sst s1;
	(tag) =	ssettag s2;
	_ =	strace s9  }
0x27: {  	s1 =	sld [smem:$0x3F86]  }
0x28: {  	s2 =	sld [smem:$0x3F87]  }
0x29: {  	s4 =	sld [smem:$0x3F89]  }
0x2a: {  	p0 =	seq.s32 s5, $0x0;
	s5 =	sld [smem:$0x3F8A]  }
0x2b: {  	s6 =	sld [smem:$0x3F8B]  }
0x2c: {  	s7 =	sld [smem:$0x3F8C]  }
0x2d: {  	s3 =	simm.s32 $0x108;
	s8 =	sld [smem:$0x3F8D]  }
0x2e: {  	s3 =	simm.s32 @!p0 $0x1082;
	s9 =	sld [smem:$0x3F8E]  }
0x2f: {  	lr =	sadd.s32 s0, s3;
	s0 =	sld [smem:$0x3F85]  }
0x30: {  	s3 =	sld [smem:$0x3F88]  }
0x31: {  	[smem:$0x3F91] =	sst s10  }
0x32: {  	s10 =	sld [smem:$0x3F8F];
	_ =	sdelay $0x3  }
0x33: {  	p0 =	seq.s32 s10, $0x1;
	s10 =	sld [smem:$0x3F91];
	_ =	sdelay $0x3  }
0x34: {  	[smem:$0x3F91] =	sst s10  }
0x35: {  	s10 =	sld [smem:$0x3F90];
	_ =	sdelay $0x3  }
0x36: {  	p1 =	seq.s32 s10, $0x1;
	s10 =	sld [smem:$0x3F91];
	_ =	sdelay $0x3  }
0x37: {  	[smem:$0x3F91] =	sst s10  }
0x38: {  	s10 =	sld [smem:$0x3F92]  }
0x39: {  	_ = 	snop;
	(pc) =	sbr.ind lr, $3  }
0x3a: {  	_ = 	snop  }
0x3b: {  	_ = 	snop  }
0x3c: {  	p2 =	seq.s32 s10, $0x1;
	s10 =	sld [smem:$0x3F91]  }
0x3d: {  	_ =	shalt  }
0x3e: {  	_ =	shalt  }
0x3f: {  	_ =	shalt  }
0x40: {  	_ =	shalt  }
0x41: {  	_ =	shalt  }
0x42: {  	_ =	shalt  }
0x43: {  	_ =	shalt  }
0x44: {  	_ =	shalt  }
0x45: {  	_ =	shalt  }
0x46: {  	_ =	shalt  }
0x47: {  	_ =	shalt  }
0x48: {  	_ =	shalt  }
0x49: {  	_ =	shalt  }
0x4a: {  	_ =	shalt  }
0x4b: {  	_ =	shalt  }
0x4c: {  	_ =	shalt  }
0x4d: {  	_ =	shalt  }
0x4e: {  	_ =	shalt  }
0x4f: {  	_ =	shalt  }
0x50: {  	_ =	shalt  }
0x51: {  	_ =	shalt  }
0x52: {  	_ =	shalt  }
0x53: {  	_ =	shalt  }
0x54: {  	_ =	shalt  }
0x55: {  	_ =	shalt  }
0x56: {  	_ =	shalt  }
0x57: {  	_ =	shalt  }
0x58: {  	_ =	shalt  }
0x59: {  	_ =	shalt  }
0x5a: {  	_ =	shalt  }
0x5b: {  	_ =	shalt  }
0x5c: {  	_ =	shalt  }
0x5d: {  	_ =	shalt  }
0x5e: {  	_ =	shalt  }
0x5f: {  	_ =	shalt  }
0x60: {  	_ =	shalt  }
0x61: {  	_ =	shalt  }
0x62: {  	_ =	shalt  }
0x63: {  	_ =	shalt  }
0x64: {  	_ =	shalt  }
0x65: {  	_ =	shalt  }
0x66: {  	_ =	shalt  }
0x67: {  	_ =	shalt  }
0x68: {  	_ =	shalt  }
0x69: {  	_ =	shalt  }
0x6a: {  	_ =	shalt  }
0x6b: {  	_ =	shalt  }
0x6c: {  	_ =	shalt  }
0x6d: {  	_ =	shalt  }
0x6e: {  	_ =	shalt  }
0x6f: {  	_ =	shalt  }
0x70: {  	_ =	shalt  }
0x71: {  	_ =	shalt  }
0x72: {  	_ =	shalt  }
0x73: {  	_ =	shalt  }
0x74: {  	_ =	shalt  }
0x75: {  	_ =	shalt  }
0x76: {  	_ =	shalt  }
0x77: {  	_ =	shalt  }
0x78: {  	_ =	shalt  }
0x79: {  	_ =	shalt  }
0x7a: {  	_ =	shalt  }
0x7b: {  	_ =	shalt  }
0x7c: {  	_ =	shalt  }
0x7d: {  	_ =	shalt  }
0x7e: {  	_ =	shalt  }
0x7f: {  	_ =	shalt  }
0x80: {  	_ =	shalt  }
0x81: {  	_ =	shalt  }
0x82: {  	_ =	shalt  }
0x83: {  	_ =	shalt  }
0x84: {  	_ =	shalt  }
0x85: {  	_ =	shalt  }
0x86: {  	_ =	shalt  }
0x87: {  	_ =	shalt  }
.Lfunc_end0:
.L_simem_size_0:
called_computation.3_lowered:
.L_overlay_start_0:
0x88: {  	s2 =	sld [smem:$0x3FD9]  }
0x89: {  	s3 =	sld [smem:$0x3FFE];
	_ =	sdelay $0x1  }
0x8a: {  	s1 =	srdreg.scid  }
0x8b: {  	s0 =	sand.u32 $0x1, s1  }
0x8c: {  	s16 =	sshll.u32 s0, $0xA;
	s2 =	sadd.s32 s3, s2  }
0x8d: {  	s2 =	sadd.s32 s2, s16  }
0x8e: {  	[smem:$0x3F9D] =	sst s2  }
0x8f: {  	_ = 	snop  }
0x90: {  	(tm) =	ssettm $0x1  }
0x91: {  	s17 =	sld [smem:$0x3FFB];
	_ =	sdelay $0x3  }
0x92: {  	_ =	strace s17  }
0x93: {  	s2 =	sld [smem:$0x3FFC];
	_ =	sdelay $0x3  }
0x94: {  	_ =	strace s2  }
0x95: {  	s2 =	sld [smem:$0x3FFD];
	_ =	sdelay $0x3  }
0x96: {  	_ =	strace s2  }
0x97: {  	_ =	strace $0x8FFFFFFF  }
0x98: {  	s18 =	sld [smem:$0x3FDB];
	_ =	sdelay $0x1  }
0x99: {  	s19 =	simm.s32 $_scs_section_size  }
0x9a: {  	s4 =	simm.s32 $_size__tile_overlayer_lowered;
	s5 =	simm.s32 $_tile_overlayer_lowered  }
0x9b: {  	s22 =	simm.s32 $0x1BFF;
	s21 =	sshll.u32 s5, $0x1;
	s2 =	sadd.s32 s19, s18  }
0x9c: {  	s6 =	simm.s32 $0x0;
	s20 =	sshll.u32 s4, $0x1;
	s4 =	sadd.s32 s21, s2  }
0x9d: {  	[timem:s6], [sflag:s22] =	dma.local [hbm:s4], s20  }
0x9e: {  	_ =	swait.ge [sflag:s22], s20  }
0x9f: {  	s3 =	ssub.s32 $0x0, s20;
	[sflag:s22] =	ssyncset.done $0x0  }
0xa0: {  	[sflag:s22] =	ssyncadd.s32 s3;
	_ =	sdelay $0x1  }
0xa1: {  	s23 =	simm.s32 $0x1B8B  }
0xa2: {  	_ =	swait.ge [sflag:s23], $0x1  }
0xa3: {  	[sflag:s23] =	ssyncset.done $0x0  }
0xa4: {  	s25 =	simm.s32 $0x1B8E;
	s24 =	sld [smem:$0x3FFE];
	[sflag:s23] =	ssyncadd.s32 $0xFFFFFFFF  }
0xa5: {  	s26 =	simm.s32 $execute0_lowered;
	[smem:$0x3FD2] =	sst s25  }
0xa6: {  	s4 =	sshll.u32 s26, $0x1;
	_ =	strace $0x8000004F;
	[dreg:$0x1] =	wrdreg $0xFFFFFFFF  }
0xa7: {  	s28 =	simm.s32 $_size_execute0_lowered;
	s2 =	sadd.s32 s2, s4;
	[dreg:$0x0] =	wrdreg $0x0  }
0xa8: {  	s4 =	sshll.u32 s28, $0x1;
	[dreg:$0x2] =	wrdreg s2  }
0xa9: {  	[dreg:$0x3] =	wrdreg s4  }
0xaa: {  	[dreg:$0x4] =	wrdreg $0xC0  }
0xab: {  	_ =	task [dreg:s6], $0x5FFFF  }
0xac: {  	[dreg:$0x1] =	wrdreg $0xFFFFFFFF  }
0xad: {  	[dreg:$0x0] =	wrdreg $0x60  }
0xae: {  	[dreg:$0x2] =	wrdreg s24  }
0xaf: {  	[dreg:$0x3] =	wrdreg $0x40800  }
0xb0: {  	[dreg:$0x4] =	wrdreg $0x9  }
0xb1: {  	_ =	task.clear_ibuf [dreg:s6], $0x5FFFF;
	_ =	strace $0x9000004F  }
0xb2: {  	s29 =	simm.s32 $0x9;
	_ =	strace $0x80000051  }
0xb3: {  	_ =	swait.ge [sflag:s29], $0x1  }
0xb4: {  	[sflag:s29] =	ssyncadd.s32 $0xFFFFFFFF  }
0xb5: {  	_ =	strace $0x90000051  }
0xb6: {  	_ =	sfence  }
0xb7: {  	s30 =	sld [smem:$0x0];
	_ =	sdelay $0x2  }
0xb8: {  	s31 =	sshll.u32 s1, $0xD;
	s1 =	sshrl.u32 s1, $0x2  }
0xb9: {  	s3 =	sand.u32 $0x4000, s31;
	s1 =	sadd.s32 s1, s30  }
0xba: {  	s0 =	sor.u32 s3, s0;
	s1 =	sshll.u32 s1, $0x11  }
0xbb: {  	s0 =	sor.u32 s1, s0  }
0xbc: {  	s0 =	sadd.s32 $0x8F2B, s0  }
0xbd: {  	[sflag:s0] =	ssyncadd.remote.s32 $0x1  }
0xbe: {  	_ =	sfence.sel $0xFFFF  }
0xbf: {  	[dreg:$0x0] =	wrdreg $0xFFFFFFFF;
	(pc) =	sbr.abs _section_cstart, $3  }
0xc0: {  	[dreg:$0x1] =	wrdreg $0xFFFFFFFF  }
0xc1: {  	_ =	task.clear_ibuf [dreg:s6], $0x2FFFF;
	_ =	strace $0x9FFFFFFF  }
0xc2: {  	(tm) =	ssettm $0x7FFFFFFF  }
0xc3: {  	_ =	shalt  }
tec
execute0_lowered:
.L_overlay_start_1:
0x0: {  	(tag) =	ssettag $0x1  }
0x1: {  	s2 =	srdreg.scid  }
0x2: {  	s5 =	rddreg [dreg:$0x0];
	s6 =	sand.u32 $0x1, s2  }
0x3: {  	s2 =	stileid.u32;
	s4 =	smul.u32 $0x278000, s6  }
0x4: {  	s1 =	rddreg [dreg:$0x1];
	s3 =	simm.s32 $0x0;
	s7 =	smul.u32 $0x14000, s2  }
0x5: {  	[smem:$0x7FF] =	sst s3;
	s8 =	smul.u32 $0x140000, s6  }
0x6: {  	s0 =	rddreg [dreg:$0x2];
	_ =	strace $0x80000050;
	s11 =	smul.u32 $0x50000, s2  }
0x7: {  	s26 =	ssub.s32 $0x2, s6;
	s28 =	sshll.u32 s2, $0x6;
	s29 =	sshll.u32 s6, $0x4  }
0x8: {  	s14 =	smul.u32 $0x27800, s2;
	s12 =	sshrl.u32 s26, $0x1;
	s6 =	sor.u32 $0x1C01, s28  }
0x9: {  	s30 =	sor.u32 s2, s29;
	s9 =	sadd.s32 s4, s5;
	s4 =	sadd.s32 $0x1BE00, s5  }
0xa: {  	s10 =	sshrl.u32 s7, $0x3;
	s7 =	sadd.s32 s7, s8;
	s11 =	sshrl.u32 s11, $0x2  }
0xb: {  	s12 =	ssub.s32 s26, s12;
	s10 =	sadd.s32 s10, s5;
	s7 =	sshrl.u32 s7, $0x3  }
0xc: {  	s11 =	sadd.s32 s11, s1;
	s31 =	sadd.s32 s14, s9;
	s9 =	smax.u32 s12, $0x1  }
0xd: {  	s12 =	simm.s32 $0x1;
	s14 =	simm.s32 $0x0;
	s13 =	sadd.s32 s7, s5  }
0xe: {  	s5 =	sadd.s32 $0x31600, s10;
	s7 =	smul.u32 $0x2800, s30;
	s10 =	sadd.s32 $0x5EA000, s31  }
0xf: {  	s11 =	sshrl.u32 s11, $0x3;
	s8 =	sadd.s32 $0x5A000, s13;
	s13 =	simm.s32 $0x80  }
.LBB2_1:
0x10: {  	[spmem:s11], [sflag:s6] =	dma.local [hbm:s5], $0x2800  }
0x11: {  	_ =	swait.ge [sflag:s12], $0x2800  }
0x12: {  	[sflag:s12] =	ssyncset.done $0x0  }
0x13: {  	s15 =	sand.u32 $0x3C00, s3;
	[sflag:s12] =	ssyncadd.s32 $0xFFFFD800  }
0x14: {  	s16 =	sand.u32 $0x380, s3;
	s15 =	sadd.s32 s7, s15;
	[bflag:$0x0] =	sbarrier.arrive $0xFFFF  }
0x15: {  	[tilespmem:s13], [sflag:$0x1] =	stream.linear.gather [hbm4b:s10+s3], $0x4000, $0x38;
	[tilespmem:$0x18080] =	vst v63  }
0x16: {  	s15 =	sor.u32 s16, s15;
	_ =	swait.ge [sflag:s12], $0x4000  }
0x17: {  	s15 =	sshrl.u32 s15, $0x3;
	[sflag:s12] =	ssyncset.done $0x0  }
0x18: {  	s15 =	sadd.s32 s4, s15;
	[sflag:s12] =	ssyncadd.s32 $0xFFFFC000  }
0x19: {  	[tilespmem:s3], [sflag:$0x1] =	stream.linear.gather [hbm4b:s15+s3], $0x80, $0x38;
	[tilespmem:$0x18080] =	vst v63  }
0x1a: {  	s31 =	simm.s32 $0x80;
	_ =	swait.ge [sflag:s12], $0x80  }
0x1b: {  	s18 =	simm.s32 $0x100;
	s17 =	sand.u32 $0x380, s31;
	[sflag:s12] =	ssyncset.done $0x0  }
0x1c: {  	s16 =	sadd.s32 $0x800, s10;
	s15 =	sand.u32 $0x3C00, s31;
	[sflag:s12] =	ssyncadd.s32 $0xFFFFFF80  }
.LBB2_2:
0x1d: {  	[spmem:s1] =	stream.indirect.scatter.add.f32 [tilespmem:s13], [sflag:$0x1], $0x80, s3, s13, $0xb8;
	[tilespmem:$0x18080] =	vst v63  }
0x1e: {  	s19 =	smov.u32 s18  }
0x1f: {  	s20 =	sadd.s32 s7, s15;
	s15 =	sand.u32 $0x3C00, s18;
	_ =	swait.ge [sflag:s12], $0x4000  }
0x20: {  	s21 =	sadd.s32 $0x80, s18;
	s17 =	sor.u32 s17, s20;
	[sflag:s12] =	ssyncset.done $0x0  }
0x21: {  	p0 =	sne.s32 s18, $0x2700;
	s17 =	sshrl.u32 s17, $0x3;
	[sflag:s12] =	ssyncadd.s32 $0xFFFFC000  }
0x22: {  	[tilespmem:s13], [sflag:$0x1] =	stream.linear.gather [hbm4b:s16+s3], $0x4000, $0x38;
	[tilespmem:$0x18080] =	vst v63  }
0x23: {  	_ =	swait.ge [sflag:s12], $0x4000  }
0x24: {  	s17 =	sadd.s32 s4, s17;
	[sflag:s12] =	ssyncset.done $0x0  }
.Ltmp0:
0x25: {  	[sflag:s12] =	ssyncadd.s32 $0xFFFFC000;
	(pc) =	sbr.rel @p0 .LBB2_2-.Ltmp0, $4  }
0x26: {  	[tilespmem:s3], [sflag:$0x1] =	stream.linear.gather [hbm4b:s17+s3], $0x80, $0x38;
	[tilespmem:$0x18080] =	vst v63  }
0x27: {  	_ =	swait.ge [sflag:s12], $0x80  }
0x28: {  	s18 =	smov.u32 s21;
	[sflag:s12] =	ssyncset.done $0x0  }
0x29: {  	s16 =	sadd.s32 $0x800, s16;
	s17 =	sand.u32 $0x380, s19;
	[sflag:s12] =	ssyncadd.s32 $0xFFFFFF80  }
0x2a: {  	[spmem:s1] =	stream.indirect.scatter.add.f32 [tilespmem:s13], [sflag:$0x1], $0x80, s3, s13, $0xb8;
	[tilespmem:$0x18080] =	vst v63  }
0x2b: {  	_ =	swait.ge [sflag:s12], $0x4000  }
0x2c: {  	[sflag:s12] =	ssyncset.done $0x0  }
0x2d: {  	s15 =	sadd.s32 s7, s15;
	[sflag:s12] =	ssyncadd.s32 $0xFFFFC000  }
0x2e: {  	[tilespmem:s13], [sflag:$0x1] =	stream.linear.gather [hbm4b:s16+s3], $0x4000, $0x38;
	[tilespmem:$0x18080] =	vst v63  }
0x2f: {  	s15 =	sor.u32 s17, s15;
	_ =	swait.ge [sflag:s12], $0x4000  }
0x30: {  	s15 =	sshrl.u32 s15, $0x3;
	[sflag:s12] =	ssyncset.done $0x0  }
0x31: {  	s15 =	sadd.s32 s4, s15;
	[sflag:s12] =	ssyncadd.s32 $0xFFFFC000  }
0x32: {  	[tilespmem:s3], [sflag:$0x1] =	stream.linear.gather [hbm4b:s15+s3], $0x80, $0x38;
	[tilespmem:$0x18080] =	vst v63  }
0x33: {  	_ =	swait.ge [sflag:s12], $0x80  }
0x34: {  	[sflag:s12] =	ssyncset.done $0x0  }
0x35: {  	[sflag:s12] =	ssyncadd.s32 $0xFFFFFF80  }
0x36: {  	[spmem:s1] =	stream.indirect.scatter.add.f32 [tilespmem:s13], [sflag:$0x1], $0x80, s3, s13, $0xb8;
	[tilespmem:$0x18080] =	vst v63  }
0x37: {  	_ =	swait.ge [sflag:s12], $0x4000  }
0x38: {  	s14 =	sadd.s32 $0x1, s14;
	[sflag:s12] =	ssyncset.done $0x0  }
0x39: {  	p0 =	sne.s32 s14, s9;
	[sflag:s12] =	ssyncadd.s32 $0xFFFFC000  }
.Ltmp1:
0x3a: {  	[bflag:$0x0] =	sbarrier.arrive $0xFFFF;
	(pc) =	sbr.rel @p0 .LBB2_1-.Ltmp1, $4  }
0x3b: {  	[hbm:s8], [sflag:s6] =	dma.local [spmem:s11], $0x2800  }
0x3c: {  	_ =	swait.ge [sflag:s12], $0x2800  }
0x3d: {  	[sflag:s12] =	ssyncset.done $0x0  }
0x3e: {  	[sflag:s12] =	ssyncadd.s32 $0xFFFFD800  }
0x3f: {  	_ =	sfence.sel $0x180000  }
0x40: {  	[bflag:$0x0] =	sbarrier.arrive $0xFFFF  }
0x41: {  	p0 =	sne.s32 s2, $0x0;
	_ =	strace $0x90000050  }
0x42: {  	s0 =	sadd.s32 @!p0 $0x100000, s0;
	[bflag:$0x2] =	sbarrier.arrive $0xFFFF  }
0x43: {  	[sflag:s0] =	ssyncadd.tile.s32 @!p0 $0x1;
	_ =	shalt  }
.Lfunc_end2:
_tile_overlayer_lowered:
.L_overlay_start_2:
0x44: {  	(tag) =	ssettag $0x2  }
0x45: {  	s0 =	rddreg [dreg:$0x0];
	s2 =	stileid.u32  }
0x46: {  	s1 =	rddreg [dreg:$0x1];
	p0 =	sne.s32 s2, $0x0  }
0x47: {  	s3 =	rddreg [dreg:$0x2];
	[bflag:$0x3] =	sbarrier.arrive $0xFFFF;
	s2 =	simm.s32 @!p0 $0x1C01  }
0x48: {  	[timem:s3], [sflag:s2] =	dma.local @!p0 [hbm:s0], s1  }
0x49: {  	s0 =	simm.s32 @!p0 $0x1  }
0x4a: {  	_ =	swait.ge @!p0 [sflag:s0], s1  }
0x4b: {  	s1 =	ssub.s32 @!p0 $0x0, s1;
	[sflag:s0] =	ssyncset.done @!p0 $0x0  }
0x4c: {  	[sflag:s0] =	ssyncadd.s32 @!p0 s1  }
0x4d: {  	[bflag:$0x3] =	sbarrier.arrive $0xFFFF  }
0x4e: {  	_ =	shalt  }

// kernel: kernel.37.cloned.1.call-start
scs
__scs_entry_jumppad:
0x0: {  	(pc) =	sbr.rel $0x88, $3  }
0x1: {  	(tag) =	ssettag $0x0;
	lr =	simm.s32 $0x1  }
0x2: {  	[smem:$0x3F76] =	sst lr;
	_ =	strace $0xD0000000  }
0x3: {  	_ = 	snop  }
0x4: {  	_ = 	snop  }
0x5: {  	_ = 	snop  }
0x6: {  	_ = 	snop  }
0x7: {  	_ = 	snop  }
__scs_overlays_trampoline_lowered:
0x8: {  	[smem:$0x3F85] =	sst s0  }
0x9: {  	[smem:$0x3F86] =	sst s1  }
0xa: {  	[smem:$0x3F87] =	sst s2  }
0xb: {  	[smem:$0x3F88] =	sst s3  }
0xc: {  	[smem:$0x3F89] =	sst s4  }
0xd: {  	[smem:$0x3F8A] =	sst s5  }
0xe: {  	[smem:$0x3F8B] =	sst s6  }
0xf: {  	[smem:$0x3F8C] =	sst s7  }
0x10: {  	[smem:$0x3F8D] =	sst s8  }
0x11: {  	[smem:$0x3F8E] =	sst s9;
	s0 =	simm.s32 @!p0 $0x0  }
0x12: {  	s1 =	sld [smem:$0x3F74];
	s0 =	simm.s32 @p0 $0x1  }
0x13: {  	[smem:$0x3F8F] =	sst s0;
	s0 =	simm.s32 @!p1 $0x0  }
0x14: {  	s2 =	sld [smem:$0x3F73];
	s0 =	simm.s32 @p1 $0x1  }
0x15: {  	[smem:$0x3F90] =	sst s0;
	s0 =	simm.s32 @!p2 $0x0  }
0x16: {  	s3 =	sld [smem:$0x3FDB];
	s0 =	simm.s32 @p2 $0x1  }
0x17: {  	s4 =	simm.s32 $0x1BF5;
	[smem:$0x3F92] =	sst s0  }
0x18: {  	s0 =	sld [smem:$0x3F75];
	_ =	swait.ge [sflag:s4], $0x0  }
0x19: {  	s7 =	sld [smem:$0x3F76]  }
0x1a: {  	s8 =	sadd.s32 $0xFFFFE003, lr  }
0x1b: {  	s9 =	sadd.s32 $0xFFFFFEF7, lr;
	s5 =	simm.s32 $0xFFFFFFFF;
	p2 =	slt.u32 s8, $0xFFFFF086  }
0x1c: {  	p1 =	slt.u32 s9, $0xF7A;
	s5 =	simm.s32 @!p2 $0x0  }
0x1d: {  	s5 =	simm.s32 @p1 $0x1;
	p0 =	seq.s32 s7, s2  }
0x1e: {  	s7 =	smul.u32 @!p0 $0xF7A, s2;
	p2 =	seq.s32 @!p0 s5, $0x0  }
0x1f: {  	s9 =	smul.u32 $0xF7A, s1;
	s8 =	simm.s32 @!p0 $0x1BF5;
	p2 =	por !p2, p0  }
0x20: {  	[sflag:s8] =	ssyncset.s32 @!p0 $0xFFFFF086;
	s6 =	sadd.s32 @!p0 s3, s7;
	s7 =	simm.s32 @!p0 $0x108  }
0x21: {  	s3 =	sadd.s32 s3, s9;
	s6 =	sadd.s32 @!p0 $0x88, s6;
	s7 =	simm.s32 @p2 $0x1082  }
0x22: {  	[simem:s7], [sflag:s8] =	dma.local @!p0 [hbm:s6], $0xF7A  }
0x23: {  	s9 =	sor.u32 $0xD0000000, s2;
	s6 =	simm.s32 $0x108;
	_ =	swait.ge @!p0 [sflag:s8], $0x0  }
0x24: {  	s3 =	sadd.s32 $0x88, s3;
	s6 =	simm.s32 @!p1 $0x1082;
	[sflag:s4] =	ssyncset.s32 $0xFFFFF086  }
0x25: {  	[simem:s6], [sflag:s4] =	dma.local [hbm:s3], $0xF7A  }
0x26: {  	[smem:$0x3F76] =	sst s1;
	(tag) =	ssettag s2;
	_ =	strace s9  }
0x27: {  	s1 =	sld [smem:$0x3F86]  }
0x28: {  	s2 =	sld [smem:$0x3F87]  }
0x29: {  	s4 =	sld [smem:$0x3F89]  }
0x2a: {  	p0 =	seq.s32 s5, $0x0;
	s5 =	sld [smem:$0x3F8A]  }
0x2b: {  	s6 =	sld [smem:$0x3F8B]  }
0x2c: {  	s7 =	sld [smem:$0x3F8C]  }
0x2d: {  	s3 =	simm.s32 $0x108;
	s8 =	sld [smem:$0x3F8D]  }
0x2e: {  	s3 =	simm.s32 @!p0 $0x1082;
	s9 =	sld [smem:$0x3F8E]  }
0x2f: {  	lr =	sadd.s32 s0, s3;
	s0 =	sld [smem:$0x3F85]  }
0x30: {  	s3 =	sld [smem:$0x3F88]  }
0x31: {  	[smem:$0x3F91] =	sst s10  }
0x32: {  	s10 =	sld [smem:$0x3F8F];
	_ =	sdelay $0x3  }
0x33: {  	p0 =	seq.s32 s10, $0x1;
	s10 =	sld [smem:$0x3F91];
	_ =	sdelay $0x3  }
0x34: {  	[smem:$0x3F91] =	sst s10  }
0x35: {  	s10 =	sld [smem:$0x3F90];
	_ =	sdelay $0x3  }
0x36: {  	p1 =	seq.s32 s10, $0x1;
	s10 =	sld [smem:$0x3F91];
	_ =	sdelay $0x3  }
0x37: {  	[smem:$0x3F91] =	sst s10  }
0x38: {  	s10 =	sld [smem:$0x3F92]  }
0x39: {  	_ = 	snop;
	(pc) =	sbr.ind lr, $3  }
0x3a: {  	_ = 	snop  }
0x3b: {  	_ = 	snop  }
0x3c: {  	p2 =	seq.s32 s10, $0x1;
	s10 =	sld [smem:$0x3F91]  }
0x3d: {  	_ =	shalt  }
0x3e: {  	_ =	shalt  }
0x3f: {  	_ =	shalt  }
0x40: {  	_ =	shalt  }
0x41: {  	_ =	shalt  }
0x42: {  	_ =	shalt  }
0x43: {  	_ =	shalt  }
0x44: {  	_ =	shalt  }
0x45: {  	_ =	shalt  }
0x46: {  	_ =	shalt  }
0x47: {  	_ =	shalt  }
0x48: {  	_ =	shalt  }
0x49: {  	_ =	shalt  }
0x4a: {  	_ =	shalt  }
0x4b: {  	_ =	shalt  }
0x4c: {  	_ =	shalt  }
0x4d: {  	_ =	shalt  }
0x4e: {  	_ =	shalt  }
0x4f: {  	_ =	shalt  }
0x50: {  	_ =	shalt  }
0x51: {  	_ =	shalt  }
0x52: {  	_ =	shalt  }
0x53: {  	_ =	shalt  }
0x54: {  	_ =	shalt  }
0x55: {  	_ =	shalt  }
0x56: {  	_ =	shalt  }
0x57: {  	_ =	shalt  }
0x58: {  	_ =	shalt  }
0x59: {  	_ =	shalt  }
0x5a: {  	_ =	shalt  }
0x5b: {  	_ =	shalt  }
0x5c: {  	_ =	shalt  }
0x5d: {  	_ =	shalt  }
0x5e: {  	_ =	shalt  }
0x5f: {  	_ =	shalt  }
0x60: {  	_ =	shalt  }
0x61: {  	_ =	shalt  }
0x62: {  	_ =	shalt  }
0x63: {  	_ =	shalt  }
0x64: {  	_ =	shalt  }
0x65: {  	_ =	shalt  }
0x66: {  	_ =	shalt  }
0x67: {  	_ =	shalt  }
0x68: {  	_ =	shalt  }
0x69: {  	_ =	shalt  }
0x6a: {  	_ =	shalt  }
0x6b: {  	_ =	shalt  }
0x6c: {  	_ =	shalt  }
0x6d: {  	_ =	shalt  }
0x6e: {  	_ =	shalt  }
0x6f: {  	_ =	shalt  }
0x70: {  	_ =	shalt  }
0x71: {  	_ =	shalt  }
0x72: {  	_ =	shalt  }
0x73: {  	_ =	shalt  }
0x74: {  	_ =	shalt  }
0x75: {  	_ =	shalt  }
0x76: {  	_ =	shalt  }
0x77: {  	_ =	shalt  }
0x78: {  	_ =	shalt  }
0x79: {  	_ =	shalt  }
0x7a: {  	_ =	shalt  }
0x7b: {  	_ =	shalt  }
0x7c: {  	_ =	shalt  }
0x7d: {  	_ =	shalt  }
0x7e: {  	_ =	shalt  }
0x7f: {  	_ =	shalt  }
0x80: {  	_ =	shalt  }
0x81: {  	_ =	shalt  }
0x82: {  	_ =	shalt  }
0x83: {  	_ =	shalt  }
0x84: {  	_ =	shalt  }
0x85: {  	_ =	shalt  }
0x86: {  	_ =	shalt  }
0x87: {  	_ =	shalt  }
.Lfunc_end0:
.L_simem_size_0:
called_computation.4_lowered:
.L_overlay_start_0:
0x88: {  	s2 =	sld [smem:$0x3FD9]  }
0x89: {  	s3 =	sld [smem:$0x3FFE];
	_ =	sdelay $0x1  }
0x8a: {  	s1 =	srdreg.scid  }
0x8b: {  	s0 =	sand.u32 $0x1, s1  }
0x8c: {  	s16 =	sshll.u32 s0, $0xA;
	s2 =	sadd.s32 s3, s2  }
0x8d: {  	s2 =	sadd.s32 s2, s16  }
0x8e: {  	[smem:$0x3F9D] =	sst s2  }
0x8f: {  	_ = 	snop  }
0x90: {  	(tm) =	ssettm $0x1  }
0x91: {  	s17 =	sld [smem:$0x3FFB];
	_ =	sdelay $0x3  }
0x92: {  	_ =	strace s17  }
0x93: {  	s2 =	sld [smem:$0x3FFC];
	_ =	sdelay $0x3  }
0x94: {  	_ =	strace s2  }
0x95: {  	s2 =	sld [smem:$0x3FFD];
	_ =	sdelay $0x3  }
0x96: {  	_ =	strace s2  }
0x97: {  	_ =	strace $0x8FFFFFFF  }
0x98: {  	s18 =	sld [smem:$0x3FDB];
	_ =	sdelay $0x1  }
0x99: {  	s19 =	simm.s32 $_scs_section_size  }
0x9a: {  	s4 =	simm.s32 $_size__tile_overlayer_lowered;
	s5 =	simm.s32 $_tile_overlayer_lowered  }
0x9b: {  	s22 =	simm.s32 $0x1BFF;
	s21 =	sshll.u32 s5, $0x1;
	s2 =	sadd.s32 s19, s18  }
0x9c: {  	s6 =	simm.s32 $0x0;
	s20 =	sshll.u32 s4, $0x1;
	s4 =	sadd.s32 s21, s2  }
0x9d: {  	[timem:s6], [sflag:s22] =	dma.local [hbm:s4], s20  }
0x9e: {  	_ =	swait.ge [sflag:s22], s20  }
0x9f: {  	s3 =	ssub.s32 $0x0, s20;
	[sflag:s22] =	ssyncset.done $0x0  }
0xa0: {  	[sflag:s22] =	ssyncadd.s32 s3;
	_ =	sdelay $0x1  }
0xa1: {  	s23 =	simm.s32 $0x1B8B  }
0xa2: {  	_ =	swait.ge [sflag:s23], $0x1  }
0xa3: {  	[sflag:s23] =	ssyncset.done $0x0  }
0xa4: {  	s25 =	simm.s32 $0x1B8E;
	s24 =	sld [smem:$0x3FFE];
	[sflag:s23] =	ssyncadd.s32 $0xFFFFFFFF  }
0xa5: {  	s26 =	simm.s32 $execute0_lowered;
	[smem:$0x3FD2] =	sst s25  }
0xa6: {  	s4 =	sshll.u32 s26, $0x1;
	_ =	strace $0x80000052;
	[dreg:$0x1] =	wrdreg $0xFFFFFFFF  }
0xa7: {  	s28 =	simm.s32 $_size_execute0_lowered;
	s2 =	sadd.s32 s2, s4;
	[dreg:$0x0] =	wrdreg $0x0  }
0xa8: {  	s4 =	sshll.u32 s28, $0x1;
	[dreg:$0x2] =	wrdreg s2  }
0xa9: {  	[dreg:$0x3] =	wrdreg s4  }
0xaa: {  	[dreg:$0x4] =	wrdreg $0xC0  }
0xab: {  	_ =	task [dreg:s6], $0x5FFFF  }
0xac: {  	[dreg:$0x1] =	wrdreg $0xFFFFFFFF  }
0xad: {  	[dreg:$0x0] =	wrdreg $0x60  }
0xae: {  	[dreg:$0x2] =	wrdreg s24  }
0xaf: {  	[dreg:$0x3] =	wrdreg $0x9  }
0xb0: {  	_ =	task.clear_ibuf [dreg:s6], $0x4FFFF;
	_ =	strace $0x90000052  }
0xb1: {  	s29 =	simm.s32 $0x9;
	_ =	strace $0x80000054  }
0xb2: {  	_ =	swait.ge [sflag:s29], $0x1  }
0xb3: {  	[sflag:s29] =	ssyncadd.s32 $0xFFFFFFFF  }
0xb4: {  	_ =	strace $0x90000054  }
0xb5: {  	_ =	sfence  }
0xb6: {  	s30 =	sld [smem:$0x0];
	_ =	sdelay $0x2  }
0xb7: {  	s31 =	sshll.u32 s1, $0xD;
	s1 =	sshrl.u32 s1, $0x2  }
0xb8: {  	s3 =	sand.u32 $0x4000, s31;
	s1 =	sadd.s32 s1, s30  }
0xb9: {  	s0 =	sor.u32 s3, s0;
	s1 =	sshll.u32 s1, $0x11  }
0xba: {  	s0 =	sor.u32 s1, s0  }
0xbb: {  	s0 =	sadd.s32 $0x8F2B, s0  }
0xbc: {  	[sflag:s0] =	ssyncadd.remote.s32 $0x1  }
0xbd: {  	_ =	sfence.sel $0xFFFF  }
0xbe: {  	[dreg:$0x0] =	wrdreg $0xFFFFFFFF;
	(pc) =	sbr.abs _section_cstart, $3  }
0xbf: {  	[dreg:$0x1] =	wrdreg $0xFFFFFFFF  }
0xc0: {  	_ =	task.clear_ibuf [dreg:s6], $0x2FFFF;
	_ =	strace $0x9FFFFFFF  }
0xc1: {  	(tm) =	ssettm $0x7FFFFFFF  }
tec
execute0_lowered:
.L_overlay_start_1:
0x0: {  	(tag) =	ssettag $0x1  }
0x1: {  	s7 =	rddreg [dreg:$0x0]  }
0x2: {  	s0 =	rddreg [dreg:$0x1]  }
0x3: {  	s1 =	simm.s32 $0x0;
	s4 =	srdreg.scid;
	s13 =	simm.s32 $0x1  }
0x4: {  	s14 =	simm.s32 $0x0;
	[smem:$0x7FF] =	sst s1;
	s2 =	sadd.s32 $0x5A000, s7  }
0x5: {  	s3 =	sadd.s32 $0x82000, s7;
	s5 =	sadd.s32 $0x1BE00, s7;
	s6 =	sadd.s32 $0x25E00, s7  }
0x6: {  	s8 =	sand.u32 $0x1, s4;
	s4 =	stileid.u32;
	_ =	strace $0x80000053  }
0x7: {  	s9 =	smul.u32 $0x278000, s8;
	s10 =	ssub.s32 $0x2, s8;
	s8 =	sshll.u32 s8, $0x4  }
0x8: {  	s12 =	smul.u32 $0x27800, s4;
	s11 =	sshrl.u32 s10, $0x1;
	s31 =	sor.u32 s4, s8  }
0x9: {  	s9 =	sadd.s32 s9, s7;
	s10 =	ssub.s32 s10, s11;
	s7 =	smul.u32 $0x2800, s31  }
0xa: {  	s11 =	simm.s32 $0x80;
	s8 =	smax.u32 s10, $0x1;
	s9 =	sadd.s32 s12, s9  }
0xb: {  	s10 =	simm.s32 $0x2;
	s12 =	simm.s32 $0x100;
	s9 =	sadd.s32 $0x122000, s9  }
.LBB2_1:
0xc: {  	s15 =	sand.u32 $0x3C00, s1  }
0xd: {  	s16 =	sand.u32 $0x380, s1;
	s15 =	sadd.s32 s7, s15  }
0xe: {  	s15 =	sor.u32 s16, s15  }
0xf: {  	s15 =	sshrl.u32 s15, $0x3  }
0x10: {  	s30 =	sadd.s32 s5, s15  }
0x11: {  	[tilespmem:s1], [sflag:$0x2] =	stream.linear.gather [hbm4b:s30+s1], $0x80, $0x38;
	[tilespmem:$0x4100] =	vst v63  }
0x12: {  	_ =	swait.ge [sflag:s10], $0x80  }
0x13: {  	[sflag:s10] =	ssyncset.done $0x0  }
0x14: {  	s15 =	sadd.s32 s6, s15;
	[sflag:s10] =	ssyncadd.s32 $0xFFFFFF80  }
0x15: {  	[tilespmem:s11], [sflag:$0x2] =	stream.linear.gather [hbm4b:s15+s1], $0x80, $0x38;
	[tilespmem:$0x4100] =	vst v63  }
0x16: {  	_ =	swait.ge [sflag:s10], $0x80  }
0x17: {  	[sflag:s10] =	ssyncset.done $0x0  }
0x18: {  	[sflag:s10] =	ssyncadd.s32 $0xFFFFFF80  }
0x19: {  	[tilespmem:s12], [sflag:$0x1] =	stream.indirect.gather [hbm4b:s2+s11], $0x80, s1, s11, $0xb8;
	[tilespmem:$0x4100] =	vst v63  }
0x1a: {  	_ =	swait.ge [sflag:s13], $0x4000  }
0x1b: {  	[sflag:s13] =	ssyncset.done $0x0  }
0x1c: {  	[sflag:s13] =	ssyncadd.s32 $0xFFFFC000  }
0x1d: {  	[tilespmem:s12], [sflag:$0x1] =	stream.indirect.gather.add.f32 [hbm:s3], $0x80, s11, s11, $0xb8;
	[tilespmem:$0x4100] =	vst v63  }
0x1e: {  	_ =	swait.ge [sflag:s13], $0x4000  }
0x1f: {  	s31 =	simm.s32 $0x80;
	[sflag:s13] =	ssyncset.done $0x0  }
0x20: {  	s17 =	sand.u32 $0x3C00, s31;
	s16 =	simm.s32 $0x100;
	[sflag:s13] =	ssyncadd.s32 $0xFFFFC000  }
0x21: {  	[hbm4b:s9+s1] =	stream.linear.scatter [tilespmem:s12], [sflag:$0x2], $0x4000, $0x38;
	[tilespmem:$0x4100] =	vst v63  }
0x22: {  	s17 =	sadd.s32 s7, s17;
	s15 =	sand.u32 $0x380, s31;
	_ =	swait.ge [sflag:s10], $0x4000  }
0x23: {  	s17 =	sor.u32 s15, s17;
	s15 =	sadd.s32 $0x800, s9;
	[sflag:s10] =	ssyncset.done $0x0  }
.LBB2_2:
0x24: {  	s17 =	sshrl.u32 s17, $0x3  }
0x25: {  	[sflag:s10] =	ssyncadd.s32 $0xFFFFC000;
	s18 =	smov.u32 s16;
	s19 =	sadd.s32 $0x80, s16  }
0x26: {  	p0 =	sne.s32 s16, $0x2700;
	s16 =	sadd.s32 s5, s17  }
0x27: {  	[tilespmem:s1], [sflag:$0x2] =	stream.linear.gather [hbm4b:s16+s1], $0x80, $0x38;
	[tilespmem:$0x4100] =	vst v63  }
0x28: {  	_ =	swait.ge [sflag:s10], $0x80  }
0x29: {  	[sflag:s10] =	ssyncset.done $0x0  }
0x2a: {  	s16 =	sadd.s32 s6, s17;
	[sflag:s10] =	ssyncadd.s32 $0xFFFFFF80  }
0x2b: {  	[tilespmem:s11], [sflag:$0x2] =	stream.linear.gather [hbm4b:s16+s1], $0x80, $0x38;
	[tilespmem:$0x4100] =	vst v63  }
0x2c: {  	_ =	swait.ge [sflag:s10], $0x80  }
0x2d: {  	[sflag:s10] =	ssyncset.done $0x0  }
0x2e: {  	[sflag:s10] =	ssyncadd.s32 $0xFFFFFF80  }
0x2f: {  	[tilespmem:s12], [sflag:$0x1] =	stream.indirect.gather [hbm4b:s2+s11], $0x80, s1, s11, $0xb8;
	[tilespmem:$0x4100] =	vst v63  }
0x30: {  	_ =	swait.ge [sflag:s13], $0x4000  }
0x31: {  	[sflag:s13] =	ssyncset.done $0x0  }
0x32: {  	[sflag:s13] =	ssyncadd.s32 $0xFFFFC000  }
0x33: {  	[tilespmem:s12], [sflag:$0x1] =	stream.indirect.gather.add.f32 [hbm:s3], $0x80, s11, s11, $0xb8;
	[tilespmem:$0x4100] =	vst v63  }
0x34: {  	_ =	swait.ge [sflag:s13], $0x4000  }
.Ltmp0:
0x35: {  	s16 =	sand.u32 $0x3C00, s18;
	[sflag:s13] =	ssyncset.done $0x0;
	(pc) =	sbr.rel @p0 .LBB2_2-.Ltmp0, $4  }
0x36: {  	s17 =	sand.u32 $0x380, s18;
	s16 =	sadd.s32 s7, s16;
	[sflag:s13] =	ssyncadd.s32 $0xFFFFC000  }
0x37: {  	[hbm4b:s15+s1] =	stream.linear.scatter [tilespmem:s12], [sflag:$0x2], $0x4000, $0x38;
	[tilespmem:$0x4100] =	vst v63  }
0x38: {  	s17 =	sor.u32 s17, s16;
	_ =	swait.ge [sflag:s10], $0x4000  }
0x39: {  	s16 =	smov.u32 s19;
	s15 =	sadd.s32 $0x800, s15;
	[sflag:s10] =	ssyncset.done $0x0  }
0x3a: {  	s16 =	sshrl.u32 s17, $0x3  }
0x3b: {  	[sflag:s10] =	ssyncadd.s32 $0xFFFFC000;
	s17 =	sadd.s32 s5, s16  }
0x3c: {  	[tilespmem:s1], [sflag:$0x2] =	stream.linear.gather [hbm4b:s17+s1], $0x80, $0x38;
	[tilespmem:$0x4100] =	vst v63  }
0x3d: {  	_ =	swait.ge [sflag:s10], $0x80  }
0x3e: {  	[sflag:s10] =	ssyncset.done $0x0  }
0x3f: {  	s16 =	sadd.s32 s6, s16;
	[sflag:s10] =	ssyncadd.s32 $0xFFFFFF80  }
0x40: {  	[tilespmem:s11], [sflag:$0x2] =	stream.linear.gather [hbm4b:s16+s1], $0x80, $0x38;
	[tilespmem:$0x4100] =	vst v63  }
0x41: {  	_ =	swait.ge [sflag:s10], $0x80  }
0x42: {  	[sflag:s10] =	ssyncset.done $0x0  }
0x43: {  	[sflag:s10] =	ssyncadd.s32 $0xFFFFFF80  }
0x44: {  	[tilespmem:s12], [sflag:$0x1] =	stream.indirect.gather [hbm4b:s2+s11], $0x80, s1, s11, $0xb8;
	[tilespmem:$0x4100] =	vst v63  }
0x45: {  	_ =	swait.ge [sflag:s13], $0x4000  }
0x46: {  	[sflag:s13] =	ssyncset.done $0x0  }
0x47: {  	[sflag:s13] =	ssyncadd.s32 $0xFFFFC000  }
0x48: {  	[tilespmem:s12], [sflag:$0x1] =	stream.indirect.gather.add.f32 [hbm:s3], $0x80, s11, s11, $0xb8;
	[tilespmem:$0x4100] =	vst v63  }
0x49: {  	s14 =	sadd.s32 $0x1, s14;
	_ =	swait.ge [sflag:s13], $0x4000  }
0x4a: {  	p0 =	sne.s32 s14, s8;
	[sflag:s13] =	ssyncset.done $0x0  }
.Ltmp1:
0x4b: {  	[sflag:s13] =	ssyncadd.s32 $0xFFFFC000;
	(pc) =	sbr.rel @p0 .LBB2_1-.Ltmp1, $4  }
0x4c: {  	[hbm4b:s15+s1] =	stream.linear.scatter [tilespmem:s12], [sflag:$0x2], $0x4000, $0x38;
	[tilespmem:$0x4100] =	vst v63  }
0x4d: {  	_ =	swait.ge [sflag:s10], $0x4000  }
0x4e: {  	[sflag:s10] =	ssyncset.done $0x0  }
0x4f: {  	[sflag:s10] =	ssyncadd.s32 $0xFFFFC000  }
0x50: {  	_ =	sfence.sel $0x180000  }
0x51: {  	[bflag:$0x0] =	sbarrier.arrive $0xFFFF  }
0x52: {  	p0 =	sne.s32 s4, $0x0;
	_ =	strace $0x90000053  }
0x53: {  	s0 =	sadd.s32 @!p0 $0x100000, s0;
	[bflag:$0x2] =	sbarrier.arrive $0xFFFF  }
0x54: {  	[sflag:s0] =	ssyncadd.tile.s32 @!p0 $0x1;
	_ =	shalt  }
.Lfunc_end2:
_tile_overlayer_lowered:
.L_overlay_start_2:
0x55: {  	(tag) =	ssettag $0x2  }
0x56: {  	s0 =	rddreg [dreg:$0x0];
	s2 =	stileid.u32  }
0x57: {  	s1 =	rddreg [dreg:$0x1];
	p0 =	sne.s32 s2, $0x0  }
0x58: {  	s3 =	rddreg [dreg:$0x2];
	[bflag:$0x3] =	sbarrier.arrive $0xFFFF;
	s2 =	simm.s32 @!p0 $0x1C02  }
0x59: {  	[timem:s3], [sflag:s2] =	dma.local @!p0 [hbm:s0], s1  }
0x5a: {  	s0 =	simm.s32 @!p0 $0x2  }
0x5b: {  	_ =	swait.ge @!p0 [sflag:s0], s1  }
0x5c: {  	s1 =	ssub.s32 @!p0 $0x0, s1;
	[sflag:s0] =	ssyncset.done @!p0 $0x0  }
0x5d: {  	[sflag:s0] =	ssyncadd.s32 @!p0 s1  }
0x5e: {  	[bflag:$0x3] =	sbarrier.arrive $0xFFFF  }
0x5f: {  	_ =	shalt  }

// kernel: kernel.40.cloned.1.call-start
scs
__scs_entry_jumppad:
0x0: {  	(pc) =	sbr.rel $0x88, $3  }
0x1: {  	(tag) =	ssettag $0x0;
	lr =	simm.s32 $0x1  }
0x2: {  	[smem:$0x3F76] =	sst lr;
	_ =	strace $0xD0000000  }
0x3: {  	_ = 	snop  }
0x4: {  	_ = 	snop  }
0x5: {  	_ = 	snop  }
0x6: {  	_ = 	snop  }
0x7: {  	_ = 	snop  }
__scs_overlays_trampoline_lowered:
0x8: {  	[smem:$0x3F85] =	sst s0  }
0x9: {  	[smem:$0x3F86] =	sst s1  }
0xa: {  	[smem:$0x3F87] =	sst s2  }
0xb: {  	[smem:$0x3F88] =	sst s3  }
0xc: {  	[smem:$0x3F89] =	sst s4  }
0xd: {  	[smem:$0x3F8A] =	sst s5  }
0xe: {  	[smem:$0x3F8B] =	sst s6  }
0xf: {  	[smem:$0x3F8C] =	sst s7  }
0x10: {  	[smem:$0x3F8D] =	sst s8  }
0x11: {  	[smem:$0x3F8E] =	sst s9;
	s0 =	simm.s32 @!p0 $0x0  }
0x12: {  	s1 =	sld [smem:$0x3F74];
	s0 =	simm.s32 @p0 $0x1  }
0x13: {  	[smem:$0x3F8F] =	sst s0;
	s0 =	simm.s32 @!p1 $0x0  }
0x14: {  	s2 =	sld [smem:$0x3F73];
	s0 =	simm.s32 @p1 $0x1  }
0x15: {  	[smem:$0x3F90] =	sst s0;
	s0 =	simm.s32 @!p2 $0x0  }
0x16: {  	s3 =	sld [smem:$0x3FDB];
	s0 =	simm.s32 @p2 $0x1  }
0x17: {  	s4 =	simm.s32 $0x1BF5;
	[smem:$0x3F92] =	sst s0  }
0x18: {  	s0 =	sld [smem:$0x3F75];
	_ =	swait.ge [sflag:s4], $0x0  }
0x19: {  	s7 =	sld [smem:$0x3F76]  }
0x1a: {  	s8 =	sadd.s32 $0xFFFFE003, lr  }
0x1b: {  	s9 =	sadd.s32 $0xFFFFFEF7, lr;
	s5 =	simm.s32 $0xFFFFFFFF;
	p2 =	slt.u32 s8, $0xFFFFF086  }
0x1c: {  	p1 =	slt.u32 s9, $0xF7A;
	s5 =	simm.s32 @!p2 $0x0  }
0x1d: {  	s5 =	simm.s32 @p1 $0x1;
	p0 =	seq.s32 s7, s2  }
0x1e: {  	s7 =	smul.u32 @!p0 $0xF7A, s2;
	p2 =	seq.s32 @!p0 s5, $0x0  }
0x1f: {  	s9 =	smul.u32 $0xF7A, s1;
	s8 =	simm.s32 @!p0 $0x1BF5;
	p2 =	por !p2, p0  }
0x20: {  	[sflag:s8] =	ssyncset.s32 @!p0 $0xFFFFF086;
	s6 =	sadd.s32 @!p0 s3, s7;
	s7 =	simm.s32 @!p0 $0x108  }
0x21: {  	s3 =	sadd.s32 s3, s9;
	s6 =	sadd.s32 @!p0 $0x88, s6;
	s7 =	simm.s32 @p2 $0x1082  }
0x22: {  	[simem:s7], [sflag:s8] =	dma.local @!p0 [hbm:s6], $0xF7A  }
0x23: {  	s9 =	sor.u32 $0xD0000000, s2;
	s6 =	simm.s32 $0x108;
	_ =	swait.ge @!p0 [sflag:s8], $0x0  }
0x24: {  	s3 =	sadd.s32 $0x88, s3;
	s6 =	simm.s32 @!p1 $0x1082;
	[sflag:s4] =	ssyncset.s32 $0xFFFFF086  }
0x25: {  	[simem:s6], [sflag:s4] =	dma.local [hbm:s3], $0xF7A  }
0x26: {  	[smem:$0x3F76] =	sst s1;
	(tag) =	ssettag s2;
	_ =	strace s9  }
0x27: {  	s1 =	sld [smem:$0x3F86]  }
0x28: {  	s2 =	sld [smem:$0x3F87]  }
0x29: {  	s4 =	sld [smem:$0x3F89]  }
0x2a: {  	p0 =	seq.s32 s5, $0x0;
	s5 =	sld [smem:$0x3F8A]  }
0x2b: {  	s6 =	sld [smem:$0x3F8B]  }
0x2c: {  	s7 =	sld [smem:$0x3F8C]  }
0x2d: {  	s3 =	simm.s32 $0x108;
	s8 =	sld [smem:$0x3F8D]  }
0x2e: {  	s3 =	simm.s32 @!p0 $0x1082;
	s9 =	sld [smem:$0x3F8E]  }
0x2f: {  	lr =	sadd.s32 s0, s3;
	s0 =	sld [smem:$0x3F85]  }
0x30: {  	s3 =	sld [smem:$0x3F88]  }
0x31: {  	[smem:$0x3F91] =	sst s10  }
0x32: {  	s10 =	sld [smem:$0x3F8F];
	_ =	sdelay $0x3  }
0x33: {  	p0 =	seq.s32 s10, $0x1;
	s10 =	sld [smem:$0x3F91];
	_ =	sdelay $0x3  }
0x34: {  	[smem:$0x3F91] =	sst s10  }
0x35: {  	s10 =	sld [smem:$0x3F90];
	_ =	sdelay $0x3  }
0x36: {  	p1 =	seq.s32 s10, $0x1;
	s10 =	sld [smem:$0x3F91];
	_ =	sdelay $0x3  }
0x37: {  	[smem:$0x3F91] =	sst s10  }
0x38: {  	s10 =	sld [smem:$0x3F92]  }
0x39: {  	_ = 	snop;
	(pc) =	sbr.ind lr, $3  }
0x3a: {  	_ = 	snop  }
0x3b: {  	_ = 	snop  }
0x3c: {  	p2 =	seq.s32 s10, $0x1;
	s10 =	sld [smem:$0x3F91]  }
0x3d: {  	_ =	shalt  }
0x3e: {  	_ =	shalt  }
0x3f: {  	_ =	shalt  }
0x40: {  	_ =	shalt  }
0x41: {  	_ =	shalt  }
0x42: {  	_ =	shalt  }
0x43: {  	_ =	shalt  }
0x44: {  	_ =	shalt  }
0x45: {  	_ =	shalt  }
0x46: {  	_ =	shalt  }
0x47: {  	_ =	shalt  }
0x48: {  	_ =	shalt  }
0x49: {  	_ =	shalt  }
0x4a: {  	_ =	shalt  }
0x4b: {  	_ =	shalt  }
0x4c: {  	_ =	shalt  }
0x4d: {  	_ =	shalt  }
0x4e: {  	_ =	shalt  }
0x4f: {  	_ =	shalt  }
0x50: {  	_ =	shalt  }
0x51: {  	_ =	shalt  }
0x52: {  	_ =	shalt  }
0x53: {  	_ =	shalt  }
0x54: {  	_ =	shalt  }
0x55: {  	_ =	shalt  }
0x56: {  	_ =	shalt  }
0x57: {  	_ =	shalt  }
0x58: {  	_ =	shalt  }
0x59: {  	_ =	shalt  }
0x5a: {  	_ =	shalt  }
0x5b: {  	_ =	shalt  }
0x5c: {  	_ =	shalt  }
0x5d: {  	_ =	shalt  }
0x5e: {  	_ =	shalt  }
0x5f: {  	_ =	shalt  }
0x60: {  	_ =	shalt  }
0x61: {  	_ =	shalt  }
0x62: {  	_ =	shalt  }
0x63: {  	_ =	shalt  }
0x64: {  	_ =	shalt  }
0x65: {  	_ =	shalt  }
0x66: {  	_ =	shalt  }
0x67: {  	_ =	shalt  }
0x68: {  	_ =	shalt  }
0x69: {  	_ =	shalt  }
0x6a: {  	_ =	shalt  }
0x6b: {  	_ =	shalt  }
0x6c: {  	_ =	shalt  }
0x6d: {  	_ =	shalt  }
0x6e: {  	_ =	shalt  }
0x6f: {  	_ =	shalt  }
0x70: {  	_ =	shalt  }
0x71: {  	_ =	shalt  }
0x72: {  	_ =	shalt  }
0x73: {  	_ =	shalt  }
0x74: {  	_ =	shalt  }
0x75: {  	_ =	shalt  }
0x76: {  	_ =	shalt  }
0x77: {  	_ =	shalt  }
0x78: {  	_ =	shalt  }
0x79: {  	_ =	shalt  }
0x7a: {  	_ =	shalt  }
0x7b: {  	_ =	shalt  }
0x7c: {  	_ =	shalt  }
0x7d: {  	_ =	shalt  }
0x7e: {  	_ =	shalt  }
0x7f: {  	_ =	shalt  }
0x80: {  	_ =	shalt  }
0x81: {  	_ =	shalt  }
0x82: {  	_ =	shalt  }
0x83: {  	_ =	shalt  }
0x84: {  	_ =	shalt  }
0x85: {  	_ =	shalt  }
0x86: {  	_ =	shalt  }
0x87: {  	_ =	shalt  }
.Lfunc_end0:
.L_simem_size_0:
called_computation.5_lowered:
.L_overlay_start_0:
0x88: {  	s2 =	sld [smem:$0x3FD9]  }
0x89: {  	s3 =	sld [smem:$0x3FFE];
	_ =	sdelay $0x1  }
0x8a: {  	s1 =	srdreg.scid  }
0x8b: {  	s0 =	sand.u32 $0x1, s1  }
0x8c: {  	s16 =	sshll.u32 s0, $0xA;
	s2 =	sadd.s32 s3, s2  }
0x8d: {  	s2 =	sadd.s32 s2, s16  }
0x8e: {  	[smem:$0x3F9D] =	sst s2  }
0x8f: {  	_ = 	snop  }
0x90: {  	(tm) =	ssettm $0x1  }
0x91: {  	s17 =	sld [smem:$0x3FFB];
	_ =	sdelay $0x3  }
0x92: {  	_ =	strace s17  }
0x93: {  	s2 =	sld [smem:$0x3FFC];
	_ =	sdelay $0x3  }
0x94: {  	_ =	strace s2  }
0x95: {  	s2 =	sld [smem:$0x3FFD];
	_ =	sdelay $0x3  }
0x96: {  	_ =	strace s2  }
0x97: {  	_ =	strace $0x8FFFFFFF  }
0x98: {  	s18 =	sld [smem:$0x3FDB];
	_ =	sdelay $0x1  }
0x99: {  	s19 =	simm.s32 $_scs_section_size  }
0x9a: {  	s4 =	simm.s32 $_size__tile_overlayer_lowered;
	s5 =	simm.s32 $_tile_overlayer_lowered  }
0x9b: {  	s22 =	simm.s32 $0x1BFF;
	s21 =	sshll.u32 s5, $0x1;
	s2 =	sadd.s32 s19, s18  }
0x9c: {  	s6 =	simm.s32 $0x0;
	s20 =	sshll.u32 s4, $0x1;
	s4 =	sadd.s32 s21, s2  }
0x9d: {  	[timem:s6], [sflag:s22] =	dma.local [hbm:s4], s20  }
0x9e: {  	_ =	swait.ge [sflag:s22], s20  }
0x9f: {  	s3 =	ssub.s32 $0x0, s20;
	[sflag:s22] =	ssyncset.done $0x0  }
0xa0: {  	[sflag:s22] =	ssyncadd.s32 s3;
	_ =	sdelay $0x1  }
0xa1: {  	s23 =	simm.s32 $0x1B8B  }
0xa2: {  	_ =	swait.ge [sflag:s23], $0x1  }
0xa3: {  	[sflag:s23] =	ssyncset.done $0x0  }
0xa4: {  	s25 =	simm.s32 $0x1B8E;
	s24 =	sld [smem:$0x3FFE];
	[sflag:s23] =	ssyncadd.s32 $0xFFFFFFFF  }
0xa5: {  	s26 =	simm.s32 $execute0_lowered;
	[smem:$0x3FD2] =	sst s25  }
0xa6: {  	s4 =	sshll.u32 s26, $0x1;
	_ =	strace $0x80000055;
	[dreg:$0x1] =	wrdreg $0xFFFFFFFF  }
0xa7: {  	s28 =	simm.s32 $_size_execute0_lowered;
	s2 =	sadd.s32 s2, s4;
	[dreg:$0x0] =	wrdreg $0x0  }
0xa8: {  	s4 =	sshll.u32 s28, $0x1;
	[dreg:$0x2] =	wrdreg s2  }
0xa9: {  	[dreg:$0x3] =	wrdreg s4  }
0xaa: {  	[dreg:$0x4] =	wrdreg $0xC0  }
0xab: {  	_ =	task [dreg:s6], $0x5FFFF  }
0xac: {  	[dreg:$0x1] =	wrdreg $0xFFFFFFFF  }
0xad: {  	[dreg:$0x0] =	wrdreg $0x60  }
0xae: {  	[dreg:$0x2] =	wrdreg s24  }
0xaf: {  	[dreg:$0x3] =	wrdreg $0x40800  }
0xb0: {  	[dreg:$0x4] =	wrdreg $0x9  }
0xb1: {  	_ =	task.clear_ibuf [dreg:s6], $0x5FFFF;
	_ =	strace $0x90000055  }
0xb2: {  	s29 =	simm.s32 $0x9;
	_ =	strace $0x80000057  }
0xb3: {  	_ =	swait.ge [sflag:s29], $0x1  }
0xb4: {  	[sflag:s29] =	ssyncadd.s32 $0xFFFFFFFF  }
0xb5: {  	_ =	strace $0x90000057  }
0xb6: {  	_ =	sfence  }
0xb7: {  	s30 =	sld [smem:$0x0];
	_ =	sdelay $0x2  }
0xb8: {  	s31 =	sshll.u32 s1, $0xD;
	s1 =	sshrl.u32 s1, $0x2  }
0xb9: {  	s3 =	sand.u32 $0x4000, s31;
	s1 =	sadd.s32 s1, s30  }
0xba: {  	s0 =	sor.u32 s3, s0;
	s1 =	sshll.u32 s1, $0x11  }
0xbb: {  	s0 =	sor.u32 s1, s0  }
0xbc: {  	s0 =	sadd.s32 $0x8F2B, s0  }
0xbd: {  	[sflag:s0] =	ssyncadd.remote.s32 $0x1  }
0xbe: {  	_ =	sfence.sel $0xFFFF  }
0xbf: {  	[dreg:$0x0] =	wrdreg $0xFFFFFFFF;
	(pc) =	sbr.abs _section_cstart, $3  }
0xc0: {  	[dreg:$0x1] =	wrdreg $0xFFFFFFFF  }
0xc1: {  	_ =	task.clear_ibuf [dreg:s6], $0x2FFFF;
	_ =	strace $0x9FFFFFFF  }
0xc2: {  	(tm) =	ssettm $0x7FFFFFFF  }
0xc3: {  	_ =	shalt  }
tec
execute0_lowered:
.L_overlay_start_1:
0x0: {  	(tag) =	ssettag $0x1  }
0x1: {  	s2 =	srdreg.scid  }
0x2: {  	s5 =	rddreg [dreg:$0x0];
	s6 =	sand.u32 $0x1, s2  }
0x3: {  	s2 =	stileid.u32;
	s4 =	smul.u32 $0x278000, s6  }
0x4: {  	s1 =	rddreg [dreg:$0x1];
	s3 =	simm.s32 $0x0;
	s7 =	smul.u32 $0x14000, s2  }
0x5: {  	[smem:$0x7FF] =	sst s3;
	s8 =	smul.u32 $0x140000, s6  }
0x6: {  	s0 =	rddreg [dreg:$0x2];
	_ =	strace $0x80000056;
	s11 =	smul.u32 $0x50000, s2  }
0x7: {  	s26 =	ssub.s32 $0x2, s6;
	s28 =	sshll.u32 s2, $0x6;
	s29 =	sshll.u32 s6, $0x4  }
0x8: {  	s14 =	smul.u32 $0x27800, s2;
	s12 =	sshrl.u32 s26, $0x1;
	s6 =	sor.u32 $0x1C01, s28  }
0x9: {  	s30 =	sor.u32 s2, s29;
	s9 =	sadd.s32 s4, s5;
	s4 =	sadd.s32 $0x1BE00, s5  }
0xa: {  	s10 =	sshrl.u32 s7, $0x3;
	s7 =	sadd.s32 s7, s8;
	s11 =	sshrl.u32 s11, $0x2  }
0xb: {  	s12 =	ssub.s32 s26, s12;
	s10 =	sadd.s32 s10, s5;
	s7 =	sshrl.u32 s7, $0x3  }
0xc: {  	s11 =	sadd.s32 s11, s1;
	s31 =	sadd.s32 s14, s9;
	s9 =	smax.u32 s12, $0x1  }
0xd: {  	s12 =	simm.s32 $0x1;
	s14 =	simm.s32 $0x0;
	s13 =	sadd.s32 s7, s5  }
0xe: {  	s5 =	sadd.s32 $0x31600, s10;
	s7 =	smul.u32 $0x2800, s30;
	s10 =	sadd.s32 $0xFCA000, s31  }
0xf: {  	s11 =	sshrl.u32 s11, $0x3;
	s8 =	sadd.s32 $0x5A000, s13;
	s13 =	simm.s32 $0x80  }
.LBB2_1:
0x10: {  	[spmem:s11], [sflag:s6] =	dma.local [hbm:s5], $0x2800  }
0x11: {  	_ =	swait.ge [sflag:s12], $0x2800  }
0x12: {  	[sflag:s12] =	ssyncset.done $0x0  }
0x13: {  	s15 =	sand.u32 $0x3C00, s3;
	[sflag:s12] =	ssyncadd.s32 $0xFFFFD800  }
0x14: {  	s16 =	sand.u32 $0x380, s3;
	s15 =	sadd.s32 s7, s15;
	[bflag:$0x0] =	sbarrier.arrive $0xFFFF  }
0x15: {  	[tilespmem:s13], [sflag:$0x1] =	stream.linear.gather [hbm4b:s10+s3], $0x4000, $0x38;
	[tilespmem:$0x18080] =	vst v63  }
0x16: {  	s15 =	sor.u32 s16, s15;
	_ =	swait.ge [sflag:s12], $0x4000  }
0x17: {  	s15 =	sshrl.u32 s15, $0x3;
	[sflag:s12] =	ssyncset.done $0x0  }
0x18: {  	s15 =	sadd.s32 s4, s15;
	[sflag:s12] =	ssyncadd.s32 $0xFFFFC000  }
0x19: {  	[tilespmem:s3], [sflag:$0x1] =	stream.linear.gather [hbm4b:s15+s3], $0x80, $0x38;
	[tilespmem:$0x18080] =	vst v63  }
0x1a: {  	s31 =	simm.s32 $0x80;
	_ =	swait.ge [sflag:s12], $0x80  }
0x1b: {  	s18 =	simm.s32 $0x100;
	s17 =	sand.u32 $0x380, s31;
	[sflag:s12] =	ssyncset.done $0x0  }
0x1c: {  	s16 =	sadd.s32 $0x800, s10;
	s15 =	sand.u32 $0x3C00, s31;
	[sflag:s12] =	ssyncadd.s32 $0xFFFFFF80  }
.LBB2_2:
0x1d: {  	[spmem:s1] =	stream.indirect.scatter.add.f32 [tilespmem:s13], [sflag:$0x1], $0x80, s3, s13, $0xb8;
	[tilespmem:$0x18080] =	vst v63  }
0x1e: {  	s19 =	smov.u32 s18  }
0x1f: {  	s20 =	sadd.s32 s7, s15;
	s15 =	sand.u32 $0x3C00, s18;
	_ =	swait.ge [sflag:s12], $0x4000  }
0x20: {  	s21 =	sadd.s32 $0x80, s18;
	s17 =	sor.u32 s17, s20;
	[sflag:s12] =	ssyncset.done $0x0  }
0x21: {  	p0 =	sne.s32 s18, $0x2700;
	s17 =	sshrl.u32 s17, $0x3;
	[sflag:s12] =	ssyncadd.s32 $0xFFFFC000  }
0x22: {  	[tilespmem:s13], [sflag:$0x1] =	stream.linear.gather [hbm4b:s16+s3], $0x4000, $0x38;
	[tilespmem:$0x18080] =	vst v63  }
0x23: {  	_ =	swait.ge [sflag:s12], $0x4000  }
0x24: {  	s17 =	sadd.s32 s4, s17;
	[sflag:s12] =	ssyncset.done $0x0  }
.Ltmp0:
0x25: {  	[sflag:s12] =	ssyncadd.s32 $0xFFFFC000;
	(pc) =	sbr.rel @p0 .LBB2_2-.Ltmp0, $4  }
0x26: {  	[tilespmem:s3], [sflag:$0x1] =	stream.linear.gather [hbm4b:s17+s3], $0x80, $0x38;
	[tilespmem:$0x18080] =	vst v63  }
0x27: {  	_ =	swait.ge [sflag:s12], $0x80  }
0x28: {  	s18 =	smov.u32 s21;
	[sflag:s12] =	ssyncset.done $0x0  }
0x29: {  	s16 =	sadd.s32 $0x800, s16;
	s17 =	sand.u32 $0x380, s19;
	[sflag:s12] =	ssyncadd.s32 $0xFFFFFF80  }
0x2a: {  	[spmem:s1] =	stream.indirect.scatter.add.f32 [tilespmem:s13], [sflag:$0x1], $0x80, s3, s13, $0xb8;
	[tilespmem:$0x18080] =	vst v63  }
0x2b: {  	_ =	swait.ge [sflag:s12], $0x4000  }
0x2c: {  	[sflag:s12] =	ssyncset.done $0x0  }
0x2d: {  	s15 =	sadd.s32 s7, s15;
	[sflag:s12] =	ssyncadd.s32 $0xFFFFC000  }
0x2e: {  	[tilespmem:s13], [sflag:$0x1] =	stream.linear.gather [hbm4b:s16+s3], $0x4000, $0x38;
	[tilespmem:$0x18080] =	vst v63  }
0x2f: {  	s15 =	sor.u32 s17, s15;
	_ =	swait.ge [sflag:s12], $0x4000  }
0x30: {  	s15 =	sshrl.u32 s15, $0x3;
	[sflag:s12] =	ssyncset.done $0x0  }
0x31: {  	s15 =	sadd.s32 s4, s15;
	[sflag:s12] =	ssyncadd.s32 $0xFFFFC000  }
0x32: {  	[tilespmem:s3], [sflag:$0x1] =	stream.linear.gather [hbm4b:s15+s3], $0x80, $0x38;
	[tilespmem:$0x18080] =	vst v63  }
0x33: {  	_ =	swait.ge [sflag:s12], $0x80  }
0x34: {  	[sflag:s12] =	ssyncset.done $0x0  }
0x35: {  	[sflag:s12] =	ssyncadd.s32 $0xFFFFFF80  }
0x36: {  	[spmem:s1] =	stream.indirect.scatter.add.f32 [tilespmem:s13], [sflag:$0x1], $0x80, s3, s13, $0xb8;
	[tilespmem:$0x18080] =	vst v63  }
0x37: {  	_ =	swait.ge [sflag:s12], $0x4000  }
0x38: {  	s14 =	sadd.s32 $0x1, s14;
	[sflag:s12] =	ssyncset.done $0x0  }
0x39: {  	p0 =	sne.s32 s14, s9;
	[sflag:s12] =	ssyncadd.s32 $0xFFFFC000  }
.Ltmp1:
0x3a: {  	[bflag:$0x0] =	sbarrier.arrive $0xFFFF;
	(pc) =	sbr.rel @p0 .LBB2_1-.Ltmp1, $4  }
0x3b: {  	[hbm:s8], [sflag:s6] =	dma.local [spmem:s11], $0x2800  }
0x3c: {  	_ =	swait.ge [sflag:s12], $0x2800  }
0x3d: {  	[sflag:s12] =	ssyncset.done $0x0  }
0x3e: {  	[sflag:s12] =	ssyncadd.s32 $0xFFFFD800  }
0x3f: {  	_ =	sfence.sel $0x180000  }
0x40: {  	[bflag:$0x0] =	sbarrier.arrive $0xFFFF  }
0x41: {  	p0 =	sne.s32 s2, $0x0;
	_ =	strace $0x90000056  }
0x42: {  	s0 =	sadd.s32 @!p0 $0x100000, s0;
	[bflag:$0x2] =	sbarrier.arrive $0xFFFF  }
0x43: {  	[sflag:s0] =	ssyncadd.tile.s32 @!p0 $0x1;
	_ =	shalt  }
.Lfunc_end2:
_tile_overlayer_lowered:
.L_overlay_start_2:
0x44: {  	(tag) =	ssettag $0x2  }
0x45: {  	s0 =	rddreg [dreg:$0x0];
	s2 =	stileid.u32  }
0x46: {  	s1 =	rddreg [dreg:$0x1];
	p0 =	sne.s32 s2, $0x0  }
0x47: {  	s3 =	rddreg [dreg:$0x2];
	[bflag:$0x3] =	sbarrier.arrive $0xFFFF;
	s2 =	simm.s32 @!p0 $0x1C01  }
0x48: {  	[timem:s3], [sflag:s2] =	dma.local @!p0 [hbm:s0], s1  }
0x49: {  	s0 =	simm.s32 @!p0 $0x1  }
0x4a: {  	_ =	swait.ge @!p0 [sflag:s0], s1  }
0x4b: {  	s1 =	ssub.s32 @!p0 $0x0, s1;
	[sflag:s0] =	ssyncset.done @!p0 $0x0  }
0x4c: {  	[sflag:s0] =	ssyncadd.s32 @!p0 s1  }
0x4d: {  	[bflag:$0x3] =	sbarrier.arrive $0xFFFF  }
0x4e: {  	_ =	shalt  }

// kernel: kernel.43.cloned.1.call-start
scs
__scs_entry_jumppad:
0x0: {  	(pc) =	sbr.rel $0x88, $3  }
0x1: {  	(tag) =	ssettag $0x0;
	lr =	simm.s32 $0x1  }
0x2: {  	[smem:$0x3F76] =	sst lr;
	_ =	strace $0xD0000000  }
0x3: {  	_ = 	snop  }
0x4: {  	_ = 	snop  }
0x5: {  	_ = 	snop  }
0x6: {  	_ = 	snop  }
0x7: {  	_ = 	snop  }
__scs_overlays_trampoline_lowered:
0x8: {  	[smem:$0x3F85] =	sst s0  }
0x9: {  	[smem:$0x3F86] =	sst s1  }
0xa: {  	[smem:$0x3F87] =	sst s2  }
0xb: {  	[smem:$0x3F88] =	sst s3  }
0xc: {  	[smem:$0x3F89] =	sst s4  }
0xd: {  	[smem:$0x3F8A] =	sst s5  }
0xe: {  	[smem:$0x3F8B] =	sst s6  }
0xf: {  	[smem:$0x3F8C] =	sst s7  }
0x10: {  	[smem:$0x3F8D] =	sst s8  }
0x11: {  	[smem:$0x3F8E] =	sst s9;
	s0 =	simm.s32 @!p0 $0x0  }
0x12: {  	s1 =	sld [smem:$0x3F74];
	s0 =	simm.s32 @p0 $0x1  }
0x13: {  	[smem:$0x3F8F] =	sst s0;
	s0 =	simm.s32 @!p1 $0x0  }
0x14: {  	s2 =	sld [smem:$0x3F73];
	s0 =	simm.s32 @p1 $0x1  }
0x15: {  	[smem:$0x3F90] =	sst s0;
	s0 =	simm.s32 @!p2 $0x0  }
0x16: {  	s3 =	sld [smem:$0x3FDB];
	s0 =	simm.s32 @p2 $0x1  }
0x17: {  	s4 =	simm.s32 $0x1BF5;
	[smem:$0x3F92] =	sst s0  }
0x18: {  	s0 =	sld [smem:$0x3F75];
	_ =	swait.ge [sflag:s4], $0x0  }
0x19: {  	s7 =	sld [smem:$0x3F76]  }
0x1a: {  	s8 =	sadd.s32 $0xFFFFE003, lr  }
0x1b: {  	s9 =	sadd.s32 $0xFFFFFEF7, lr;
	s5 =	simm.s32 $0xFFFFFFFF;
	p2 =	slt.u32 s8, $0xFFFFF086  }
0x1c: {  	p1 =	slt.u32 s9, $0xF7A;
	s5 =	simm.s32 @!p2 $0x0  }
0x1d: {  	s5 =	simm.s32 @p1 $0x1;
	p0 =	seq.s32 s7, s2  }
0x1e: {  	s7 =	smul.u32 @!p0 $0xF7A, s2;
	p2 =	seq.s32 @!p0 s5, $0x0  }
0x1f: {  	s9 =	smul.u32 $0xF7A, s1;
	s8 =	simm.s32 @!p0 $0x1BF5;
	p2 =	por !p2, p0  }
0x20: {  	[sflag:s8] =	ssyncset.s32 @!p0 $0xFFFFF086;
	s6 =	sadd.s32 @!p0 s3, s7;
	s7 =	simm.s32 @!p0 $0x108  }
0x21: {  	s3 =	sadd.s32 s3, s9;
	s6 =	sadd.s32 @!p0 $0x88, s6;
	s7 =	simm.s32 @p2 $0x1082  }
0x22: {  	[simem:s7], [sflag:s8] =	dma.local @!p0 [hbm:s6], $0xF7A  }
0x23: {  	s9 =	sor.u32 $0xD0000000, s2;
	s6 =	simm.s32 $0x108;
	_ =	swait.ge @!p0 [sflag:s8], $0x0  }
0x24: {  	s3 =	sadd.s32 $0x88, s3;
	s6 =	simm.s32 @!p1 $0x1082;
	[sflag:s4] =	ssyncset.s32 $0xFFFFF086  }
0x25: {  	[simem:s6], [sflag:s4] =	dma.local [hbm:s3], $0xF7A  }
0x26: {  	[smem:$0x3F76] =	sst s1;
	(tag) =	ssettag s2;
	_ =	strace s9  }
0x27: {  	s1 =	sld [smem:$0x3F86]  }
0x28: {  	s2 =	sld [smem:$0x3F87]  }
0x29: {  	s4 =	sld [smem:$0x3F89]  }
0x2a: {  	p0 =	seq.s32 s5, $0x0;
	s5 =	sld [smem:$0x3F8A]  }
0x2b: {  	s6 =	sld [smem:$0x3F8B]  }
0x2c: {  	s7 =	sld [smem:$0x3F8C]  }
0x2d: {  	s3 =	simm.s32 $0x108;
	s8 =	sld [smem:$0x3F8D]  }
0x2e: {  	s3 =	simm.s32 @!p0 $0x1082;
	s9 =	sld [smem:$0x3F8E]  }
0x2f: {  	lr =	sadd.s32 s0, s3;
	s0 =	sld [smem:$0x3F85]  }
0x30: {  	s3 =	sld [smem:$0x3F88]  }
0x31: {  	[smem:$0x3F91] =	sst s10  }
0x32: {  	s10 =	sld [smem:$0x3F8F];
	_ =	sdelay $0x3  }
0x33: {  	p0 =	seq.s32 s10, $0x1;
	s10 =	sld [smem:$0x3F91];
	_ =	sdelay $0x3  }
0x34: {  	[smem:$0x3F91] =	sst s10  }
0x35: {  	s10 =	sld [smem:$0x3F90];
	_ =	sdelay $0x3  }
0x36: {  	p1 =	seq.s32 s10, $0x1;
	s10 =	sld [smem:$0x3F91];
	_ =	sdelay $0x3  }
0x37: {  	[smem:$0x3F91] =	sst s10  }
0x38: {  	s10 =	sld [smem:$0x3F92]  }
0x39: {  	_ = 	snop;
	(pc) =	sbr.ind lr, $3  }
0x3a: {  	_ = 	snop  }
0x3b: {  	_ = 	snop  }
0x3c: {  	p2 =	seq.s32 s10, $0x1;
	s10 =	sld [smem:$0x3F91]  }
0x3d: {  	_ =	shalt  }
0x3e: {  	_ =	shalt  }
0x3f: {  	_ =	shalt  }
0x40: {  	_ =	shalt  }
0x41: {  	_ =	shalt  }
0x42: {  	_ =	shalt  }
0x43: {  	_ =	shalt  }
0x44: {  	_ =	shalt  }
0x45: {  	_ =	shalt  }
0x46: {  	_ =	shalt  }
0x47: {  	_ =	shalt  }
0x48: {  	_ =	shalt  }
0x49: {  	_ =	shalt  }
0x4a: {  	_ =	shalt  }
0x4b: {  	_ =	shalt  }
0x4c: {  	_ =	shalt  }
0x4d: {  	_ =	shalt  }
0x4e: {  	_ =	shalt  }
0x4f: {  	_ =	shalt  }
0x50: {  	_ =	shalt  }
0x51: {  	_ =	shalt  }
0x52: {  	_ =	shalt  }
0x53: {  	_ =	shalt  }
0x54: {  	_ =	shalt  }
0x55: {  	_ =	shalt  }
0x56: {  	_ =	shalt  }
0x57: {  	_ =	shalt  }
0x58: {  	_ =	shalt  }
0x59: {  	_ =	shalt  }
0x5a: {  	_ =	shalt  }
0x5b: {  	_ =	shalt  }
0x5c: {  	_ =	shalt  }
0x5d: {  	_ =	shalt  }
0x5e: {  	_ =	shalt  }
0x5f: {  	_ =	shalt  }
0x60: {  	_ =	shalt  }
0x61: {  	_ =	shalt  }
0x62: {  	_ =	shalt  }
0x63: {  	_ =	shalt  }
0x64: {  	_ =	shalt  }
0x65: {  	_ =	shalt  }
0x66: {  	_ =	shalt  }
0x67: {  	_ =	shalt  }
0x68: {  	_ =	shalt  }
0x69: {  	_ =	shalt  }
0x6a: {  	_ =	shalt  }
0x6b: {  	_ =	shalt  }
0x6c: {  	_ =	shalt  }
0x6d: {  	_ =	shalt  }
0x6e: {  	_ =	shalt  }
0x6f: {  	_ =	shalt  }
0x70: {  	_ =	shalt  }
0x71: {  	_ =	shalt  }
0x72: {  	_ =	shalt  }
0x73: {  	_ =	shalt  }
0x74: {  	_ =	shalt  }
0x75: {  	_ =	shalt  }
0x76: {  	_ =	shalt  }
0x77: {  	_ =	shalt  }
0x78: {  	_ =	shalt  }
0x79: {  	_ =	shalt  }
0x7a: {  	_ =	shalt  }
0x7b: {  	_ =	shalt  }
0x7c: {  	_ =	shalt  }
0x7d: {  	_ =	shalt  }
0x7e: {  	_ =	shalt  }
0x7f: {  	_ =	shalt  }
0x80: {  	_ =	shalt  }
0x81: {  	_ =	shalt  }
0x82: {  	_ =	shalt  }
0x83: {  	_ =	shalt  }
0x84: {  	_ =	shalt  }
0x85: {  	_ =	shalt  }
0x86: {  	_ =	shalt  }
0x87: {  	_ =	shalt  }
.Lfunc_end0:
.L_simem_size_0:
called_computation.6_lowered:
.L_overlay_start_0:
0x88: {  	s2 =	sld [smem:$0x3FD9]  }
0x89: {  	s3 =	sld [smem:$0x3FFE];
	_ =	sdelay $0x1  }
0x8a: {  	s1 =	srdreg.scid  }
0x8b: {  	s0 =	sand.u32 $0x1, s1  }
0x8c: {  	s16 =	sshll.u32 s0, $0xA;
	s2 =	sadd.s32 s3, s2  }
0x8d: {  	s2 =	sadd.s32 s2, s16  }
0x8e: {  	[smem:$0x3F9D] =	sst s2  }
0x8f: {  	_ = 	snop  }
0x90: {  	(tm) =	ssettm $0x1  }
0x91: {  	s17 =	sld [smem:$0x3FFB];
	_ =	sdelay $0x3  }
0x92: {  	_ =	strace s17  }
0x93: {  	s2 =	sld [smem:$0x3FFC];
	_ =	sdelay $0x3  }
0x94: {  	_ =	strace s2  }
0x95: {  	s2 =	sld [smem:$0x3FFD];
	_ =	sdelay $0x3  }
0x96: {  	_ =	strace s2  }
0x97: {  	_ =	strace $0x8FFFFFFF  }
0x98: {  	s18 =	sld [smem:$0x3FDB];
	_ =	sdelay $0x1  }
0x99: {  	s19 =	simm.s32 $_scs_section_size  }
0x9a: {  	s4 =	simm.s32 $_size__tile_overlayer_lowered;
	s5 =	simm.s32 $_tile_overlayer_lowered  }
0x9b: {  	s22 =	simm.s32 $0x1BFF;
	s21 =	sshll.u32 s5, $0x1;
	s2 =	sadd.s32 s19, s18  }
0x9c: {  	s6 =	simm.s32 $0x0;
	s20 =	sshll.u32 s4, $0x1;
	s4 =	sadd.s32 s21, s2  }
0x9d: {  	[timem:s6], [sflag:s22] =	dma.local [hbm:s4], s20  }
0x9e: {  	_ =	swait.ge [sflag:s22], s20  }
0x9f: {  	s3 =	ssub.s32 $0x0, s20;
	[sflag:s22] =	ssyncset.done $0x0  }
0xa0: {  	[sflag:s22] =	ssyncadd.s32 s3;
	_ =	sdelay $0x1  }
0xa1: {  	s23 =	simm.s32 $0x1B8B  }
0xa2: {  	_ =	swait.ge [sflag:s23], $0x1  }
0xa3: {  	[sflag:s23] =	ssyncset.done $0x0  }
0xa4: {  	s25 =	simm.s32 $0x1B8E;
	s24 =	sld [smem:$0x3FFE];
	[sflag:s23] =	ssyncadd.s32 $0xFFFFFFFF  }
0xa5: {  	s26 =	simm.s32 $execute0_lowered;
	[smem:$0x3FD2] =	sst s25  }
0xa6: {  	s4 =	sshll.u32 s26, $0x1;
	_ =	strace $0x80000058;
	[dreg:$0x1] =	wrdreg $0xFFFFFFFF  }
0xa7: {  	s28 =	simm.s32 $_size_execute0_lowered;
	s2 =	sadd.s32 s2, s4;
	[dreg:$0x0] =	wrdreg $0x0  }
0xa8: {  	s4 =	sshll.u32 s28, $0x1;
	[dreg:$0x2] =	wrdreg s2  }
0xa9: {  	[dreg:$0x3] =	wrdreg s4  }
0xaa: {  	[dreg:$0x4] =	wrdreg $0xC0  }
0xab: {  	_ =	task [dreg:s6], $0x5FFFF  }
0xac: {  	[dreg:$0x1] =	wrdreg $0xFFFFFFFF  }
0xad: {  	[dreg:$0x0] =	wrdreg $0x60  }
0xae: {  	[dreg:$0x2] =	wrdreg s24  }
0xaf: {  	[dreg:$0x3] =	wrdreg $0x9  }
0xb0: {  	_ =	task.clear_ibuf [dreg:s6], $0x4FFFF;
	_ =	strace $0x90000058  }
0xb1: {  	s29 =	simm.s32 $0x9;
	_ =	strace $0x8000005A  }
0xb2: {  	_ =	swait.ge [sflag:s29], $0x1  }
0xb3: {  	[sflag:s29] =	ssyncadd.s32 $0xFFFFFFFF  }
0xb4: {  	_ =	strace $0x9000005A  }
0xb5: {  	_ =	sfence  }
0xb6: {  	s30 =	sld [smem:$0x0];
	_ =	sdelay $0x2  }
0xb7: {  	s31 =	sshll.u32 s1, $0xD;
	s1 =	sshrl.u32 s1, $0x2  }
0xb8: {  	s3 =	sand.u32 $0x4000, s31;
	s1 =	sadd.s32 s1, s30  }
0xb9: {  	s0 =	sor.u32 s3, s0;
	s1 =	sshll.u32 s1, $0x11  }
0xba: {  	s0 =	sor.u32 s1, s0  }
0xbb: {  	s0 =	sadd.s32 $0x8F2B, s0  }
0xbc: {  	[sflag:s0] =	ssyncadd.remote.s32 $0x1  }
0xbd: {  	_ =	sfence.sel $0xFFFF  }
0xbe: {  	[dreg:$0x0] =	wrdreg $0xFFFFFFFF;
	(pc) =	sbr.abs _section_cstart, $3  }
0xbf: {  	[dreg:$0x1] =	wrdreg $0xFFFFFFFF  }
0xc0: {  	_ =	task.clear_ibuf [dreg:s6], $0x2FFFF;
	_ =	strace $0x9FFFFFFF  }
0xc1: {  	(tm) =	ssettm $0x7FFFFFFF  }
tec
execute0_lowered:
.L_overlay_start_1:
0x0: {  	(tag) =	ssettag $0x1  }
0x1: {  	s7 =	rddreg [dreg:$0x0]  }
0x2: {  	s0 =	rddreg [dreg:$0x1]  }
0x3: {  	s1 =	simm.s32 $0x0;
	s4 =	srdreg.scid;
	s13 =	simm.s32 $0x1  }
0x4: {  	s14 =	simm.s32 $0x0;
	[smem:$0x7FF] =	sst s1;
	s2 =	sadd.s32 $0x5A000, s7  }
0x5: {  	s3 =	sadd.s32 $0x82000, s7;
	s5 =	sadd.s32 $0x1BE00, s7;
	s6 =	sadd.s32 $0x25E00, s7  }
0x6: {  	s8 =	sand.u32 $0x1, s4;
	s4 =	stileid.u32;
	_ =	strace $0x80000059  }
0x7: {  	s9 =	smul.u32 $0x278000, s8;
	s10 =	ssub.s32 $0x2, s8;
	s8 =	sshll.u32 s8, $0x4  }
0x8: {  	s12 =	smul.u32 $0x27800, s4;
	s11 =	sshrl.u32 s10, $0x1;
	s31 =	sor.u32 s4, s8  }
0x9: {  	s9 =	sadd.s32 s9, s7;
	s10 =	ssub.s32 s10, s11;
	s7 =	smul.u32 $0x2800, s31  }
0xa: {  	s11 =	simm.s32 $0x80;
	s8 =	smax.u32 s10, $0x1;
	s9 =	sadd.s32 s12, s9  }
0xb: {  	s10 =	simm.s32 $0x2;
	s12 =	simm.s32 $0x100;
	s9 =	sadd.s32 $0x14A000, s9  }
.LBB2_1:
0xc: {  	s15 =	sand.u32 $0x3C00, s1  }
0xd: {  	s16 =	sand.u32 $0x380, s1;
	s15 =	sadd.s32 s7, s15  }
0xe: {  	s15 =	sor.u32 s16, s15  }
0xf: {  	s15 =	sshrl.u32 s15, $0x3  }
0x10: {  	s30 =	sadd.s32 s5, s15  }
0x11: {  	[tilespmem:s1], [sflag:$0x2] =	stream.linear.gather [hbm4b:s30+s1], $0x80, $0x38;
	[tilespmem:$0x4100] =	vst v63  }
0x12: {  	_ =	swait.ge [sflag:s10], $0x80  }
0x13: {  	[sflag:s10] =	ssyncset.done $0x0  }
0x14: {  	s15 =	sadd.s32 s6, s15;
	[sflag:s10] =	ssyncadd.s32 $0xFFFFFF80  }
0x15: {  	[tilespmem:s11], [sflag:$0x2] =	stream.linear.gather [hbm4b:s15+s1], $0x80, $0x38;
	[tilespmem:$0x4100] =	vst v63  }
0x16: {  	_ =	swait.ge [sflag:s10], $0x80  }
0x17: {  	[sflag:s10] =	ssyncset.done $0x0  }
0x18: {  	[sflag:s10] =	ssyncadd.s32 $0xFFFFFF80  }
0x19: {  	[tilespmem:s12], [sflag:$0x1] =	stream.indirect.gather [hbm4b:s2+s11], $0x80, s1, s11, $0xb8;
	[tilespmem:$0x4100] =	vst v63  }
0x1a: {  	_ =	swait.ge [sflag:s13], $0x4000  }
0x1b: {  	[sflag:s13] =	ssyncset.done $0x0  }
0x1c: {  	[sflag:s13] =	ssyncadd.s32 $0xFFFFC000  }
0x1d: {  	[tilespmem:s12], [sflag:$0x1] =	stream.indirect.gather.add.f32 [hbm:s3], $0x80, s11, s11, $0xb8;
	[tilespmem:$0x4100] =	vst v63  }
0x1e: {  	_ =	swait.ge [sflag:s13], $0x4000  }
0x1f: {  	s31 =	simm.s32 $0x80;
	[sflag:s13] =	ssyncset.done $0x0  }
0x20: {  	s17 =	sand.u32 $0x3C00, s31;
	s16 =	simm.s32 $0x100;
	[sflag:s13] =	ssyncadd.s32 $0xFFFFC000  }
0x21: {  	[hbm4b:s9+s1] =	stream.linear.scatter [tilespmem:s12], [sflag:$0x2], $0x4000, $0x38;
	[tilespmem:$0x4100] =	vst v63  }
0x22: {  	s17 =	sadd.s32 s7, s17;
	s15 =	sand.u32 $0x380, s31;
	_ =	swait.ge [sflag:s10], $0x4000  }
0x23: {  	s17 =	sor.u32 s15, s17;
	s15 =	sadd.s32 $0x800, s9;
	[sflag:s10] =	ssyncset.done $0x0  }
.LBB2_2:
0x24: {  	s17 =	sshrl.u32 s17, $0x3  }
0x25: {  	[sflag:s10] =	ssyncadd.s32 $0xFFFFC000;
	s18 =	smov.u32 s16;
	s19 =	sadd.s32 $0x80, s16  }
0x26: {  	p0 =	sne.s32 s16, $0x2700;
	s16 =	sadd.s32 s5, s17  }
0x27: {  	[tilespmem:s1], [sflag:$0x2] =	stream.linear.gather [hbm4b:s16+s1], $0x80, $0x38;
	[tilespmem:$0x4100] =	vst v63  }
0x28: {  	_ =	swait.ge [sflag:s10], $0x80  }
0x29: {  	[sflag:s10] =	ssyncset.done $0x0  }
0x2a: {  	s16 =	sadd.s32 s6, s17;
	[sflag:s10] =	ssyncadd.s32 $0xFFFFFF80  }
0x2b: {  	[tilespmem:s11], [sflag:$0x2] =	stream.linear.gather [hbm4b:s16+s1], $0x80, $0x38;
	[tilespmem:$0x4100] =	vst v63  }
0x2c: {  	_ =	swait.ge [sflag:s10], $0x80  }
0x2d: {  	[sflag:s10] =	ssyncset.done $0x0  }
0x2e: {  	[sflag:s10] =	ssyncadd.s32 $0xFFFFFF80  }
0x2f: {  	[tilespmem:s12], [sflag:$0x1] =	stream.indirect.gather [hbm4b:s2+s11], $0x80, s1, s11, $0xb8;
	[tilespmem:$0x4100] =	vst v63  }
0x30: {  	_ =	swait.ge [sflag:s13], $0x4000  }
0x31: {  	[sflag:s13] =	ssyncset.done $0x0  }
0x32: {  	[sflag:s13] =	ssyncadd.s32 $0xFFFFC000  }
0x33: {  	[tilespmem:s12], [sflag:$0x1] =	stream.indirect.gather.add.f32 [hbm:s3], $0x80, s11, s11, $0xb8;
	[tilespmem:$0x4100] =	vst v63  }
0x34: {  	_ =	swait.ge [sflag:s13], $0x4000  }
.Ltmp0:
0x35: {  	s16 =	sand.u32 $0x3C00, s18;
	[sflag:s13] =	ssyncset.done $0x0;
	(pc) =	sbr.rel @p0 .LBB2_2-.Ltmp0, $4  }
0x36: {  	s17 =	sand.u32 $0x380, s18;
	s16 =	sadd.s32 s7, s16;
	[sflag:s13] =	ssyncadd.s32 $0xFFFFC000  }
0x37: {  	[hbm4b:s15+s1] =	stream.linear.scatter [tilespmem:s12], [sflag:$0x2], $0x4000, $0x38;
	[tilespmem:$0x4100] =	vst v63  }
0x38: {  	s17 =	sor.u32 s17, s16;
	_ =	swait.ge [sflag:s10], $0x4000  }
0x39: {  	s16 =	smov.u32 s19;
	s15 =	sadd.s32 $0x800, s15;
	[sflag:s10] =	ssyncset.done $0x0  }
0x3a: {  	s16 =	sshrl.u32 s17, $0x3  }
0x3b: {  	[sflag:s10] =	ssyncadd.s32 $0xFFFFC000;
	s17 =	sadd.s32 s5, s16  }
0x3c: {  	[tilespmem:s1], [sflag:$0x2] =	stream.linear.gather [hbm4b:s17+s1], $0x80, $0x38;
	[tilespmem:$0x4100] =	vst v63  }
0x3d: {  	_ =	swait.ge [sflag:s10], $0x80  }
0x3e: {  	[sflag:s10] =	ssyncset.done $0x0  }
0x3f: {  	s16 =	sadd.s32 s6, s16;
	[sflag:s10] =	ssyncadd.s32 $0xFFFFFF80  }
0x40: {  	[tilespmem:s11], [sflag:$0x2] =	stream.linear.gather [hbm4b:s16+s1], $0x80, $0x38;
	[tilespmem:$0x4100] =	vst v63  }
0x41: {  	_ =	swait.ge [sflag:s10], $0x80  }
0x42: {  	[sflag:s10] =	ssyncset.done $0x0  }
0x43: {  	[sflag:s10] =	ssyncadd.s32 $0xFFFFFF80  }
0x44: {  	[tilespmem:s12], [sflag:$0x1] =	stream.indirect.gather [hbm4b:s2+s11], $0x80, s1, s11, $0xb8;
	[tilespmem:$0x4100] =	vst v63  }
0x45: {  	_ =	swait.ge [sflag:s13], $0x4000  }
0x46: {  	[sflag:s13] =	ssyncset.done $0x0  }
0x47: {  	[sflag:s13] =	ssyncadd.s32 $0xFFFFC000  }
0x48: {  	[tilespmem:s12], [sflag:$0x1] =	stream.indirect.gather.add.f32 [hbm:s3], $0x80, s11, s11, $0xb8;
	[tilespmem:$0x4100] =	vst v63  }
0x49: {  	s14 =	sadd.s32 $0x1, s14;
	_ =	swait.ge [sflag:s13], $0x4000  }
0x4a: {  	p0 =	sne.s32 s14, s8;
	[sflag:s13] =	ssyncset.done $0x0  }
.Ltmp1:
0x4b: {  	[sflag:s13] =	ssyncadd.s32 $0xFFFFC000;
	(pc) =	sbr.rel @p0 .LBB2_1-.Ltmp1, $4  }
0x4c: {  	[hbm4b:s15+s1] =	stream.linear.scatter [tilespmem:s12], [sflag:$0x2], $0x4000, $0x38;
	[tilespmem:$0x4100] =	vst v63  }
0x4d: {  	_ =	swait.ge [sflag:s10], $0x4000  }
0x4e: {  	[sflag:s10] =	ssyncset.done $0x0  }
0x4f: {  	[sflag:s10] =	ssyncadd.s32 $0xFFFFC000  }
0x50: {  	_ =	sfence.sel $0x180000  }
0x51: {  	[bflag:$0x0] =	sbarrier.arrive $0xFFFF  }
0x52: {  	p0 =	sne.s32 s4, $0x0;
	_ =	strace $0x90000059  }
0x53: {  	s0 =	sadd.s32 @!p0 $0x100000, s0;
	[bflag:$0x2] =	sbarrier.arrive $0xFFFF  }
0x54: {  	[sflag:s0] =	ssyncadd.tile.s32 @!p0 $0x1;
	_ =	shalt  }
.Lfunc_end2:
_tile_overlayer_lowered:
.L_overlay_start_2:
0x55: {  	(tag) =	ssettag $0x2  }
0x56: {  	s0 =	rddreg [dreg:$0x0];
	s2 =	stileid.u32  }
0x57: {  	s1 =	rddreg [dreg:$0x1];
	p0 =	sne.s32 s2, $0x0  }
0x58: {  	s3 =	rddreg [dreg:$0x2];
	[bflag:$0x3] =	sbarrier.arrive $0xFFFF;
	s2 =	simm.s32 @!p0 $0x1C02  }
0x59: {  	[timem:s3], [sflag:s2] =	dma.local @!p0 [hbm:s0], s1  }
0x5a: {  	s0 =	simm.s32 @!p0 $0x2  }
0x5b: {  	_ =	swait.ge @!p0 [sflag:s0], s1  }
0x5c: {  	s1 =	ssub.s32 @!p0 $0x0, s1;
	[sflag:s0] =	ssyncset.done @!p0 $0x0  }
0x5d: {  	[sflag:s0] =	ssyncadd.s32 @!p0 s1  }
0x5e: {  	[bflag:$0x3] =	sbarrier.arrive $0xFFFF  }
0x5f: {  	_ =	shalt  }

// kernel: kernel.46.cloned.1.call-start
scs
__scs_entry_jumppad:
0x0: {  	(pc) =	sbr.rel $0x88, $3  }
0x1: {  	(tag) =	ssettag $0x0;
	lr =	simm.s32 $0x1  }
0x2: {  	[smem:$0x3F76] =	sst lr;
	_ =	strace $0xD0000000  }
0x3: {  	_ = 	snop  }
0x4: {  	_ = 	snop  }
0x5: {  	_ = 	snop  }
0x6: {  	_ = 	snop  }
0x7: {  	_ = 	snop  }
__scs_overlays_trampoline_lowered:
0x8: {  	[smem:$0x3F85] =	sst s0  }
0x9: {  	[smem:$0x3F86] =	sst s1  }
0xa: {  	[smem:$0x3F87] =	sst s2  }
0xb: {  	[smem:$0x3F88] =	sst s3  }
0xc: {  	[smem:$0x3F89] =	sst s4  }
0xd: {  	[smem:$0x3F8A] =	sst s5  }
0xe: {  	[smem:$0x3F8B] =	sst s6  }
0xf: {  	[smem:$0x3F8C] =	sst s7  }
0x10: {  	[smem:$0x3F8D] =	sst s8  }
0x11: {  	[smem:$0x3F8E] =	sst s9;
	s0 =	simm.s32 @!p0 $0x0  }
0x12: {  	s1 =	sld [smem:$0x3F74];
	s0 =	simm.s32 @p0 $0x1  }
0x13: {  	[smem:$0x3F8F] =	sst s0;
	s0 =	simm.s32 @!p1 $0x0  }
0x14: {  	s2 =	sld [smem:$0x3F73];
	s0 =	simm.s32 @p1 $0x1  }
0x15: {  	[smem:$0x3F90] =	sst s0;
	s0 =	simm.s32 @!p2 $0x0  }
0x16: {  	s3 =	sld [smem:$0x3FDB];
	s0 =	simm.s32 @p2 $0x1  }
0x17: {  	s4 =	simm.s32 $0x1BF5;
	[smem:$0x3F92] =	sst s0  }
0x18: {  	s0 =	sld [smem:$0x3F75];
	_ =	swait.ge [sflag:s4], $0x0  }
0x19: {  	s7 =	sld [smem:$0x3F76]  }
0x1a: {  	s8 =	sadd.s32 $0xFFFFE003, lr  }
0x1b: {  	s9 =	sadd.s32 $0xFFFFFEF7, lr;
	s5 =	simm.s32 $0xFFFFFFFF;
	p2 =	slt.u32 s8, $0xFFFFF086  }
0x1c: {  	p1 =	slt.u32 s9, $0xF7A;
	s5 =	simm.s32 @!p2 $0x0  }
0x1d: {  	s5 =	simm.s32 @p1 $0x1;
	p0 =	seq.s32 s7, s2  }
0x1e: {  	s7 =	smul.u32 @!p0 $0xF7A, s2;
	p2 =	seq.s32 @!p0 s5, $0x0  }
0x1f: {  	s9 =	smul.u32 $0xF7A, s1;
	s8 =	simm.s32 @!p0 $0x1BF5;
	p2 =	por !p2, p0  }
0x20: {  	[sflag:s8] =	ssyncset.s32 @!p0 $0xFFFFF086;
	s6 =	sadd.s32 @!p0 s3, s7;
	s7 =	simm.s32 @!p0 $0x108  }
0x21: {  	s3 =	sadd.s32 s3, s9;
	s6 =	sadd.s32 @!p0 $0x88, s6;
	s7 =	simm.s32 @p2 $0x1082  }
0x22: {  	[simem:s7], [sflag:s8] =	dma.local @!p0 [hbm:s6], $0xF7A  }
0x23: {  	s9 =	sor.u32 $0xD0000000, s2;
	s6 =	simm.s32 $0x108;
	_ =	swait.ge @!p0 [sflag:s8], $0x0  }
0x24: {  	s3 =	sadd.s32 $0x88, s3;
	s6 =	simm.s32 @!p1 $0x1082;
	[sflag:s4] =	ssyncset.s32 $0xFFFFF086  }
0x25: {  	[simem:s6], [sflag:s4] =	dma.local [hbm:s3], $0xF7A  }
0x26: {  	[smem:$0x3F76] =	sst s1;
	(tag) =	ssettag s2;
	_ =	strace s9  }
0x27: {  	s1 =	sld [smem:$0x3F86]  }
0x28: {  	s2 =	sld [smem:$0x3F87]  }
0x29: {  	s4 =	sld [smem:$0x3F89]  }
0x2a: {  	p0 =	seq.s32 s5, $0x0;
	s5 =	sld [smem:$0x3F8A]  }
0x2b: {  	s6 =	sld [smem:$0x3F8B]  }
0x2c: {  	s7 =	sld [smem:$0x3F8C]  }
0x2d: {  	s3 =	simm.s32 $0x108;
	s8 =	sld [smem:$0x3F8D]  }
0x2e: {  	s3 =	simm.s32 @!p0 $0x1082;
	s9 =	sld [smem:$0x3F8E]  }
0x2f: {  	lr =	sadd.s32 s0, s3;
	s0 =	sld [smem:$0x3F85]  }
0x30: {  	s3 =	sld [smem:$0x3F88]  }
0x31: {  	[smem:$0x3F91] =	sst s10  }
0x32: {  	s10 =	sld [smem:$0x3F8F];
	_ =	sdelay $0x3  }
0x33: {  	p0 =	seq.s32 s10, $0x1;
	s10 =	sld [smem:$0x3F91];
	_ =	sdelay $0x3  }
0x34: {  	[smem:$0x3F91] =	sst s10  }
0x35: {  	s10 =	sld [smem:$0x3F90];
	_ =	sdelay $0x3  }
0x36: {  	p1 =	seq.s32 s10, $0x1;
	s10 =	sld [smem:$0x3F91];
	_ =	sdelay $0x3  }
0x37: {  	[smem:$0x3F91] =	sst s10  }
0x38: {  	s10 =	sld [smem:$0x3F92]  }
0x39: {  	_ = 	snop;
	(pc) =	sbr.ind lr, $3  }
0x3a: {  	_ = 	snop  }
0x3b: {  	_ = 	snop  }
0x3c: {  	p2 =	seq.s32 s10, $0x1;
	s10 =	sld [smem:$0x3F91]  }
0x3d: {  	_ =	shalt  }
0x3e: {  	_ =	shalt  }
0x3f: {  	_ =	shalt  }
0x40: {  	_ =	shalt  }
0x41: {  	_ =	shalt  }
0x42: {  	_ =	shalt  }
0x43: {  	_ =	shalt  }
0x44: {  	_ =	shalt  }
0x45: {  	_ =	shalt  }
0x46: {  	_ =	shalt  }
0x47: {  	_ =	shalt  }
0x48: {  	_ =	shalt  }
0x49: {  	_ =	shalt  }
0x4a: {  	_ =	shalt  }
0x4b: {  	_ =	shalt  }
0x4c: {  	_ =	shalt  }
0x4d: {  	_ =	shalt  }
0x4e: {  	_ =	shalt  }
0x4f: {  	_ =	shalt  }
0x50: {  	_ =	shalt  }
0x51: {  	_ =	shalt  }
0x52: {  	_ =	shalt  }
0x53: {  	_ =	shalt  }
0x54: {  	_ =	shalt  }
0x55: {  	_ =	shalt  }
0x56: {  	_ =	shalt  }
0x57: {  	_ =	shalt  }
0x58: {  	_ =	shalt  }
0x59: {  	_ =	shalt  }
0x5a: {  	_ =	shalt  }
0x5b: {  	_ =	shalt  }
0x5c: {  	_ =	shalt  }
0x5d: {  	_ =	shalt  }
0x5e: {  	_ =	shalt  }
0x5f: {  	_ =	shalt  }
0x60: {  	_ =	shalt  }
0x61: {  	_ =	shalt  }
0x62: {  	_ =	shalt  }
0x63: {  	_ =	shalt  }
0x64: {  	_ =	shalt  }
0x65: {  	_ =	shalt  }
0x66: {  	_ =	shalt  }
0x67: {  	_ =	shalt  }
0x68: {  	_ =	shalt  }
0x69: {  	_ =	shalt  }
0x6a: {  	_ =	shalt  }
0x6b: {  	_ =	shalt  }
0x6c: {  	_ =	shalt  }
0x6d: {  	_ =	shalt  }
0x6e: {  	_ =	shalt  }
0x6f: {  	_ =	shalt  }
0x70: {  	_ =	shalt  }
0x71: {  	_ =	shalt  }
0x72: {  	_ =	shalt  }
0x73: {  	_ =	shalt  }
0x74: {  	_ =	shalt  }
0x75: {  	_ =	shalt  }
0x76: {  	_ =	shalt  }
0x77: {  	_ =	shalt  }
0x78: {  	_ =	shalt  }
0x79: {  	_ =	shalt  }
0x7a: {  	_ =	shalt  }
0x7b: {  	_ =	shalt  }
0x7c: {  	_ =	shalt  }
0x7d: {  	_ =	shalt  }
0x7e: {  	_ =	shalt  }
0x7f: {  	_ =	shalt  }
0x80: {  	_ =	shalt  }
0x81: {  	_ =	shalt  }
0x82: {  	_ =	shalt  }
0x83: {  	_ =	shalt  }
0x84: {  	_ =	shalt  }
0x85: {  	_ =	shalt  }
0x86: {  	_ =	shalt  }
0x87: {  	_ =	shalt  }
.Lfunc_end0:
.L_simem_size_0:
called_computation.7_lowered:
.L_overlay_start_0:
0x88: {  	s2 =	sld [smem:$0x3FD9]  }
0x89: {  	s3 =	sld [smem:$0x3FFE];
	_ =	sdelay $0x1  }
0x8a: {  	s1 =	srdreg.scid  }
0x8b: {  	s0 =	sand.u32 $0x1, s1  }
0x8c: {  	s16 =	sshll.u32 s0, $0xA;
	s2 =	sadd.s32 s3, s2  }
0x8d: {  	s2 =	sadd.s32 s2, s16  }
0x8e: {  	[smem:$0x3F9D] =	sst s2  }
0x8f: {  	_ = 	snop  }
0x90: {  	(tm) =	ssettm $0x1  }
0x91: {  	s17 =	sld [smem:$0x3FFB];
	_ =	sdelay $0x3  }
0x92: {  	_ =	strace s17  }
0x93: {  	s2 =	sld [smem:$0x3FFC];
	_ =	sdelay $0x3  }
0x94: {  	_ =	strace s2  }
0x95: {  	s2 =	sld [smem:$0x3FFD];
	_ =	sdelay $0x3  }
0x96: {  	_ =	strace s2  }
0x97: {  	_ =	strace $0x8FFFFFFF  }
0x98: {  	s18 =	sld [smem:$0x3FDB];
	_ =	sdelay $0x1  }
0x99: {  	s19 =	simm.s32 $_scs_section_size  }
0x9a: {  	s4 =	simm.s32 $_size__tile_overlayer_lowered;
	s5 =	simm.s32 $_tile_overlayer_lowered  }
0x9b: {  	s22 =	simm.s32 $0x1BFF;
	s21 =	sshll.u32 s5, $0x1;
	s2 =	sadd.s32 s19, s18  }
0x9c: {  	s6 =	simm.s32 $0x0;
	s20 =	sshll.u32 s4, $0x1;
	s4 =	sadd.s32 s21, s2  }
0x9d: {  	[timem:s6], [sflag:s22] =	dma.local [hbm:s4], s20  }
0x9e: {  	_ =	swait.ge [sflag:s22], s20  }
0x9f: {  	s3 =	ssub.s32 $0x0, s20;
	[sflag:s22] =	ssyncset.done $0x0  }
0xa0: {  	[sflag:s22] =	ssyncadd.s32 s3;
	_ =	sdelay $0x1  }
0xa1: {  	s23 =	simm.s32 $0x1B8B  }
0xa2: {  	_ =	swait.ge [sflag:s23], $0x1  }
0xa3: {  	[sflag:s23] =	ssyncset.done $0x0  }
0xa4: {  	s25 =	simm.s32 $0x1B8E;
	s24 =	sld [smem:$0x3FFE];
	[sflag:s23] =	ssyncadd.s32 $0xFFFFFFFF  }
0xa5: {  	s26 =	simm.s32 $execute0_lowered;
	[smem:$0x3FD2] =	sst s25  }
0xa6: {  	s4 =	sshll.u32 s26, $0x1;
	_ =	strace $0x8000005B;
	[dreg:$0x1] =	wrdreg $0xFFFFFFFF  }
0xa7: {  	s28 =	simm.s32 $_size_execute0_lowered;
	s2 =	sadd.s32 s2, s4;
	[dreg:$0x0] =	wrdreg $0x0  }
0xa8: {  	s4 =	sshll.u32 s28, $0x1;
	[dreg:$0x2] =	wrdreg s2  }
0xa9: {  	[dreg:$0x3] =	wrdreg s4  }
0xaa: {  	[dreg:$0x4] =	wrdreg $0xC0  }
0xab: {  	_ =	task [dreg:s6], $0x5FFFF  }
0xac: {  	[dreg:$0x1] =	wrdreg $0xFFFFFFFF  }
0xad: {  	[dreg:$0x0] =	wrdreg $0x60  }
0xae: {  	[dreg:$0x2] =	wrdreg s24  }
0xaf: {  	[dreg:$0x3] =	wrdreg $0x40800  }
0xb0: {  	[dreg:$0x4] =	wrdreg $0x9  }
0xb1: {  	_ =	task.clear_ibuf [dreg:s6], $0x5FFFF;
	_ =	strace $0x9000005B  }
0xb2: {  	s29 =	simm.s32 $0x9;
	_ =	strace $0x8000005D  }
0xb3: {  	_ =	swait.ge [sflag:s29], $0x1  }
0xb4: {  	[sflag:s29] =	ssyncadd.s32 $0xFFFFFFFF  }
0xb5: {  	_ =	strace $0x9000005D  }
0xb6: {  	_ =	sfence  }
0xb7: {  	s30 =	sld [smem:$0x0];
	_ =	sdelay $0x2  }
0xb8: {  	s31 =	sshll.u32 s1, $0xD;
	s1 =	sshrl.u32 s1, $0x2  }
0xb9: {  	s3 =	sand.u32 $0x4000, s31;
	s1 =	sadd.s32 s1, s30  }
0xba: {  	s0 =	sor.u32 s3, s0;
	s1 =	sshll.u32 s1, $0x11  }
0xbb: {  	s0 =	sor.u32 s1, s0  }
0xbc: {  	s0 =	sadd.s32 $0x8F2B, s0  }
0xbd: {  	[sflag:s0] =	ssyncadd.remote.s32 $0x1  }
0xbe: {  	_ =	sfence.sel $0xFFFF  }
0xbf: {  	[dreg:$0x0] =	wrdreg $0xFFFFFFFF;
	(pc) =	sbr.abs _section_cstart, $3  }
0xc0: {  	[dreg:$0x1] =	wrdreg $0xFFFFFFFF  }
0xc1: {  	_ =	task.clear_ibuf [dreg:s6], $0x2FFFF;
	_ =	strace $0x9FFFFFFF  }
0xc2: {  	(tm) =	ssettm $0x7FFFFFFF  }
0xc3: {  	_ =	shalt  }
tec
execute0_lowered:
.L_overlay_start_1:
0x0: {  	(tag) =	ssettag $0x1  }
0x1: {  	s2 =	srdreg.scid  }
0x2: {  	s5 =	rddreg [dreg:$0x0];
	s6 =	sand.u32 $0x1, s2  }
0x3: {  	s2 =	stileid.u32;
	s4 =	smul.u32 $0x278000, s6  }
0x4: {  	s1 =	rddreg [dreg:$0x1];
	s3 =	simm.s32 $0x0;
	s7 =	smul.u32 $0x14000, s2  }
0x5: {  	[smem:$0x7FF] =	sst s3;
	s8 =	smul.u32 $0x140000, s6  }
0x6: {  	s0 =	rddreg [dreg:$0x2];
	_ =	strace $0x8000005C;
	s11 =	smul.u32 $0x50000, s2  }
0x7: {  	s26 =	ssub.s32 $0x2, s6;
	s28 =	sshll.u32 s2, $0x6;
	s29 =	sshll.u32 s6, $0x4  }
0x8: {  	s14 =	smul.u32 $0x27800, s2;
	s12 =	sshrl.u32 s26, $0x1;
	s6 =	sor.u32 $0x1C01, s28  }
0x9: {  	s30 =	sor.u32 s2, s29;
	s9 =	sadd.s32 s4, s5;
	s4 =	sadd.s32 $0x1BE00, s5  }
0xa: {  	s10 =	sshrl.u32 s7, $0x3;
	s7 =	sadd.s32 s7, s8;
	s11 =	sshrl.u32 s11, $0x2  }
0xb: {  	s12 =	ssub.s32 s26, s12;
	s10 =	sadd.s32 s10, s5;
	s7 =	sshrl.u32 s7, $0x3  }
0xc: {  	s11 =	sadd.s32 s11, s1;
	s31 =	sadd.s32 s14, s9;
	s9 =	smax.u32 s12, $0x1  }
0xd: {  	s12 =	simm.s32 $0x1;
	s14 =	simm.s32 $0x0;
	s13 =	sadd.s32 s7, s5  }
0xe: {  	s5 =	sadd.s32 $0x31600, s10;
	s7 =	smul.u32 $0x2800, s30;
	s10 =	sadd.s32 $0x63A000, s31  }
0xf: {  	s11 =	sshrl.u32 s11, $0x3;
	s8 =	sadd.s32 $0x5A000, s13;
	s13 =	simm.s32 $0x80  }
.LBB2_1:
0x10: {  	[spmem:s11], [sflag:s6] =	dma.local [hbm:s5], $0x2800  }
0x11: {  	_ =	swait.ge [sflag:s12], $0x2800  }
0x12: {  	[sflag:s12] =	ssyncset.done $0x0  }
0x13: {  	s15 =	sand.u32 $0x3C00, s3;
	[sflag:s12] =	ssyncadd.s32 $0xFFFFD800  }
0x14: {  	s16 =	sand.u32 $0x380, s3;
	s15 =	sadd.s32 s7, s15;
	[bflag:$0x0] =	sbarrier.arrive $0xFFFF  }
0x15: {  	[tilespmem:s13], [sflag:$0x1] =	stream.linear.gather [hbm4b:s10+s3], $0x4000, $0x38;
	[tilespmem:$0x18080] =	vst v63  }
0x16: {  	s15 =	sor.u32 s16, s15;
	_ =	swait.ge [sflag:s12], $0x4000  }
0x17: {  	s15 =	sshrl.u32 s15, $0x3;
	[sflag:s12] =	ssyncset.done $0x0  }
0x18: {  	s15 =	sadd.s32 s4, s15;
	[sflag:s12] =	ssyncadd.s32 $0xFFFFC000  }
0x19: {  	[tilespmem:s3], [sflag:$0x1] =	stream.linear.gather [hbm4b:s15+s3], $0x80, $0x38;
	[tilespmem:$0x18080] =	vst v63  }
0x1a: {  	s31 =	simm.s32 $0x80;
	_ =	swait.ge [sflag:s12], $0x80  }
0x1b: {  	s18 =	simm.s32 $0x100;
	s17 =	sand.u32 $0x380, s31;
	[sflag:s12] =	ssyncset.done $0x0  }
0x1c: {  	s16 =	sadd.s32 $0x800, s10;
	s15 =	sand.u32 $0x3C00, s31;
	[sflag:s12] =	ssyncadd.s32 $0xFFFFFF80  }
.LBB2_2:
0x1d: {  	[spmem:s1] =	stream.indirect.scatter.add.f32 [tilespmem:s13], [sflag:$0x1], $0x80, s3, s13, $0xb8;
	[tilespmem:$0x18080] =	vst v63  }
0x1e: {  	s19 =	smov.u32 s18  }
0x1f: {  	s20 =	sadd.s32 s7, s15;
	s15 =	sand.u32 $0x3C00, s18;
	_ =	swait.ge [sflag:s12], $0x4000  }
0x20: {  	s21 =	sadd.s32 $0x80, s18;
	s17 =	sor.u32 s17, s20;
	[sflag:s12] =	ssyncset.done $0x0  }
0x21: {  	p0 =	sne.s32 s18, $0x2700;
	s17 =	sshrl.u32 s17, $0x3;
	[sflag:s12] =	ssyncadd.s32 $0xFFFFC000  }
0x22: {  	[tilespmem:s13], [sflag:$0x1] =	stream.linear.gather [hbm4b:s16+s3], $0x4000, $0x38;
	[tilespmem:$0x18080] =	vst v63  }
0x23: {  	_ =	swait.ge [sflag:s12], $0x4000  }
0x24: {  	s17 =	sadd.s32 s4, s17;
	[sflag:s12] =	ssyncset.done $0x0  }
.Ltmp0:
0x25: {  	[sflag:s12] =	ssyncadd.s32 $0xFFFFC000;
	(pc) =	sbr.rel @p0 .LBB2_2-.Ltmp0, $4  }
0x26: {  	[tilespmem:s3], [sflag:$0x1] =	stream.linear.gather [hbm4b:s17+s3], $0x80, $0x38;
	[tilespmem:$0x18080] =	vst v63  }
0x27: {  	_ =	swait.ge [sflag:s12], $0x80  }
0x28: {  	s18 =	smov.u32 s21;
	[sflag:s12] =	ssyncset.done $0x0  }
0x29: {  	s16 =	sadd.s32 $0x800, s16;
	s17 =	sand.u32 $0x380, s19;
	[sflag:s12] =	ssyncadd.s32 $0xFFFFFF80  }
0x2a: {  	[spmem:s1] =	stream.indirect.scatter.add.f32 [tilespmem:s13], [sflag:$0x1], $0x80, s3, s13, $0xb8;
	[tilespmem:$0x18080] =	vst v63  }
0x2b: {  	_ =	swait.ge [sflag:s12], $0x4000  }
0x2c: {  	[sflag:s12] =	ssyncset.done $0x0  }
0x2d: {  	s15 =	sadd.s32 s7, s15;
	[sflag:s12] =	ssyncadd.s32 $0xFFFFC000  }
0x2e: {  	[tilespmem:s13], [sflag:$0x1] =	stream.linear.gather [hbm4b:s16+s3], $0x4000, $0x38;
	[tilespmem:$0x18080] =	vst v63  }
0x2f: {  	s15 =	sor.u32 s17, s15;
	_ =	swait.ge [sflag:s12], $0x4000  }
0x30: {  	s15 =	sshrl.u32 s15, $0x3;
	[sflag:s12] =	ssyncset.done $0x0  }
0x31: {  	s15 =	sadd.s32 s4, s15;
	[sflag:s12] =	ssyncadd.s32 $0xFFFFC000  }
0x32: {  	[tilespmem:s3], [sflag:$0x1] =	stream.linear.gather [hbm4b:s15+s3], $0x80, $0x38;
	[tilespmem:$0x18080] =	vst v63  }
0x33: {  	_ =	swait.ge [sflag:s12], $0x80  }
0x34: {  	[sflag:s12] =	ssyncset.done $0x0  }
0x35: {  	[sflag:s12] =	ssyncadd.s32 $0xFFFFFF80  }
0x36: {  	[spmem:s1] =	stream.indirect.scatter.add.f32 [tilespmem:s13], [sflag:$0x1], $0x80, s3, s13, $0xb8;
	[tilespmem:$0x18080] =	vst v63  }
0x37: {  	_ =	swait.ge [sflag:s12], $0x4000  }
0x38: {  	s14 =	sadd.s32 $0x1, s14;
	[sflag:s12] =	ssyncset.done $0x0  }
0x39: {  	p0 =	sne.s32 s14, s9;
	[sflag:s12] =	ssyncadd.s32 $0xFFFFC000  }
.Ltmp1:
0x3a: {  	[bflag:$0x0] =	sbarrier.arrive $0xFFFF;
	(pc) =	sbr.rel @p0 .LBB2_1-.Ltmp1, $4  }
0x3b: {  	[hbm:s8], [sflag:s6] =	dma.local [spmem:s11], $0x2800  }
0x3c: {  	_ =	swait.ge [sflag:s12], $0x2800  }
0x3d: {  	[sflag:s12] =	ssyncset.done $0x0  }
0x3e: {  	[sflag:s12] =	ssyncadd.s32 $0xFFFFD800  }
0x3f: {  	_ =	sfence.sel $0x180000  }
0x40: {  	[bflag:$0x0] =	sbarrier.arrive $0xFFFF  }
0x41: {  	p0 =	sne.s32 s2, $0x0;
	_ =	strace $0x9000005C  }
0x42: {  	s0 =	sadd.s32 @!p0 $0x100000, s0;
	[bflag:$0x2] =	sbarrier.arrive $0xFFFF  }
0x43: {  	[sflag:s0] =	ssyncadd.tile.s32 @!p0 $0x1;
	_ =	shalt  }
.Lfunc_end2:
_tile_overlayer_lowered:
.L_overlay_start_2:
0x44: {  	(tag) =	ssettag $0x2  }
0x45: {  	s0 =	rddreg [dreg:$0x0];
	s2 =	stileid.u32  }
0x46: {  	s1 =	rddreg [dreg:$0x1];
	p0 =	sne.s32 s2, $0x0  }
0x47: {  	s3 =	rddreg [dreg:$0x2];
	[bflag:$0x3] =	sbarrier.arrive $0xFFFF;
	s2 =	simm.s32 @!p0 $0x1C01  }
0x48: {  	[timem:s3], [sflag:s2] =	dma.local @!p0 [hbm:s0], s1  }
0x49: {  	s0 =	simm.s32 @!p0 $0x1  }
0x4a: {  	_ =	swait.ge @!p0 [sflag:s0], s1  }
0x4b: {  	s1 =	ssub.s32 @!p0 $0x0, s1;
	[sflag:s0] =	ssyncset.done @!p0 $0x0  }
0x4c: {  	[sflag:s0] =	ssyncadd.s32 @!p0 s1  }
0x4d: {  	[bflag:$0x3] =	sbarrier.arrive $0xFFFF  }
0x4e: {  	_ =	shalt  }

// kernel: kernel.49.cloned.1.call-start
scs
__scs_entry_jumppad:
0x0: {  	(pc) =	sbr.rel $0x88, $3  }
0x1: {  	(tag) =	ssettag $0x0;
	lr =	simm.s32 $0x1  }
0x2: {  	[smem:$0x3F76] =	sst lr;
	_ =	strace $0xD0000000  }
0x3: {  	_ = 	snop  }
0x4: {  	_ = 	snop  }
0x5: {  	_ = 	snop  }
0x6: {  	_ = 	snop  }
0x7: {  	_ = 	snop  }
__scs_overlays_trampoline_lowered:
0x8: {  	[smem:$0x3F85] =	sst s0  }
0x9: {  	[smem:$0x3F86] =	sst s1  }
0xa: {  	[smem:$0x3F87] =	sst s2  }
0xb: {  	[smem:$0x3F88] =	sst s3  }
0xc: {  	[smem:$0x3F89] =	sst s4  }
0xd: {  	[smem:$0x3F8A] =	sst s5  }
0xe: {  	[smem:$0x3F8B] =	sst s6  }
0xf: {  	[smem:$0x3F8C] =	sst s7  }
0x10: {  	[smem:$0x3F8D] =	sst s8  }
0x11: {  	[smem:$0x3F8E] =	sst s9;
	s0 =	simm.s32 @!p0 $0x0  }
0x12: {  	s1 =	sld [smem:$0x3F74];
	s0 =	simm.s32 @p0 $0x1  }
0x13: {  	[smem:$0x3F8F] =	sst s0;
	s0 =	simm.s32 @!p1 $0x0  }
0x14: {  	s2 =	sld [smem:$0x3F73];
	s0 =	simm.s32 @p1 $0x1  }
0x15: {  	[smem:$0x3F90] =	sst s0;
	s0 =	simm.s32 @!p2 $0x0  }
0x16: {  	s3 =	sld [smem:$0x3FDB];
	s0 =	simm.s32 @p2 $0x1  }
0x17: {  	s4 =	simm.s32 $0x1BF5;
	[smem:$0x3F92] =	sst s0  }
0x18: {  	s0 =	sld [smem:$0x3F75];
	_ =	swait.ge [sflag:s4], $0x0  }
0x19: {  	s7 =	sld [smem:$0x3F76]  }
0x1a: {  	s8 =	sadd.s32 $0xFFFFE003, lr  }
0x1b: {  	s9 =	sadd.s32 $0xFFFFFEF7, lr;
	s5 =	simm.s32 $0xFFFFFFFF;
	p2 =	slt.u32 s8, $0xFFFFF086  }
0x1c: {  	p1 =	slt.u32 s9, $0xF7A;
	s5 =	simm.s32 @!p2 $0x0  }
0x1d: {  	s5 =	simm.s32 @p1 $0x1;
	p0 =	seq.s32 s7, s2  }
0x1e: {  	s7 =	smul.u32 @!p0 $0xF7A, s2;
	p2 =	seq.s32 @!p0 s5, $0x0  }
0x1f: {  	s9 =	smul.u32 $0xF7A, s1;
	s8 =	simm.s32 @!p0 $0x1BF5;
	p2 =	por !p2, p0  }
0x20: {  	[sflag:s8] =	ssyncset.s32 @!p0 $0xFFFFF086;
	s6 =	sadd.s32 @!p0 s3, s7;
	s7 =	simm.s32 @!p0 $0x108  }
0x21: {  	s3 =	sadd.s32 s3, s9;
	s6 =	sadd.s32 @!p0 $0x88, s6;
	s7 =	simm.s32 @p2 $0x1082  }
0x22: {  	[simem:s7], [sflag:s8] =	dma.local @!p0 [hbm:s6], $0xF7A  }
0x23: {  	s9 =	sor.u32 $0xD0000000, s2;
	s6 =	simm.s32 $0x108;
	_ =	swait.ge @!p0 [sflag:s8], $0x0  }
0x24: {  	s3 =	sadd.s32 $0x88, s3;
	s6 =	simm.s32 @!p1 $0x1082;
	[sflag:s4] =	ssyncset.s32 $0xFFFFF086  }
0x25: {  	[simem:s6], [sflag:s4] =	dma.local [hbm:s3], $0xF7A  }
0x26: {  	[smem:$0x3F76] =	sst s1;
	(tag) =	ssettag s2;
	_ =	strace s9  }
0x27: {  	s1 =	sld [smem:$0x3F86]  }
0x28: {  	s2 =	sld [smem:$0x3F87]  }
0x29: {  	s4 =	sld [smem:$0x3F89]  }
0x2a: {  	p0 =	seq.s32 s5, $0x0;
	s5 =	sld [smem:$0x3F8A]  }
0x2b: {  	s6 =	sld [smem:$0x3F8B]  }
0x2c: {  	s7 =	sld [smem:$0x3F8C]  }
0x2d: {  	s3 =	simm.s32 $0x108;
	s8 =	sld [smem:$0x3F8D]  }
0x2e: {  	s3 =	simm.s32 @!p0 $0x1082;
	s9 =	sld [smem:$0x3F8E]  }
0x2f: {  	lr =	sadd.s32 s0, s3;
	s0 =	sld [smem:$0x3F85]  }
0x30: {  	s3 =	sld [smem:$0x3F88]  }
0x31: {  	[smem:$0x3F91] =	sst s10  }
0x32: {  	s10 =	sld [smem:$0x3F8F];
	_ =	sdelay $0x3  }
0x33: {  	p0 =	seq.s32 s10, $0x1;
	s10 =	sld [smem:$0x3F91];
	_ =	sdelay $0x3  }
0x34: {  	[smem:$0x3F91] =	sst s10  }
0x35: {  	s10 =	sld [smem:$0x3F90];
	_ =	sdelay $0x3  }
0x36: {  	p1 =	seq.s32 s10, $0x1;
	s10 =	sld [smem:$0x3F91];
	_ =	sdelay $0x3  }
0x37: {  	[smem:$0x3F91] =	sst s10  }
0x38: {  	s10 =	sld [smem:$0x3F92]  }
0x39: {  	_ = 	snop;
	(pc) =	sbr.ind lr, $3  }
0x3a: {  	_ = 	snop  }
0x3b: {  	_ = 	snop  }
0x3c: {  	p2 =	seq.s32 s10, $0x1;
	s10 =	sld [smem:$0x3F91]  }
0x3d: {  	_ =	shalt  }
0x3e: {  	_ =	shalt  }
0x3f: {  	_ =	shalt  }
0x40: {  	_ =	shalt  }
0x41: {  	_ =	shalt  }
0x42: {  	_ =	shalt  }
0x43: {  	_ =	shalt  }
0x44: {  	_ =	shalt  }
0x45: {  	_ =	shalt  }
0x46: {  	_ =	shalt  }
0x47: {  	_ =	shalt  }
0x48: {  	_ =	shalt  }
0x49: {  	_ =	shalt  }
0x4a: {  	_ =	shalt  }
0x4b: {  	_ =	shalt  }
0x4c: {  	_ =	shalt  }
0x4d: {  	_ =	shalt  }
0x4e: {  	_ =	shalt  }
0x4f: {  	_ =	shalt  }
0x50: {  	_ =	shalt  }
0x51: {  	_ =	shalt  }
0x52: {  	_ =	shalt  }
0x53: {  	_ =	shalt  }
0x54: {  	_ =	shalt  }
0x55: {  	_ =	shalt  }
0x56: {  	_ =	shalt  }
0x57: {  	_ =	shalt  }
0x58: {  	_ =	shalt  }
0x59: {  	_ =	shalt  }
0x5a: {  	_ =	shalt  }
0x5b: {  	_ =	shalt  }
0x5c: {  	_ =	shalt  }
0x5d: {  	_ =	shalt  }
0x5e: {  	_ =	shalt  }
0x5f: {  	_ =	shalt  }
0x60: {  	_ =	shalt  }
0x61: {  	_ =	shalt  }
0x62: {  	_ =	shalt  }
0x63: {  	_ =	shalt  }
0x64: {  	_ =	shalt  }
0x65: {  	_ =	shalt  }
0x66: {  	_ =	shalt  }
0x67: {  	_ =	shalt  }
0x68: {  	_ =	shalt  }
0x69: {  	_ =	shalt  }
0x6a: {  	_ =	shalt  }
0x6b: {  	_ =	shalt  }
0x6c: {  	_ =	shalt  }
0x6d: {  	_ =	shalt  }
0x6e: {  	_ =	shalt  }
0x6f: {  	_ =	shalt  }
0x70: {  	_ =	shalt  }
0x71: {  	_ =	shalt  }
0x72: {  	_ =	shalt  }
0x73: {  	_ =	shalt  }
0x74: {  	_ =	shalt  }
0x75: {  	_ =	shalt  }
0x76: {  	_ =	shalt  }
0x77: {  	_ =	shalt  }
0x78: {  	_ =	shalt  }
0x79: {  	_ =	shalt  }
0x7a: {  	_ =	shalt  }
0x7b: {  	_ =	shalt  }
0x7c: {  	_ =	shalt  }
0x7d: {  	_ =	shalt  }
0x7e: {  	_ =	shalt  }
0x7f: {  	_ =	shalt  }
0x80: {  	_ =	shalt  }
0x81: {  	_ =	shalt  }
0x82: {  	_ =	shalt  }
0x83: {  	_ =	shalt  }
0x84: {  	_ =	shalt  }
0x85: {  	_ =	shalt  }
0x86: {  	_ =	shalt  }
0x87: {  	_ =	shalt  }
.Lfunc_end0:
.L_simem_size_0:
called_computation.8_lowered:
.L_overlay_start_0:
0x88: {  	s2 =	sld [smem:$0x3FD9]  }
0x89: {  	s3 =	sld [smem:$0x3FFE];
	_ =	sdelay $0x1  }
0x8a: {  	s1 =	srdreg.scid  }
0x8b: {  	s0 =	sand.u32 $0x1, s1  }
0x8c: {  	s16 =	sshll.u32 s0, $0xA;
	s2 =	sadd.s32 s3, s2  }
0x8d: {  	s2 =	sadd.s32 s2, s16  }
0x8e: {  	[smem:$0x3F9D] =	sst s2  }
0x8f: {  	_ = 	snop  }
0x90: {  	(tm) =	ssettm $0x1  }
0x91: {  	s17 =	sld [smem:$0x3FFB];
	_ =	sdelay $0x3  }
0x92: {  	_ =	strace s17  }
0x93: {  	s2 =	sld [smem:$0x3FFC];
	_ =	sdelay $0x3  }
0x94: {  	_ =	strace s2  }
0x95: {  	s2 =	sld [smem:$0x3FFD];
	_ =	sdelay $0x3  }
0x96: {  	_ =	strace s2  }
0x97: {  	_ =	strace $0x8FFFFFFF  }
0x98: {  	s18 =	sld [smem:$0x3FDB];
	_ =	sdelay $0x1  }
0x99: {  	s19 =	simm.s32 $_scs_section_size  }
0x9a: {  	s4 =	simm.s32 $_size__tile_overlayer_lowered;
	s5 =	simm.s32 $_tile_overlayer_lowered  }
0x9b: {  	s22 =	simm.s32 $0x1BFF;
	s21 =	sshll.u32 s5, $0x1;
	s2 =	sadd.s32 s19, s18  }
0x9c: {  	s6 =	simm.s32 $0x0;
	s20 =	sshll.u32 s4, $0x1;
	s4 =	sadd.s32 s21, s2  }
0x9d: {  	[timem:s6], [sflag:s22] =	dma.local [hbm:s4], s20  }
0x9e: {  	_ =	swait.ge [sflag:s22], s20  }
0x9f: {  	s3 =	ssub.s32 $0x0, s20;
	[sflag:s22] =	ssyncset.done $0x0  }
0xa0: {  	[sflag:s22] =	ssyncadd.s32 s3;
	_ =	sdelay $0x1  }
0xa1: {  	s23 =	simm.s32 $0x1B8B  }
0xa2: {  	_ =	swait.ge [sflag:s23], $0x1  }
0xa3: {  	[sflag:s23] =	ssyncset.done $0x0  }
0xa4: {  	s25 =	simm.s32 $0x1B8E;
	s24 =	sld [smem:$0x3FFE];
	[sflag:s23] =	ssyncadd.s32 $0xFFFFFFFF  }
0xa5: {  	s26 =	simm.s32 $execute0_lowered;
	[smem:$0x3FD2] =	sst s25  }
0xa6: {  	s4 =	sshll.u32 s26, $0x1;
	_ =	strace $0x8000005E;
	[dreg:$0x1] =	wrdreg $0xFFFFFFFF  }
0xa7: {  	s28 =	simm.s32 $_size_execute0_lowered;
	s2 =	sadd.s32 s2, s4;
	[dreg:$0x0] =	wrdreg $0x0  }
0xa8: {  	s4 =	sshll.u32 s28, $0x1;
	[dreg:$0x2] =	wrdreg s2  }
0xa9: {  	[dreg:$0x3] =	wrdreg s4  }
0xaa: {  	[dreg:$0x4] =	wrdreg $0xC0  }
0xab: {  	_ =	task [dreg:s6], $0x5FFFF  }
0xac: {  	[dreg:$0x1] =	wrdreg $0xFFFFFFFF  }
0xad: {  	[dreg:$0x0] =	wrdreg $0x60  }
0xae: {  	[dreg:$0x2] =	wrdreg s24  }
0xaf: {  	[dreg:$0x3] =	wrdreg $0x9  }
0xb0: {  	_ =	task.clear_ibuf [dreg:s6], $0x4FFFF;
	_ =	strace $0x9000005E  }
0xb1: {  	s29 =	simm.s32 $0x9;
	_ =	strace $0x80000060  }
0xb2: {  	_ =	swait.ge [sflag:s29], $0x1  }
0xb3: {  	[sflag:s29] =	ssyncadd.s32 $0xFFFFFFFF  }
0xb4: {  	_ =	strace $0x90000060  }
0xb5: {  	_ =	sfence  }
0xb6: {  	s30 =	sld [smem:$0x0];
	_ =	sdelay $0x2  }
0xb7: {  	s31 =	sshll.u32 s1, $0xD;
	s1 =	sshrl.u32 s1, $0x2  }
0xb8: {  	s3 =	sand.u32 $0x4000, s31;
	s1 =	sadd.s32 s1, s30  }
0xb9: {  	s0 =	sor.u32 s3, s0;
	s1 =	sshll.u32 s1, $0x11  }
0xba: {  	s0 =	sor.u32 s1, s0  }
0xbb: {  	s0 =	sadd.s32 $0x8F2B, s0  }
0xbc: {  	[sflag:s0] =	ssyncadd.remote.s32 $0x1  }
0xbd: {  	_ =	sfence.sel $0xFFFF  }
0xbe: {  	[dreg:$0x0] =	wrdreg $0xFFFFFFFF;
	(pc) =	sbr.abs _section_cstart, $3  }
0xbf: {  	[dreg:$0x1] =	wrdreg $0xFFFFFFFF  }
0xc0: {  	_ =	task.clear_ibuf [dreg:s6], $0x2FFFF;
	_ =	strace $0x9FFFFFFF  }
0xc1: {  	(tm) =	ssettm $0x7FFFFFFF  }
tec
execute0_lowered:
.L_overlay_start_1:
0x0: {  	(tag) =	ssettag $0x1  }
0x1: {  	s7 =	rddreg [dreg:$0x0]  }
0x2: {  	s0 =	rddreg [dreg:$0x1]  }
0x3: {  	s1 =	simm.s32 $0x0;
	s4 =	srdreg.scid;
	s13 =	simm.s32 $0x1  }
0x4: {  	s14 =	simm.s32 $0x0;
	[smem:$0x7FF] =	sst s1;
	s2 =	sadd.s32 $0x5A000, s7  }
0x5: {  	s3 =	sadd.s32 $0x82000, s7;
	s5 =	sadd.s32 $0x1BE00, s7;
	s6 =	sadd.s32 $0x25E00, s7  }
0x6: {  	s8 =	sand.u32 $0x1, s4;
	s4 =	stileid.u32;
	_ =	strace $0x8000005F  }
0x7: {  	s9 =	smul.u32 $0x278000, s8;
	s10 =	ssub.s32 $0x2, s8;
	s8 =	sshll.u32 s8, $0x4  }
0x8: {  	s12 =	smul.u32 $0x27800, s4;
	s11 =	sshrl.u32 s10, $0x1;
	s31 =	sor.u32 s4, s8  }
0x9: {  	s9 =	sadd.s32 s9, s7;
	s10 =	ssub.s32 s10, s11;
	s7 =	smul.u32 $0x2800, s31  }
0xa: {  	s11 =	simm.s32 $0x80;
	s8 =	smax.u32 s10, $0x1;
	s9 =	sadd.s32 s12, s9  }
0xb: {  	s10 =	simm.s32 $0x2;
	s12 =	simm.s32 $0x100;
	s9 =	sadd.s32 $0x172000, s9  }
.LBB2_1:
0xc: {  	s15 =	sand.u32 $0x3C00, s1  }
0xd: {  	s16 =	sand.u32 $0x380, s1;
	s15 =	sadd.s32 s7, s15  }
0xe: {  	s15 =	sor.u32 s16, s15  }
0xf: {  	s15 =	sshrl.u32 s15, $0x3  }
0x10: {  	s30 =	sadd.s32 s5, s15  }
0x11: {  	[tilespmem:s1], [sflag:$0x2] =	stream.linear.gather [hbm4b:s30+s1], $0x80, $0x38;
	[tilespmem:$0x4100] =	vst v63  }
0x12: {  	_ =	swait.ge [sflag:s10], $0x80  }
0x13: {  	[sflag:s10] =	ssyncset.done $0x0  }
0x14: {  	s15 =	sadd.s32 s6, s15;
	[sflag:s10] =	ssyncadd.s32 $0xFFFFFF80  }
0x15: {  	[tilespmem:s11], [sflag:$0x2] =	stream.linear.gather [hbm4b:s15+s1], $0x80, $0x38;
	[tilespmem:$0x4100] =	vst v63  }
0x16: {  	_ =	swait.ge [sflag:s10], $0x80  }
0x17: {  	[sflag:s10] =	ssyncset.done $0x0  }
0x18: {  	[sflag:s10] =	ssyncadd.s32 $0xFFFFFF80  }
0x19: {  	[tilespmem:s12], [sflag:$0x1] =	stream.indirect.gather [hbm4b:s2+s11], $0x80, s1, s11, $0xb8;
	[tilespmem:$0x4100] =	vst v63  }
0x1a: {  	_ =	swait.ge [sflag:s13], $0x4000  }
0x1b: {  	[sflag:s13] =	ssyncset.done $0x0  }
0x1c: {  	[sflag:s13] =	ssyncadd.s32 $0xFFFFC000  }
0x1d: {  	[tilespmem:s12], [sflag:$0x1] =	stream.indirect.gather.add.f32 [hbm:s3], $0x80, s11, s11, $0xb8;
	[tilespmem:$0x4100] =	vst v63  }
0x1e: {  	_ =	swait.ge [sflag:s13], $0x4000  }
0x1f: {  	s31 =	simm.s32 $0x80;
	[sflag:s13] =	ssyncset.done $0x0  }
0x20: {  	s17 =	sand.u32 $0x3C00, s31;
	s16 =	simm.s32 $0x100;
	[sflag:s13] =	ssyncadd.s32 $0xFFFFC000  }
0x21: {  	[hbm4b:s9+s1] =	stream.linear.scatter [tilespmem:s12], [sflag:$0x2], $0x4000, $0x38;
	[tilespmem:$0x4100] =	vst v63  }
0x22: {  	s17 =	sadd.s32 s7, s17;
	s15 =	sand.u32 $0x380, s31;
	_ =	swait.ge [sflag:s10], $0x4000  }
0x23: {  	s17 =	sor.u32 s15, s17;
	s15 =	sadd.s32 $0x800, s9;
	[sflag:s10] =	ssyncset.done $0x0  }
.LBB2_2:
0x24: {  	s17 =	sshrl.u32 s17, $0x3  }
0x25: {  	[sflag:s10] =	ssyncadd.s32 $0xFFFFC000;
	s18 =	smov.u32 s16;
	s19 =	sadd.s32 $0x80, s16  }
0x26: {  	p0 =	sne.s32 s16, $0x2700;
	s16 =	sadd.s32 s5, s17  }
0x27: {  	[tilespmem:s1], [sflag:$0x2] =	stream.linear.gather [hbm4b:s16+s1], $0x80, $0x38;
	[tilespmem:$0x4100] =	vst v63  }
0x28: {  	_ =	swait.ge [sflag:s10], $0x80  }
0x29: {  	[sflag:s10] =	ssyncset.done $0x0  }
0x2a: {  	s16 =	sadd.s32 s6, s17;
	[sflag:s10] =	ssyncadd.s32 $0xFFFFFF80  }
0x2b: {  	[tilespmem:s11], [sflag:$0x2] =	stream.linear.gather [hbm4b:s16+s1], $0x80, $0x38;
	[tilespmem:$0x4100] =	vst v63  }
0x2c: {  	_ =	swait.ge [sflag:s10], $0x80  }
0x2d: {  	[sflag:s10] =	ssyncset.done $0x0  }
0x2e: {  	[sflag:s10] =	ssyncadd.s32 $0xFFFFFF80  }
0x2f: {  	[tilespmem:s12], [sflag:$0x1] =	stream.indirect.gather [hbm4b:s2+s11], $0x80, s1, s11, $0xb8;
	[tilespmem:$0x4100] =	vst v63  }
0x30: {  	_ =	swait.ge [sflag:s13], $0x4000  }
0x31: {  	[sflag:s13] =	ssyncset.done $0x0  }
0x32: {  	[sflag:s13] =	ssyncadd.s32 $0xFFFFC000  }
0x33: {  	[tilespmem:s12], [sflag:$0x1] =	stream.indirect.gather.add.f32 [hbm:s3], $0x80, s11, s11, $0xb8;
	[tilespmem:$0x4100] =	vst v63  }
0x34: {  	_ =	swait.ge [sflag:s13], $0x4000  }
.Ltmp0:
0x35: {  	s16 =	sand.u32 $0x3C00, s18;
	[sflag:s13] =	ssyncset.done $0x0;
	(pc) =	sbr.rel @p0 .LBB2_2-.Ltmp0, $4  }
0x36: {  	s17 =	sand.u32 $0x380, s18;
	s16 =	sadd.s32 s7, s16;
	[sflag:s13] =	ssyncadd.s32 $0xFFFFC000  }
0x37: {  	[hbm4b:s15+s1] =	stream.linear.scatter [tilespmem:s12], [sflag:$0x2], $0x4000, $0x38;
	[tilespmem:$0x4100] =	vst v63  }
0x38: {  	s17 =	sor.u32 s17, s16;
	_ =	swait.ge [sflag:s10], $0x4000  }
0x39: {  	s16 =	smov.u32 s19;
	s15 =	sadd.s32 $0x800, s15;
	[sflag:s10] =	ssyncset.done $0x0  }
0x3a: {  	s16 =	sshrl.u32 s17, $0x3  }
0x3b: {  	[sflag:s10] =	ssyncadd.s32 $0xFFFFC000;
	s17 =	sadd.s32 s5, s16  }
0x3c: {  	[tilespmem:s1], [sflag:$0x2] =	stream.linear.gather [hbm4b:s17+s1], $0x80, $0x38;
	[tilespmem:$0x4100] =	vst v63  }
0x3d: {  	_ =	swait.ge [sflag:s10], $0x80  }
0x3e: {  	[sflag:s10] =	ssyncset.done $0x0  }
0x3f: {  	s16 =	sadd.s32 s6, s16;
	[sflag:s10] =	ssyncadd.s32 $0xFFFFFF80  }
0x40: {  	[tilespmem:s11], [sflag:$0x2] =	stream.linear.gather [hbm4b:s16+s1], $0x80, $0x38;
	[tilespmem:$0x4100] =	vst v63  }
0x41: {  	_ =	swait.ge [sflag:s10], $0x80  }
0x42: {  	[sflag:s10] =	ssyncset.done $0x0  }
0x43: {  	[sflag:s10] =	ssyncadd.s32 $0xFFFFFF80  }
0x44: {  	[tilespmem:s12], [sflag:$0x1] =	stream.indirect.gather [hbm4b:s2+s11], $0x80, s1, s11, $0xb8;
	[tilespmem:$0x4100] =	vst v63  }
0x45: {  	_ =	swait.ge [sflag:s13], $0x4000  }
0x46: {  	[sflag:s13] =	ssyncset.done $0x0  }
0x47: {  	[sflag:s13] =	ssyncadd.s32 $0xFFFFC000  }
0x48: {  	[tilespmem:s12], [sflag:$0x1] =	stream.indirect.gather.add.f32 [hbm:s3], $0x80, s11, s11, $0xb8;
	[tilespmem:$0x4100] =	vst v63  }
0x49: {  	s14 =	sadd.s32 $0x1, s14;
	_ =	swait.ge [sflag:s13], $0x4000  }
0x4a: {  	p0 =	sne.s32 s14, s8;
	[sflag:s13] =	ssyncset.done $0x0  }
.Ltmp1:
0x4b: {  	[sflag:s13] =	ssyncadd.s32 $0xFFFFC000;
	(pc) =	sbr.rel @p0 .LBB2_1-.Ltmp1, $4  }
0x4c: {  	[hbm4b:s15+s1] =	stream.linear.scatter [tilespmem:s12], [sflag:$0x2], $0x4000, $0x38;
	[tilespmem:$0x4100] =	vst v63  }
0x4d: {  	_ =	swait.ge [sflag:s10], $0x4000  }
0x4e: {  	[sflag:s10] =	ssyncset.done $0x0  }
0x4f: {  	[sflag:s10] =	ssyncadd.s32 $0xFFFFC000  }
0x50: {  	_ =	sfence.sel $0x180000  }
0x51: {  	[bflag:$0x0] =	sbarrier.arrive $0xFFFF  }
0x52: {  	p0 =	sne.s32 s4, $0x0;
	_ =	strace $0x9000005F  }
0x53: {  	s0 =	sadd.s32 @!p0 $0x100000, s0;
	[bflag:$0x2] =	sbarrier.arrive $0xFFFF  }
0x54: {  	[sflag:s0] =	ssyncadd.tile.s32 @!p0 $0x1;
	_ =	shalt  }
.Lfunc_end2:
_tile_overlayer_lowered:
.L_overlay_start_2:
0x55: {  	(tag) =	ssettag $0x2  }
0x56: {  	s0 =	rddreg [dreg:$0x0];
	s2 =	stileid.u32  }
0x57: {  	s1 =	rddreg [dreg:$0x1];
	p0 =	sne.s32 s2, $0x0  }
0x58: {  	s3 =	rddreg [dreg:$0x2];
	[bflag:$0x3] =	sbarrier.arrive $0xFFFF;
	s2 =	simm.s32 @!p0 $0x1C02  }
0x59: {  	[timem:s3], [sflag:s2] =	dma.local @!p0 [hbm:s0], s1  }
0x5a: {  	s0 =	simm.s32 @!p0 $0x2  }
0x5b: {  	_ =	swait.ge @!p0 [sflag:s0], s1  }
0x5c: {  	s1 =	ssub.s32 @!p0 $0x0, s1;
	[sflag:s0] =	ssyncset.done @!p0 $0x0  }
0x5d: {  	[sflag:s0] =	ssyncadd.s32 @!p0 s1  }
0x5e: {  	[bflag:$0x3] =	sbarrier.arrive $0xFFFF  }
0x5f: {  	_ =	shalt  }

// kernel: kernel.52.cloned.1.call-start
scs
__scs_entry_jumppad:
0x0: {  	(pc) =	sbr.rel $0x88, $3  }
0x1: {  	(tag) =	ssettag $0x0;
	lr =	simm.s32 $0x1  }
0x2: {  	[smem:$0x3F76] =	sst lr;
	_ =	strace $0xD0000000  }
0x3: {  	_ = 	snop  }
0x4: {  	_ = 	snop  }
0x5: {  	_ = 	snop  }
0x6: {  	_ = 	snop  }
0x7: {  	_ = 	snop  }
__scs_overlays_trampoline_lowered:
0x8: {  	[smem:$0x3F85] =	sst s0  }
0x9: {  	[smem:$0x3F86] =	sst s1  }
0xa: {  	[smem:$0x3F87] =	sst s2  }
0xb: {  	[smem:$0x3F88] =	sst s3  }
0xc: {  	[smem:$0x3F89] =	sst s4  }
0xd: {  	[smem:$0x3F8A] =	sst s5  }
0xe: {  	[smem:$0x3F8B] =	sst s6  }
0xf: {  	[smem:$0x3F8C] =	sst s7  }
0x10: {  	[smem:$0x3F8D] =	sst s8  }
0x11: {  	[smem:$0x3F8E] =	sst s9;
	s0 =	simm.s32 @!p0 $0x0  }
0x12: {  	s1 =	sld [smem:$0x3F74];
	s0 =	simm.s32 @p0 $0x1  }
0x13: {  	[smem:$0x3F8F] =	sst s0;
	s0 =	simm.s32 @!p1 $0x0  }
0x14: {  	s2 =	sld [smem:$0x3F73];
	s0 =	simm.s32 @p1 $0x1  }
0x15: {  	[smem:$0x3F90] =	sst s0;
	s0 =	simm.s32 @!p2 $0x0  }
0x16: {  	s3 =	sld [smem:$0x3FDB];
	s0 =	simm.s32 @p2 $0x1  }
0x17: {  	s4 =	simm.s32 $0x1BF5;
	[smem:$0x3F92] =	sst s0  }
0x18: {  	s0 =	sld [smem:$0x3F75];
	_ =	swait.ge [sflag:s4], $0x0  }
0x19: {  	s7 =	sld [smem:$0x3F76]  }
0x1a: {  	s8 =	sadd.s32 $0xFFFFE003, lr  }
0x1b: {  	s9 =	sadd.s32 $0xFFFFFEF7, lr;
	s5 =	simm.s32 $0xFFFFFFFF;
	p2 =	slt.u32 s8, $0xFFFFF086  }
0x1c: {  	p1 =	slt.u32 s9, $0xF7A;
	s5 =	simm.s32 @!p2 $0x0  }
0x1d: {  	s5 =	simm.s32 @p1 $0x1;
	p0 =	seq.s32 s7, s2  }
0x1e: {  	s7 =	smul.u32 @!p0 $0xF7A, s2;
	p2 =	seq.s32 @!p0 s5, $0x0  }
0x1f: {  	s9 =	smul.u32 $0xF7A, s1;
	s8 =	simm.s32 @!p0 $0x1BF5;
	p2 =	por !p2, p0  }
0x20: {  	[sflag:s8] =	ssyncset.s32 @!p0 $0xFFFFF086;
	s6 =	sadd.s32 @!p0 s3, s7;
	s7 =	simm.s32 @!p0 $0x108  }
0x21: {  	s3 =	sadd.s32 s3, s9;
	s6 =	sadd.s32 @!p0 $0x88, s6;
	s7 =	simm.s32 @p2 $0x1082  }
0x22: {  	[simem:s7], [sflag:s8] =	dma.local @!p0 [hbm:s6], $0xF7A  }
0x23: {  	s9 =	sor.u32 $0xD0000000, s2;
	s6 =	simm.s32 $0x108;
	_ =	swait.ge @!p0 [sflag:s8], $0x0  }
0x24: {  	s3 =	sadd.s32 $0x88, s3;
	s6 =	simm.s32 @!p1 $0x1082;
	[sflag:s4] =	ssyncset.s32 $0xFFFFF086  }
0x25: {  	[simem:s6], [sflag:s4] =	dma.local [hbm:s3], $0xF7A  }
0x26: {  	[smem:$0x3F76] =	sst s1;
	(tag) =	ssettag s2;
	_ =	strace s9  }
0x27: {  	s1 =	sld [smem:$0x3F86]  }
0x28: {  	s2 =	sld [smem:$0x3F87]  }
0x29: {  	s4 =	sld [smem:$0x3F89]  }
0x2a: {  	p0 =	seq.s32 s5, $0x0;
	s5 =	sld [smem:$0x3F8A]  }
0x2b: {  	s6 =	sld [smem:$0x3F8B]  }
0x2c: {  	s7 =	sld [smem:$0x3F8C]  }
0x2d: {  	s3 =	simm.s32 $0x108;
	s8 =	sld [smem:$0x3F8D]  }
0x2e: {  	s3 =	simm.s32 @!p0 $0x1082;
	s9 =	sld [smem:$0x3F8E]  }
0x2f: {  	lr =	sadd.s32 s0, s3;
	s0 =	sld [smem:$0x3F85]  }
0x30: {  	s3 =	sld [smem:$0x3F88]  }
0x31: {  	[smem:$0x3F91] =	sst s10  }
0x32: {  	s10 =	sld [smem:$0x3F8F];
	_ =	sdelay $0x3  }
0x33: {  	p0 =	seq.s32 s10, $0x1;
	s10 =	sld [smem:$0x3F91];
	_ =	sdelay $0x3  }
0x34: {  	[smem:$0x3F91] =	sst s10  }
0x35: {  	s10 =	sld [smem:$0x3F90];
	_ =	sdelay $0x3  }
0x36: {  	p1 =	seq.s32 s10, $0x1;
	s10 =	sld [smem:$0x3F91];
	_ =	sdelay $0x3  }
0x37: {  	[smem:$0x3F91] =	sst s10  }
0x38: {  	s10 =	sld [smem:$0x3F92]  }
0x39: {  	_ = 	snop;
	(pc) =	sbr.ind lr, $3  }
0x3a: {  	_ = 	snop  }
0x3b: {  	_ = 	snop  }
0x3c: {  	p2 =	seq.s32 s10, $0x1;
	s10 =	sld [smem:$0x3F91]  }
0x3d: {  	_ =	shalt  }
0x3e: {  	_ =	shalt  }
0x3f: {  	_ =	shalt  }
0x40: {  	_ =	shalt  }
0x41: {  	_ =	shalt  }
0x42: {  	_ =	shalt  }
0x43: {  	_ =	shalt  }
0x44: {  	_ =	shalt  }
0x45: {  	_ =	shalt  }
0x46: {  	_ =	shalt  }
0x47: {  	_ =	shalt  }
0x48: {  	_ =	shalt  }
0x49: {  	_ =	shalt  }
0x4a: {  	_ =	shalt  }
0x4b: {  	_ =	shalt  }
0x4c: {  	_ =	shalt  }
0x4d: {  	_ =	shalt  }
0x4e: {  	_ =	shalt  }
0x4f: {  	_ =	shalt  }
0x50: {  	_ =	shalt  }
0x51: {  	_ =	shalt  }
0x52: {  	_ =	shalt  }
0x53: {  	_ =	shalt  }
0x54: {  	_ =	shalt  }
0x55: {  	_ =	shalt  }
0x56: {  	_ =	shalt  }
0x57: {  	_ =	shalt  }
0x58: {  	_ =	shalt  }
0x59: {  	_ =	shalt  }
0x5a: {  	_ =	shalt  }
0x5b: {  	_ =	shalt  }
0x5c: {  	_ =	shalt  }
0x5d: {  	_ =	shalt  }
0x5e: {  	_ =	shalt  }
0x5f: {  	_ =	shalt  }
0x60: {  	_ =	shalt  }
0x61: {  	_ =	shalt  }
0x62: {  	_ =	shalt  }
0x63: {  	_ =	shalt  }
0x64: {  	_ =	shalt  }
0x65: {  	_ =	shalt  }
0x66: {  	_ =	shalt  }
0x67: {  	_ =	shalt  }
0x68: {  	_ =	shalt  }
0x69: {  	_ =	shalt  }
0x6a: {  	_ =	shalt  }
0x6b: {  	_ =	shalt  }
0x6c: {  	_ =	shalt  }
0x6d: {  	_ =	shalt  }
0x6e: {  	_ =	shalt  }
0x6f: {  	_ =	shalt  }
0x70: {  	_ =	shalt  }
0x71: {  	_ =	shalt  }
0x72: {  	_ =	shalt  }
0x73: {  	_ =	shalt  }
0x74: {  	_ =	shalt  }
0x75: {  	_ =	shalt  }
0x76: {  	_ =	shalt  }
0x77: {  	_ =	shalt  }
0x78: {  	_ =	shalt  }
0x79: {  	_ =	shalt  }
0x7a: {  	_ =	shalt  }
0x7b: {  	_ =	shalt  }
0x7c: {  	_ =	shalt  }
0x7d: {  	_ =	shalt  }
0x7e: {  	_ =	shalt  }
0x7f: {  	_ =	shalt  }
0x80: {  	_ =	shalt  }
0x81: {  	_ =	shalt  }
0x82: {  	_ =	shalt  }
0x83: {  	_ =	shalt  }
0x84: {  	_ =	shalt  }
0x85: {  	_ =	shalt  }
0x86: {  	_ =	shalt  }
0x87: {  	_ =	shalt  }
.Lfunc_end0:
.L_simem_size_0:
called_computation.9_lowered:
.L_overlay_start_0:
0x88: {  	s2 =	sld [smem:$0x3FD9]  }
0x89: {  	s3 =	sld [smem:$0x3FFE];
	_ =	sdelay $0x1  }
0x8a: {  	s1 =	srdreg.scid  }
0x8b: {  	s0 =	sand.u32 $0x1, s1  }
0x8c: {  	s16 =	sshll.u32 s0, $0xA;
	s2 =	sadd.s32 s3, s2  }
0x8d: {  	s2 =	sadd.s32 s2, s16  }
0x8e: {  	[smem:$0x3F9D] =	sst s2  }
0x8f: {  	_ = 	snop  }
0x90: {  	(tm) =	ssettm $0x1  }
0x91: {  	s17 =	sld [smem:$0x3FFB];
	_ =	sdelay $0x3  }
0x92: {  	_ =	strace s17  }
0x93: {  	s2 =	sld [smem:$0x3FFC];
	_ =	sdelay $0x3  }
0x94: {  	_ =	strace s2  }
0x95: {  	s2 =	sld [smem:$0x3FFD];
	_ =	sdelay $0x3  }
0x96: {  	_ =	strace s2  }
0x97: {  	_ =	strace $0x8FFFFFFF  }
0x98: {  	s18 =	sld [smem:$0x3FDB];
	_ =	sdelay $0x1  }
0x99: {  	s19 =	simm.s32 $_scs_section_size  }
0x9a: {  	s4 =	simm.s32 $_size__tile_overlayer_lowered;
	s5 =	simm.s32 $_tile_overlayer_lowered  }
0x9b: {  	s22 =	simm.s32 $0x1BFF;
	s21 =	sshll.u32 s5, $0x1;
	s2 =	sadd.s32 s19, s18  }
0x9c: {  	s6 =	simm.s32 $0x0;
	s20 =	sshll.u32 s4, $0x1;
	s4 =	sadd.s32 s21, s2  }
0x9d: {  	[timem:s6], [sflag:s22] =	dma.local [hbm:s4], s20  }
0x9e: {  	_ =	swait.ge [sflag:s22], s20  }
0x9f: {  	s3 =	ssub.s32 $0x0, s20;
	[sflag:s22] =	ssyncset.done $0x0  }
0xa0: {  	[sflag:s22] =	ssyncadd.s32 s3;
	_ =	sdelay $0x1  }
0xa1: {  	s23 =	simm.s32 $0x1B8B  }
0xa2: {  	_ =	swait.ge [sflag:s23], $0x1  }
0xa3: {  	[sflag:s23] =	ssyncset.done $0x0  }
0xa4: {  	s25 =	simm.s32 $0x1B8E;
	s24 =	sld [smem:$0x3FFE];
	[sflag:s23] =	ssyncadd.s32 $0xFFFFFFFF  }
0xa5: {  	s26 =	simm.s32 $execute0_lowered;
	[smem:$0x3FD2] =	sst s25  }
0xa6: {  	s4 =	sshll.u32 s26, $0x1;
	_ =	strace $0x80000061;
	[dreg:$0x1] =	wrdreg $0xFFFFFFFF  }
0xa7: {  	s28 =	simm.s32 $_size_execute0_lowered;
	s2 =	sadd.s32 s2, s4;
	[dreg:$0x0] =	wrdreg $0x0  }
0xa8: {  	s4 =	sshll.u32 s28, $0x1;
	[dreg:$0x2] =	wrdreg s2  }
0xa9: {  	[dreg:$0x3] =	wrdreg s4  }
0xaa: {  	[dreg:$0x4] =	wrdreg $0xC0  }
0xab: {  	_ =	task [dreg:s6], $0x5FFFF  }
0xac: {  	[dreg:$0x1] =	wrdreg $0xFFFFFFFF  }
0xad: {  	[dreg:$0x0] =	wrdreg $0x60  }
0xae: {  	[dreg:$0x2] =	wrdreg s24  }
0xaf: {  	[dreg:$0x3] =	wrdreg $0x40800  }
0xb0: {  	[dreg:$0x4] =	wrdreg $0x9  }
0xb1: {  	_ =	task.clear_ibuf [dreg:s6], $0x5FFFF;
	_ =	strace $0x90000061  }
0xb2: {  	s29 =	simm.s32 $0x9;
	_ =	strace $0x80000063  }
0xb3: {  	_ =	swait.ge [sflag:s29], $0x1  }
0xb4: {  	[sflag:s29] =	ssyncadd.s32 $0xFFFFFFFF  }
0xb5: {  	_ =	strace $0x90000063  }
0xb6: {  	_ =	sfence  }
0xb7: {  	s30 =	sld [smem:$0x0];
	_ =	sdelay $0x2  }
0xb8: {  	s31 =	sshll.u32 s1, $0xD;
	s1 =	sshrl.u32 s1, $0x2  }
0xb9: {  	s3 =	sand.u32 $0x4000, s31;
	s1 =	sadd.s32 s1, s30  }
0xba: {  	s0 =	sor.u32 s3, s0;
	s1 =	sshll.u32 s1, $0x11  }
0xbb: {  	s0 =	sor.u32 s1, s0  }
0xbc: {  	s0 =	sadd.s32 $0x8F2B, s0  }
0xbd: {  	[sflag:s0] =	ssyncadd.remote.s32 $0x1  }
0xbe: {  	_ =	sfence.sel $0xFFFF  }
0xbf: {  	[dreg:$0x0] =	wrdreg $0xFFFFFFFF;
	(pc) =	sbr.abs _section_cstart, $3  }
0xc0: {  	[dreg:$0x1] =	wrdreg $0xFFFFFFFF  }
0xc1: {  	_ =	task.clear_ibuf [dreg:s6], $0x2FFFF;
	_ =	strace $0x9FFFFFFF  }
0xc2: {  	(tm) =	ssettm $0x7FFFFFFF  }
0xc3: {  	_ =	shalt  }
tec
execute0_lowered:
.L_overlay_start_1:
0x0: {  	(tag) =	ssettag $0x1  }
0x1: {  	s2 =	srdreg.scid  }
0x2: {  	s5 =	rddreg [dreg:$0x0];
	s6 =	sand.u32 $0x1, s2  }
0x3: {  	s2 =	stileid.u32;
	s4 =	smul.u32 $0x278000, s6  }
0x4: {  	s1 =	rddreg [dreg:$0x1];
	s3 =	simm.s32 $0x0;
	s7 =	smul.u32 $0x14000, s2  }
0x5: {  	[smem:$0x7FF] =	sst s3;
	s8 =	smul.u32 $0x140000, s6  }
0x6: {  	s0 =	rddreg [dreg:$0x2];
	_ =	strace $0x80000062;
	s11 =	smul.u32 $0x50000, s2  }
0x7: {  	s26 =	ssub.s32 $0x2, s6;
	s28 =	sshll.u32 s2, $0x6;
	s29 =	sshll.u32 s6, $0x4  }
0x8: {  	s14 =	smul.u32 $0x27800, s2;
	s12 =	sshrl.u32 s26, $0x1;
	s6 =	sor.u32 $0x1C01, s28  }
0x9: {  	s30 =	sor.u32 s2, s29;
	s9 =	sadd.s32 s4, s5;
	s4 =	sadd.s32 $0x1BE00, s5  }
0xa: {  	s10 =	sshrl.u32 s7, $0x3;
	s7 =	sadd.s32 s7, s8;
	s11 =	sshrl.u32 s11, $0x2  }
0xb: {  	s12 =	ssub.s32 s26, s12;
	s10 =	sadd.s32 s10, s5;
	s7 =	sshrl.u32 s7, $0x3  }
0xc: {  	s11 =	sadd.s32 s11, s1;
	s31 =	sadd.s32 s14, s9;
	s9 =	smax.u32 s12, $0x1  }
0xd: {  	s12 =	simm.s32 $0x1;
	s14 =	simm.s32 $0x0;
	s13 =	sadd.s32 s7, s5  }
0xe: {  	s5 =	sadd.s32 $0x31600, s10;
	s7 =	smul.u32 $0x2800, s30;
	s10 =	sadd.s32 $0x101A000, s31  }
0xf: {  	s11 =	sshrl.u32 s11, $0x3;
	s8 =	sadd.s32 $0x5A000, s13;
	s13 =	simm.s32 $0x80  }
.LBB2_1:
0x10: {  	[spmem:s11], [sflag:s6] =	dma.local [hbm:s5], $0x2800  }
0x11: {  	_ =	swait.ge [sflag:s12], $0x2800  }
0x12: {  	[sflag:s12] =	ssyncset.done $0x0  }
0x13: {  	s15 =	sand.u32 $0x3C00, s3;
	[sflag:s12] =	ssyncadd.s32 $0xFFFFD800  }
0x14: {  	s16 =	sand.u32 $0x380, s3;
	s15 =	sadd.s32 s7, s15;
	[bflag:$0x0] =	sbarrier.arrive $0xFFFF  }
0x15: {  	[tilespmem:s13], [sflag:$0x1] =	stream.linear.gather [hbm4b:s10+s3], $0x4000, $0x38;
	[tilespmem:$0x18080] =	vst v63  }
0x16: {  	s15 =	sor.u32 s16, s15;
	_ =	swait.ge [sflag:s12], $0x4000  }
0x17: {  	s15 =	sshrl.u32 s15, $0x3;
	[sflag:s12] =	ssyncset.done $0x0  }
0x18: {  	s15 =	sadd.s32 s4, s15;
	[sflag:s12] =	ssyncadd.s32 $0xFFFFC000  }
0x19: {  	[tilespmem:s3], [sflag:$0x1] =	stream.linear.gather [hbm4b:s15+s3], $0x80, $0x38;
	[tilespmem:$0x18080] =	vst v63  }
0x1a: {  	s31 =	simm.s32 $0x80;
	_ =	swait.ge [sflag:s12], $0x80  }
0x1b: {  	s18 =	simm.s32 $0x100;
	s17 =	sand.u32 $0x380, s31;
	[sflag:s12] =	ssyncset.done $0x0  }
0x1c: {  	s16 =	sadd.s32 $0x800, s10;
	s15 =	sand.u32 $0x3C00, s31;
	[sflag:s12] =	ssyncadd.s32 $0xFFFFFF80  }
.LBB2_2:
0x1d: {  	[spmem:s1] =	stream.indirect.scatter.add.f32 [tilespmem:s13], [sflag:$0x1], $0x80, s3, s13, $0xb8;
	[tilespmem:$0x18080] =	vst v63  }
0x1e: {  	s19 =	smov.u32 s18  }
0x1f: {  	s20 =	sadd.s32 s7, s15;
	s15 =	sand.u32 $0x3C00, s18;
	_ =	swait.ge [sflag:s12], $0x4000  }
0x20: {  	s21 =	sadd.s32 $0x80, s18;
	s17 =	sor.u32 s17, s20;
	[sflag:s12] =	ssyncset.done $0x0  }
0x21: {  	p0 =	sne.s32 s18, $0x2700;
	s17 =	sshrl.u32 s17, $0x3;
	[sflag:s12] =	ssyncadd.s32 $0xFFFFC000  }
0x22: {  	[tilespmem:s13], [sflag:$0x1] =	stream.linear.gather [hbm4b:s16+s3], $0x4000, $0x38;
	[tilespmem:$0x18080] =	vst v63  }
0x23: {  	_ =	swait.ge [sflag:s12], $0x4000  }
0x24: {  	s17 =	sadd.s32 s4, s17;
	[sflag:s12] =	ssyncset.done $0x0  }
.Ltmp0:
0x25: {  	[sflag:s12] =	ssyncadd.s32 $0xFFFFC000;
	(pc) =	sbr.rel @p0 .LBB2_2-.Ltmp0, $4  }
0x26: {  	[tilespmem:s3], [sflag:$0x1] =	stream.linear.gather [hbm4b:s17+s3], $0x80, $0x38;
	[tilespmem:$0x18080] =	vst v63  }
0x27: {  	_ =	swait.ge [sflag:s12], $0x80  }
0x28: {  	s18 =	smov.u32 s21;
	[sflag:s12] =	ssyncset.done $0x0  }
0x29: {  	s16 =	sadd.s32 $0x800, s16;
	s17 =	sand.u32 $0x380, s19;
	[sflag:s12] =	ssyncadd.s32 $0xFFFFFF80  }
0x2a: {  	[spmem:s1] =	stream.indirect.scatter.add.f32 [tilespmem:s13], [sflag:$0x1], $0x80, s3, s13, $0xb8;
	[tilespmem:$0x18080] =	vst v63  }
0x2b: {  	_ =	swait.ge [sflag:s12], $0x4000  }
0x2c: {  	[sflag:s12] =	ssyncset.done $0x0  }
0x2d: {  	s15 =	sadd.s32 s7, s15;
	[sflag:s12] =	ssyncadd.s32 $0xFFFFC000  }
0x2e: {  	[tilespmem:s13], [sflag:$0x1] =	stream.linear.gather [hbm4b:s16+s3], $0x4000, $0x38;
	[tilespmem:$0x18080] =	vst v63  }
0x2f: {  	s15 =	sor.u32 s17, s15;
	_ =	swait.ge [sflag:s12], $0x4000  }
0x30: {  	s15 =	sshrl.u32 s15, $0x3;
	[sflag:s12] =	ssyncset.done $0x0  }
0x31: {  	s15 =	sadd.s32 s4, s15;
	[sflag:s12] =	ssyncadd.s32 $0xFFFFC000  }
0x32: {  	[tilespmem:s3], [sflag:$0x1] =	stream.linear.gather [hbm4b:s15+s3], $0x80, $0x38;
	[tilespmem:$0x18080] =	vst v63  }
0x33: {  	_ =	swait.ge [sflag:s12], $0x80  }
0x34: {  	[sflag:s12] =	ssyncset.done $0x0  }
0x35: {  	[sflag:s12] =	ssyncadd.s32 $0xFFFFFF80  }
0x36: {  	[spmem:s1] =	stream.indirect.scatter.add.f32 [tilespmem:s13], [sflag:$0x1], $0x80, s3, s13, $0xb8;
	[tilespmem:$0x18080] =	vst v63  }
0x37: {  	_ =	swait.ge [sflag:s12], $0x4000  }
0x38: {  	s14 =	sadd.s32 $0x1, s14;
	[sflag:s12] =	ssyncset.done $0x0  }
0x39: {  	p0 =	sne.s32 s14, s9;
	[sflag:s12] =	ssyncadd.s32 $0xFFFFC000  }
.Ltmp1:
0x3a: {  	[bflag:$0x0] =	sbarrier.arrive $0xFFFF;
	(pc) =	sbr.rel @p0 .LBB2_1-.Ltmp1, $4  }
0x3b: {  	[hbm:s8], [sflag:s6] =	dma.local [spmem:s11], $0x2800  }
0x3c: {  	_ =	swait.ge [sflag:s12], $0x2800  }
0x3d: {  	[sflag:s12] =	ssyncset.done $0x0  }
0x3e: {  	[sflag:s12] =	ssyncadd.s32 $0xFFFFD800  }
0x3f: {  	_ =	sfence.sel $0x180000  }
0x40: {  	[bflag:$0x0] =	sbarrier.arrive $0xFFFF  }
0x41: {  	p0 =	sne.s32 s2, $0x0;
	_ =	strace $0x90000062  }
0x42: {  	s0 =	sadd.s32 @!p0 $0x100000, s0;
	[bflag:$0x2] =	sbarrier.arrive $0xFFFF  }
0x43: {  	[sflag:s0] =	ssyncadd.tile.s32 @!p0 $0x1;
	_ =	shalt  }
.Lfunc_end2:
_tile_overlayer_lowered:
.L_overlay_start_2:
0x44: {  	(tag) =	ssettag $0x2  }
0x45: {  	s0 =	rddreg [dreg:$0x0];
	s2 =	stileid.u32  }
0x46: {  	s1 =	rddreg [dreg:$0x1];
	p0 =	sne.s32 s2, $0x0  }
0x47: {  	s3 =	rddreg [dreg:$0x2];
	[bflag:$0x3] =	sbarrier.arrive $0xFFFF;
	s2 =	simm.s32 @!p0 $0x1C01  }
0x48: {  	[timem:s3], [sflag:s2] =	dma.local @!p0 [hbm:s0], s1  }
0x49: {  	s0 =	simm.s32 @!p0 $0x1  }
0x4a: {  	_ =	swait.ge @!p0 [sflag:s0], s1  }
0x4b: {  	s1 =	ssub.s32 @!p0 $0x0, s1;
	[sflag:s0] =	ssyncset.done @!p0 $0x0  }
0x4c: {  	[sflag:s0] =	ssyncadd.s32 @!p0 s1  }
0x4d: {  	[bflag:$0x3] =	sbarrier.arrive $0xFFFF  }
0x4e: {  	_ =	shalt  }

</sc_bundles>
